<compile_context>
chip_gen: v7x
topology: tpu7x:2x2x1
jax: 0.10.2.dev20260603
libtpu: 0.0.44.dev20260713+nightly
codegen_flags: <defaults>
</compile_context>

<pallas_src>
import functools

import jax
import jax.numpy as jnp
import numpy as np
from jax import lax
from jax.experimental import pallas as pl
from jax.experimental.pallas import tpu as pltpu
from jax.experimental.pallas import tpu_sc as plsc

N = 10000
E0 = 320000

NPAD = 10112
NW = 32
RPT = NPAD // 16
PER_TILE = 10496
EPAD = PER_TILE * NW

_f32 = jnp.float32


def _sds(shape, dtype=_f32):
    return jax.ShapeDtypeStruct(shape, dtype)


_SBLK = np.zeros((128, 8), np.float32)
for _i in range(128):
    _SBLK[_i, _i // 16] = 1.0
_E16 = np.concatenate(
    [np.kron(np.eye(8, dtype=np.float32), np.ones((1, 16), np.float32)),
     np.zeros((8, 128), np.float32)])
_TAIL = np.concatenate(
    [np.arange(N, dtype=np.int32),
     N + (np.arange(EPAD - E0 - N, dtype=np.int32) % (NPAD - N))])



def _tc_layer1(x, W1, asrc, adst, ei):
    def body(x_ref, w_ref, as_ref, ad_ref, sb_ref, ei_ref, tail_ref,
             src_ref, dst_ref, h_ref, asad_ref, g_ref):
        src_ref[pl.ds(0, E0)] = ei_ref[0, :]
        src_ref[pl.ds(E0, EPAD - E0)] = tail_ref[...]
        dst_ref[pl.ds(0, E0)] = ei_ref[1, :]
        dst_ref[pl.ds(E0, EPAD - E0)] = tail_ref[...]
        h = jnp.dot(x_ref[...], w_ref[...], preferred_element_type=_f32)
        h_ref[pl.ds(0, N), :] = h
        h_ref[pl.ds(N, NPAD - N), :] = jnp.zeros((NPAD - N, 128), _f32)
        sb = sb_ref[...]
        asad = jnp.concatenate(
            [jnp.dot(h * as_ref[...], sb, preferred_element_type=_f32),
             jnp.dot(h * ad_ref[...], sb, preferred_element_type=_f32)], axis=1)
        asad_ref[pl.ds(0, N), :] = asad
        asad_ref[pl.ds(N, NPAD - N), :] = jnp.zeros((NPAD - N, 16), _f32)
        m = 2.0 * jnp.max(asad)
        g = jnp.maximum(m, 0.2 * m)
        g_ref[...] = jnp.full((8, 128), g, _f32)
    return pl.pallas_call(
        body,
        out_shape=(_sds((EPAD,), jnp.int32), _sds((EPAD,), jnp.int32),
                   _sds((NPAD, 128)), _sds((NPAD, 16)),
                   _sds((8, 128))),
    )(x, W1, asrc, adst, jnp.asarray(_SBLK), ei, jnp.asarray(_TAIL))


def _tc_layer2(accm1, accd1, b1, W2, asrc2, adst2):
    def body(am_ref, ad_ref, b_ref, w_ref, as_ref, ad2_ref, e_ref,
             tx_ref, asad_ref, g_ref):
        ou = am_ref[0] + am_ref[1]
        den = ad_ref[0] + ad_ref[1]
        den_exp = jnp.dot(den, e_ref[...], preferred_element_type=_f32)
        o1 = ou / (den_exp + 1e-16) + b_ref[...]
        o1 = jnp.where(o1 > 0, o1, jnp.exp(jnp.minimum(o1, 0.0)) - 1.0)
        h2 = jnp.dot(o1, w_ref[...], preferred_element_type=_f32)
        as2 = jnp.dot(h2, as_ref[...], preferred_element_type=_f32)
        ad2 = jnp.dot(h2, ad2_ref[...], preferred_element_type=_f32)
        asad = jnp.concatenate(
            [jnp.broadcast_to(as2, (NPAD, 8)), jnp.broadcast_to(ad2, (NPAD, 8))],
            axis=1)
        tx_ref[...] = jnp.concatenate([h2, asad], axis=1)
        asad_ref[...] = asad
        m = 2.0 * jnp.max(asad)
        g = jnp.maximum(m, 0.2 * m)
        g_ref[...] = jnp.full((8, 128), g, _f32)
    return pl.pallas_call(
        body,
        out_shape=(_sds((NPAD, 32)), _sds((NPAD, 16)), _sds((8, 128))),
    )(accm1, accd1, b1, W2, asrc2, adst2, jnp.asarray(_E16))


def _tc_final(acc2, b2):
    def body(a_ref, b_ref, o_ref):
        acc = a_ref[0, pl.ds(0, N), :] + a_ref[1, pl.ds(0, N), :]
        ou = acc[:, :16]
        den = acc[:, 16:]
        o2 = ou / (den + 1e-16) + b_ref[...]
        z = o2 - jnp.max(o2, axis=1, keepdims=True)
        o_ref[...] = z - jnp.log(jnp.sum(jnp.exp(z), axis=1, keepdims=True))
    return pl.pallas_call(
        body, out_shape=_sds((N, 16)),
    )(acc2, b2)



def _dyn_gather(v, idx):
    return lax.gather(
        v, idx[:, None],
        lax.GatherDimensionNumbers(
            offset_dims=(), collapsed_slice_dims=(0,), start_index_map=(0,)),
        (1,), mode=lax.GatherScatterMode.PROMISE_IN_BOUNDS)


def _make_edge_kernel(HC, H, CHUNK, split_tables):
    mesh = plsc.VectorSubcoreMesh(core_axis_name="c", subcore_axis_name="s")
    TXW = HC + 16
    CPT = PER_TILE // CHUNK
    NB = CPT // 2
    h_dtype = _f32
    HW = HC if split_tables else HC + 16

    out_type = (_sds((2, NPAD, TXW)),) if not split_tables else (
        _sds((2, NPAD, HC)), _sds((2, NPAD, 16)))

    @functools.partial(
        pl.kernel,
        out_type=out_type,
        mesh=mesh,
        compiler_params=pltpu.CompilerParams(use_tc_tiling_on_sc=False),
        scratch_types=[
            pltpu.VMEM((4, CHUNK), jnp.int32),
            pltpu.VMEM((4, 1, CHUNK), jnp.int32),
            pltpu.VMEM((CHUNK, HW), h_dtype),
            pltpu.VMEM((CHUNK, HW), h_dtype),
            pltpu.VMEM((CHUNK, 16), _f32),
            pltpu.VMEM((CHUNK, 16), _f32),
            pltpu.VMEM((CHUNK, 16), _f32),
            pltpu.VMEM((CHUNK, 16), _f32),
            pltpu.VMEM((CHUNK, TXW), _f32),
            pltpu.VMEM((CHUNK, TXW), _f32),
            pltpu.VMEM((16,), _f32),
            pltpu.VMEM_SHARED((NPAD, TXW), _f32),
        ] + [pltpu.SemaphoreType.DMA] * 9,
    )
    def k(src_hbm, dst_hbm, h_hbm, asad_hbm, g_hbm, z_hbm,
          *out_and_scratch):
        if split_tables:
            accm_hbm, accd_hbm = out_and_scratch[:2]
            rest = out_and_scratch[2:]
        else:
            acc_hbm, = out_and_scratch[:1]
            rest = out_and_scratch[1:]
        (sidx_v, didx_v, hA, hB, sxA, sxB, adA, adB, cmA, cmB, g_v, acc_sh,
         gtA, gsA, gaA, gtB, gsB, gaB, scA, scB, isem) = rest
        cid = lax.axis_index("c")
        sid = lax.axis_index("s")
        wid = cid * 16 + sid
        base = wid * PER_TILE

        r0 = sid * RPT
        pltpu.sync_copy(z_hbm.at[pl.ds(r0, RPT)], acc_sh.at[pl.ds(r0, RPT)])
        pltpu.sync_copy(g_hbm, g_v)

        def iload(j):
            s = lax.rem(j, 4)
            pltpu.async_copy(
                src_hbm.at[pl.ds(base + j * CHUNK, CHUNK)], sidx_v.at[s], isem)
            pltpu.async_copy(
                dst_hbm.at[pl.ds(base + j * CHUNK, CHUNK)], didx_v.at[s, 0], isem)

        def iwait(j):
            s = lax.rem(j, 4)
            pltpu.make_async_copy(
                src_hbm.at[pl.ds(base + j * CHUNK, CHUNK)], sidx_v.at[s], isem).wait()
            pltpu.make_async_copy(
                dst_hbm.at[pl.ds(base + j * CHUNK, CHUNK)], didx_v.at[s, 0], isem).wait()

        def gissue(j, h_buf, sx_buf, ad_buf, gt, gs, ga):
            s = lax.rem(j, 4)
            pltpu.async_copy(h_hbm.at[sidx_v.at[s]], h_buf, gt)
            if split_tables:
                pltpu.async_copy(asad_hbm.at[sidx_v.at[s]], sx_buf, gs)
            pltpu.async_copy(asad_hbm.at[didx_v.at[s, 0]], ad_buf, ga)

        def gwait(j, h_buf, sx_buf, ad_buf, gt, gs, ga):
            s = lax.rem(j, 4)
            pltpu.make_async_copy(h_hbm.at[sidx_v.at[s]], h_buf, gt).wait()
            if split_tables:
                pltpu.make_async_copy(
                    asad_hbm.at[sidx_v.at[s]], sx_buf, gs).wait()
            pltpu.make_async_copy(
                asad_hbm.at[didx_v.at[s, 0]], ad_buf, ga).wait()

        def sissue(j, cm_buf, sc):
            s = lax.rem(j, 4)
            pltpu.async_copy(cm_buf, acc_sh.at[didx_v.at[s, 0]], sc, add=True)

        def swait(j, cm_buf, sc):
            s = lax.rem(j, 4)
            pltpu.make_async_copy(cm_buf, acc_sh.at[didx_v.at[s, 0]], sc).wait()

        gvec = g_v[...]
        lanes = lax.iota(jnp.int32, 16)
        lane_lt8 = lanes < 8
        xor8 = jnp.bitwise_xor(lanes, 8)

        def compute(h_buf, sx_buf, ad_buf, cm_buf):
            @plsc.parallel_loop(0, CHUNK, unroll=8)
            def _edges(e):
                if split_tables:
                    srow = sx_buf[e, :]
                else:
                    srow = h_buf[e, pl.ds(HC, 16)]
                drow = ad_buf[e, :]
                emix = jnp.where(lane_lt8, srow, drow)
                epair = emix + _dyn_gather(emix, xor8)
                ee = jnp.maximum(epair, 0.2 * epair)
                w = jnp.exp(ee - gvec)
                cm_buf[e, pl.ds(HC, 16)] = w
                if split_tables:
                    for hh in range(H):
                        wh = _dyn_gather(w, jnp.full((16,), hh, jnp.int32))
                        cm_buf[e, pl.ds(hh * 16, 16)] = wh * h_buf[e, pl.ds(hh * 16, 16)]
                else:
                    cm_buf[e, pl.ds(0, 16)] = w * h_buf[e, pl.ds(0, 16)]

        iload(0)
        iload(1)
        iwait(0)
        gissue(0, hA, sxA, adA, gtA, gsA, gaA)
        iwait(1)
        gissue(1, hB, sxB, adB, gtB, gsB, gaB)
        plsc.subcore_barrier()

        @pl.loop(0, NB)
        def _body(t):
            a = 2 * t

            @pl.when(t >= 1)
            def _():
                swait(a - 2, cmA, scA)

            @pl.when(a + 2 < CPT)
            def _():
                iload(a + 2)
            gwait(a, hA, sxA, adA, gtA, gsA, gaA)
            compute(hA, sxA, adA, cmA)
            sissue(a, cmA, scA)

            @pl.when(a + 2 < CPT)
            def _():
                iwait(a + 2)
                gissue(a + 2, hA, sxA, adA, gtA, gsA, gaA)

            @pl.when(t >= 1)
            def _():
                swait(a - 1, cmB, scB)

            @pl.when(a + 3 < CPT)
            def _():
                iload(a + 3)
            gwait(a + 1, hB, sxB, adB, gtB, gsB, gaB)
            compute(hB, sxB, adB, cmB)
            sissue(a + 1, cmB, scB)

            @pl.when(a + 3 < CPT)
            def _():
                iwait(a + 3)
                gissue(a + 3, hB, sxB, adB, gtB, gsB, gaB)

        swait(CPT - 2, cmA, scA)
        swait(CPT - 1, cmB, scB)
        plsc.subcore_barrier()
        if split_tables:
            pltpu.sync_copy(acc_sh.at[pl.ds(r0, RPT), pl.ds(0, HC)],
                            accm_hbm.at[cid, pl.ds(r0, RPT)])
            pltpu.sync_copy(acc_sh.at[pl.ds(r0, RPT), pl.ds(HC, 16)],
                            accd_hbm.at[cid, pl.ds(r0, RPT)])
        else:
            pltpu.sync_copy(acc_sh.at[pl.ds(r0, RPT)],
                            acc_hbm.at[cid, pl.ds(r0, RPT)])

    return k


_edge_l1 = _make_edge_kernel(128, 8, 64, True)
_edge_l2 = _make_edge_kernel(16, 1, 128, False)



def kernel(x, edge_index, W1, a_src1, a_dst1, b1, W2, a_src2, a_dst2, b2):
    ei = edge_index.astype(jnp.int32)

    z144 = jnp.zeros((NPAD, 144), _f32)
    z32 = jnp.zeros((NPAD, 32), _f32)

    src, dst, h1, asad1, g1 = _tc_layer1(
        x, W1, a_src1.reshape(1, 128), a_dst1.reshape(1, 128), ei)
    accm1, accd1 = _edge_l1(src, dst, h1, asad1, g1[0, :16], z144)

    tx2, asad2, g2 = _tc_layer2(
        accm1, accd1, b1.reshape(1, 128), W2, a_src2.reshape(16, 1),
        a_dst2.reshape(16, 1))
    acc2, = _edge_l2(src, dst, tx2, asad2, g2[0, :16], z32)

    return _tc_final(acc2, b2.reshape(1, 16))

# --- scband reference (transcript-rebuilt; emitter-appended) ---
"""Pipeline reference for scband-gat-64665027609093 (READ-ONLY COPY).

The authoritative reference and input builder live on the scoring server;
editing this copy changes nothing except your own understanding.
"""

import jax, jax.numpy as jnp
import numpy as np

N_NODES = 10000
N_EDGES = 320000
NFEAT = 128
NHID = 16
HEADS = 8
NCLASS = 16


def gat_conv(x, src, dst, W, a_src, a_dst, b, H, C, concat, num_nodes):
    h = (x @ W).reshape(num_nodes, H, C)
    alpha_src = (h * a_src).sum(-1)  # [N, H]
    alpha_dst = (h * a_dst).sum(-1)  # [N, H]
    e = alpha_src[src] + alpha_dst[dst]  # [E, H]
    e = jax.nn.leaky_relu(e, negative_slope=0.2)
    e_max = jax.ops.segment_max(e, dst, num_segments=num_nodes)
    e_exp = jnp.exp(e - e_max[dst])
    denom = jax.ops.segment_sum(e_exp, dst, num_segments=num_nodes)
    alpha = e_exp / (denom[dst] + 1e-16)  # [E, H]
    msg = h[src] * alpha[:, :, None]  # [E, H, C]
    out = jax.ops.segment_sum(msg, dst, num_segments=num_nodes)  # [N, H, C]
    if concat:
        out = out.reshape(num_nodes, H * C)
    else:
        out = out.mean(axis=1)
    return out + b


def setup_inputs(seed: int = 0) -> dict:
    key = jax.random.key(seed)
    ks = jax.random.split(key, 12)
    x = jax.random.normal(ks[0], (N_NODES, NFEAT), dtype=jnp.float32)
    edge_index = jax.random.randint(ks[1], (2, N_EDGES), 0, N_NODES, dtype=jnp.int64 if jax.config.jax_enable_x64 else jnp.int32)
    W1 = jax.random.normal(ks[2], (NFEAT, HEADS * NHID), dtype=jnp.float32) * 0.1
    a_src1 = jax.random.normal(ks[3], (HEADS, NHID), dtype=jnp.float32) * 0.1
    a_dst1 = jax.random.normal(ks[4], (HEADS, NHID), dtype=jnp.float32) * 0.1
    b1 = jnp.zeros((HEADS * NHID,), dtype=jnp.float32)
    W2 = jax.random.normal(ks[5], (HEADS * NHID, NCLASS), dtype=jnp.float32) * 0.1
    a_src2 = jax.random.normal(ks[6], (1, NCLASS), dtype=jnp.float32) * 0.1
    a_dst2 = jax.random.normal(ks[7], (1, NCLASS), dtype=jnp.float32) * 0.1
    b2 = jnp.zeros((NCLASS,), dtype=jnp.float32)
    return {"x": x, "edge_index": edge_index, "W1": W1, "a_src1": a_src1, "a_dst1": a_dst1, "b1": b1, "W2": W2, "a_src2": a_src2, "a_dst2": a_dst2, "b2": b2}


def reference(x, edge_index, W1, a_src1, a_dst1, b1, W2, a_src2, a_dst2, b2):
    N = x.shape[0]
    loop = jnp.arange(N, dtype=edge_index.dtype)
    src = jnp.concatenate([edge_index[0], loop])
    dst = jnp.concatenate([edge_index[1], loop])
    # eval mode: dropout is identity
    h = gat_conv(x, src, dst, W1, a_src1, a_dst1, b1, HEADS, NHID, True, N)
    h = jax.nn.elu(h)
    out = gat_conv(h, src, dst, W2, a_src2, a_dst2, b2, 1, NCLASS, False, N)
    return jax.nn.log_softmax(out, axis=1)

if __name__ == "__main__":
    import jax
    _d = setup_inputs()
    print(jax.jit(kernel)(*tuple(_d.values())))

</pallas_src>

<mosaic_0001>
#map = affine_map<(d0, d1) -> (0)>
#map1 = affine_map<(d0, d1) -> (0, 0)>
#map2 = affine_map<(d0, d1) -> (0, 0, 0)>
module attributes {stable_mosaic.version = 14 : i64} {
  func.func @k(%arg0: i32, %arg1: i32, %arg2: memref<335872xi32, #tpu.memory_space<hbm>>, %arg3: memref<335872xi32, #tpu.memory_space<hbm>>, %arg4: memref<10112x128xf32, #tpu.memory_space<hbm>>, %arg5: memref<10112x16xf32, #tpu.memory_space<hbm>>, %arg6: memref<16xf32, #tpu.memory_space<hbm>>, %arg7: memref<10112x144xf32, #tpu.memory_space<hbm>>, %arg8: memref<2x10112x128xf32, #tpu.memory_space<hbm>>, %arg9: memref<2x10112x16xf32, #tpu.memory_space<hbm>>, %arg10: memref<4x64xi32, #tpu.memory_space<vmem>>, %arg11: memref<4x1x64xi32, #tpu.memory_space<vmem>>, %arg12: memref<64x128xf32, #tpu.memory_space<vmem>>, %arg13: memref<64x128xf32, #tpu.memory_space<vmem>>, %arg14: memref<64x16xf32, #tpu.memory_space<vmem>>, %arg15: memref<64x16xf32, #tpu.memory_space<vmem>>, %arg16: memref<64x16xf32, #tpu.memory_space<vmem>>, %arg17: memref<64x16xf32, #tpu.memory_space<vmem>>, %arg18: memref<64x144xf32, #tpu.memory_space<vmem>>, %arg19: memref<64x144xf32, #tpu.memory_space<vmem>>, %arg20: memref<16xf32, #tpu.memory_space<vmem>>, %arg21: memref<10112x144xf32, #tpu.memory_space<vmem_shared>>, %arg22: memref<!tpu.dma_semaphore, #tpu.memory_space<semaphore_mem>>, %arg23: memref<!tpu.dma_semaphore, #tpu.memory_space<semaphore_mem>>, %arg24: memref<!tpu.dma_semaphore, #tpu.memory_space<semaphore_mem>>, %arg25: memref<!tpu.dma_semaphore, #tpu.memory_space<semaphore_mem>>, %arg26: memref<!tpu.dma_semaphore, #tpu.memory_space<semaphore_mem>>, %arg27: memref<!tpu.dma_semaphore, #tpu.memory_space<semaphore_mem>>, %arg28: memref<!tpu.dma_semaphore, #tpu.memory_space<semaphore_mem>>, %arg29: memref<!tpu.dma_semaphore, #tpu.memory_space<semaphore_mem>>, %arg30: memref<!tpu.dma_semaphore, #tpu.memory_space<semaphore_mem>>) attributes {dimension_semantics = [#tpu.dimension_semantics<core_parallel>, #tpu.dimension_semantics<subcore_parallel>], iteration_bounds = array<i64: 2, 16>, scalar_prefetch = 0 : i64, scratch_operands = 21 : i64, tpu.core_type = #tpu.core_type<sc_vector_subcore>, window_params = [{transform_indices = #map}, {transform_indices = #map}, {transform_indices = #map1}, {transform_indices = #map1}, {transform_indices = #map}, {transform_indices = #map1}, {transform_indices = #map2}, {transform_indices = #map2}]} {
    %mul3A = arith.constant 16 : i32
    %mul3A_0 = arith.muli %arg0, %mul3A : i32
    %add3A = arith.addi %mul3A_0, %arg1 : i32
    %mul3A_1 = arith.constant 10496 : i32
    %mul3A_2 = arith.muli %add3A, %mul3A_1 : i32
    %mul3A_3 = arith.constant 632 : i32
    %mul3A_4 = arith.muli %arg1, %mul3A_3 : i32
    "tpu.region"() ({
      %run_scoped3A = tpu.sem_alloc : memref<!tpu.dma_semaphore, #tpu.memory_space<semaphore_mem>>
      %dma_start3A_173 = arith.constant 0 : i32
      %dma_start3A_174 = tpu.memref_slice %arg21[%mul3A_4, %dma_start3A_173] : memref<10112x144xf32, #tpu.memory_space<vmem_shared>> -> memref<632x144xf32, #tpu.memory_space<vmem_shared>>
      %dma_start3A_175 = arith.constant 0 : i32
      %dma_start3A_176 = tpu.memref_slice %arg7[%mul3A_4, %dma_start3A_175] : memref<10112x144xf32, #tpu.memory_space<hbm>> -> memref<632x144xf32, #tpu.memory_space<hbm>>
      tpu.enqueue_dma source(%dma_start3A_176 : memref<632x144xf32, #tpu.memory_space<hbm>>) target(%dma_start3A_174 : memref<632x144xf32, #tpu.memory_space<vmem_shared>>) target_semaphore(%run_scoped3A : memref<!tpu.dma_semaphore, #tpu.memory_space<semaphore_mem>>)
      %dma_wait3A_177 = arith.constant 0 : i32
      %dma_wait3A_178 = tpu.memref_slice %arg21[%mul3A_4, %dma_wait3A_177] : memref<10112x144xf32, #tpu.memory_space<vmem_shared>> -> memref<632x144xf32, #tpu.memory_space<vmem_shared>>
      %dma_wait3A_179 = arith.constant 0 : i32
      %dma_wait3A_180 = tpu.memref_slice %arg7[%mul3A_4, %dma_wait3A_179] : memref<10112x144xf32, #tpu.memory_space<hbm>> -> memref<632x144xf32, #tpu.memory_space<hbm>>
      tpu.wait_dma2 semaphore(%run_scoped3A : memref<!tpu.dma_semaphore, #tpu.memory_space<semaphore_mem>>) src(%dma_wait3A_180 : memref<632x144xf32, #tpu.memory_space<hbm>>) dst(%dma_wait3A_178 : memref<632x144xf32, #tpu.memory_space<vmem_shared>>)
      tpu.yield
    }) : () -> ()
    "tpu.region"() ({
      %run_scoped3A = tpu.sem_alloc : memref<!tpu.dma_semaphore, #tpu.memory_space<semaphore_mem>>
      tpu.enqueue_dma source(%arg6 : memref<16xf32, #tpu.memory_space<hbm>>) target(%arg20 : memref<16xf32, #tpu.memory_space<vmem>>) target_semaphore(%run_scoped3A : memref<!tpu.dma_semaphore, #tpu.memory_space<semaphore_mem>>)
      tpu.wait_dma2 semaphore(%run_scoped3A : memref<!tpu.dma_semaphore, #tpu.memory_space<semaphore_mem>>) src(%arg6 : memref<16xf32, #tpu.memory_space<hbm>>) dst(%arg20 : memref<16xf32, #tpu.memory_space<vmem>>)
      tpu.yield
    }) : () -> ()
    %get3A = arith.constant 0 : index
    %get3A_5 = tpu.vector_load %arg20[%get3A] {strides = array<i32>} : memref<16xf32, #tpu.memory_space<vmem>>, vector<16xf32>,
    %get3A_6 = vector.shape_cast %get3A_5 : vector<16xf32> to vector<16xf32>
    %iota3A = tpu.iota {dimensions = array<i32: 0>} : vector<16xi32>
    %lt3A = arith.constant 8 : i32
    %lt3A_7 = vector.broadcast %lt3A : i32 to vector<16xi32>
    %lt3A_8 = arith.cmpi slt, %iota3A, %lt3A_7 : vector<16xi32>
    %xor3A = arith.constant 8 : i32
    %xor3A_9 = vector.broadcast %xor3A : i32 to vector<16xi32>
    %xor3A_10 = arith.xori %iota3A, %xor3A_9 : vector<16xi32>
    %rem3A = arith.constant 0 : i32
    %rem3A_11 = arith.constant 4 : i32
    %rem3A_12 = arith.remsi %rem3A, %rem3A_11 : i32
    %add3A_13 = arith.constant 0 : i32
    %add3A_14 = arith.addi %mul3A_2, %add3A_13 : i32
    %dma_start3A = arith.constant 0 : i32
    %dma_start3A_15 = tpu.memref_slice %arg10[%rem3A_12, %dma_start3A] : memref<4x64xi32, #tpu.memory_space<vmem>> -> memref<1x64xi32, #tpu.memory_space<vmem>>
    %dma_start3A_16 = tpu.memref_squeeze %dma_start3A_15 : memref<1x64xi32, #tpu.memory_space<vmem>> -> memref<64xi32, #tpu.memory_space<vmem>>
    %dma_start3A_17 = tpu.memref_slice %arg2[%add3A_14] : memref<335872xi32, #tpu.memory_space<hbm>> -> memref<64xi32, #tpu.memory_space<hbm>>
    %dma_start3A_18 = arith.constant 0 : i32
    %dma_start3A_19 = tpu.memref_slice %arg10[%rem3A_12, %dma_start3A_18] : memref<4x64xi32, #tpu.memory_space<vmem>> -> memref<1x64xi32, #tpu.memory_space<vmem>>
    %dma_start3A_20 = tpu.memref_squeeze %dma_start3A_19 : memref<1x64xi32, #tpu.memory_space<vmem>> -> memref<64xi32, #tpu.memory_space<vmem>>
    %dma_start3A_21 = tpu.memref_slice %arg2[%add3A_14] : memref<335872xi32, #tpu.memory_space<hbm>> -> memref<64xi32, #tpu.memory_space<hbm>>
    tpu.enqueue_dma source(%dma_start3A_21 : memref<64xi32, #tpu.memory_space<hbm>>) target(%dma_start3A_20 : memref<64xi32, #tpu.memory_space<vmem>>) target_semaphore(%arg30 : memref<!tpu.dma_semaphore, #tpu.memory_space<semaphore_mem>>)
    %add3A_22 = arith.constant 0 : i32
    %add3A_23 = arith.addi %mul3A_2, %add3A_22 : i32
    %dma_start3A_24 = arith.constant 0 : i32
    %dma_start3A_25 = arith.constant 0 : i32
    %dma_start3A_26 = tpu.memref_slice %arg11[%rem3A_12, %dma_start3A_24, %dma_start3A_25] : memref<4x1x64xi32, #tpu.memory_space<vmem>> -> memref<1x1x64xi32, #tpu.memory_space<vmem>>
    %dma_start3A_27 = tpu.memref_squeeze %dma_start3A_26 : memref<1x1x64xi32, #tpu.memory_space<vmem>> -> memref<64xi32, #tpu.memory_space<vmem>>
    %dma_start3A_28 = tpu.memref_slice %arg3[%add3A_23] : memref<335872xi32, #tpu.memory_space<hbm>> -> memref<64xi32, #tpu.memory_space<hbm>>
    %dma_start3A_29 = arith.constant 0 : i32
    %dma_start3A_30 = tpu.memref_slice %arg11[%rem3A_12, %dma_start3A_24, %dma_start3A_29] : memref<4x1x64xi32, #tpu.memory_space<vmem>> -> memref<1x1x64xi32, #tpu.memory_space<vmem>>
    %dma_start3A_31 = tpu.memref_squeeze %dma_start3A_30 : memref<1x1x64xi32, #tpu.memory_space<vmem>> -> memref<64xi32, #tpu.memory_space<vmem>>
    %dma_start3A_32 = tpu.memref_slice %arg3[%add3A_23] : memref<335872xi32, #tpu.memory_space<hbm>> -> memref<64xi32, #tpu.memory_space<hbm>>
    tpu.enqueue_dma source(%dma_start3A_32 : memref<64xi32, #tpu.memory_space<hbm>>) target(%dma_start3A_31 : memref<64xi32, #tpu.memory_space<vmem>>) target_semaphore(%arg30 : memref<!tpu.dma_semaphore, #tpu.memory_space<semaphore_mem>>)
    %rem3A_33 = arith.constant 1 : i32
    %rem3A_34 = arith.constant 4 : i32
    %rem3A_35 = arith.remsi %rem3A_33, %rem3A_34 : i32
    %add3A_36 = arith.constant 64 : i32
    %add3A_37 = arith.addi %mul3A_2, %add3A_36 : i32
    %dma_start3A_38 = arith.constant 0 : i32
    %dma_start3A_39 = tpu.memref_slice %arg10[%rem3A_35, %dma_start3A_38] : memref<4x64xi32, #tpu.memory_space<vmem>> -> memref<1x64xi32, #tpu.memory_space<vmem>>
    %dma_start3A_40 = tpu.memref_squeeze %dma_start3A_39 : memref<1x64xi32, #tpu.memory_space<vmem>> -> memref<64xi32, #tpu.memory_space<vmem>>
    %dma_start3A_41 = tpu.memref_slice %arg2[%add3A_37] : memref<335872xi32, #tpu.memory_space<hbm>> -> memref<64xi32, #tpu.memory_space<hbm>>
    %dma_start3A_42 = arith.constant 0 : i32
    %dma_start3A_43 = tpu.memref_slice %arg10[%rem3A_35, %dma_start3A_42] : memref<4x64xi32, #tpu.memory_space<vmem>> -> memref<1x64xi32, #tpu.memory_space<vmem>>
    %dma_start3A_44 = tpu.memref_squeeze %dma_start3A_43 : memref<1x64xi32, #tpu.memory_space<vmem>> -> memref<64xi32, #tpu.memory_space<vmem>>
    %dma_start3A_45 = tpu.memref_slice %arg2[%add3A_37] : memref<335872xi32, #tpu.memory_space<hbm>> -> memref<64xi32, #tpu.memory_space<hbm>>
    tpu.enqueue_dma source(%dma_start3A_45 : memref<64xi32, #tpu.memory_space<hbm>>) target(%dma_start3A_44 : memref<64xi32, #tpu.memory_space<vmem>>) target_semaphore(%arg30 : memref<!tpu.dma_semaphore, #tpu.memory_space<semaphore_mem>>)
    %add3A_46 = arith.constant 64 : i32
    %add3A_47 = arith.addi %mul3A_2, %add3A_46 : i32
    %dma_start3A_48 = arith.constant 0 : i32
    %dma_start3A_49 = arith.constant 0 : i32
    %dma_start3A_50 = tpu.memref_slice %arg11[%rem3A_35, %dma_start3A_48, %dma_start3A_49] : memref<4x1x64xi32, #tpu.memory_space<vmem>> -> memref<1x1x64xi32, #tpu.memory_space<vmem>>
    %dma_start3A_51 = tpu.memref_squeeze %dma_start3A_50 : memref<1x1x64xi32, #tpu.memory_space<vmem>> -> memref<64xi32, #tpu.memory_space<vmem>>
    %dma_start3A_52 = tpu.memref_slice %arg3[%add3A_47] : memref<335872xi32, #tpu.memory_space<hbm>> -> memref<64xi32, #tpu.memory_space<hbm>>
    %dma_start3A_53 = arith.constant 0 : i32
    %dma_start3A_54 = tpu.memref_slice %arg11[%rem3A_35, %dma_start3A_48, %dma_start3A_53] : memref<4x1x64xi32, #tpu.memory_space<vmem>> -> memref<1x1x64xi32, #tpu.memory_space<vmem>>
    %dma_start3A_55 = tpu.memref_squeeze %dma_start3A_54 : memref<1x1x64xi32, #tpu.memory_space<vmem>> -> memref<64xi32, #tpu.memory_space<vmem>>
    %dma_start3A_56 = tpu.memref_slice %arg3[%add3A_47] : memref<335872xi32, #tpu.memory_space<hbm>> -> memref<64xi32, #tpu.memory_space<hbm>>
    tpu.enqueue_dma source(%dma_start3A_56 : memref<64xi32, #tpu.memory_space<hbm>>) target(%dma_start3A_55 : memref<64xi32, #tpu.memory_space<vmem>>) target_semaphore(%arg30 : memref<!tpu.dma_semaphore, #tpu.memory_space<semaphore_mem>>)
    %rem3A_57 = arith.constant 0 : i32
    %rem3A_58 = arith.constant 4 : i32
    %rem3A_59 = arith.remsi %rem3A_57, %rem3A_58 : i32
    %add3A_60 = arith.constant 0 : i32
    %add3A_61 = arith.addi %mul3A_2, %add3A_60 : i32
    %dma_wait3A = arith.constant 0 : i32
    %dma_wait3A_62 = tpu.memref_slice %arg10[%rem3A_59, %dma_wait3A] : memref<4x64xi32, #tpu.memory_space<vmem>> -> memref<1x64xi32, #tpu.memory_space<vmem>>
    %dma_wait3A_63 = tpu.memref_squeeze %dma_wait3A_62 : memref<1x64xi32, #tpu.memory_space<vmem>> -> memref<64xi32, #tpu.memory_space<vmem>>
    %dma_wait3A_64 = tpu.memref_slice %arg2[%add3A_61] : memref<335872xi32, #tpu.memory_space<hbm>> -> memref<64xi32, #tpu.memory_space<hbm>>
    %dma_wait3A_65 = arith.constant 0 : i32
    %dma_wait3A_66 = tpu.memref_slice %arg10[%rem3A_59, %dma_wait3A_65] : memref<4x64xi32, #tpu.memory_space<vmem>> -> memref<1x64xi32, #tpu.memory_space<vmem>>
    %dma_wait3A_67 = tpu.memref_squeeze %dma_wait3A_66 : memref<1x64xi32, #tpu.memory_space<vmem>> -> memref<64xi32, #tpu.memory_space<vmem>>
    %dma_wait3A_68 = tpu.memref_slice %arg2[%add3A_61] : memref<335872xi32, #tpu.memory_space<hbm>> -> memref<64xi32, #tpu.memory_space<hbm>>
    tpu.wait_dma2 semaphore(%arg30 : memref<!tpu.dma_semaphore, #tpu.memory_space<semaphore_mem>>) src(%dma_wait3A_68 : memref<64xi32, #tpu.memory_space<hbm>>) dst(%dma_wait3A_67 : memref<64xi32, #tpu.memory_space<vmem>>)
    %add3A_69 = arith.constant 0 : i32
    %add3A_70 = arith.addi %mul3A_2, %add3A_69 : i32
    %dma_wait3A_71 = arith.constant 0 : i32
    %dma_wait3A_72 = arith.constant 0 : i32
    %dma_wait3A_73 = tpu.memref_slice %arg11[%rem3A_59, %dma_wait3A_71, %dma_wait3A_72] : memref<4x1x64xi32, #tpu.memory_space<vmem>> -> memref<1x1x64xi32, #tpu.memory_space<vmem>>
    %dma_wait3A_74 = tpu.memref_squeeze %dma_wait3A_73 : memref<1x1x64xi32, #tpu.memory_space<vmem>> -> memref<64xi32, #tpu.memory_space<vmem>>
    %dma_wait3A_75 = tpu.memref_slice %arg3[%add3A_70] : memref<335872xi32, #tpu.memory_space<hbm>> -> memref<64xi32, #tpu.memory_space<hbm>>
    %dma_wait3A_76 = arith.constant 0 : i32
    %dma_wait3A_77 = tpu.memref_slice %arg11[%rem3A_59, %dma_wait3A_71, %dma_wait3A_76] : memref<4x1x64xi32, #tpu.memory_space<vmem>> -> memref<1x1x64xi32, #tpu.memory_space<vmem>>
    %dma_wait3A_78 = tpu.memref_squeeze %dma_wait3A_77 : memref<1x1x64xi32, #tpu.memory_space<vmem>> -> memref<64xi32, #tpu.memory_space<vmem>>
    %dma_wait3A_79 = tpu.memref_slice %arg3[%add3A_70] : memref<335872xi32, #tpu.memory_space<hbm>> -> memref<64xi32, #tpu.memory_space<hbm>>
    tpu.wait_dma2 semaphore(%arg30 : memref<!tpu.dma_semaphore, #tpu.memory_space<semaphore_mem>>) src(%dma_wait3A_79 : memref<64xi32, #tpu.memory_space<hbm>>) dst(%dma_wait3A_78 : memref<64xi32, #tpu.memory_space<vmem>>)
    %rem3A_80 = arith.constant 0 : i32
    %rem3A_81 = arith.constant 4 : i32
    %rem3A_82 = arith.remsi %rem3A_80, %rem3A_81 : i32
    %dma_start3A_83 = arith.constant 0 : i32
    %dma_start3A_84 = tpu.memref_slice %arg10[%rem3A_82, %dma_start3A_83] : memref<4x64xi32, #tpu.memory_space<vmem>> -> memref<1x64xi32, #tpu.memory_space<vmem>>
    %dma_start3A_85 = tpu.memref_squeeze %dma_start3A_84 : memref<1x64xi32, #tpu.memory_space<vmem>> -> memref<64xi32, #tpu.memory_space<vmem>>
    %dma_start3A_86 = arith.constant 0 : i32
    %dma_start3A_87 = arith.constant 0 : i32
    %dma_start3A_88 = tpu.memref_slice %arg4[%dma_start3A_86, %dma_start3A_87] : memref<10112x128xf32, #tpu.memory_space<hbm>> -> memref<10112x128xf32, #tpu.memory_space<hbm>>
    tpu.enqueue_indirect_dma source(%dma_start3A_88 : memref<10112x128xf32, #tpu.memory_space<hbm>>) target(%arg12 : memref<64x128xf32, #tpu.memory_space<vmem>>) offsets(%dma_start3A_85 : memref<64xi32, #tpu.memory_space<vmem>>) semaphore(%arg22 : memref<!tpu.dma_semaphore, #tpu.memory_space<semaphore_mem>>)
    %dma_start3A_89 = arith.constant 0 : i32
    %dma_start3A_90 = tpu.memref_slice %arg10[%rem3A_82, %dma_start3A_89] : memref<4x64xi32, #tpu.memory_space<vmem>> -> memref<1x64xi32, #tpu.memory_space<vmem>>
    %dma_start3A_91 = tpu.memref_squeeze %dma_start3A_90 : memref<1x64xi32, #tpu.memory_space<vmem>> -> memref<64xi32, #tpu.memory_space<vmem>>
    %dma_start3A_92 = arith.constant 0 : i32
    %dma_start3A_93 = arith.constant 0 : i32
    %dma_start3A_94 = tpu.memref_slice %arg5[%dma_start3A_92, %dma_start3A_93] : memref<10112x16xf32, #tpu.memory_space<hbm>> -> memref<10112x16xf32, #tpu.memory_space<hbm>>
    tpu.enqueue_indirect_dma source(%dma_start3A_94 : memref<10112x16xf32, #tpu.memory_space<hbm>>) target(%arg14 : memref<64x16xf32, #tpu.memory_space<vmem>>) offsets(%dma_start3A_91 : memref<64xi32, #tpu.memory_space<vmem>>) semaphore(%arg23 : memref<!tpu.dma_semaphore, #tpu.memory_space<semaphore_mem>>)
    %dma_start3A_95 = arith.constant 0 : i32
    %dma_start3A_96 = arith.constant 0 : i32
    %dma_start3A_97 = tpu.memref_slice %arg11[%rem3A_82, %dma_start3A_95, %dma_start3A_96] : memref<4x1x64xi32, #tpu.memory_space<vmem>> -> memref<1x1x64xi32, #tpu.memory_space<vmem>>
    %dma_start3A_98 = tpu.memref_squeeze %dma_start3A_97 : memref<1x1x64xi32, #tpu.memory_space<vmem>> -> memref<64xi32, #tpu.memory_space<vmem>>
    %dma_start3A_99 = arith.constant 0 : i32
    %dma_start3A_100 = arith.constant 0 : i32
    %dma_start3A_101 = tpu.memref_slice %arg5[%dma_start3A_99, %dma_start3A_100] : memref<10112x16xf32, #tpu.memory_space<hbm>> -> memref<10112x16xf32, #tpu.memory_space<hbm>>
    tpu.enqueue_indirect_dma source(%dma_start3A_101 : memref<10112x16xf32, #tpu.memory_space<hbm>>) target(%arg16 : memref<64x16xf32, #tpu.memory_space<vmem>>) offsets(%dma_start3A_98 : memref<64xi32, #tpu.memory_space<vmem>>) semaphore(%arg24 : memref<!tpu.dma_semaphore, #tpu.memory_space<semaphore_mem>>)
    %rem3A_102 = arith.constant 1 : i32
    %rem3A_103 = arith.constant 4 : i32
    %rem3A_104 = arith.remsi %rem3A_102, %rem3A_103 : i32
    %add3A_105 = arith.constant 64 : i32
    %add3A_106 = arith.addi %mul3A_2, %add3A_105 : i32
    %dma_wait3A_107 = arith.constant 0 : i32
    %dma_wait3A_108 = tpu.memref_slice %arg10[%rem3A_104, %dma_wait3A_107] : memref<4x64xi32, #tpu.memory_space<vmem>> -> memref<1x64xi32, #tpu.memory_space<vmem>>
    %dma_wait3A_109 = tpu.memref_squeeze %dma_wait3A_108 : memref<1x64xi32, #tpu.memory_space<vmem>> -> memref<64xi32, #tpu.memory_space<vmem>>
    %dma_wait3A_110 = tpu.memref_slice %arg2[%add3A_106] : memref<335872xi32, #tpu.memory_space<hbm>> -> memref<64xi32, #tpu.memory_space<hbm>>
    %dma_wait3A_111 = arith.constant 0 : i32
    %dma_wait3A_112 = tpu.memref_slice %arg10[%rem3A_104, %dma_wait3A_111] : memref<4x64xi32, #tpu.memory_space<vmem>> -> memref<1x64xi32, #tpu.memory_space<vmem>>
    %dma_wait3A_113 = tpu.memref_squeeze %dma_wait3A_112 : memref<1x64xi32, #tpu.memory_space<vmem>> -> memref<64xi32, #tpu.memory_space<vmem>>
    %dma_wait3A_114 = tpu.memref_slice %arg2[%add3A_106] : memref<335872xi32, #tpu.memory_space<hbm>> -> memref<64xi32, #tpu.memory_space<hbm>>
    tpu.wait_dma2 semaphore(%arg30 : memref<!tpu.dma_semaphore, #tpu.memory_space<semaphore_mem>>) src(%dma_wait3A_114 : memref<64xi32, #tpu.memory_space<hbm>>) dst(%dma_wait3A_113 : memref<64xi32, #tpu.memory_space<vmem>>)
    %add3A_115 = arith.constant 64 : i32
    %add3A_116 = arith.addi %mul3A_2, %add3A_115 : i32
    %dma_wait3A_117 = arith.constant 0 : i32
    %dma_wait3A_118 = arith.constant 0 : i32
    %dma_wait3A_119 = tpu.memref_slice %arg11[%rem3A_104, %dma_wait3A_117, %dma_wait3A_118] : memref<4x1x64xi32, #tpu.memory_space<vmem>> -> memref<1x1x64xi32, #tpu.memory_space<vmem>>
    %dma_wait3A_120 = tpu.memref_squeeze %dma_wait3A_119 : memref<1x1x64xi32, #tpu.memory_space<vmem>> -> memref<64xi32, #tpu.memory_space<vmem>>
    %dma_wait3A_121 = tpu.memref_slice %arg3[%add3A_116] : memref<335872xi32, #tpu.memory_space<hbm>> -> memref<64xi32, #tpu.memory_space<hbm>>
    %dma_wait3A_122 = arith.constant 0 : i32
    %dma_wait3A_123 = tpu.memref_slice %arg11[%rem3A_104, %dma_wait3A_117, %dma_wait3A_122] : memref<4x1x64xi32, #tpu.memory_space<vmem>> -> memref<1x1x64xi32, #tpu.memory_space<vmem>>
    %dma_wait3A_124 = tpu.memref_squeeze %dma_wait3A_123 : memref<1x1x64xi32, #tpu.memory_space<vmem>> -> memref<64xi32, #tpu.memory_space<vmem>>
    %dma_wait3A_125 = tpu.memref_slice %arg3[%add3A_116] : memref<335872xi32, #tpu.memory_space<hbm>> -> memref<64xi32, #tpu.memory_space<hbm>>
    tpu.wait_dma2 semaphore(%arg30 : memref<!tpu.dma_semaphore, #tpu.memory_space<semaphore_mem>>) src(%dma_wait3A_125 : memref<64xi32, #tpu.memory_space<hbm>>) dst(%dma_wait3A_124 : memref<64xi32, #tpu.memory_space<vmem>>)
    %rem3A_126 = arith.constant 1 : i32
    %rem3A_127 = arith.constant 4 : i32
    %rem3A_128 = arith.remsi %rem3A_126, %rem3A_127 : i32
    %dma_start3A_129 = arith.constant 0 : i32
    %dma_start3A_130 = tpu.memref_slice %arg10[%rem3A_128, %dma_start3A_129] : memref<4x64xi32, #tpu.memory_space<vmem>> -> memref<1x64xi32, #tpu.memory_space<vmem>>
    %dma_start3A_131 = tpu.memref_squeeze %dma_start3A_130 : memref<1x64xi32, #tpu.memory_space<vmem>> -> memref<64xi32, #tpu.memory_space<vmem>>
    %dma_start3A_132 = arith.constant 0 : i32
    %dma_start3A_133 = arith.constant 0 : i32
    %dma_start3A_134 = tpu.memref_slice %arg4[%dma_start3A_132, %dma_start3A_133] : memref<10112x128xf32, #tpu.memory_space<hbm>> -> memref<10112x128xf32, #tpu.memory_space<hbm>>
    tpu.enqueue_indirect_dma source(%dma_start3A_134 : memref<10112x128xf32, #tpu.memory_space<hbm>>) target(%arg13 : memref<64x128xf32, #tpu.memory_space<vmem>>) offsets(%dma_start3A_131 : memref<64xi32, #tpu.memory_space<vmem>>) semaphore(%arg25 : memref<!tpu.dma_semaphore, #tpu.memory_space<semaphore_mem>>)
    %dma_start3A_135 = arith.constant 0 : i32
    %dma_start3A_136 = tpu.memref_slice %arg10[%rem3A_128, %dma_start3A_135] : memref<4x64xi32, #tpu.memory_space<vmem>> -> memref<1x64xi32, #tpu.memory_space<vmem>>
    %dma_start3A_137 = tpu.memref_squeeze %dma_start3A_136 : memref<1x64xi32, #tpu.memory_space<vmem>> -> memref<64xi32, #tpu.memory_space<vmem>>
    %dma_start3A_138 = arith.constant 0 : i32
    %dma_start3A_139 = arith.constant 0 : i32
    %dma_start3A_140 = tpu.memref_slice %arg5[%dma_start3A_138, %dma_start3A_139] : memref<10112x16xf32, #tpu.memory_space<hbm>> -> memref<10112x16xf32, #tpu.memory_space<hbm>>
    tpu.enqueue_indirect_dma source(%dma_start3A_140 : memref<10112x16xf32, #tpu.memory_space<hbm>>) target(%arg15 : memref<64x16xf32, #tpu.memory_space<vmem>>) offsets(%dma_start3A_137 : memref<64xi32, #tpu.memory_space<vmem>>) semaphore(%arg26 : memref<!tpu.dma_semaphore, #tpu.memory_space<semaphore_mem>>)
    %dma_start3A_141 = arith.constant 0 : i32
    %dma_start3A_142 = arith.constant 0 : i32
    %dma_start3A_143 = tpu.memref_slice %arg11[%rem3A_128, %dma_start3A_141, %dma_start3A_142] : memref<4x1x64xi32, #tpu.memory_space<vmem>> -> memref<1x1x64xi32, #tpu.memory_space<vmem>>
    %dma_start3A_144 = tpu.memref_squeeze %dma_start3A_143 : memref<1x1x64xi32, #tpu.memory_space<vmem>> -> memref<64xi32, #tpu.memory_space<vmem>>
    %dma_start3A_145 = arith.constant 0 : i32
    %dma_start3A_146 = arith.constant 0 : i32
    %dma_start3A_147 = tpu.memref_slice %arg5[%dma_start3A_145, %dma_start3A_146] : memref<10112x16xf32, #tpu.memory_space<hbm>> -> memref<10112x16xf32, #tpu.memory_space<hbm>>
    tpu.enqueue_indirect_dma source(%dma_start3A_147 : memref<10112x16xf32, #tpu.memory_space<hbm>>) target(%arg17 : memref<64x16xf32, #tpu.memory_space<vmem>>) offsets(%dma_start3A_144 : memref<64xi32, #tpu.memory_space<vmem>>) semaphore(%arg27 : memref<!tpu.dma_semaphore, #tpu.memory_space<semaphore_mem>>)
    %barrier3A = arith.constant 0 : index
    tpu.barrier barrier_id(%barrier3A)
    %scan3A = arith.constant 0 : i32
    %scan3A_148 = arith.constant 82 : i32
    %scan3A_149 = arith.addi %scan3A, %scan3A_148 : i32
    %scan3A_150 = arith.constant 1 : i32
    scf.for %scan3A_173 = %scan3A to %scan3A_149 step %scan3A_150  : i32 {
      %mul3A_174 = arith.constant 1 : i32
      %mul3A_175 = arith.muli %scan3A_173, %mul3A_174 : i32
      %add3A_176 = arith.constant 0 : i32
      %add3A_177 = arith.addi %add3A_176, %mul3A_175 : i32
      %mul3A_178 = arith.constant 2 : i32
      %mul3A_179 = arith.muli %mul3A_178, %add3A_177 : i32
      %ge3A = arith.constant 1 : i32
      %ge3A_180 = arith.cmpi sge, %add3A_177, %ge3A : i32
      %convert_element_type3A = arith.extui %ge3A_180 : i1 to i32
      %cond3A = arith.constant 0 : i32
      %cond3A_181 = arith.cmpi ne, %convert_element_type3A, %cond3A : i32
      scf.if %cond3A_181 {
        %sub3A = arith.constant 2 : i32
        %sub3A_284 = arith.subi %mul3A_179, %sub3A : i32
        %rem3A_285 = arith.constant 4 : i32
        %rem3A_286 = arith.remsi %sub3A_284, %rem3A_285 : i32
        %dma_wait3A_287 = arith.constant 0 : i32
        %dma_wait3A_288 = arith.constant 0 : i32
        %dma_wait3A_289 = tpu.memref_slice %arg11[%rem3A_286, %dma_wait3A_287, %dma_wait3A_288] : memref<4x1x64xi32, #tpu.memory_space<vmem>> -> memref<1x1x64xi32, #tpu.memory_space<vmem>>
        %dma_wait3A_290 = tpu.memref_squeeze %dma_wait3A_289 : memref<1x1x64xi32, #tpu.memory_space<vmem>> -> memref<64xi32, #tpu.memory_space<vmem>>
        %dma_wait3A_291 = arith.constant 0 : i32
        %dma_wait3A_292 = arith.constant 0 : i32
        %dma_wait3A_293 = tpu.memref_slice %arg21[%dma_wait3A_291, %dma_wait3A_292] : memref<10112x144xf32, #tpu.memory_space<vmem_shared>> -> memref<10112x144xf32, #tpu.memory_space<vmem_shared>>
        tpu.wait_indirect_dma semaphore(%arg28 : memref<!tpu.dma_semaphore, #tpu.memory_space<semaphore_mem>>) src(%arg18 : memref<64x144xf32, #tpu.memory_space<vmem>>) dst(%dma_wait3A_293 : memref<10112x144xf32, #tpu.memory_space<vmem_shared>>)
      } else {
      }
      %add3A_182 = arith.constant 2 : i32
      %add3A_183 = arith.addi %mul3A_179, %add3A_182 : i32
      %lt3A_184 = arith.constant 164 : i32
      %lt3A_185 = arith.cmpi slt, %add3A_183, %lt3A_184 : i32
      %convert_element_type3A_186 = arith.extui %lt3A_185 : i1 to i32
      %cond3A_187 = arith.constant 0 : i32
      %cond3A_188 = arith.cmpi ne, %convert_element_type3A_186, %cond3A_187 : i32
      scf.if %cond3A_188 {
        %add3A_284 = arith.constant 2 : i32
        %add3A_285 = arith.addi %mul3A_179, %add3A_284 : i32
        %rem3A_286 = arith.constant 4 : i32
        %rem3A_287 = arith.remsi %add3A_285, %rem3A_286 : i32
        %mul3A_288 = arith.constant 64 : i32
        %mul3A_289 = arith.muli %add3A_285, %mul3A_288 : i32
        %add3A_290 = arith.addi %mul3A_2, %mul3A_289 : i32
        %dma_start3A_291 = arith.constant 0 : i32
        %dma_start3A_292 = tpu.memref_slice %arg10[%rem3A_287, %dma_start3A_291] : memref<4x64xi32, #tpu.memory_space<vmem>> -> memref<1x64xi32, #tpu.memory_space<vmem>>
        %dma_start3A_293 = tpu.memref_squeeze %dma_start3A_292 : memref<1x64xi32, #tpu.memory_space<vmem>> -> memref<64xi32, #tpu.memory_space<vmem>>
        %dma_start3A_294 = tpu.memref_slice %arg2[%add3A_290] : memref<335872xi32, #tpu.memory_space<hbm>> -> memref<64xi32, #tpu.memory_space<hbm>>
        %dma_start3A_295 = arith.constant 0 : i32
        %dma_start3A_296 = tpu.memref_slice %arg10[%rem3A_287, %dma_start3A_295] : memref<4x64xi32, #tpu.memory_space<vmem>> -> memref<1x64xi32, #tpu.memory_space<vmem>>
        %dma_start3A_297 = tpu.memref_squeeze %dma_start3A_296 : memref<1x64xi32, #tpu.memory_space<vmem>> -> memref<64xi32, #tpu.memory_space<vmem>>
        %dma_start3A_298 = tpu.memref_slice %arg2[%add3A_290] : memref<335872xi32, #tpu.memory_space<hbm>> -> memref<64xi32, #tpu.memory_space<hbm>>
        tpu.enqueue_dma source(%dma_start3A_298 : memref<64xi32, #tpu.memory_space<hbm>>) target(%dma_start3A_297 : memref<64xi32, #tpu.memory_space<vmem>>) target_semaphore(%arg30 : memref<!tpu.dma_semaphore, #tpu.memory_space<semaphore_mem>>)
        %mul3A_299 = arith.constant 64 : i32
        %mul3A_300 = arith.muli %add3A_285, %mul3A_299 : i32
        %add3A_301 = arith.addi %mul3A_2, %mul3A_300 : i32
        %dma_start3A_302 = arith.constant 0 : i32
        %dma_start3A_303 = arith.constant 0 : i32
        %dma_start3A_304 = tpu.memref_slice %arg11[%rem3A_287, %dma_start3A_302, %dma_start3A_303] : memref<4x1x64xi32, #tpu.memory_space<vmem>> -> memref<1x1x64xi32, #tpu.memory_space<vmem>>
        %dma_start3A_305 = tpu.memref_squeeze %dma_start3A_304 : memref<1x1x64xi32, #tpu.memory_space<vmem>> -> memref<64xi32, #tpu.memory_space<vmem>>
        %dma_start3A_306 = tpu.memref_slice %arg3[%add3A_301] : memref<335872xi32, #tpu.memory_space<hbm>> -> memref<64xi32, #tpu.memory_space<hbm>>
        %dma_start3A_307 = arith.constant 0 : i32
        %dma_start3A_308 = tpu.memref_slice %arg11[%rem3A_287, %dma_start3A_302, %dma_start3A_307] : memref<4x1x64xi32, #tpu.memory_space<vmem>> -> memref<1x1x64xi32, #tpu.memory_space<vmem>>
        %dma_start3A_309 = tpu.memref_squeeze %dma_start3A_308 : memref<1x1x64xi32, #tpu.memory_space<vmem>> -> memref<64xi32, #tpu.memory_space<vmem>>
        %dma_start3A_310 = tpu.memref_slice %arg3[%add3A_301] : memref<335872xi32, #tpu.memory_space<hbm>> -> memref<64xi32, #tpu.memory_space<hbm>>
        tpu.enqueue_dma source(%dma_start3A_310 : memref<64xi32, #tpu.memory_space<hbm>>) target(%dma_start3A_309 : memref<64xi32, #tpu.memory_space<vmem>>) target_semaphore(%arg30 : memref<!tpu.dma_semaphore, #tpu.memory_space<semaphore_mem>>)
      } else {
      }
      %rem3A_189 = arith.constant 4 : i32
      %rem3A_190 = arith.remsi %mul3A_179, %rem3A_189 : i32
      %dma_wait3A_191 = arith.constant 0 : i32
      %dma_wait3A_192 = tpu.memref_slice %arg10[%rem3A_190, %dma_wait3A_191] : memref<4x64xi32, #tpu.memory_space<vmem>> -> memref<1x64xi32, #tpu.memory_space<vmem>>
      %dma_wait3A_193 = tpu.memref_squeeze %dma_wait3A_192 : memref<1x64xi32, #tpu.memory_space<vmem>> -> memref<64xi32, #tpu.memory_space<vmem>>
      %dma_wait3A_194 = arith.constant 0 : i32
      %dma_wait3A_195 = arith.constant 0 : i32
      %dma_wait3A_196 = tpu.memref_slice %arg4[%dma_wait3A_194, %dma_wait3A_195] : memref<10112x128xf32, #tpu.memory_space<hbm>> -> memref<10112x128xf32, #tpu.memory_space<hbm>>
      tpu.wait_indirect_dma semaphore(%arg22 : memref<!tpu.dma_semaphore, #tpu.memory_space<semaphore_mem>>) src(%dma_wait3A_196 : memref<10112x128xf32, #tpu.memory_space<hbm>>) dst(%arg12 : memref<64x128xf32, #tpu.memory_space<vmem>>)
      %dma_wait3A_197 = arith.constant 0 : i32
      %dma_wait3A_198 = tpu.memref_slice %arg10[%rem3A_190, %dma_wait3A_197] : memref<4x64xi32, #tpu.memory_space<vmem>> -> memref<1x64xi32, #tpu.memory_space<vmem>>
      %dma_wait3A_199 = tpu.memref_squeeze %dma_wait3A_198 : memref<1x64xi32, #tpu.memory_space<vmem>> -> memref<64xi32, #tpu.memory_space<vmem>>
      %dma_wait3A_200 = arith.constant 0 : i32
      %dma_wait3A_201 = arith.constant 0 : i32
      %dma_wait3A_202 = tpu.memref_slice %arg5[%dma_wait3A_200, %dma_wait3A_201] : memref<10112x16xf32, #tpu.memory_space<hbm>> -> memref<10112x16xf32, #tpu.memory_space<hbm>>
      tpu.wait_indirect_dma semaphore(%arg23 : memref<!tpu.dma_semaphore, #tpu.memory_space<semaphore_mem>>) src(%dma_wait3A_202 : memref<10112x16xf32, #tpu.memory_space<hbm>>) dst(%arg14 : memref<64x16xf32, #tpu.memory_space<vmem>>)
      %dma_wait3A_203 = arith.constant 0 : i32
      %dma_wait3A_204 = arith.constant 0 : i32
      %dma_wait3A_205 = tpu.memref_slice %arg11[%rem3A_190, %dma_wait3A_203, %dma_wait3A_204] : memref<4x1x64xi32, #tpu.memory_space<vmem>> -> memref<1x1x64xi32, #tpu.memory_space<vmem>>
      %dma_wait3A_206 = tpu.memref_squeeze %dma_wait3A_205 : memref<1x1x64xi32, #tpu.memory_space<vmem>> -> memref<64xi32, #tpu.memory_space<vmem>>
      %dma_wait3A_207 = arith.constant 0 : i32
      %dma_wait3A_208 = arith.constant 0 : i32
      %dma_wait3A_209 = tpu.memref_slice %arg5[%dma_wait3A_207, %dma_wait3A_208] : memref<10112x16xf32, #tpu.memory_space<hbm>> -> memref<10112x16xf32, #tpu.memory_space<hbm>>
      tpu.wait_indirect_dma semaphore(%arg24 : memref<!tpu.dma_semaphore, #tpu.memory_space<semaphore_mem>>) src(%dma_wait3A_209 : memref<10112x16xf32, #tpu.memory_space<hbm>>) dst(%arg16 : memref<64x16xf32, #tpu.memory_space<vmem>>)
      %parallel_loop3A = arith.constant 0 : i32
      %parallel_loop3A_210 = arith.constant 64 : i32
      %parallel_loop3A_211 = arith.constant 1 : i32
      scf.for %parallel_loop3A_284 = %parallel_loop3A to %parallel_loop3A_210 step %parallel_loop3A_211  : i32 {
        %parallel_loop3A_285 = arith.index_cast %parallel_loop3A_284 : i32 to index
        %parallel_loop3A_286 = arith.constant 0 : index
        %parallel_loop3A_287 = tpu.vector_load %arg14[%parallel_loop3A_285, %parallel_loop3A_286] {strides = array<i32>} : memref<64x16xf32, #tpu.memory_space<vmem>>, vector<1x16xf32>,
        %parallel_loop3A_288 = vector.shape_cast %parallel_loop3A_287 : vector<1x16xf32> to vector<16xf32>
        %parallel_loop3A_289 = arith.index_cast %parallel_loop3A_284 : i32 to index
        %parallel_loop3A_290 = arith.constant 0 : index
        %parallel_loop3A_291 = tpu.vector_load %arg16[%parallel_loop3A_289, %parallel_loop3A_290] {strides = array<i32>} : memref<64x16xf32, #tpu.memory_space<vmem>>, vector<1x16xf32>,
        %parallel_loop3A_292 = vector.shape_cast %parallel_loop3A_291 : vector<1x16xf32> to vector<16xf32>
        %parallel_loop3A_293 = arith.select %lt3A_8, %parallel_loop3A_288, %parallel_loop3A_292 : vector<16xi1>, vector<16xf32>
        %parallel_loop3A_294 = vector.shape_cast %xor3A_10 : vector<16xi32> to vector<16x1xi32>
        %parallel_loop3A_295 = vector.shape_cast %parallel_loop3A_294 : vector<16x1xi32> to vector<16xi32>
        %parallel_loop3A_296 = tpu.dynamic_gather %parallel_loop3A_293[%parallel_loop3A_295] in [0] : vector<16xf32>, vector<16xi32> -> vector<16xf32>
        %parallel_loop3A_297 = arith.addf %parallel_loop3A_293, %parallel_loop3A_296 : vector<16xf32>
        %parallel_loop3A_298 = arith.constant 2.000000e-01 : f32
        %parallel_loop3A_299 = vector.broadcast %parallel_loop3A_298 : f32 to vector<16xf32>
        %parallel_loop3A_300 = arith.mulf %parallel_loop3A_299, %parallel_loop3A_297 : vector<16xf32>
        %parallel_loop3A_301 = arith.maximumf %parallel_loop3A_297, %parallel_loop3A_300 : vector<16xf32>
        %parallel_loop3A_302 = arith.subf %parallel_loop3A_301, %get3A_6 : vector<16xf32>
        %parallel_loop3A_303 = math.exp %parallel_loop3A_302 : vector<16xf32>
        %parallel_loop3A_304 = arith.index_cast %parallel_loop3A_284 : i32 to index
        %parallel_loop3A_305 = arith.constant 128 : index
        %parallel_loop3A_306 = tpu.vector_load %arg18[%parallel_loop3A_304, %parallel_loop3A_305] {strides = array<i32>} : memref<64x144xf32, #tpu.memory_space<vmem>>, vector<1x16xf32>,
        %parallel_loop3A_307 = vector.shape_cast %parallel_loop3A_306 : vector<1x16xf32> to vector<16xf32>
        %parallel_loop3A_308 = vector.shape_cast %parallel_loop3A_303 : vector<16xf32> to vector<1x16xf32>
        tpu.vector_store %arg18[%parallel_loop3A_304, %parallel_loop3A_305], %parallel_loop3A_308 {strides = array<i32>} : memref<64x144xf32, #tpu.memory_space<vmem>>, vector<1x16xf32>,
        %parallel_loop3A_309 = arith.constant 0 : i32
        %parallel_loop3A_310 = vector.broadcast %parallel_loop3A_309 : i32 to vector<16xi32>
        %parallel_loop3A_311 = vector.shape_cast %parallel_loop3A_310 : vector<16xi32> to vector<16x1xi32>
        %parallel_loop3A_312 = vector.shape_cast %parallel_loop3A_311 : vector<16x1xi32> to vector<16xi32>
        %parallel_loop3A_313 = tpu.dynamic_gather %parallel_loop3A_303[%parallel_loop3A_312] in [0] : vector<16xf32>, vector<16xi32> -> vector<16xf32>
        %parallel_loop3A_314 = arith.index_cast %parallel_loop3A_284 : i32 to index
        %parallel_loop3A_315 = arith.constant 0 : index
        %parallel_loop3A_316 = tpu.vector_load %arg12[%parallel_loop3A_314, %parallel_loop3A_315] {strides = array<i32>} : memref<64x128xf32, #tpu.memory_space<vmem>>, vector<1x16xf32>,
        %parallel_loop3A_317 = vector.shape_cast %parallel_loop3A_316 : vector<1x16xf32> to vector<16xf32>
        %parallel_loop3A_318 = arith.mulf %parallel_loop3A_313, %parallel_loop3A_317 : vector<16xf32>
        %parallel_loop3A_319 = arith.index_cast %parallel_loop3A_284 : i32 to index
        %parallel_loop3A_320 = arith.constant 0 : index
        %parallel_loop3A_321 = tpu.vector_load %arg18[%parallel_loop3A_319, %parallel_loop3A_320] {strides = array<i32>} : memref<64x144xf32, #tpu.memory_space<vmem>>, vector<1x16xf32>,
        %parallel_loop3A_322 = vector.shape_cast %parallel_loop3A_321 : vector<1x16xf32> to vector<16xf32>
        %parallel_loop3A_323 = vector.shape_cast %parallel_loop3A_318 : vector<16xf32> to vector<1x16xf32>
        tpu.vector_store %arg18[%parallel_loop3A_319, %parallel_loop3A_320], %parallel_loop3A_323 {strides = array<i32>} : memref<64x144xf32, #tpu.memory_space<vmem>>, vector<1x16xf32>,
        %parallel_loop3A_324 = arith.constant 1 : i32
        %parallel_loop3A_325 = vector.broadcast %parallel_loop3A_324 : i32 to vector<16xi32>
        %parallel_loop3A_326 = vector.shape_cast %parallel_loop3A_325 : vector<16xi32> to vector<16x1xi32>
        %parallel_loop3A_327 = vector.shape_cast %parallel_loop3A_326 : vector<16x1xi32> to vector<16xi32>
        %parallel_loop3A_328 = tpu.dynamic_gather %parallel_loop3A_303[%parallel_loop3A_327] in [0] : vector<16xf32>, vector<16xi32> -> vector<16xf32>
        %parallel_loop3A_329 = arith.index_cast %parallel_loop3A_284 : i32 to index
        %parallel_loop3A_330 = arith.constant 16 : index
        %parallel_loop3A_331 = tpu.vector_load %arg12[%parallel_loop3A_329, %parallel_loop3A_330] {strides = array<i32>} : memref<64x128xf32, #tpu.memory_space<vmem>>, vector<1x16xf32>,
        %parallel_loop3A_332 = vector.shape_cast %parallel_loop3A_331 : vector<1x16xf32> to vector<16xf32>
        %parallel_loop3A_333 = arith.mulf %parallel_loop3A_328, %parallel_loop3A_332 : vector<16xf32>
        %parallel_loop3A_334 = arith.index_cast %parallel_loop3A_284 : i32 to index
        %parallel_loop3A_335 = arith.constant 16 : index
        %parallel_loop3A_336 = tpu.vector_load %arg18[%parallel_loop3A_334, %parallel_loop3A_335] {strides = array<i32>} : memref<64x144xf32, #tpu.memory_space<vmem>>, vector<1x16xf32>,
        %parallel_loop3A_337 = vector.shape_cast %parallel_loop3A_336 : vector<1x16xf32> to vector<16xf32>
        %parallel_loop3A_338 = vector.shape_cast %parallel_loop3A_333 : vector<16xf32> to vector<1x16xf32>
        tpu.vector_store %arg18[%parallel_loop3A_334, %parallel_loop3A_335], %parallel_loop3A_338 {strides = array<i32>} : memref<64x144xf32, #tpu.memory_space<vmem>>, vector<1x16xf32>,
        %parallel_loop3A_339 = arith.constant 2 : i32
        %parallel_loop3A_340 = vector.broadcast %parallel_loop3A_339 : i32 to vector<16xi32>
        %parallel_loop3A_341 = vector.shape_cast %parallel_loop3A_340 : vector<16xi32> to vector<16x1xi32>
        %parallel_loop3A_342 = vector.shape_cast %parallel_loop3A_341 : vector<16x1xi32> to vector<16xi32>
        %parallel_loop3A_343 = tpu.dynamic_gather %parallel_loop3A_303[%parallel_loop3A_342] in [0] : vector<16xf32>, vector<16xi32> -> vector<16xf32>
        %parallel_loop3A_344 = arith.index_cast %parallel_loop3A_284 : i32 to index
        %parallel_loop3A_345 = arith.constant 32 : index
        %parallel_loop3A_346 = tpu.vector_load %arg12[%parallel_loop3A_344, %parallel_loop3A_345] {strides = array<i32>} : memref<64x128xf32, #tpu.memory_space<vmem>>, vector<1x16xf32>,
        %parallel_loop3A_347 = vector.shape_cast %parallel_loop3A_346 : vector<1x16xf32> to vector<16xf32>
        %parallel_loop3A_348 = arith.mulf %parallel_loop3A_343, %parallel_loop3A_347 : vector<16xf32>
        %parallel_loop3A_349 = arith.index_cast %parallel_loop3A_284 : i32 to index
        %parallel_loop3A_350 = arith.constant 32 : index
        %parallel_loop3A_351 = tpu.vector_load %arg18[%parallel_loop3A_349, %parallel_loop3A_350] {strides = array<i32>} : memref<64x144xf32, #tpu.memory_space<vmem>>, vector<1x16xf32>,
        %parallel_loop3A_352 = vector.shape_cast %parallel_loop3A_351 : vector<1x16xf32> to vector<16xf32>
        %parallel_loop3A_353 = vector.shape_cast %parallel_loop3A_348 : vector<16xf32> to vector<1x16xf32>
        tpu.vector_store %arg18[%parallel_loop3A_349, %parallel_loop3A_350], %parallel_loop3A_353 {strides = array<i32>} : memref<64x144xf32, #tpu.memory_space<vmem>>, vector<1x16xf32>,
        %parallel_loop3A_354 = arith.constant 3 : i32
        %parallel_loop3A_355 = vector.broadcast %parallel_loop3A_354 : i32 to vector<16xi32>
        %parallel_loop3A_356 = vector.shape_cast %parallel_loop3A_355 : vector<16xi32> to vector<16x1xi32>
        %parallel_loop3A_357 = vector.shape_cast %parallel_loop3A_356 : vector<16x1xi32> to vector<16xi32>
        %parallel_loop3A_358 = tpu.dynamic_gather %parallel_loop3A_303[%parallel_loop3A_357] in [0] : vector<16xf32>, vector<16xi32> -> vector<16xf32>
        %parallel_loop3A_359 = arith.index_cast %parallel_loop3A_284 : i32 to index
        %parallel_loop3A_360 = arith.constant 48 : index
        %parallel_loop3A_361 = tpu.vector_load %arg12[%parallel_loop3A_359, %parallel_loop3A_360] {strides = array<i32>} : memref<64x128xf32, #tpu.memory_space<vmem>>, vector<1x16xf32>,
        %parallel_loop3A_362 = vector.shape_cast %parallel_loop3A_361 : vector<1x16xf32> to vector<16xf32>
        %parallel_loop3A_363 = arith.mulf %parallel_loop3A_358, %parallel_loop3A_362 : vector<16xf32>
        %parallel_loop3A_364 = arith.index_cast %parallel_loop3A_284 : i32 to index
        %parallel_loop3A_365 = arith.constant 48 : index
        %parallel_loop3A_366 = tpu.vector_load %arg18[%parallel_loop3A_364, %parallel_loop3A_365] {strides = array<i32>} : memref<64x144xf32, #tpu.memory_space<vmem>>, vector<1x16xf32>,
        %parallel_loop3A_367 = vector.shape_cast %parallel_loop3A_366 : vector<1x16xf32> to vector<16xf32>
        %parallel_loop3A_368 = vector.shape_cast %parallel_loop3A_363 : vector<16xf32> to vector<1x16xf32>
        tpu.vector_store %arg18[%parallel_loop3A_364, %parallel_loop3A_365], %parallel_loop3A_368 {strides = array<i32>} : memref<64x144xf32, #tpu.memory_space<vmem>>, vector<1x16xf32>,
        %parallel_loop3A_369 = arith.constant 4 : i32
        %parallel_loop3A_370 = vector.broadcast %parallel_loop3A_369 : i32 to vector<16xi32>
        %parallel_loop3A_371 = vector.shape_cast %parallel_loop3A_370 : vector<16xi32> to vector<16x1xi32>
        %parallel_loop3A_372 = vector.shape_cast %parallel_loop3A_371 : vector<16x1xi32> to vector<16xi32>
        %parallel_loop3A_373 = tpu.dynamic_gather %parallel_loop3A_303[%parallel_loop3A_372] in [0] : vector<16xf32>, vector<16xi32> -> vector<16xf32>
        %parallel_loop3A_374 = arith.index_cast %parallel_loop3A_284 : i32 to index
        %parallel_loop3A_375 = arith.constant 64 : index
        %parallel_loop3A_376 = tpu.vector_load %arg12[%parallel_loop3A_374, %parallel_loop3A_375] {strides = array<i32>} : memref<64x128xf32, #tpu.memory_space<vmem>>, vector<1x16xf32>,
        %parallel_loop3A_377 = vector.shape_cast %parallel_loop3A_376 : vector<1x16xf32> to vector<16xf32>
        %parallel_loop3A_378 = arith.mulf %parallel_loop3A_373, %parallel_loop3A_377 : vector<16xf32>
        %parallel_loop3A_379 = arith.index_cast %parallel_loop3A_284 : i32 to index
        %parallel_loop3A_380 = arith.constant 64 : index
        %parallel_loop3A_381 = tpu.vector_load %arg18[%parallel_loop3A_379, %parallel_loop3A_380] {strides = array<i32>} : memref<64x144xf32, #tpu.memory_space<vmem>>, vector<1x16xf32>,
        %parallel_loop3A_382 = vector.shape_cast %parallel_loop3A_381 : vector<1x16xf32> to vector<16xf32>
        %parallel_loop3A_383 = vector.shape_cast %parallel_loop3A_378 : vector<16xf32> to vector<1x16xf32>
        tpu.vector_store %arg18[%parallel_loop3A_379, %parallel_loop3A_380], %parallel_loop3A_383 {strides = array<i32>} : memref<64x144xf32, #tpu.memory_space<vmem>>, vector<1x16xf32>,
        %parallel_loop3A_384 = arith.constant 5 : i32
        %parallel_loop3A_385 = vector.broadcast %parallel_loop3A_384 : i32 to vector<16xi32>
        %parallel_loop3A_386 = vector.shape_cast %parallel_loop3A_385 : vector<16xi32> to vector<16x1xi32>
        %parallel_loop3A_387 = vector.shape_cast %parallel_loop3A_386 : vector<16x1xi32> to vector<16xi32>
        %parallel_loop3A_388 = tpu.dynamic_gather %parallel_loop3A_303[%parallel_loop3A_387] in [0] : vector<16xf32>, vector<16xi32> -> vector<16xf32>
        %parallel_loop3A_389 = arith.index_cast %parallel_loop3A_284 : i32 to index
        %parallel_loop3A_390 = arith.constant 80 : index
        %parallel_loop3A_391 = tpu.vector_load %arg12[%parallel_loop3A_389, %parallel_loop3A_390] {strides = array<i32>} : memref<64x128xf32, #tpu.memory_space<vmem>>, vector<1x16xf32>,
        %parallel_loop3A_392 = vector.shape_cast %parallel_loop3A_391 : vector<1x16xf32> to vector<16xf32>
        %parallel_loop3A_393 = arith.mulf %parallel_loop3A_388, %parallel_loop3A_392 : vector<16xf32>
        %parallel_loop3A_394 = arith.index_cast %parallel_loop3A_284 : i32 to index
        %parallel_loop3A_395 = arith.constant 80 : index
        %parallel_loop3A_396 = tpu.vector_load %arg18[%parallel_loop3A_394, %parallel_loop3A_395] {strides = array<i32>} : memref<64x144xf32, #tpu.memory_space<vmem>>, vector<1x16xf32>,
        %parallel_loop3A_397 = vector.shape_cast %parallel_loop3A_396 : vector<1x16xf32> to vector<16xf32>
        %parallel_loop3A_398 = vector.shape_cast %parallel_loop3A_393 : vector<16xf32> to vector<1x16xf32>
        tpu.vector_store %arg18[%parallel_loop3A_394, %parallel_loop3A_395], %parallel_loop3A_398 {strides = array<i32>} : memref<64x144xf32, #tpu.memory_space<vmem>>, vector<1x16xf32>,
        %parallel_loop3A_399 = arith.constant 6 : i32
        %parallel_loop3A_400 = vector.broadcast %parallel_loop3A_399 : i32 to vector<16xi32>
        %parallel_loop3A_401 = vector.shape_cast %parallel_loop3A_400 : vector<16xi32> to vector<16x1xi32>
        %parallel_loop3A_402 = vector.shape_cast %parallel_loop3A_401 : vector<16x1xi32> to vector<16xi32>
        %parallel_loop3A_403 = tpu.dynamic_gather %parallel_loop3A_303[%parallel_loop3A_402] in [0] : vector<16xf32>, vector<16xi32> -> vector<16xf32>
        %parallel_loop3A_404 = arith.index_cast %parallel_loop3A_284 : i32 to index
        %parallel_loop3A_405 = arith.constant 96 : index
        %parallel_loop3A_406 = tpu.vector_load %arg12[%parallel_loop3A_404, %parallel_loop3A_405] {strides = array<i32>} : memref<64x128xf32, #tpu.memory_space<vmem>>, vector<1x16xf32>,
        %parallel_loop3A_407 = vector.shape_cast %parallel_loop3A_406 : vector<1x16xf32> to vector<16xf32>
        %parallel_loop3A_408 = arith.mulf %parallel_loop3A_403, %parallel_loop3A_407 : vector<16xf32>
        %parallel_loop3A_409 = arith.index_cast %parallel_loop3A_284 : i32 to index
        %parallel_loop3A_410 = arith.constant 96 : index
        %parallel_loop3A_411 = tpu.vector_load %arg18[%parallel_loop3A_409, %parallel_loop3A_410] {strides = array<i32>} : memref<64x144xf32, #tpu.memory_space<vmem>>, vector<1x16xf32>,
        %parallel_loop3A_412 = vector.shape_cast %parallel_loop3A_411 : vector<1x16xf32> to vector<16xf32>
        %parallel_loop3A_413 = vector.shape_cast %parallel_loop3A_408 : vector<16xf32> to vector<1x16xf32>
        tpu.vector_store %arg18[%parallel_loop3A_409, %parallel_loop3A_410], %parallel_loop3A_413 {strides = array<i32>} : memref<64x144xf32, #tpu.memory_space<vmem>>, vector<1x16xf32>,
        %parallel_loop3A_414 = arith.constant 7 : i32
        %parallel_loop3A_415 = vector.broadcast %parallel_loop3A_414 : i32 to vector<16xi32>
        %parallel_loop3A_416 = vector.shape_cast %parallel_loop3A_415 : vector<16xi32> to vector<16x1xi32>
        %parallel_loop3A_417 = vector.shape_cast %parallel_loop3A_416 : vector<16x1xi32> to vector<16xi32>
        %parallel_loop3A_418 = tpu.dynamic_gather %parallel_loop3A_303[%parallel_loop3A_417] in [0] : vector<16xf32>, vector<16xi32> -> vector<16xf32>
        %parallel_loop3A_419 = arith.index_cast %parallel_loop3A_284 : i32 to index
        %parallel_loop3A_420 = arith.constant 112 : index
        %parallel_loop3A_421 = tpu.vector_load %arg12[%parallel_loop3A_419, %parallel_loop3A_420] {strides = array<i32>} : memref<64x128xf32, #tpu.memory_space<vmem>>, vector<1x16xf32>,
        %parallel_loop3A_422 = vector.shape_cast %parallel_loop3A_421 : vector<1x16xf32> to vector<16xf32>
        %parallel_loop3A_423 = arith.mulf %parallel_loop3A_418, %parallel_loop3A_422 : vector<16xf32>
        %parallel_loop3A_424 = arith.index_cast %parallel_loop3A_284 : i32 to index
        %parallel_loop3A_425 = arith.constant 112 : index
        %parallel_loop3A_426 = tpu.vector_load %arg18[%parallel_loop3A_424, %parallel_loop3A_425] {strides = array<i32>} : memref<64x144xf32, #tpu.memory_space<vmem>>, vector<1x16xf32>,
        %parallel_loop3A_427 = vector.shape_cast %parallel_loop3A_426 : vector<1x16xf32> to vector<16xf32>
        %parallel_loop3A_428 = vector.shape_cast %parallel_loop3A_423 : vector<16xf32> to vector<1x16xf32>
        tpu.vector_store %arg18[%parallel_loop3A_424, %parallel_loop3A_425], %parallel_loop3A_428 {strides = array<i32>} : memref<64x144xf32, #tpu.memory_space<vmem>>, vector<1x16xf32>,
      } {sc.loop_unroll_factor = 8 : i64, sc.parallel_access}
      %rem3A_212 = arith.constant 4 : i32
      %rem3A_213 = arith.remsi %mul3A_179, %rem3A_212 : i32
      %dma_start3A_214 = arith.constant 0 : i32
      %dma_start3A_215 = arith.constant 0 : i32
      %dma_start3A_216 = tpu.memref_slice %arg11[%rem3A_213, %dma_start3A_214, %dma_start3A_215] : memref<4x1x64xi32, #tpu.memory_space<vmem>> -> memref<1x1x64xi32, #tpu.memory_space<vmem>>
      %dma_start3A_217 = tpu.memref_squeeze %dma_start3A_216 : memref<1x1x64xi32, #tpu.memory_space<vmem>> -> memref<64xi32, #tpu.memory_space<vmem>>
      %dma_start3A_218 = arith.constant 0 : i32
      %dma_start3A_219 = arith.constant 0 : i32
      %dma_start3A_220 = tpu.memref_slice %arg21[%dma_start3A_218, %dma_start3A_219] : memref<10112x144xf32, #tpu.memory_space<vmem_shared>> -> memref<10112x144xf32, #tpu.memory_space<vmem_shared>>
      tpu.enqueue_indirect_dma source(%arg18 : memref<64x144xf32, #tpu.memory_space<vmem>>) target(%dma_start3A_220 : memref<10112x144xf32, #tpu.memory_space<vmem_shared>>) offsets(%dma_start3A_217 : memref<64xi32, #tpu.memory_space<vmem>>) semaphore(%arg28 : memref<!tpu.dma_semaphore, #tpu.memory_space<semaphore_mem>>) {add = true}
      %add3A_221 = arith.constant 2 : i32
      %add3A_222 = arith.addi %mul3A_179, %add3A_221 : i32
      %lt3A_223 = arith.constant 164 : i32
      %lt3A_224 = arith.cmpi slt, %add3A_222, %lt3A_223 : i32
      %convert_element_type3A_225 = arith.extui %lt3A_224 : i1 to i32
      %cond3A_226 = arith.constant 0 : i32
      %cond3A_227 = arith.cmpi ne, %convert_element_type3A_225, %cond3A_226 : i32
      scf.if %cond3A_227 {
        %add3A_284 = arith.constant 2 : i32
        %add3A_285 = arith.addi %mul3A_179, %add3A_284 : i32
        %rem3A_286 = arith.constant 4 : i32
        %rem3A_287 = arith.remsi %add3A_285, %rem3A_286 : i32
        %mul3A_288 = arith.constant 64 : i32
        %mul3A_289 = arith.muli %add3A_285, %mul3A_288 : i32
        %add3A_290 = arith.addi %mul3A_2, %mul3A_289 : i32
        %dma_wait3A_291 = arith.constant 0 : i32
        %dma_wait3A_292 = tpu.memref_slice %arg10[%rem3A_287, %dma_wait3A_291] : memref<4x64xi32, #tpu.memory_space<vmem>> -> memref<1x64xi32, #tpu.memory_space<vmem>>
        %dma_wait3A_293 = tpu.memref_squeeze %dma_wait3A_292 : memref<1x64xi32, #tpu.memory_space<vmem>> -> memref<64xi32, #tpu.memory_space<vmem>>
        %dma_wait3A_294 = tpu.memref_slice %arg2[%add3A_290] : memref<335872xi32, #tpu.memory_space<hbm>> -> memref<64xi32, #tpu.memory_space<hbm>>
        %dma_wait3A_295 = arith.constant 0 : i32
        %dma_wait3A_296 = tpu.memref_slice %arg10[%rem3A_287, %dma_wait3A_295] : memref<4x64xi32, #tpu.memory_space<vmem>> -> memref<1x64xi32, #tpu.memory_space<vmem>>
        %dma_wait3A_297 = tpu.memref_squeeze %dma_wait3A_296 : memref<1x64xi32, #tpu.memory_space<vmem>> -> memref<64xi32, #tpu.memory_space<vmem>>
        %dma_wait3A_298 = tpu.memref_slice %arg2[%add3A_290] : memref<335872xi32, #tpu.memory_space<hbm>> -> memref<64xi32, #tpu.memory_space<hbm>>
        tpu.wait_dma2 semaphore(%arg30 : memref<!tpu.dma_semaphore, #tpu.memory_space<semaphore_mem>>) src(%dma_wait3A_298 : memref<64xi32, #tpu.memory_space<hbm>>) dst(%dma_wait3A_297 : memref<64xi32, #tpu.memory_space<vmem>>)
        %mul3A_299 = arith.constant 64 : i32
        %mul3A_300 = arith.muli %add3A_285, %mul3A_299 : i32
        %add3A_301 = arith.addi %mul3A_2, %mul3A_300 : i32
        %dma_wait3A_302 = arith.constant 0 : i32
        %dma_wait3A_303 = arith.constant 0 : i32
        %dma_wait3A_304 = tpu.memref_slice %arg11[%rem3A_287, %dma_wait3A_302, %dma_wait3A_303] : memref<4x1x64xi32, #tpu.memory_space<vmem>> -> memref<1x1x64xi32, #tpu.memory_space<vmem>>
        %dma_wait3A_305 = tpu.memref_squeeze %dma_wait3A_304 : memref<1x1x64xi32, #tpu.memory_space<vmem>> -> memref<64xi32, #tpu.memory_space<vmem>>
        %dma_wait3A_306 = tpu.memref_slice %arg3[%add3A_301] : memref<335872xi32, #tpu.memory_space<hbm>> -> memref<64xi32, #tpu.memory_space<hbm>>
        %dma_wait3A_307 = arith.constant 0 : i32
        %dma_wait3A_308 = tpu.memref_slice %arg11[%rem3A_287, %dma_wait3A_302, %dma_wait3A_307] : memref<4x1x64xi32, #tpu.memory_space<vmem>> -> memref<1x1x64xi32, #tpu.memory_space<vmem>>
        %dma_wait3A_309 = tpu.memref_squeeze %dma_wait3A_308 : memref<1x1x64xi32, #tpu.memory_space<vmem>> -> memref<64xi32, #tpu.memory_space<vmem>>
        %dma_wait3A_310 = tpu.memref_slice %arg3[%add3A_301] : memref<335872xi32, #tpu.memory_space<hbm>> -> memref<64xi32, #tpu.memory_space<hbm>>
        tpu.wait_dma2 semaphore(%arg30 : memref<!tpu.dma_semaphore, #tpu.memory_space<semaphore_mem>>) src(%dma_wait3A_310 : memref<64xi32, #tpu.memory_space<hbm>>) dst(%dma_wait3A_309 : memref<64xi32, #tpu.memory_space<vmem>>)
        %add3A_311 = arith.constant 2 : i32
        %add3A_312 = arith.addi %mul3A_179, %add3A_311 : i32
        %rem3A_313 = arith.constant 4 : i32
        %rem3A_314 = arith.remsi %add3A_312, %rem3A_313 : i32
        %dma_start3A_315 = arith.constant 0 : i32
        %dma_start3A_316 = tpu.memref_slice %arg10[%rem3A_314, %dma_start3A_315] : memref<4x64xi32, #tpu.memory_space<vmem>> -> memref<1x64xi32, #tpu.memory_space<vmem>>
        %dma_start3A_317 = tpu.memref_squeeze %dma_start3A_316 : memref<1x64xi32, #tpu.memory_space<vmem>> -> memref<64xi32, #tpu.memory_space<vmem>>
        %dma_start3A_318 = arith.constant 0 : i32
        %dma_start3A_319 = arith.constant 0 : i32
        %dma_start3A_320 = tpu.memref_slice %arg4[%dma_start3A_318, %dma_start3A_319] : memref<10112x128xf32, #tpu.memory_space<hbm>> -> memref<10112x128xf32, #tpu.memory_space<hbm>>
        tpu.enqueue_indirect_dma source(%dma_start3A_320 : memref<10112x128xf32, #tpu.memory_space<hbm>>) target(%arg12 : memref<64x128xf32, #tpu.memory_space<vmem>>) offsets(%dma_start3A_317 : memref<64xi32, #tpu.memory_space<vmem>>) semaphore(%arg22 : memref<!tpu.dma_semaphore, #tpu.memory_space<semaphore_mem>>)
        %dma_start3A_321 = arith.constant 0 : i32
        %dma_start3A_322 = tpu.memref_slice %arg10[%rem3A_314, %dma_start3A_321] : memref<4x64xi32, #tpu.memory_space<vmem>> -> memref<1x64xi32, #tpu.memory_space<vmem>>
        %dma_start3A_323 = tpu.memref_squeeze %dma_start3A_322 : memref<1x64xi32, #tpu.memory_space<vmem>> -> memref<64xi32, #tpu.memory_space<vmem>>
        %dma_start3A_324 = arith.constant 0 : i32
        %dma_start3A_325 = arith.constant 0 : i32
        %dma_start3A_326 = tpu.memref_slice %arg5[%dma_start3A_324, %dma_start3A_325] : memref<10112x16xf32, #tpu.memory_space<hbm>> -> memref<10112x16xf32, #tpu.memory_space<hbm>>
        tpu.enqueue_indirect_dma source(%dma_start3A_326 : memref<10112x16xf32, #tpu.memory_space<hbm>>) target(%arg14 : memref<64x16xf32, #tpu.memory_space<vmem>>) offsets(%dma_start3A_323 : memref<64xi32, #tpu.memory_space<vmem>>) semaphore(%arg23 : memref<!tpu.dma_semaphore, #tpu.memory_space<semaphore_mem>>)
        %dma_start3A_327 = arith.constant 0 : i32
        %dma_start3A_328 = arith.constant 0 : i32
        %dma_start3A_329 = tpu.memref_slice %arg11[%rem3A_314, %dma_start3A_327, %dma_start3A_328] : memref<4x1x64xi32, #tpu.memory_space<vmem>> -> memref<1x1x64xi32, #tpu.memory_space<vmem>>
        %dma_start3A_330 = tpu.memref_squeeze %dma_start3A_329 : memref<1x1x64xi32, #tpu.memory_space<vmem>> -> memref<64xi32, #tpu.memory_space<vmem>>
        %dma_start3A_331 = arith.constant 0 : i32
        %dma_start3A_332 = arith.constant 0 : i32
        %dma_start3A_333 = tpu.memref_slice %arg5[%dma_start3A_331, %dma_start3A_332] : memref<10112x16xf32, #tpu.memory_space<hbm>> -> memref<10112x16xf32, #tpu.memory_space<hbm>>
        tpu.enqueue_indirect_dma source(%dma_start3A_333 : memref<10112x16xf32, #tpu.memory_space<hbm>>) target(%arg16 : memref<64x16xf32, #tpu.memory_space<vmem>>) offsets(%dma_start3A_330 : memref<64xi32, #tpu.memory_space<vmem>>) semaphore(%arg24 : memref<!tpu.dma_semaphore, #tpu.memory_space<semaphore_mem>>)
      } else {
      }
      %ge3A_228 = arith.constant 1 : i32
      %ge3A_229 = arith.cmpi sge, %add3A_177, %ge3A_228 : i32
      %convert_element_type3A_230 = arith.extui %ge3A_229 : i1 to i32
      %cond3A_231 = arith.constant 0 : i32
      %cond3A_232 = arith.cmpi ne, %convert_element_type3A_230, %cond3A_231 : i32
      scf.if %cond3A_232 {
        %sub3A = arith.constant 1 : i32
        %sub3A_284 = arith.subi %mul3A_179, %sub3A : i32
        %rem3A_285 = arith.constant 4 : i32
        %rem3A_286 = arith.remsi %sub3A_284, %rem3A_285 : i32
        %dma_wait3A_287 = arith.constant 0 : i32
        %dma_wait3A_288 = arith.constant 0 : i32
        %dma_wait3A_289 = tpu.memref_slice %arg11[%rem3A_286, %dma_wait3A_287, %dma_wait3A_288] : memref<4x1x64xi32, #tpu.memory_space<vmem>> -> memref<1x1x64xi32, #tpu.memory_space<vmem>>
        %dma_wait3A_290 = tpu.memref_squeeze %dma_wait3A_289 : memref<1x1x64xi32, #tpu.memory_space<vmem>> -> memref<64xi32, #tpu.memory_space<vmem>>
        %dma_wait3A_291 = arith.constant 0 : i32
        %dma_wait3A_292 = arith.constant 0 : i32
        %dma_wait3A_293 = tpu.memref_slice %arg21[%dma_wait3A_291, %dma_wait3A_292] : memref<10112x144xf32, #tpu.memory_space<vmem_shared>> -> memref<10112x144xf32, #tpu.memory_space<vmem_shared>>
        tpu.wait_indirect_dma semaphore(%arg29 : memref<!tpu.dma_semaphore, #tpu.memory_space<semaphore_mem>>) src(%arg19 : memref<64x144xf32, #tpu.memory_space<vmem>>) dst(%dma_wait3A_293 : memref<10112x144xf32, #tpu.memory_space<vmem_shared>>)
      } else {
      }
      %add3A_233 = arith.constant 3 : i32
      %add3A_234 = arith.addi %mul3A_179, %add3A_233 : i32
      %lt3A_235 = arith.constant 164 : i32
      %lt3A_236 = arith.cmpi slt, %add3A_234, %lt3A_235 : i32
      %convert_element_type3A_237 = arith.extui %lt3A_236 : i1 to i32
      %cond3A_238 = arith.constant 0 : i32
      %cond3A_239 = arith.cmpi ne, %convert_element_type3A_237, %cond3A_238 : i32
      scf.if %cond3A_239 {
        %add3A_284 = arith.constant 3 : i32
        %add3A_285 = arith.addi %mul3A_179, %add3A_284 : i32
        %rem3A_286 = arith.constant 4 : i32
        %rem3A_287 = arith.remsi %add3A_285, %rem3A_286 : i32
        %mul3A_288 = arith.constant 64 : i32
        %mul3A_289 = arith.muli %add3A_285, %mul3A_288 : i32
        %add3A_290 = arith.addi %mul3A_2, %mul3A_289 : i32
        %dma_start3A_291 = arith.constant 0 : i32
        %dma_start3A_292 = tpu.memref_slice %arg10[%rem3A_287, %dma_start3A_291] : memref<4x64xi32, #tpu.memory_space<vmem>> -> memref<1x64xi32, #tpu.memory_space<vmem>>
        %dma_start3A_293 = tpu.memref_squeeze %dma_start3A_292 : memref<1x64xi32, #tpu.memory_space<vmem>> -> memref<64xi32, #tpu.memory_space<vmem>>
        %dma_start3A_294 = tpu.memref_slice %arg2[%add3A_290] : memref<335872xi32, #tpu.memory_space<hbm>> -> memref<64xi32, #tpu.memory_space<hbm>>
        %dma_start3A_295 = arith.constant 0 : i32
        %dma_start3A_296 = tpu.memref_slice %arg10[%rem3A_287, %dma_start3A_295] : memref<4x64xi32, #tpu.memory_space<vmem>> -> memref<1x64xi32, #tpu.memory_space<vmem>>
        %dma_start3A_297 = tpu.memref_squeeze %dma_start3A_296 : memref<1x64xi32, #tpu.memory_space<vmem>> -> memref<64xi32, #tpu.memory_space<vmem>>
        %dma_start3A_298 = tpu.memref_slice %arg2[%add3A_290] : memref<335872xi32, #tpu.memory_space<hbm>> -> memref<64xi32, #tpu.memory_space<hbm>>
        tpu.enqueue_dma source(%dma_start3A_298 : memref<64xi32, #tpu.memory_space<hbm>>) target(%dma_start3A_297 : memref<64xi32, #tpu.memory_space<vmem>>) target_semaphore(%arg30 : memref<!tpu.dma_semaphore, #tpu.memory_space<semaphore_mem>>)
        %mul3A_299 = arith.constant 64 : i32
        %mul3A_300 = arith.muli %add3A_285, %mul3A_299 : i32
        %add3A_301 = arith.addi %mul3A_2, %mul3A_300 : i32
        %dma_start3A_302 = arith.constant 0 : i32
        %dma_start3A_303 = arith.constant 0 : i32
        %dma_start3A_304 = tpu.memref_slice %arg11[%rem3A_287, %dma_start3A_302, %dma_start3A_303] : memref<4x1x64xi32, #tpu.memory_space<vmem>> -> memref<1x1x64xi32, #tpu.memory_space<vmem>>
        %dma_start3A_305 = tpu.memref_squeeze %dma_start3A_304 : memref<1x1x64xi32, #tpu.memory_space<vmem>> -> memref<64xi32, #tpu.memory_space<vmem>>
        %dma_start3A_306 = tpu.memref_slice %arg3[%add3A_301] : memref<335872xi32, #tpu.memory_space<hbm>> -> memref<64xi32, #tpu.memory_space<hbm>>
        %dma_start3A_307 = arith.constant 0 : i32
        %dma_start3A_308 = tpu.memref_slice %arg11[%rem3A_287, %dma_start3A_302, %dma_start3A_307] : memref<4x1x64xi32, #tpu.memory_space<vmem>> -> memref<1x1x64xi32, #tpu.memory_space<vmem>>
        %dma_start3A_309 = tpu.memref_squeeze %dma_start3A_308 : memref<1x1x64xi32, #tpu.memory_space<vmem>> -> memref<64xi32, #tpu.memory_space<vmem>>
        %dma_start3A_310 = tpu.memref_slice %arg3[%add3A_301] : memref<335872xi32, #tpu.memory_space<hbm>> -> memref<64xi32, #tpu.memory_space<hbm>>
        tpu.enqueue_dma source(%dma_start3A_310 : memref<64xi32, #tpu.memory_space<hbm>>) target(%dma_start3A_309 : memref<64xi32, #tpu.memory_space<vmem>>) target_semaphore(%arg30 : memref<!tpu.dma_semaphore, #tpu.memory_space<semaphore_mem>>)
      } else {
      }
      %add3A_240 = arith.constant 1 : i32
      %add3A_241 = arith.addi %mul3A_179, %add3A_240 : i32
      %rem3A_242 = arith.constant 4 : i32
      %rem3A_243 = arith.remsi %add3A_241, %rem3A_242 : i32
      %dma_wait3A_244 = arith.constant 0 : i32
      %dma_wait3A_245 = tpu.memref_slice %arg10[%rem3A_243, %dma_wait3A_244] : memref<4x64xi32, #tpu.memory_space<vmem>> -> memref<1x64xi32, #tpu.memory_space<vmem>>
      %dma_wait3A_246 = tpu.memref_squeeze %dma_wait3A_245 : memref<1x64xi32, #tpu.memory_space<vmem>> -> memref<64xi32, #tpu.memory_space<vmem>>
      %dma_wait3A_247 = arith.constant 0 : i32
      %dma_wait3A_248 = arith.constant 0 : i32
      %dma_wait3A_249 = tpu.memref_slice %arg4[%dma_wait3A_247, %dma_wait3A_248] : memref<10112x128xf32, #tpu.memory_space<hbm>> -> memref<10112x128xf32, #tpu.memory_space<hbm>>
      tpu.wait_indirect_dma semaphore(%arg25 : memref<!tpu.dma_semaphore, #tpu.memory_space<semaphore_mem>>) src(%dma_wait3A_249 : memref<10112x128xf32, #tpu.memory_space<hbm>>) dst(%arg13 : memref<64x128xf32, #tpu.memory_space<vmem>>)
      %dma_wait3A_250 = arith.constant 0 : i32
      %dma_wait3A_251 = tpu.memref_slice %arg10[%rem3A_243, %dma_wait3A_250] : memref<4x64xi32, #tpu.memory_space<vmem>> -> memref<1x64xi32, #tpu.memory_space<vmem>>
      %dma_wait3A_252 = tpu.memref_squeeze %dma_wait3A_251 : memref<1x64xi32, #tpu.memory_space<vmem>> -> memref<64xi32, #tpu.memory_space<vmem>>
      %dma_wait3A_253 = arith.constant 0 : i32
      %dma_wait3A_254 = arith.constant 0 : i32
      %dma_wait3A_255 = tpu.memref_slice %arg5[%dma_wait3A_253, %dma_wait3A_254] : memref<10112x16xf32, #tpu.memory_space<hbm>> -> memref<10112x16xf32, #tpu.memory_space<hbm>>
      tpu.wait_indirect_dma semaphore(%arg26 : memref<!tpu.dma_semaphore, #tpu.memory_space<semaphore_mem>>) src(%dma_wait3A_255 : memref<10112x16xf32, #tpu.memory_space<hbm>>) dst(%arg15 : memref<64x16xf32, #tpu.memory_space<vmem>>)
      %dma_wait3A_256 = arith.constant 0 : i32
      %dma_wait3A_257 = arith.constant 0 : i32
      %dma_wait3A_258 = tpu.memref_slice %arg11[%rem3A_243, %dma_wait3A_256, %dma_wait3A_257] : memref<4x1x64xi32, #tpu.memory_space<vmem>> -> memref<1x1x64xi32, #tpu.memory_space<vmem>>
      %dma_wait3A_259 = tpu.memref_squeeze %dma_wait3A_258 : memref<1x1x64xi32, #tpu.memory_space<vmem>> -> memref<64xi32, #tpu.memory_space<vmem>>
      %dma_wait3A_260 = arith.constant 0 : i32
      %dma_wait3A_261 = arith.constant 0 : i32
      %dma_wait3A_262 = tpu.memref_slice %arg5[%dma_wait3A_260, %dma_wait3A_261] : memref<10112x16xf32, #tpu.memory_space<hbm>> -> memref<10112x16xf32, #tpu.memory_space<hbm>>
      tpu.wait_indirect_dma semaphore(%arg27 : memref<!tpu.dma_semaphore, #tpu.memory_space<semaphore_mem>>) src(%dma_wait3A_262 : memref<10112x16xf32, #tpu.memory_space<hbm>>) dst(%arg17 : memref<64x16xf32, #tpu.memory_space<vmem>>)
      %parallel_loop3A_263 = arith.constant 0 : i32
      %parallel_loop3A_264 = arith.constant 64 : i32
      %parallel_loop3A_265 = arith.constant 1 : i32
      scf.for %parallel_loop3A_284 = %parallel_loop3A_263 to %parallel_loop3A_264 step %parallel_loop3A_265  : i32 {
        %parallel_loop3A_285 = arith.index_cast %parallel_loop3A_284 : i32 to index
        %parallel_loop3A_286 = arith.constant 0 : index
        %parallel_loop3A_287 = tpu.vector_load %arg15[%parallel_loop3A_285, %parallel_loop3A_286] {strides = array<i32>} : memref<64x16xf32, #tpu.memory_space<vmem>>, vector<1x16xf32>,
        %parallel_loop3A_288 = vector.shape_cast %parallel_loop3A_287 : vector<1x16xf32> to vector<16xf32>
        %parallel_loop3A_289 = arith.index_cast %parallel_loop3A_284 : i32 to index
        %parallel_loop3A_290 = arith.constant 0 : index
        %parallel_loop3A_291 = tpu.vector_load %arg17[%parallel_loop3A_289, %parallel_loop3A_290] {strides = array<i32>} : memref<64x16xf32, #tpu.memory_space<vmem>>, vector<1x16xf32>,
        %parallel_loop3A_292 = vector.shape_cast %parallel_loop3A_291 : vector<1x16xf32> to vector<16xf32>
        %parallel_loop3A_293 = arith.select %lt3A_8, %parallel_loop3A_288, %parallel_loop3A_292 : vector<16xi1>, vector<16xf32>
        %parallel_loop3A_294 = vector.shape_cast %xor3A_10 : vector<16xi32> to vector<16x1xi32>
        %parallel_loop3A_295 = vector.shape_cast %parallel_loop3A_294 : vector<16x1xi32> to vector<16xi32>
        %parallel_loop3A_296 = tpu.dynamic_gather %parallel_loop3A_293[%parallel_loop3A_295] in [0] : vector<16xf32>, vector<16xi32> -> vector<16xf32>
        %parallel_loop3A_297 = arith.addf %parallel_loop3A_293, %parallel_loop3A_296 : vector<16xf32>
        %parallel_loop3A_298 = arith.constant 2.000000e-01 : f32
        %parallel_loop3A_299 = vector.broadcast %parallel_loop3A_298 : f32 to vector<16xf32>
        %parallel_loop3A_300 = arith.mulf %parallel_loop3A_299, %parallel_loop3A_297 : vector<16xf32>
        %parallel_loop3A_301 = arith.maximumf %parallel_loop3A_297, %parallel_loop3A_300 : vector<16xf32>
        %parallel_loop3A_302 = arith.subf %parallel_loop3A_301, %get3A_6 : vector<16xf32>
        %parallel_loop3A_303 = math.exp %parallel_loop3A_302 : vector<16xf32>
        %parallel_loop3A_304 = arith.index_cast %parallel_loop3A_284 : i32 to index
        %parallel_loop3A_305 = arith.constant 128 : index
        %parallel_loop3A_306 = tpu.vector_load %arg19[%parallel_loop3A_304, %parallel_loop3A_305] {strides = array<i32>} : memref<64x144xf32, #tpu.memory_space<vmem>>, vector<1x16xf32>,
        %parallel_loop3A_307 = vector.shape_cast %parallel_loop3A_306 : vector<1x16xf32> to vector<16xf32>
        %parallel_loop3A_308 = vector.shape_cast %parallel_loop3A_303 : vector<16xf32> to vector<1x16xf32>
        tpu.vector_store %arg19[%parallel_loop3A_304, %parallel_loop3A_305], %parallel_loop3A_308 {strides = array<i32>} : memref<64x144xf32, #tpu.memory_space<vmem>>, vector<1x16xf32>,
        %parallel_loop3A_309 = arith.constant 0 : i32
        %parallel_loop3A_310 = vector.broadcast %parallel_loop3A_309 : i32 to vector<16xi32>
        %parallel_loop3A_311 = vector.shape_cast %parallel_loop3A_310 : vector<16xi32> to vector<16x1xi32>
        %parallel_loop3A_312 = vector.shape_cast %parallel_loop3A_311 : vector<16x1xi32> to vector<16xi32>
        %parallel_loop3A_313 = tpu.dynamic_gather %parallel_loop3A_303[%parallel_loop3A_312] in [0] : vector<16xf32>, vector<16xi32> -> vector<16xf32>
        %parallel_loop3A_314 = arith.index_cast %parallel_loop3A_284 : i32 to index
        %parallel_loop3A_315 = arith.constant 0 : index
        %parallel_loop3A_316 = tpu.vector_load %arg13[%parallel_loop3A_314, %parallel_loop3A_315] {strides = array<i32>} : memref<64x128xf32, #tpu.memory_space<vmem>>, vector<1x16xf32>,
        %parallel_loop3A_317 = vector.shape_cast %parallel_loop3A_316 : vector<1x16xf32> to vector<16xf32>
        %parallel_loop3A_318 = arith.mulf %parallel_loop3A_313, %parallel_loop3A_317 : vector<16xf32>
        %parallel_loop3A_319 = arith.index_cast %parallel_loop3A_284 : i32 to index
        %parallel_loop3A_320 = arith.constant 0 : index
        %parallel_loop3A_321 = tpu.vector_load %arg19[%parallel_loop3A_319, %parallel_loop3A_320] {strides = array<i32>} : memref<64x144xf32, #tpu.memory_space<vmem>>, vector<1x16xf32>,
        %parallel_loop3A_322 = vector.shape_cast %parallel_loop3A_321 : vector<1x16xf32> to vector<16xf32>
        %parallel_loop3A_323 = vector.shape_cast %parallel_loop3A_318 : vector<16xf32> to vector<1x16xf32>
        tpu.vector_store %arg19[%parallel_loop3A_319, %parallel_loop3A_320], %parallel_loop3A_323 {strides = array<i32>} : memref<64x144xf32, #tpu.memory_space<vmem>>, vector<1x16xf32>,
        %parallel_loop3A_324 = arith.constant 1 : i32
        %parallel_loop3A_325 = vector.broadcast %parallel_loop3A_324 : i32 to vector<16xi32>
        %parallel_loop3A_326 = vector.shape_cast %parallel_loop3A_325 : vector<16xi32> to vector<16x1xi32>
        %parallel_loop3A_327 = vector.shape_cast %parallel_loop3A_326 : vector<16x1xi32> to vector<16xi32>
        %parallel_loop3A_328 = tpu.dynamic_gather %parallel_loop3A_303[%parallel_loop3A_327] in [0] : vector<16xf32>, vector<16xi32> -> vector<16xf32>
        %parallel_loop3A_329 = arith.index_cast %parallel_loop3A_284 : i32 to index
        %parallel_loop3A_330 = arith.constant 16 : index
        %parallel_loop3A_331 = tpu.vector_load %arg13[%parallel_loop3A_329, %parallel_loop3A_330] {strides = array<i32>} : memref<64x128xf32, #tpu.memory_space<vmem>>, vector<1x16xf32>,
        %parallel_loop3A_332 = vector.shape_cast %parallel_loop3A_331 : vector<1x16xf32> to vector<16xf32>
        %parallel_loop3A_333 = arith.mulf %parallel_loop3A_328, %parallel_loop3A_332 : vector<16xf32>
        %parallel_loop3A_334 = arith.index_cast %parallel_loop3A_284 : i32 to index
        %parallel_loop3A_335 = arith.constant 16 : index
        %parallel_loop3A_336 = tpu.vector_load %arg19[%parallel_loop3A_334, %parallel_loop3A_335] {strides = array<i32>} : memref<64x144xf32, #tpu.memory_space<vmem>>, vector<1x16xf32>,
        %parallel_loop3A_337 = vector.shape_cast %parallel_loop3A_336 : vector<1x16xf32> to vector<16xf32>
        %parallel_loop3A_338 = vector.shape_cast %parallel_loop3A_333 : vector<16xf32> to vector<1x16xf32>
        tpu.vector_store %arg19[%parallel_loop3A_334, %parallel_loop3A_335], %parallel_loop3A_338 {strides = array<i32>} : memref<64x144xf32, #tpu.memory_space<vmem>>, vector<1x16xf32>,
        %parallel_loop3A_339 = arith.constant 2 : i32
        %parallel_loop3A_340 = vector.broadcast %parallel_loop3A_339 : i32 to vector<16xi32>
        %parallel_loop3A_341 = vector.shape_cast %parallel_loop3A_340 : vector<16xi32> to vector<16x1xi32>
        %parallel_loop3A_342 = vector.shape_cast %parallel_loop3A_341 : vector<16x1xi32> to vector<16xi32>
        %parallel_loop3A_343 = tpu.dynamic_gather %parallel_loop3A_303[%parallel_loop3A_342] in [0] : vector<16xf32>, vector<16xi32> -> vector<16xf32>
        %parallel_loop3A_344 = arith.index_cast %parallel_loop3A_284 : i32 to index
        %parallel_loop3A_345 = arith.constant 32 : index
        %parallel_loop3A_346 = tpu.vector_load %arg13[%parallel_loop3A_344, %parallel_loop3A_345] {strides = array<i32>} : memref<64x128xf32, #tpu.memory_space<vmem>>, vector<1x16xf32>,
        %parallel_loop3A_347 = vector.shape_cast %parallel_loop3A_346 : vector<1x16xf32> to vector<16xf32>
        %parallel_loop3A_348 = arith.mulf %parallel_loop3A_343, %parallel_loop3A_347 : vector<16xf32>
        %parallel_loop3A_349 = arith.index_cast %parallel_loop3A_284 : i32 to index
        %parallel_loop3A_350 = arith.constant 32 : index
        %parallel_loop3A_351 = tpu.vector_load %arg19[%parallel_loop3A_349, %parallel_loop3A_350] {strides = array<i32>} : memref<64x144xf32, #tpu.memory_space<vmem>>, vector<1x16xf32>,
        %parallel_loop3A_352 = vector.shape_cast %parallel_loop3A_351 : vector<1x16xf32> to vector<16xf32>
        %parallel_loop3A_353 = vector.shape_cast %parallel_loop3A_348 : vector<16xf32> to vector<1x16xf32>
        tpu.vector_store %arg19[%parallel_loop3A_349, %parallel_loop3A_350], %parallel_loop3A_353 {strides = array<i32>} : memref<64x144xf32, #tpu.memory_space<vmem>>, vector<1x16xf32>,
        %parallel_loop3A_354 = arith.constant 3 : i32
        %parallel_loop3A_355 = vector.broadcast %parallel_loop3A_354 : i32 to vector<16xi32>
        %parallel_loop3A_356 = vector.shape_cast %parallel_loop3A_355 : vector<16xi32> to vector<16x1xi32>
        %parallel_loop3A_357 = vector.shape_cast %parallel_loop3A_356 : vector<16x1xi32> to vector<16xi32>
        %parallel_loop3A_358 = tpu.dynamic_gather %parallel_loop3A_303[%parallel_loop3A_357] in [0] : vector<16xf32>, vector<16xi32> -> vector<16xf32>
        %parallel_loop3A_359 = arith.index_cast %parallel_loop3A_284 : i32 to index
        %parallel_loop3A_360 = arith.constant 48 : index
        %parallel_loop3A_361 = tpu.vector_load %arg13[%parallel_loop3A_359, %parallel_loop3A_360] {strides = array<i32>} : memref<64x128xf32, #tpu.memory_space<vmem>>, vector<1x16xf32>,
        %parallel_loop3A_362 = vector.shape_cast %parallel_loop3A_361 : vector<1x16xf32> to vector<16xf32>
        %parallel_loop3A_363 = arith.mulf %parallel_loop3A_358, %parallel_loop3A_362 : vector<16xf32>
        %parallel_loop3A_364 = arith.index_cast %parallel_loop3A_284 : i32 to index
        %parallel_loop3A_365 = arith.constant 48 : index
        %parallel_loop3A_366 = tpu.vector_load %arg19[%parallel_loop3A_364, %parallel_loop3A_365] {strides = array<i32>} : memref<64x144xf32, #tpu.memory_space<vmem>>, vector<1x16xf32>,
        %parallel_loop3A_367 = vector.shape_cast %parallel_loop3A_366 : vector<1x16xf32> to vector<16xf32>
        %parallel_loop3A_368 = vector.shape_cast %parallel_loop3A_363 : vector<16xf32> to vector<1x16xf32>
        tpu.vector_store %arg19[%parallel_loop3A_364, %parallel_loop3A_365], %parallel_loop3A_368 {strides = array<i32>} : memref<64x144xf32, #tpu.memory_space<vmem>>, vector<1x16xf32>,
        %parallel_loop3A_369 = arith.constant 4 : i32
        %parallel_loop3A_370 = vector.broadcast %parallel_loop3A_369 : i32 to vector<16xi32>
        %parallel_loop3A_371 = vector.shape_cast %parallel_loop3A_370 : vector<16xi32> to vector<16x1xi32>
        %parallel_loop3A_372 = vector.shape_cast %parallel_loop3A_371 : vector<16x1xi32> to vector<16xi32>
        %parallel_loop3A_373 = tpu.dynamic_gather %parallel_loop3A_303[%parallel_loop3A_372] in [0] : vector<16xf32>, vector<16xi32> -> vector<16xf32>
        %parallel_loop3A_374 = arith.index_cast %parallel_loop3A_284 : i32 to index
        %parallel_loop3A_375 = arith.constant 64 : index
        %parallel_loop3A_376 = tpu.vector_load %arg13[%parallel_loop3A_374, %parallel_loop3A_375] {strides = array<i32>} : memref<64x128xf32, #tpu.memory_space<vmem>>, vector<1x16xf32>,
        %parallel_loop3A_377 = vector.shape_cast %parallel_loop3A_376 : vector<1x16xf32> to vector<16xf32>
        %parallel_loop3A_378 = arith.mulf %parallel_loop3A_373, %parallel_loop3A_377 : vector<16xf32>
        %parallel_loop3A_379 = arith.index_cast %parallel_loop3A_284 : i32 to index
        %parallel_loop3A_380 = arith.constant 64 : index
        %parallel_loop3A_381 = tpu.vector_load %arg19[%parallel_loop3A_379, %parallel_loop3A_380] {strides = array<i32>} : memref<64x144xf32, #tpu.memory_space<vmem>>, vector<1x16xf32>,
        %parallel_loop3A_382 = vector.shape_cast %parallel_loop3A_381 : vector<1x16xf32> to vector<16xf32>
        %parallel_loop3A_383 = vector.shape_cast %parallel_loop3A_378 : vector<16xf32> to vector<1x16xf32>
        tpu.vector_store %arg19[%parallel_loop3A_379, %parallel_loop3A_380], %parallel_loop3A_383 {strides = array<i32>} : memref<64x144xf32, #tpu.memory_space<vmem>>, vector<1x16xf32>,
        %parallel_loop3A_384 = arith.constant 5 : i32
        %parallel_loop3A_385 = vector.broadcast %parallel_loop3A_384 : i32 to vector<16xi32>
        %parallel_loop3A_386 = vector.shape_cast %parallel_loop3A_385 : vector<16xi32> to vector<16x1xi32>
        %parallel_loop3A_387 = vector.shape_cast %parallel_loop3A_386 : vector<16x1xi32> to vector<16xi32>
        %parallel_loop3A_388 = tpu.dynamic_gather %parallel_loop3A_303[%parallel_loop3A_387] in [0] : vector<16xf32>, vector<16xi32> -> vector<16xf32>
        %parallel_loop3A_389 = arith.index_cast %parallel_loop3A_284 : i32 to index
        %parallel_loop3A_390 = arith.constant 80 : index
        %parallel_loop3A_391 = tpu.vector_load %arg13[%parallel_loop3A_389, %parallel_loop3A_390] {strides = array<i32>} : memref<64x128xf32, #tpu.memory_space<vmem>>, vector<1x16xf32>,
        %parallel_loop3A_392 = vector.shape_cast %parallel_loop3A_391 : vector<1x16xf32> to vector<16xf32>
        %parallel_loop3A_393 = arith.mulf %parallel_loop3A_388, %parallel_loop3A_392 : vector<16xf32>
        %parallel_loop3A_394 = arith.index_cast %parallel_loop3A_284 : i32 to index
        %parallel_loop3A_395 = arith.constant 80 : index
        %parallel_loop3A_396 = tpu.vector_load %arg19[%parallel_loop3A_394, %parallel_loop3A_395] {strides = array<i32>} : memref<64x144xf32, #tpu.memory_space<vmem>>, vector<1x16xf32>,
        %parallel_loop3A_397 = vector.shape_cast %parallel_loop3A_396 : vector<1x16xf32> to vector<16xf32>
        %parallel_loop3A_398 = vector.shape_cast %parallel_loop3A_393 : vector<16xf32> to vector<1x16xf32>
        tpu.vector_store %arg19[%parallel_loop3A_394, %parallel_loop3A_395], %parallel_loop3A_398 {strides = array<i32>} : memref<64x144xf32, #tpu.memory_space<vmem>>, vector<1x16xf32>,
        %parallel_loop3A_399 = arith.constant 6 : i32
        %parallel_loop3A_400 = vector.broadcast %parallel_loop3A_399 : i32 to vector<16xi32>
        %parallel_loop3A_401 = vector.shape_cast %parallel_loop3A_400 : vector<16xi32> to vector<16x1xi32>
        %parallel_loop3A_402 = vector.shape_cast %parallel_loop3A_401 : vector<16x1xi32> to vector<16xi32>
        %parallel_loop3A_403 = tpu.dynamic_gather %parallel_loop3A_303[%parallel_loop3A_402] in [0] : vector<16xf32>, vector<16xi32> -> vector<16xf32>
        %parallel_loop3A_404 = arith.index_cast %parallel_loop3A_284 : i32 to index
        %parallel_loop3A_405 = arith.constant 96 : index
        %parallel_loop3A_406 = tpu.vector_load %arg13[%parallel_loop3A_404, %parallel_loop3A_405] {strides = array<i32>} : memref<64x128xf32, #tpu.memory_space<vmem>>, vector<1x16xf32>,
        %parallel_loop3A_407 = vector.shape_cast %parallel_loop3A_406 : vector<1x16xf32> to vector<16xf32>
        %parallel_loop3A_408 = arith.mulf %parallel_loop3A_403, %parallel_loop3A_407 : vector<16xf32>
        %parallel_loop3A_409 = arith.index_cast %parallel_loop3A_284 : i32 to index
        %parallel_loop3A_410 = arith.constant 96 : index
        %parallel_loop3A_411 = tpu.vector_load %arg19[%parallel_loop3A_409, %parallel_loop3A_410] {strides = array<i32>} : memref<64x144xf32, #tpu.memory_space<vmem>>, vector<1x16xf32>,
        %parallel_loop3A_412 = vector.shape_cast %parallel_loop3A_411 : vector<1x16xf32> to vector<16xf32>
        %parallel_loop3A_413 = vector.shape_cast %parallel_loop3A_408 : vector<16xf32> to vector<1x16xf32>
        tpu.vector_store %arg19[%parallel_loop3A_409, %parallel_loop3A_410], %parallel_loop3A_413 {strides = array<i32>} : memref<64x144xf32, #tpu.memory_space<vmem>>, vector<1x16xf32>,
        %parallel_loop3A_414 = arith.constant 7 : i32
        %parallel_loop3A_415 = vector.broadcast %parallel_loop3A_414 : i32 to vector<16xi32>
        %parallel_loop3A_416 = vector.shape_cast %parallel_loop3A_415 : vector<16xi32> to vector<16x1xi32>
        %parallel_loop3A_417 = vector.shape_cast %parallel_loop3A_416 : vector<16x1xi32> to vector<16xi32>
        %parallel_loop3A_418 = tpu.dynamic_gather %parallel_loop3A_303[%parallel_loop3A_417] in [0] : vector<16xf32>, vector<16xi32> -> vector<16xf32>
        %parallel_loop3A_419 = arith.index_cast %parallel_loop3A_284 : i32 to index
        %parallel_loop3A_420 = arith.constant 112 : index
        %parallel_loop3A_421 = tpu.vector_load %arg13[%parallel_loop3A_419, %parallel_loop3A_420] {strides = array<i32>} : memref<64x128xf32, #tpu.memory_space<vmem>>, vector<1x16xf32>,
        %parallel_loop3A_422 = vector.shape_cast %parallel_loop3A_421 : vector<1x16xf32> to vector<16xf32>
        %parallel_loop3A_423 = arith.mulf %parallel_loop3A_418, %parallel_loop3A_422 : vector<16xf32>
        %parallel_loop3A_424 = arith.index_cast %parallel_loop3A_284 : i32 to index
        %parallel_loop3A_425 = arith.constant 112 : index
        %parallel_loop3A_426 = tpu.vector_load %arg19[%parallel_loop3A_424, %parallel_loop3A_425] {strides = array<i32>} : memref<64x144xf32, #tpu.memory_space<vmem>>, vector<1x16xf32>,
        %parallel_loop3A_427 = vector.shape_cast %parallel_loop3A_426 : vector<1x16xf32> to vector<16xf32>
        %parallel_loop3A_428 = vector.shape_cast %parallel_loop3A_423 : vector<16xf32> to vector<1x16xf32>
        tpu.vector_store %arg19[%parallel_loop3A_424, %parallel_loop3A_425], %parallel_loop3A_428 {strides = array<i32>} : memref<64x144xf32, #tpu.memory_space<vmem>>, vector<1x16xf32>,
      } {sc.loop_unroll_factor = 8 : i64, sc.parallel_access}
      %add3A_266 = arith.constant 1 : i32
      %add3A_267 = arith.addi %mul3A_179, %add3A_266 : i32
      %rem3A_268 = arith.constant 4 : i32
      %rem3A_269 = arith.remsi %add3A_267, %rem3A_268 : i32
      %dma_start3A_270 = arith.constant 0 : i32
      %dma_start3A_271 = arith.constant 0 : i32
      %dma_start3A_272 = tpu.memref_slice %arg11[%rem3A_269, %dma_start3A_270, %dma_start3A_271] : memref<4x1x64xi32, #tpu.memory_space<vmem>> -> memref<1x1x64xi32, #tpu.memory_space<vmem>>
      %dma_start3A_273 = tpu.memref_squeeze %dma_start3A_272 : memref<1x1x64xi32, #tpu.memory_space<vmem>> -> memref<64xi32, #tpu.memory_space<vmem>>
      %dma_start3A_274 = arith.constant 0 : i32
      %dma_start3A_275 = arith.constant 0 : i32
      %dma_start3A_276 = tpu.memref_slice %arg21[%dma_start3A_274, %dma_start3A_275] : memref<10112x144xf32, #tpu.memory_space<vmem_shared>> -> memref<10112x144xf32, #tpu.memory_space<vmem_shared>>
      tpu.enqueue_indirect_dma source(%arg19 : memref<64x144xf32, #tpu.memory_space<vmem>>) target(%dma_start3A_276 : memref<10112x144xf32, #tpu.memory_space<vmem_shared>>) offsets(%dma_start3A_273 : memref<64xi32, #tpu.memory_space<vmem>>) semaphore(%arg29 : memref<!tpu.dma_semaphore, #tpu.memory_space<semaphore_mem>>) {add = true}
      %add3A_277 = arith.constant 3 : i32
      %add3A_278 = arith.addi %mul3A_179, %add3A_277 : i32
      %lt3A_279 = arith.constant 164 : i32
      %lt3A_280 = arith.cmpi slt, %add3A_278, %lt3A_279 : i32
      %convert_element_type3A_281 = arith.extui %lt3A_280 : i1 to i32
      %cond3A_282 = arith.constant 0 : i32
      %cond3A_283 = arith.cmpi ne, %convert_element_type3A_281, %cond3A_282 : i32
      scf.if %cond3A_283 {
        %add3A_284 = arith.constant 3 : i32
        %add3A_285 = arith.addi %mul3A_179, %add3A_284 : i32
        %rem3A_286 = arith.constant 4 : i32
        %rem3A_287 = arith.remsi %add3A_285, %rem3A_286 : i32
        %mul3A_288 = arith.constant 64 : i32
        %mul3A_289 = arith.muli %add3A_285, %mul3A_288 : i32
        %add3A_290 = arith.addi %mul3A_2, %mul3A_289 : i32
        %dma_wait3A_291 = arith.constant 0 : i32
        %dma_wait3A_292 = tpu.memref_slice %arg10[%rem3A_287, %dma_wait3A_291] : memref<4x64xi32, #tpu.memory_space<vmem>> -> memref<1x64xi32, #tpu.memory_space<vmem>>
        %dma_wait3A_293 = tpu.memref_squeeze %dma_wait3A_292 : memref<1x64xi32, #tpu.memory_space<vmem>> -> memref<64xi32, #tpu.memory_space<vmem>>
        %dma_wait3A_294 = tpu.memref_slice %arg2[%add3A_290] : memref<335872xi32, #tpu.memory_space<hbm>> -> memref<64xi32, #tpu.memory_space<hbm>>
        %dma_wait3A_295 = arith.constant 0 : i32
        %dma_wait3A_296 = tpu.memref_slice %arg10[%rem3A_287, %dma_wait3A_295] : memref<4x64xi32, #tpu.memory_space<vmem>> -> memref<1x64xi32, #tpu.memory_space<vmem>>
        %dma_wait3A_297 = tpu.memref_squeeze %dma_wait3A_296 : memref<1x64xi32, #tpu.memory_space<vmem>> -> memref<64xi32, #tpu.memory_space<vmem>>
        %dma_wait3A_298 = tpu.memref_slice %arg2[%add3A_290] : memref<335872xi32, #tpu.memory_space<hbm>> -> memref<64xi32, #tpu.memory_space<hbm>>
        tpu.wait_dma2 semaphore(%arg30 : memref<!tpu.dma_semaphore, #tpu.memory_space<semaphore_mem>>) src(%dma_wait3A_298 : memref<64xi32, #tpu.memory_space<hbm>>) dst(%dma_wait3A_297 : memref<64xi32, #tpu.memory_space<vmem>>)
        %mul3A_299 = arith.constant 64 : i32
        %mul3A_300 = arith.muli %add3A_285, %mul3A_299 : i32
        %add3A_301 = arith.addi %mul3A_2, %mul3A_300 : i32
        %dma_wait3A_302 = arith.constant 0 : i32
        %dma_wait3A_303 = arith.constant 0 : i32
        %dma_wait3A_304 = tpu.memref_slice %arg11[%rem3A_287, %dma_wait3A_302, %dma_wait3A_303] : memref<4x1x64xi32, #tpu.memory_space<vmem>> -> memref<1x1x64xi32, #tpu.memory_space<vmem>>
        %dma_wait3A_305 = tpu.memref_squeeze %dma_wait3A_304 : memref<1x1x64xi32, #tpu.memory_space<vmem>> -> memref<64xi32, #tpu.memory_space<vmem>>
        %dma_wait3A_306 = tpu.memref_slice %arg3[%add3A_301] : memref<335872xi32, #tpu.memory_space<hbm>> -> memref<64xi32, #tpu.memory_space<hbm>>
        %dma_wait3A_307 = arith.constant 0 : i32
        %dma_wait3A_308 = tpu.memref_slice %arg11[%rem3A_287, %dma_wait3A_302, %dma_wait3A_307] : memref<4x1x64xi32, #tpu.memory_space<vmem>> -> memref<1x1x64xi32, #tpu.memory_space<vmem>>
        %dma_wait3A_309 = tpu.memref_squeeze %dma_wait3A_308 : memref<1x1x64xi32, #tpu.memory_space<vmem>> -> memref<64xi32, #tpu.memory_space<vmem>>
        %dma_wait3A_310 = tpu.memref_slice %arg3[%add3A_301] : memref<335872xi32, #tpu.memory_space<hbm>> -> memref<64xi32, #tpu.memory_space<hbm>>
        tpu.wait_dma2 semaphore(%arg30 : memref<!tpu.dma_semaphore, #tpu.memory_space<semaphore_mem>>) src(%dma_wait3A_310 : memref<64xi32, #tpu.memory_space<hbm>>) dst(%dma_wait3A_309 : memref<64xi32, #tpu.memory_space<vmem>>)
        %add3A_311 = arith.constant 3 : i32
        %add3A_312 = arith.addi %mul3A_179, %add3A_311 : i32
        %rem3A_313 = arith.constant 4 : i32
        %rem3A_314 = arith.remsi %add3A_312, %rem3A_313 : i32
        %dma_start3A_315 = arith.constant 0 : i32
        %dma_start3A_316 = tpu.memref_slice %arg10[%rem3A_314, %dma_start3A_315] : memref<4x64xi32, #tpu.memory_space<vmem>> -> memref<1x64xi32, #tpu.memory_space<vmem>>
        %dma_start3A_317 = tpu.memref_squeeze %dma_start3A_316 : memref<1x64xi32, #tpu.memory_space<vmem>> -> memref<64xi32, #tpu.memory_space<vmem>>
        %dma_start3A_318 = arith.constant 0 : i32
        %dma_start3A_319 = arith.constant 0 : i32
        %dma_start3A_320 = tpu.memref_slice %arg4[%dma_start3A_318, %dma_start3A_319] : memref<10112x128xf32, #tpu.memory_space<hbm>> -> memref<10112x128xf32, #tpu.memory_space<hbm>>
        tpu.enqueue_indirect_dma source(%dma_start3A_320 : memref<10112x128xf32, #tpu.memory_space<hbm>>) target(%arg13 : memref<64x128xf32, #tpu.memory_space<vmem>>) offsets(%dma_start3A_317 : memref<64xi32, #tpu.memory_space<vmem>>) semaphore(%arg25 : memref<!tpu.dma_semaphore, #tpu.memory_space<semaphore_mem>>)
        %dma_start3A_321 = arith.constant 0 : i32
        %dma_start3A_322 = tpu.memref_slice %arg10[%rem3A_314, %dma_start3A_321] : memref<4x64xi32, #tpu.memory_space<vmem>> -> memref<1x64xi32, #tpu.memory_space<vmem>>
        %dma_start3A_323 = tpu.memref_squeeze %dma_start3A_322 : memref<1x64xi32, #tpu.memory_space<vmem>> -> memref<64xi32, #tpu.memory_space<vmem>>
        %dma_start3A_324 = arith.constant 0 : i32
        %dma_start3A_325 = arith.constant 0 : i32
        %dma_start3A_326 = tpu.memref_slice %arg5[%dma_start3A_324, %dma_start3A_325] : memref<10112x16xf32, #tpu.memory_space<hbm>> -> memref<10112x16xf32, #tpu.memory_space<hbm>>
        tpu.enqueue_indirect_dma source(%dma_start3A_326 : memref<10112x16xf32, #tpu.memory_space<hbm>>) target(%arg15 : memref<64x16xf32, #tpu.memory_space<vmem>>) offsets(%dma_start3A_323 : memref<64xi32, #tpu.memory_space<vmem>>) semaphore(%arg26 : memref<!tpu.dma_semaphore, #tpu.memory_space<semaphore_mem>>)
        %dma_start3A_327 = arith.constant 0 : i32
        %dma_start3A_328 = arith.constant 0 : i32
        %dma_start3A_329 = tpu.memref_slice %arg11[%rem3A_314, %dma_start3A_327, %dma_start3A_328] : memref<4x1x64xi32, #tpu.memory_space<vmem>> -> memref<1x1x64xi32, #tpu.memory_space<vmem>>
        %dma_start3A_330 = tpu.memref_squeeze %dma_start3A_329 : memref<1x1x64xi32, #tpu.memory_space<vmem>> -> memref<64xi32, #tpu.memory_space<vmem>>
        %dma_start3A_331 = arith.constant 0 : i32
        %dma_start3A_332 = arith.constant 0 : i32
        %dma_start3A_333 = tpu.memref_slice %arg5[%dma_start3A_331, %dma_start3A_332] : memref<10112x16xf32, #tpu.memory_space<hbm>> -> memref<10112x16xf32, #tpu.memory_space<hbm>>
        tpu.enqueue_indirect_dma source(%dma_start3A_333 : memref<10112x16xf32, #tpu.memory_space<hbm>>) target(%arg17 : memref<64x16xf32, #tpu.memory_space<vmem>>) offsets(%dma_start3A_330 : memref<64xi32, #tpu.memory_space<vmem>>) semaphore(%arg27 : memref<!tpu.dma_semaphore, #tpu.memory_space<semaphore_mem>>)
      } else {
      }
    }
    %scan3A_151 = arith.constant 82 : i32
    %rem3A_152 = arith.constant 162 : i32
    %rem3A_153 = arith.constant 4 : i32
    %rem3A_154 = arith.remsi %rem3A_152, %rem3A_153 : i32
    %dma_wait3A_155 = arith.constant 0 : i32
    %dma_wait3A_156 = arith.constant 0 : i32
    %dma_wait3A_157 = tpu.memref_slice %arg11[%rem3A_154, %dma_wait3A_155, %dma_wait3A_156] : memref<4x1x64xi32, #tpu.memory_space<vmem>> -> memref<1x1x64xi32, #tpu.memory_space<vmem>>
    %dma_wait3A_158 = tpu.memref_squeeze %dma_wait3A_157 : memref<1x1x64xi32, #tpu.memory_space<vmem>> -> memref<64xi32, #tpu.memory_space<vmem>>
    %dma_wait3A_159 = arith.constant 0 : i32
    %dma_wait3A_160 = arith.constant 0 : i32
    %dma_wait3A_161 = tpu.memref_slice %arg21[%dma_wait3A_159, %dma_wait3A_160] : memref<10112x144xf32, #tpu.memory_space<vmem_shared>> -> memref<10112x144xf32, #tpu.memory_space<vmem_shared>>
    tpu.wait_indirect_dma semaphore(%arg28 : memref<!tpu.dma_semaphore, #tpu.memory_space<semaphore_mem>>) src(%arg18 : memref<64x144xf32, #tpu.memory_space<vmem>>) dst(%dma_wait3A_161 : memref<10112x144xf32, #tpu.memory_space<vmem_shared>>)
    %rem3A_162 = arith.constant 163 : i32
    %rem3A_163 = arith.constant 4 : i32
    %rem3A_164 = arith.remsi %rem3A_162, %rem3A_163 : i32
    %dma_wait3A_165 = arith.constant 0 : i32
    %dma_wait3A_166 = arith.constant 0 : i32
    %dma_wait3A_167 = tpu.memref_slice %arg11[%rem3A_164, %dma_wait3A_165, %dma_wait3A_166] : memref<4x1x64xi32, #tpu.memory_space<vmem>> -> memref<1x1x64xi32, #tpu.memory_space<vmem>>
    %dma_wait3A_168 = tpu.memref_squeeze %dma_wait3A_167 : memref<1x1x64xi32, #tpu.memory_space<vmem>> -> memref<64xi32, #tpu.memory_space<vmem>>
    %dma_wait3A_169 = arith.constant 0 : i32
    %dma_wait3A_170 = arith.constant 0 : i32
    %dma_wait3A_171 = tpu.memref_slice %arg21[%dma_wait3A_169, %dma_wait3A_170] : memref<10112x144xf32, #tpu.memory_space<vmem_shared>> -> memref<10112x144xf32, #tpu.memory_space<vmem_shared>>
    tpu.wait_indirect_dma semaphore(%arg29 : memref<!tpu.dma_semaphore, #tpu.memory_space<semaphore_mem>>) src(%arg19 : memref<64x144xf32, #tpu.memory_space<vmem>>) dst(%dma_wait3A_171 : memref<10112x144xf32, #tpu.memory_space<vmem_shared>>)
    %barrier3A_172 = arith.constant 0 : index
    tpu.barrier barrier_id(%barrier3A_172)
    "tpu.region"() ({
      %run_scoped3A = tpu.sem_alloc : memref<!tpu.dma_semaphore, #tpu.memory_space<semaphore_mem>>
      %dma_start3A_173 = arith.constant 0 : i32
      %dma_start3A_174 = tpu.memref_slice %arg8[%arg0, %mul3A_4, %dma_start3A_173] : memref<2x10112x128xf32, #tpu.memory_space<hbm>> -> memref<1x632x128xf32, #tpu.memory_space<hbm>>
      %dma_start3A_175 = tpu.memref_squeeze %dma_start3A_174 : memref<1x632x128xf32, #tpu.memory_space<hbm>> -> memref<632x128xf32, #tpu.memory_space<hbm>>
      %dma_start3A_176 = arith.constant 0 : i32
      %dma_start3A_177 = tpu.memref_slice %arg21[%mul3A_4, %dma_start3A_176] : memref<10112x144xf32, #tpu.memory_space<vmem_shared>> -> memref<632x128xf32, #tpu.memory_space<vmem_shared>>
      tpu.enqueue_dma source(%dma_start3A_177 : memref<632x128xf32, #tpu.memory_space<vmem_shared>>) target(%dma_start3A_175 : memref<632x128xf32, #tpu.memory_space<hbm>>) target_semaphore(%run_scoped3A : memref<!tpu.dma_semaphore, #tpu.memory_space<semaphore_mem>>)
      %dma_wait3A_178 = arith.constant 0 : i32
      %dma_wait3A_179 = tpu.memref_slice %arg8[%arg0, %mul3A_4, %dma_wait3A_178] : memref<2x10112x128xf32, #tpu.memory_space<hbm>> -> memref<1x632x128xf32, #tpu.memory_space<hbm>>
      %dma_wait3A_180 = tpu.memref_squeeze %dma_wait3A_179 : memref<1x632x128xf32, #tpu.memory_space<hbm>> -> memref<632x128xf32, #tpu.memory_space<hbm>>
      %dma_wait3A_181 = arith.constant 0 : i32
      %dma_wait3A_182 = tpu.memref_slice %arg21[%mul3A_4, %dma_wait3A_181] : memref<10112x144xf32, #tpu.memory_space<vmem_shared>> -> memref<632x128xf32, #tpu.memory_space<vmem_shared>>
      tpu.wait_dma2 semaphore(%run_scoped3A : memref<!tpu.dma_semaphore, #tpu.memory_space<semaphore_mem>>) src(%dma_wait3A_182 : memref<632x128xf32, #tpu.memory_space<vmem_shared>>) dst(%dma_wait3A_180 : memref<632x128xf32, #tpu.memory_space<hbm>>)
      tpu.yield
    }) : () -> ()
    "tpu.region"() ({
      %run_scoped3A = tpu.sem_alloc : memref<!tpu.dma_semaphore, #tpu.memory_space<semaphore_mem>>
      %dma_start3A_173 = arith.constant 0 : i32
      %dma_start3A_174 = tpu.memref_slice %arg9[%arg0, %mul3A_4, %dma_start3A_173] : memref<2x10112x16xf32, #tpu.memory_space<hbm>> -> memref<1x632x16xf32, #tpu.memory_space<hbm>>
      %dma_start3A_175 = tpu.memref_squeeze %dma_start3A_174 : memref<1x632x16xf32, #tpu.memory_space<hbm>> -> memref<632x16xf32, #tpu.memory_space<hbm>>
      %dma_start3A_176 = arith.constant 128 : i32
      %dma_start3A_177 = tpu.memref_slice %arg21[%mul3A_4, %dma_start3A_176] : memref<10112x144xf32, #tpu.memory_space<vmem_shared>> -> memref<632x16xf32, #tpu.memory_space<vmem_shared>>
      tpu.enqueue_dma source(%dma_start3A_177 : memref<632x16xf32, #tpu.memory_space<vmem_shared>>) target(%dma_start3A_175 : memref<632x16xf32, #tpu.memory_space<hbm>>) target_semaphore(%run_scoped3A : memref<!tpu.dma_semaphore, #tpu.memory_space<semaphore_mem>>)
      %dma_wait3A_178 = arith.constant 0 : i32
      %dma_wait3A_179 = tpu.memref_slice %arg9[%arg0, %mul3A_4, %dma_wait3A_178] : memref<2x10112x16xf32, #tpu.memory_space<hbm>> -> memref<1x632x16xf32, #tpu.memory_space<hbm>>
      %dma_wait3A_180 = tpu.memref_squeeze %dma_wait3A_179 : memref<1x632x16xf32, #tpu.memory_space<hbm>> -> memref<632x16xf32, #tpu.memory_space<hbm>>
      %dma_wait3A_181 = arith.constant 128 : i32
      %dma_wait3A_182 = tpu.memref_slice %arg21[%mul3A_4, %dma_wait3A_181] : memref<10112x144xf32, #tpu.memory_space<vmem_shared>> -> memref<632x16xf32, #tpu.memory_space<vmem_shared>>
      tpu.wait_dma2 semaphore(%run_scoped3A : memref<!tpu.dma_semaphore, #tpu.memory_space<semaphore_mem>>) src(%dma_wait3A_182 : memref<632x16xf32, #tpu.memory_space<vmem_shared>>) dst(%dma_wait3A_180 : memref<632x16xf32, #tpu.memory_space<hbm>>)
      tpu.yield
    }) : () -> ()
    return
  }
}

#map = affine_map<(d0, d1) -> (0)>
#map1 = affine_map<(d0, d1) -> (0, 0)>
#map2 = affine_map<(d0, d1) -> (0, 0, 0)>
module attributes {stable_mosaic.version = 14 : i64} {
  func.func @k(%arg0: i32, %arg1: i32, %arg2: memref<335872xi32, #tpu.memory_space<hbm>>, %arg3: memref<335872xi32, #tpu.memory_space<hbm>>, %arg4: memref<10112x32xf32, #tpu.memory_space<hbm>>, %arg5: memref<10112x16xf32, #tpu.memory_space<hbm>>, %arg6: memref<16xf32, #tpu.memory_space<hbm>>, %arg7: memref<10112x32xf32, #tpu.memory_space<hbm>>, %arg8: memref<2x10112x32xf32, #tpu.memory_space<hbm>>, %arg9: memref<4x128xi32, #tpu.memory_space<vmem>>, %arg10: memref<4x1x128xi32, #tpu.memory_space<vmem>>, %arg11: memref<128x32xf32, #tpu.memory_space<vmem>>, %arg12: memref<128x32xf32, #tpu.memory_space<vmem>>, %arg13: memref<128x16xf32, #tpu.memory_space<vmem>>, %arg14: memref<128x16xf32, #tpu.memory_space<vmem>>, %arg15: memref<128x16xf32, #tpu.memory_space<vmem>>, %arg16: memref<128x16xf32, #tpu.memory_space<vmem>>, %arg17: memref<128x32xf32, #tpu.memory_space<vmem>>, %arg18: memref<128x32xf32, #tpu.memory_space<vmem>>, %arg19: memref<16xf32, #tpu.memory_space<vmem>>, %arg20: memref<10112x32xf32, #tpu.memory_space<vmem_shared>>, %arg21: memref<!tpu.dma_semaphore, #tpu.memory_space<semaphore_mem>>, %arg22: memref<!tpu.dma_semaphore, #tpu.memory_space<semaphore_mem>>, %arg23: memref<!tpu.dma_semaphore, #tpu.memory_space<semaphore_mem>>, %arg24: memref<!tpu.dma_semaphore, #tpu.memory_space<semaphore_mem>>, %arg25: memref<!tpu.dma_semaphore, #tpu.memory_space<semaphore_mem>>, %arg26: memref<!tpu.dma_semaphore, #tpu.memory_space<semaphore_mem>>, %arg27: memref<!tpu.dma_semaphore, #tpu.memory_space<semaphore_mem>>, %arg28: memref<!tpu.dma_semaphore, #tpu.memory_space<semaphore_mem>>, %arg29: memref<!tpu.dma_semaphore, #tpu.memory_space<semaphore_mem>>) attributes {dimension_semantics = [#tpu.dimension_semantics<core_parallel>, #tpu.dimension_semantics<subcore_parallel>], iteration_bounds = array<i64: 2, 16>, scalar_prefetch = 0 : i64, scratch_operands = 21 : i64, tpu.core_type = #tpu.core_type<sc_vector_subcore>, window_params = [{transform_indices = #map}, {transform_indices = #map}, {transform_indices = #map1}, {transform_indices = #map1}, {transform_indices = #map}, {transform_indices = #map1}, {transform_indices = #map2}]} {
    %mul3A = arith.constant 16 : i32
    %mul3A_0 = arith.muli %arg0, %mul3A : i32
    %add3A = arith.addi %mul3A_0, %arg1 : i32
    %mul3A_1 = arith.constant 10496 : i32
    %mul3A_2 = arith.muli %add3A, %mul3A_1 : i32
    %mul3A_3 = arith.constant 632 : i32
    %mul3A_4 = arith.muli %arg1, %mul3A_3 : i32
    "tpu.region"() ({
      %run_scoped3A = tpu.sem_alloc : memref<!tpu.dma_semaphore, #tpu.memory_space<semaphore_mem>>
      %dma_start3A_161 = arith.constant 0 : i32
      %dma_start3A_162 = tpu.memref_slice %arg20[%mul3A_4, %dma_start3A_161] : memref<10112x32xf32, #tpu.memory_space<vmem_shared>> -> memref<632x32xf32, #tpu.memory_space<vmem_shared>>
      %dma_start3A_163 = arith.constant 0 : i32
      %dma_start3A_164 = tpu.memref_slice %arg7[%mul3A_4, %dma_start3A_163] : memref<10112x32xf32, #tpu.memory_space<hbm>> -> memref<632x32xf32, #tpu.memory_space<hbm>>
      tpu.enqueue_dma source(%dma_start3A_164 : memref<632x32xf32, #tpu.memory_space<hbm>>) target(%dma_start3A_162 : memref<632x32xf32, #tpu.memory_space<vmem_shared>>) target_semaphore(%run_scoped3A : memref<!tpu.dma_semaphore, #tpu.memory_space<semaphore_mem>>)
      %dma_wait3A_165 = arith.constant 0 : i32
      %dma_wait3A_166 = tpu.memref_slice %arg20[%mul3A_4, %dma_wait3A_165] : memref<10112x32xf32, #tpu.memory_space<vmem_shared>> -> memref<632x32xf32, #tpu.memory_space<vmem_shared>>
      %dma_wait3A_167 = arith.constant 0 : i32
      %dma_wait3A_168 = tpu.memref_slice %arg7[%mul3A_4, %dma_wait3A_167] : memref<10112x32xf32, #tpu.memory_space<hbm>> -> memref<632x32xf32, #tpu.memory_space<hbm>>
      tpu.wait_dma2 semaphore(%run_scoped3A : memref<!tpu.dma_semaphore, #tpu.memory_space<semaphore_mem>>) src(%dma_wait3A_168 : memref<632x32xf32, #tpu.memory_space<hbm>>) dst(%dma_wait3A_166 : memref<632x32xf32, #tpu.memory_space<vmem_shared>>)
      tpu.yield
    }) : () -> ()
    "tpu.region"() ({
      %run_scoped3A = tpu.sem_alloc : memref<!tpu.dma_semaphore, #tpu.memory_space<semaphore_mem>>
      tpu.enqueue_dma source(%arg6 : memref<16xf32, #tpu.memory_space<hbm>>) target(%arg19 : memref<16xf32, #tpu.memory_space<vmem>>) target_semaphore(%run_scoped3A : memref<!tpu.dma_semaphore, #tpu.memory_space<semaphore_mem>>)
      tpu.wait_dma2 semaphore(%run_scoped3A : memref<!tpu.dma_semaphore, #tpu.memory_space<semaphore_mem>>) src(%arg6 : memref<16xf32, #tpu.memory_space<hbm>>) dst(%arg19 : memref<16xf32, #tpu.memory_space<vmem>>)
      tpu.yield
    }) : () -> ()
    %get3A = arith.constant 0 : index
    %get3A_5 = tpu.vector_load %arg19[%get3A] {strides = array<i32>} : memref<16xf32, #tpu.memory_space<vmem>>, vector<16xf32>,
    %get3A_6 = vector.shape_cast %get3A_5 : vector<16xf32> to vector<16xf32>
    %iota3A = tpu.iota {dimensions = array<i32: 0>} : vector<16xi32>
    %lt3A = arith.constant 8 : i32
    %lt3A_7 = vector.broadcast %lt3A : i32 to vector<16xi32>
    %lt3A_8 = arith.cmpi slt, %iota3A, %lt3A_7 : vector<16xi32>
    %xor3A = arith.constant 8 : i32
    %xor3A_9 = vector.broadcast %xor3A : i32 to vector<16xi32>
    %xor3A_10 = arith.xori %iota3A, %xor3A_9 : vector<16xi32>
    %rem3A = arith.constant 0 : i32
    %rem3A_11 = arith.constant 4 : i32
    %rem3A_12 = arith.remsi %rem3A, %rem3A_11 : i32
    %add3A_13 = arith.constant 0 : i32
    %add3A_14 = arith.addi %mul3A_2, %add3A_13 : i32
    %dma_start3A = arith.constant 0 : i32
    %dma_start3A_15 = tpu.memref_slice %arg9[%rem3A_12, %dma_start3A] : memref<4x128xi32, #tpu.memory_space<vmem>> -> memref<1x128xi32, #tpu.memory_space<vmem>>
    %dma_start3A_16 = tpu.memref_squeeze %dma_start3A_15 : memref<1x128xi32, #tpu.memory_space<vmem>> -> memref<128xi32, #tpu.memory_space<vmem>>
    %dma_start3A_17 = tpu.memref_slice %arg2[%add3A_14] : memref<335872xi32, #tpu.memory_space<hbm>> -> memref<128xi32, #tpu.memory_space<hbm>>
    %dma_start3A_18 = arith.constant 0 : i32
    %dma_start3A_19 = tpu.memref_slice %arg9[%rem3A_12, %dma_start3A_18] : memref<4x128xi32, #tpu.memory_space<vmem>> -> memref<1x128xi32, #tpu.memory_space<vmem>>
    %dma_start3A_20 = tpu.memref_squeeze %dma_start3A_19 : memref<1x128xi32, #tpu.memory_space<vmem>> -> memref<128xi32, #tpu.memory_space<vmem>>
    %dma_start3A_21 = tpu.memref_slice %arg2[%add3A_14] : memref<335872xi32, #tpu.memory_space<hbm>> -> memref<128xi32, #tpu.memory_space<hbm>>
    tpu.enqueue_dma source(%dma_start3A_21 : memref<128xi32, #tpu.memory_space<hbm>>) target(%dma_start3A_20 : memref<128xi32, #tpu.memory_space<vmem>>) target_semaphore(%arg29 : memref<!tpu.dma_semaphore, #tpu.memory_space<semaphore_mem>>)
    %add3A_22 = arith.constant 0 : i32
    %add3A_23 = arith.addi %mul3A_2, %add3A_22 : i32
    %dma_start3A_24 = arith.constant 0 : i32
    %dma_start3A_25 = arith.constant 0 : i32
    %dma_start3A_26 = tpu.memref_slice %arg10[%rem3A_12, %dma_start3A_24, %dma_start3A_25] : memref<4x1x128xi32, #tpu.memory_space<vmem>> -> memref<1x1x128xi32, #tpu.memory_space<vmem>>
    %dma_start3A_27 = tpu.memref_squeeze %dma_start3A_26 : memref<1x1x128xi32, #tpu.memory_space<vmem>> -> memref<128xi32, #tpu.memory_space<vmem>>
    %dma_start3A_28 = tpu.memref_slice %arg3[%add3A_23] : memref<335872xi32, #tpu.memory_space<hbm>> -> memref<128xi32, #tpu.memory_space<hbm>>
    %dma_start3A_29 = arith.constant 0 : i32
    %dma_start3A_30 = tpu.memref_slice %arg10[%rem3A_12, %dma_start3A_24, %dma_start3A_29] : memref<4x1x128xi32, #tpu.memory_space<vmem>> -> memref<1x1x128xi32, #tpu.memory_space<vmem>>
    %dma_start3A_31 = tpu.memref_squeeze %dma_start3A_30 : memref<1x1x128xi32, #tpu.memory_space<vmem>> -> memref<128xi32, #tpu.memory_space<vmem>>
    %dma_start3A_32 = tpu.memref_slice %arg3[%add3A_23] : memref<335872xi32, #tpu.memory_space<hbm>> -> memref<128xi32, #tpu.memory_space<hbm>>
    tpu.enqueue_dma source(%dma_start3A_32 : memref<128xi32, #tpu.memory_space<hbm>>) target(%dma_start3A_31 : memref<128xi32, #tpu.memory_space<vmem>>) target_semaphore(%arg29 : memref<!tpu.dma_semaphore, #tpu.memory_space<semaphore_mem>>)
    %rem3A_33 = arith.constant 1 : i32
    %rem3A_34 = arith.constant 4 : i32
    %rem3A_35 = arith.remsi %rem3A_33, %rem3A_34 : i32
    %add3A_36 = arith.constant 128 : i32
    %add3A_37 = arith.addi %mul3A_2, %add3A_36 : i32
    %dma_start3A_38 = arith.constant 0 : i32
    %dma_start3A_39 = tpu.memref_slice %arg9[%rem3A_35, %dma_start3A_38] : memref<4x128xi32, #tpu.memory_space<vmem>> -> memref<1x128xi32, #tpu.memory_space<vmem>>
    %dma_start3A_40 = tpu.memref_squeeze %dma_start3A_39 : memref<1x128xi32, #tpu.memory_space<vmem>> -> memref<128xi32, #tpu.memory_space<vmem>>
    %dma_start3A_41 = tpu.memref_slice %arg2[%add3A_37] : memref<335872xi32, #tpu.memory_space<hbm>> -> memref<128xi32, #tpu.memory_space<hbm>>
    %dma_start3A_42 = arith.constant 0 : i32
    %dma_start3A_43 = tpu.memref_slice %arg9[%rem3A_35, %dma_start3A_42] : memref<4x128xi32, #tpu.memory_space<vmem>> -> memref<1x128xi32, #tpu.memory_space<vmem>>
    %dma_start3A_44 = tpu.memref_squeeze %dma_start3A_43 : memref<1x128xi32, #tpu.memory_space<vmem>> -> memref<128xi32, #tpu.memory_space<vmem>>
    %dma_start3A_45 = tpu.memref_slice %arg2[%add3A_37] : memref<335872xi32, #tpu.memory_space<hbm>> -> memref<128xi32, #tpu.memory_space<hbm>>
    tpu.enqueue_dma source(%dma_start3A_45 : memref<128xi32, #tpu.memory_space<hbm>>) target(%dma_start3A_44 : memref<128xi32, #tpu.memory_space<vmem>>) target_semaphore(%arg29 : memref<!tpu.dma_semaphore, #tpu.memory_space<semaphore_mem>>)
    %add3A_46 = arith.constant 128 : i32
    %add3A_47 = arith.addi %mul3A_2, %add3A_46 : i32
    %dma_start3A_48 = arith.constant 0 : i32
    %dma_start3A_49 = arith.constant 0 : i32
    %dma_start3A_50 = tpu.memref_slice %arg10[%rem3A_35, %dma_start3A_48, %dma_start3A_49] : memref<4x1x128xi32, #tpu.memory_space<vmem>> -> memref<1x1x128xi32, #tpu.memory_space<vmem>>
    %dma_start3A_51 = tpu.memref_squeeze %dma_start3A_50 : memref<1x1x128xi32, #tpu.memory_space<vmem>> -> memref<128xi32, #tpu.memory_space<vmem>>
    %dma_start3A_52 = tpu.memref_slice %arg3[%add3A_47] : memref<335872xi32, #tpu.memory_space<hbm>> -> memref<128xi32, #tpu.memory_space<hbm>>
    %dma_start3A_53 = arith.constant 0 : i32
    %dma_start3A_54 = tpu.memref_slice %arg10[%rem3A_35, %dma_start3A_48, %dma_start3A_53] : memref<4x1x128xi32, #tpu.memory_space<vmem>> -> memref<1x1x128xi32, #tpu.memory_space<vmem>>
    %dma_start3A_55 = tpu.memref_squeeze %dma_start3A_54 : memref<1x1x128xi32, #tpu.memory_space<vmem>> -> memref<128xi32, #tpu.memory_space<vmem>>
    %dma_start3A_56 = tpu.memref_slice %arg3[%add3A_47] : memref<335872xi32, #tpu.memory_space<hbm>> -> memref<128xi32, #tpu.memory_space<hbm>>
    tpu.enqueue_dma source(%dma_start3A_56 : memref<128xi32, #tpu.memory_space<hbm>>) target(%dma_start3A_55 : memref<128xi32, #tpu.memory_space<vmem>>) target_semaphore(%arg29 : memref<!tpu.dma_semaphore, #tpu.memory_space<semaphore_mem>>)
    %rem3A_57 = arith.constant 0 : i32
    %rem3A_58 = arith.constant 4 : i32
    %rem3A_59 = arith.remsi %rem3A_57, %rem3A_58 : i32
    %add3A_60 = arith.constant 0 : i32
    %add3A_61 = arith.addi %mul3A_2, %add3A_60 : i32
    %dma_wait3A = arith.constant 0 : i32
    %dma_wait3A_62 = tpu.memref_slice %arg9[%rem3A_59, %dma_wait3A] : memref<4x128xi32, #tpu.memory_space<vmem>> -> memref<1x128xi32, #tpu.memory_space<vmem>>
    %dma_wait3A_63 = tpu.memref_squeeze %dma_wait3A_62 : memref<1x128xi32, #tpu.memory_space<vmem>> -> memref<128xi32, #tpu.memory_space<vmem>>
    %dma_wait3A_64 = tpu.memref_slice %arg2[%add3A_61] : memref<335872xi32, #tpu.memory_space<hbm>> -> memref<128xi32, #tpu.memory_space<hbm>>
    %dma_wait3A_65 = arith.constant 0 : i32
    %dma_wait3A_66 = tpu.memref_slice %arg9[%rem3A_59, %dma_wait3A_65] : memref<4x128xi32, #tpu.memory_space<vmem>> -> memref<1x128xi32, #tpu.memory_space<vmem>>
    %dma_wait3A_67 = tpu.memref_squeeze %dma_wait3A_66 : memref<1x128xi32, #tpu.memory_space<vmem>> -> memref<128xi32, #tpu.memory_space<vmem>>
    %dma_wait3A_68 = tpu.memref_slice %arg2[%add3A_61] : memref<335872xi32, #tpu.memory_space<hbm>> -> memref<128xi32, #tpu.memory_space<hbm>>
    tpu.wait_dma2 semaphore(%arg29 : memref<!tpu.dma_semaphore, #tpu.memory_space<semaphore_mem>>) src(%dma_wait3A_68 : memref<128xi32, #tpu.memory_space<hbm>>) dst(%dma_wait3A_67 : memref<128xi32, #tpu.memory_space<vmem>>)
    %add3A_69 = arith.constant 0 : i32
    %add3A_70 = arith.addi %mul3A_2, %add3A_69 : i32
    %dma_wait3A_71 = arith.constant 0 : i32
    %dma_wait3A_72 = arith.constant 0 : i32
    %dma_wait3A_73 = tpu.memref_slice %arg10[%rem3A_59, %dma_wait3A_71, %dma_wait3A_72] : memref<4x1x128xi32, #tpu.memory_space<vmem>> -> memref<1x1x128xi32, #tpu.memory_space<vmem>>
    %dma_wait3A_74 = tpu.memref_squeeze %dma_wait3A_73 : memref<1x1x128xi32, #tpu.memory_space<vmem>> -> memref<128xi32, #tpu.memory_space<vmem>>
    %dma_wait3A_75 = tpu.memref_slice %arg3[%add3A_70] : memref<335872xi32, #tpu.memory_space<hbm>> -> memref<128xi32, #tpu.memory_space<hbm>>
    %dma_wait3A_76 = arith.constant 0 : i32
    %dma_wait3A_77 = tpu.memref_slice %arg10[%rem3A_59, %dma_wait3A_71, %dma_wait3A_76] : memref<4x1x128xi32, #tpu.memory_space<vmem>> -> memref<1x1x128xi32, #tpu.memory_space<vmem>>
    %dma_wait3A_78 = tpu.memref_squeeze %dma_wait3A_77 : memref<1x1x128xi32, #tpu.memory_space<vmem>> -> memref<128xi32, #tpu.memory_space<vmem>>
    %dma_wait3A_79 = tpu.memref_slice %arg3[%add3A_70] : memref<335872xi32, #tpu.memory_space<hbm>> -> memref<128xi32, #tpu.memory_space<hbm>>
    tpu.wait_dma2 semaphore(%arg29 : memref<!tpu.dma_semaphore, #tpu.memory_space<semaphore_mem>>) src(%dma_wait3A_79 : memref<128xi32, #tpu.memory_space<hbm>>) dst(%dma_wait3A_78 : memref<128xi32, #tpu.memory_space<vmem>>)
    %rem3A_80 = arith.constant 0 : i32
    %rem3A_81 = arith.constant 4 : i32
    %rem3A_82 = arith.remsi %rem3A_80, %rem3A_81 : i32
    %dma_start3A_83 = arith.constant 0 : i32
    %dma_start3A_84 = tpu.memref_slice %arg9[%rem3A_82, %dma_start3A_83] : memref<4x128xi32, #tpu.memory_space<vmem>> -> memref<1x128xi32, #tpu.memory_space<vmem>>
    %dma_start3A_85 = tpu.memref_squeeze %dma_start3A_84 : memref<1x128xi32, #tpu.memory_space<vmem>> -> memref<128xi32, #tpu.memory_space<vmem>>
    %dma_start3A_86 = arith.constant 0 : i32
    %dma_start3A_87 = arith.constant 0 : i32
    %dma_start3A_88 = tpu.memref_slice %arg4[%dma_start3A_86, %dma_start3A_87] : memref<10112x32xf32, #tpu.memory_space<hbm>> -> memref<10112x32xf32, #tpu.memory_space<hbm>>
    tpu.enqueue_indirect_dma source(%dma_start3A_88 : memref<10112x32xf32, #tpu.memory_space<hbm>>) target(%arg11 : memref<128x32xf32, #tpu.memory_space<vmem>>) offsets(%dma_start3A_85 : memref<128xi32, #tpu.memory_space<vmem>>) semaphore(%arg21 : memref<!tpu.dma_semaphore, #tpu.memory_space<semaphore_mem>>)
    %dma_start3A_89 = arith.constant 0 : i32
    %dma_start3A_90 = arith.constant 0 : i32
    %dma_start3A_91 = tpu.memref_slice %arg10[%rem3A_82, %dma_start3A_89, %dma_start3A_90] : memref<4x1x128xi32, #tpu.memory_space<vmem>> -> memref<1x1x128xi32, #tpu.memory_space<vmem>>
    %dma_start3A_92 = tpu.memref_squeeze %dma_start3A_91 : memref<1x1x128xi32, #tpu.memory_space<vmem>> -> memref<128xi32, #tpu.memory_space<vmem>>
    %dma_start3A_93 = arith.constant 0 : i32
    %dma_start3A_94 = arith.constant 0 : i32
    %dma_start3A_95 = tpu.memref_slice %arg5[%dma_start3A_93, %dma_start3A_94] : memref<10112x16xf32, #tpu.memory_space<hbm>> -> memref<10112x16xf32, #tpu.memory_space<hbm>>
    tpu.enqueue_indirect_dma source(%dma_start3A_95 : memref<10112x16xf32, #tpu.memory_space<hbm>>) target(%arg15 : memref<128x16xf32, #tpu.memory_space<vmem>>) offsets(%dma_start3A_92 : memref<128xi32, #tpu.memory_space<vmem>>) semaphore(%arg23 : memref<!tpu.dma_semaphore, #tpu.memory_space<semaphore_mem>>)
    %rem3A_96 = arith.constant 1 : i32
    %rem3A_97 = arith.constant 4 : i32
    %rem3A_98 = arith.remsi %rem3A_96, %rem3A_97 : i32
    %add3A_99 = arith.constant 128 : i32
    %add3A_100 = arith.addi %mul3A_2, %add3A_99 : i32
    %dma_wait3A_101 = arith.constant 0 : i32
    %dma_wait3A_102 = tpu.memref_slice %arg9[%rem3A_98, %dma_wait3A_101] : memref<4x128xi32, #tpu.memory_space<vmem>> -> memref<1x128xi32, #tpu.memory_space<vmem>>
    %dma_wait3A_103 = tpu.memref_squeeze %dma_wait3A_102 : memref<1x128xi32, #tpu.memory_space<vmem>> -> memref<128xi32, #tpu.memory_space<vmem>>
    %dma_wait3A_104 = tpu.memref_slice %arg2[%add3A_100] : memref<335872xi32, #tpu.memory_space<hbm>> -> memref<128xi32, #tpu.memory_space<hbm>>
    %dma_wait3A_105 = arith.constant 0 : i32
    %dma_wait3A_106 = tpu.memref_slice %arg9[%rem3A_98, %dma_wait3A_105] : memref<4x128xi32, #tpu.memory_space<vmem>> -> memref<1x128xi32, #tpu.memory_space<vmem>>
    %dma_wait3A_107 = tpu.memref_squeeze %dma_wait3A_106 : memref<1x128xi32, #tpu.memory_space<vmem>> -> memref<128xi32, #tpu.memory_space<vmem>>
    %dma_wait3A_108 = tpu.memref_slice %arg2[%add3A_100] : memref<335872xi32, #tpu.memory_space<hbm>> -> memref<128xi32, #tpu.memory_space<hbm>>
    tpu.wait_dma2 semaphore(%arg29 : memref<!tpu.dma_semaphore, #tpu.memory_space<semaphore_mem>>) src(%dma_wait3A_108 : memref<128xi32, #tpu.memory_space<hbm>>) dst(%dma_wait3A_107 : memref<128xi32, #tpu.memory_space<vmem>>)
    %add3A_109 = arith.constant 128 : i32
    %add3A_110 = arith.addi %mul3A_2, %add3A_109 : i32
    %dma_wait3A_111 = arith.constant 0 : i32
    %dma_wait3A_112 = arith.constant 0 : i32
    %dma_wait3A_113 = tpu.memref_slice %arg10[%rem3A_98, %dma_wait3A_111, %dma_wait3A_112] : memref<4x1x128xi32, #tpu.memory_space<vmem>> -> memref<1x1x128xi32, #tpu.memory_space<vmem>>
    %dma_wait3A_114 = tpu.memref_squeeze %dma_wait3A_113 : memref<1x1x128xi32, #tpu.memory_space<vmem>> -> memref<128xi32, #tpu.memory_space<vmem>>
    %dma_wait3A_115 = tpu.memref_slice %arg3[%add3A_110] : memref<335872xi32, #tpu.memory_space<hbm>> -> memref<128xi32, #tpu.memory_space<hbm>>
    %dma_wait3A_116 = arith.constant 0 : i32
    %dma_wait3A_117 = tpu.memref_slice %arg10[%rem3A_98, %dma_wait3A_111, %dma_wait3A_116] : memref<4x1x128xi32, #tpu.memory_space<vmem>> -> memref<1x1x128xi32, #tpu.memory_space<vmem>>
    %dma_wait3A_118 = tpu.memref_squeeze %dma_wait3A_117 : memref<1x1x128xi32, #tpu.memory_space<vmem>> -> memref<128xi32, #tpu.memory_space<vmem>>
    %dma_wait3A_119 = tpu.memref_slice %arg3[%add3A_110] : memref<335872xi32, #tpu.memory_space<hbm>> -> memref<128xi32, #tpu.memory_space<hbm>>
    tpu.wait_dma2 semaphore(%arg29 : memref<!tpu.dma_semaphore, #tpu.memory_space<semaphore_mem>>) src(%dma_wait3A_119 : memref<128xi32, #tpu.memory_space<hbm>>) dst(%dma_wait3A_118 : memref<128xi32, #tpu.memory_space<vmem>>)
    %rem3A_120 = arith.constant 1 : i32
    %rem3A_121 = arith.constant 4 : i32
    %rem3A_122 = arith.remsi %rem3A_120, %rem3A_121 : i32
    %dma_start3A_123 = arith.constant 0 : i32
    %dma_start3A_124 = tpu.memref_slice %arg9[%rem3A_122, %dma_start3A_123] : memref<4x128xi32, #tpu.memory_space<vmem>> -> memref<1x128xi32, #tpu.memory_space<vmem>>
    %dma_start3A_125 = tpu.memref_squeeze %dma_start3A_124 : memref<1x128xi32, #tpu.memory_space<vmem>> -> memref<128xi32, #tpu.memory_space<vmem>>
    %dma_start3A_126 = arith.constant 0 : i32
    %dma_start3A_127 = arith.constant 0 : i32
    %dma_start3A_128 = tpu.memref_slice %arg4[%dma_start3A_126, %dma_start3A_127] : memref<10112x32xf32, #tpu.memory_space<hbm>> -> memref<10112x32xf32, #tpu.memory_space<hbm>>
    tpu.enqueue_indirect_dma source(%dma_start3A_128 : memref<10112x32xf32, #tpu.memory_space<hbm>>) target(%arg12 : memref<128x32xf32, #tpu.memory_space<vmem>>) offsets(%dma_start3A_125 : memref<128xi32, #tpu.memory_space<vmem>>) semaphore(%arg24 : memref<!tpu.dma_semaphore, #tpu.memory_space<semaphore_mem>>)
    %dma_start3A_129 = arith.constant 0 : i32
    %dma_start3A_130 = arith.constant 0 : i32
    %dma_start3A_131 = tpu.memref_slice %arg10[%rem3A_122, %dma_start3A_129, %dma_start3A_130] : memref<4x1x128xi32, #tpu.memory_space<vmem>> -> memref<1x1x128xi32, #tpu.memory_space<vmem>>
    %dma_start3A_132 = tpu.memref_squeeze %dma_start3A_131 : memref<1x1x128xi32, #tpu.memory_space<vmem>> -> memref<128xi32, #tpu.memory_space<vmem>>
    %dma_start3A_133 = arith.constant 0 : i32
    %dma_start3A_134 = arith.constant 0 : i32
    %dma_start3A_135 = tpu.memref_slice %arg5[%dma_start3A_133, %dma_start3A_134] : memref<10112x16xf32, #tpu.memory_space<hbm>> -> memref<10112x16xf32, #tpu.memory_space<hbm>>
    tpu.enqueue_indirect_dma source(%dma_start3A_135 : memref<10112x16xf32, #tpu.memory_space<hbm>>) target(%arg16 : memref<128x16xf32, #tpu.memory_space<vmem>>) offsets(%dma_start3A_132 : memref<128xi32, #tpu.memory_space<vmem>>) semaphore(%arg26 : memref<!tpu.dma_semaphore, #tpu.memory_space<semaphore_mem>>)
    %barrier3A = arith.constant 0 : index
    tpu.barrier barrier_id(%barrier3A)
    %scan3A = arith.constant 0 : i32
    %scan3A_136 = arith.constant 41 : i32
    %scan3A_137 = arith.addi %scan3A, %scan3A_136 : i32
    %scan3A_138 = arith.constant 1 : i32
    scf.for %scan3A_161 = %scan3A to %scan3A_137 step %scan3A_138  : i32 {
      %mul3A_162 = arith.constant 1 : i32
      %mul3A_163 = arith.muli %scan3A_161, %mul3A_162 : i32
      %add3A_164 = arith.constant 0 : i32
      %add3A_165 = arith.addi %add3A_164, %mul3A_163 : i32
      %mul3A_166 = arith.constant 2 : i32
      %mul3A_167 = arith.muli %mul3A_166, %add3A_165 : i32
      %ge3A = arith.constant 1 : i32
      %ge3A_168 = arith.cmpi sge, %add3A_165, %ge3A : i32
      %convert_element_type3A = arith.extui %ge3A_168 : i1 to i32
      %cond3A = arith.constant 0 : i32
      %cond3A_169 = arith.cmpi ne, %convert_element_type3A, %cond3A : i32
      scf.if %cond3A_169 {
        %sub3A = arith.constant 2 : i32
        %sub3A_260 = arith.subi %mul3A_167, %sub3A : i32
        %rem3A_261 = arith.constant 4 : i32
        %rem3A_262 = arith.remsi %sub3A_260, %rem3A_261 : i32
        %dma_wait3A_263 = arith.constant 0 : i32
        %dma_wait3A_264 = arith.constant 0 : i32
        %dma_wait3A_265 = tpu.memref_slice %arg10[%rem3A_262, %dma_wait3A_263, %dma_wait3A_264] : memref<4x1x128xi32, #tpu.memory_space<vmem>> -> memref<1x1x128xi32, #tpu.memory_space<vmem>>
        %dma_wait3A_266 = tpu.memref_squeeze %dma_wait3A_265 : memref<1x1x128xi32, #tpu.memory_space<vmem>> -> memref<128xi32, #tpu.memory_space<vmem>>
        %dma_wait3A_267 = arith.constant 0 : i32
        %dma_wait3A_268 = arith.constant 0 : i32
        %dma_wait3A_269 = tpu.memref_slice %arg20[%dma_wait3A_267, %dma_wait3A_268] : memref<10112x32xf32, #tpu.memory_space<vmem_shared>> -> memref<10112x32xf32, #tpu.memory_space<vmem_shared>>
        tpu.wait_indirect_dma semaphore(%arg27 : memref<!tpu.dma_semaphore, #tpu.memory_space<semaphore_mem>>) src(%arg17 : memref<128x32xf32, #tpu.memory_space<vmem>>) dst(%dma_wait3A_269 : memref<10112x32xf32, #tpu.memory_space<vmem_shared>>)
      } else {
      }
      %add3A_170 = arith.constant 2 : i32
      %add3A_171 = arith.addi %mul3A_167, %add3A_170 : i32
      %lt3A_172 = arith.constant 82 : i32
      %lt3A_173 = arith.cmpi slt, %add3A_171, %lt3A_172 : i32
      %convert_element_type3A_174 = arith.extui %lt3A_173 : i1 to i32
      %cond3A_175 = arith.constant 0 : i32
      %cond3A_176 = arith.cmpi ne, %convert_element_type3A_174, %cond3A_175 : i32
      scf.if %cond3A_176 {
        %add3A_260 = arith.constant 2 : i32
        %add3A_261 = arith.addi %mul3A_167, %add3A_260 : i32
        %rem3A_262 = arith.constant 4 : i32
        %rem3A_263 = arith.remsi %add3A_261, %rem3A_262 : i32
        %mul3A_264 = arith.constant 128 : i32
        %mul3A_265 = arith.muli %add3A_261, %mul3A_264 : i32
        %add3A_266 = arith.addi %mul3A_2, %mul3A_265 : i32
        %dma_start3A_267 = arith.constant 0 : i32
        %dma_start3A_268 = tpu.memref_slice %arg9[%rem3A_263, %dma_start3A_267] : memref<4x128xi32, #tpu.memory_space<vmem>> -> memref<1x128xi32, #tpu.memory_space<vmem>>
        %dma_start3A_269 = tpu.memref_squeeze %dma_start3A_268 : memref<1x128xi32, #tpu.memory_space<vmem>> -> memref<128xi32, #tpu.memory_space<vmem>>
        %dma_start3A_270 = tpu.memref_slice %arg2[%add3A_266] : memref<335872xi32, #tpu.memory_space<hbm>> -> memref<128xi32, #tpu.memory_space<hbm>>
        %dma_start3A_271 = arith.constant 0 : i32
        %dma_start3A_272 = tpu.memref_slice %arg9[%rem3A_263, %dma_start3A_271] : memref<4x128xi32, #tpu.memory_space<vmem>> -> memref<1x128xi32, #tpu.memory_space<vmem>>
        %dma_start3A_273 = tpu.memref_squeeze %dma_start3A_272 : memref<1x128xi32, #tpu.memory_space<vmem>> -> memref<128xi32, #tpu.memory_space<vmem>>
        %dma_start3A_274 = tpu.memref_slice %arg2[%add3A_266] : memref<335872xi32, #tpu.memory_space<hbm>> -> memref<128xi32, #tpu.memory_space<hbm>>
        tpu.enqueue_dma source(%dma_start3A_274 : memref<128xi32, #tpu.memory_space<hbm>>) target(%dma_start3A_273 : memref<128xi32, #tpu.memory_space<vmem>>) target_semaphore(%arg29 : memref<!tpu.dma_semaphore, #tpu.memory_space<semaphore_mem>>)
        %mul3A_275 = arith.constant 128 : i32
        %mul3A_276 = arith.muli %add3A_261, %mul3A_275 : i32
        %add3A_277 = arith.addi %mul3A_2, %mul3A_276 : i32
        %dma_start3A_278 = arith.constant 0 : i32
        %dma_start3A_279 = arith.constant 0 : i32
        %dma_start3A_280 = tpu.memref_slice %arg10[%rem3A_263, %dma_start3A_278, %dma_start3A_279] : memref<4x1x128xi32, #tpu.memory_space<vmem>> -> memref<1x1x128xi32, #tpu.memory_space<vmem>>
        %dma_start3A_281 = tpu.memref_squeeze %dma_start3A_280 : memref<1x1x128xi32, #tpu.memory_space<vmem>> -> memref<128xi32, #tpu.memory_space<vmem>>
        %dma_start3A_282 = tpu.memref_slice %arg3[%add3A_277] : memref<335872xi32, #tpu.memory_space<hbm>> -> memref<128xi32, #tpu.memory_space<hbm>>
        %dma_start3A_283 = arith.constant 0 : i32
        %dma_start3A_284 = tpu.memref_slice %arg10[%rem3A_263, %dma_start3A_278, %dma_start3A_283] : memref<4x1x128xi32, #tpu.memory_space<vmem>> -> memref<1x1x128xi32, #tpu.memory_space<vmem>>
        %dma_start3A_285 = tpu.memref_squeeze %dma_start3A_284 : memref<1x1x128xi32, #tpu.memory_space<vmem>> -> memref<128xi32, #tpu.memory_space<vmem>>
        %dma_start3A_286 = tpu.memref_slice %arg3[%add3A_277] : memref<335872xi32, #tpu.memory_space<hbm>> -> memref<128xi32, #tpu.memory_space<hbm>>
        tpu.enqueue_dma source(%dma_start3A_286 : memref<128xi32, #tpu.memory_space<hbm>>) target(%dma_start3A_285 : memref<128xi32, #tpu.memory_space<vmem>>) target_semaphore(%arg29 : memref<!tpu.dma_semaphore, #tpu.memory_space<semaphore_mem>>)
      } else {
      }
      %rem3A_177 = arith.constant 4 : i32
      %rem3A_178 = arith.remsi %mul3A_167, %rem3A_177 : i32
      %dma_wait3A_179 = arith.constant 0 : i32
      %dma_wait3A_180 = tpu.memref_slice %arg9[%rem3A_178, %dma_wait3A_179] : memref<4x128xi32, #tpu.memory_space<vmem>> -> memref<1x128xi32, #tpu.memory_space<vmem>>
      %dma_wait3A_181 = tpu.memref_squeeze %dma_wait3A_180 : memref<1x128xi32, #tpu.memory_space<vmem>> -> memref<128xi32, #tpu.memory_space<vmem>>
      %dma_wait3A_182 = arith.constant 0 : i32
      %dma_wait3A_183 = arith.constant 0 : i32
      %dma_wait3A_184 = tpu.memref_slice %arg4[%dma_wait3A_182, %dma_wait3A_183] : memref<10112x32xf32, #tpu.memory_space<hbm>> -> memref<10112x32xf32, #tpu.memory_space<hbm>>
      tpu.wait_indirect_dma semaphore(%arg21 : memref<!tpu.dma_semaphore, #tpu.memory_space<semaphore_mem>>) src(%dma_wait3A_184 : memref<10112x32xf32, #tpu.memory_space<hbm>>) dst(%arg11 : memref<128x32xf32, #tpu.memory_space<vmem>>)
      %dma_wait3A_185 = arith.constant 0 : i32
      %dma_wait3A_186 = arith.constant 0 : i32
      %dma_wait3A_187 = tpu.memref_slice %arg10[%rem3A_178, %dma_wait3A_185, %dma_wait3A_186] : memref<4x1x128xi32, #tpu.memory_space<vmem>> -> memref<1x1x128xi32, #tpu.memory_space<vmem>>
      %dma_wait3A_188 = tpu.memref_squeeze %dma_wait3A_187 : memref<1x1x128xi32, #tpu.memory_space<vmem>> -> memref<128xi32, #tpu.memory_space<vmem>>
      %dma_wait3A_189 = arith.constant 0 : i32
      %dma_wait3A_190 = arith.constant 0 : i32
      %dma_wait3A_191 = tpu.memref_slice %arg5[%dma_wait3A_189, %dma_wait3A_190] : memref<10112x16xf32, #tpu.memory_space<hbm>> -> memref<10112x16xf32, #tpu.memory_space<hbm>>
      tpu.wait_indirect_dma semaphore(%arg23 : memref<!tpu.dma_semaphore, #tpu.memory_space<semaphore_mem>>) src(%dma_wait3A_191 : memref<10112x16xf32, #tpu.memory_space<hbm>>) dst(%arg15 : memref<128x16xf32, #tpu.memory_space<vmem>>)
      %parallel_loop3A = arith.constant 0 : i32
      %parallel_loop3A_192 = arith.constant 128 : i32
      %parallel_loop3A_193 = arith.constant 1 : i32
      scf.for %parallel_loop3A_260 = %parallel_loop3A to %parallel_loop3A_192 step %parallel_loop3A_193  : i32 {
        %parallel_loop3A_261 = arith.index_cast %parallel_loop3A_260 : i32 to index
        %parallel_loop3A_262 = arith.constant 16 : index
        %parallel_loop3A_263 = tpu.vector_load %arg11[%parallel_loop3A_261, %parallel_loop3A_262] {strides = array<i32>} : memref<128x32xf32, #tpu.memory_space<vmem>>, vector<1x16xf32>,
        %parallel_loop3A_264 = vector.shape_cast %parallel_loop3A_263 : vector<1x16xf32> to vector<16xf32>
        %parallel_loop3A_265 = arith.index_cast %parallel_loop3A_260 : i32 to index
        %parallel_loop3A_266 = arith.constant 0 : index
        %parallel_loop3A_267 = tpu.vector_load %arg15[%parallel_loop3A_265, %parallel_loop3A_266] {strides = array<i32>} : memref<128x16xf32, #tpu.memory_space<vmem>>, vector<1x16xf32>,
        %parallel_loop3A_268 = vector.shape_cast %parallel_loop3A_267 : vector<1x16xf32> to vector<16xf32>
        %parallel_loop3A_269 = arith.select %lt3A_8, %parallel_loop3A_264, %parallel_loop3A_268 : vector<16xi1>, vector<16xf32>
        %parallel_loop3A_270 = vector.shape_cast %xor3A_10 : vector<16xi32> to vector<16x1xi32>
        %parallel_loop3A_271 = vector.shape_cast %parallel_loop3A_270 : vector<16x1xi32> to vector<16xi32>
        %parallel_loop3A_272 = tpu.dynamic_gather %parallel_loop3A_269[%parallel_loop3A_271] in [0] : vector<16xf32>, vector<16xi32> -> vector<16xf32>
        %parallel_loop3A_273 = arith.addf %parallel_loop3A_269, %parallel_loop3A_272 : vector<16xf32>
        %parallel_loop3A_274 = arith.constant 2.000000e-01 : f32
        %parallel_loop3A_275 = vector.broadcast %parallel_loop3A_274 : f32 to vector<16xf32>
        %parallel_loop3A_276 = arith.mulf %parallel_loop3A_275, %parallel_loop3A_273 : vector<16xf32>
        %parallel_loop3A_277 = arith.maximumf %parallel_loop3A_273, %parallel_loop3A_276 : vector<16xf32>
        %parallel_loop3A_278 = arith.subf %parallel_loop3A_277, %get3A_6 : vector<16xf32>
        %parallel_loop3A_279 = math.exp %parallel_loop3A_278 : vector<16xf32>
        %parallel_loop3A_280 = arith.index_cast %parallel_loop3A_260 : i32 to index
        %parallel_loop3A_281 = arith.constant 16 : index
        %parallel_loop3A_282 = tpu.vector_load %arg17[%parallel_loop3A_280, %parallel_loop3A_281] {strides = array<i32>} : memref<128x32xf32, #tpu.memory_space<vmem>>, vector<1x16xf32>,
        %parallel_loop3A_283 = vector.shape_cast %parallel_loop3A_282 : vector<1x16xf32> to vector<16xf32>
        %parallel_loop3A_284 = vector.shape_cast %parallel_loop3A_279 : vector<16xf32> to vector<1x16xf32>
        tpu.vector_store %arg17[%parallel_loop3A_280, %parallel_loop3A_281], %parallel_loop3A_284 {strides = array<i32>} : memref<128x32xf32, #tpu.memory_space<vmem>>, vector<1x16xf32>,
        %parallel_loop3A_285 = arith.index_cast %parallel_loop3A_260 : i32 to index
        %parallel_loop3A_286 = arith.constant 0 : index
        %parallel_loop3A_287 = tpu.vector_load %arg11[%parallel_loop3A_285, %parallel_loop3A_286] {strides = array<i32>} : memref<128x32xf32, #tpu.memory_space<vmem>>, vector<1x16xf32>,
        %parallel_loop3A_288 = vector.shape_cast %parallel_loop3A_287 : vector<1x16xf32> to vector<16xf32>
        %parallel_loop3A_289 = arith.mulf %parallel_loop3A_279, %parallel_loop3A_288 : vector<16xf32>
        %parallel_loop3A_290 = arith.index_cast %parallel_loop3A_260 : i32 to index
        %parallel_loop3A_291 = arith.constant 0 : index
        %parallel_loop3A_292 = tpu.vector_load %arg17[%parallel_loop3A_290, %parallel_loop3A_291] {strides = array<i32>} : memref<128x32xf32, #tpu.memory_space<vmem>>, vector<1x16xf32>,
        %parallel_loop3A_293 = vector.shape_cast %parallel_loop3A_292 : vector<1x16xf32> to vector<16xf32>
        %parallel_loop3A_294 = vector.shape_cast %parallel_loop3A_289 : vector<16xf32> to vector<1x16xf32>
        tpu.vector_store %arg17[%parallel_loop3A_290, %parallel_loop3A_291], %parallel_loop3A_294 {strides = array<i32>} : memref<128x32xf32, #tpu.memory_space<vmem>>, vector<1x16xf32>,
      } {sc.loop_unroll_factor = 8 : i64, sc.parallel_access}
      %rem3A_194 = arith.constant 4 : i32
      %rem3A_195 = arith.remsi %mul3A_167, %rem3A_194 : i32
      %dma_start3A_196 = arith.constant 0 : i32
      %dma_start3A_197 = arith.constant 0 : i32
      %dma_start3A_198 = tpu.memref_slice %arg10[%rem3A_195, %dma_start3A_196, %dma_start3A_197] : memref<4x1x128xi32, #tpu.memory_space<vmem>> -> memref<1x1x128xi32, #tpu.memory_space<vmem>>
      %dma_start3A_199 = tpu.memref_squeeze %dma_start3A_198 : memref<1x1x128xi32, #tpu.memory_space<vmem>> -> memref<128xi32, #tpu.memory_space<vmem>>
      %dma_start3A_200 = arith.constant 0 : i32
      %dma_start3A_201 = arith.constant 0 : i32
      %dma_start3A_202 = tpu.memref_slice %arg20[%dma_start3A_200, %dma_start3A_201] : memref<10112x32xf32, #tpu.memory_space<vmem_shared>> -> memref<10112x32xf32, #tpu.memory_space<vmem_shared>>
      tpu.enqueue_indirect_dma source(%arg17 : memref<128x32xf32, #tpu.memory_space<vmem>>) target(%dma_start3A_202 : memref<10112x32xf32, #tpu.memory_space<vmem_shared>>) offsets(%dma_start3A_199 : memref<128xi32, #tpu.memory_space<vmem>>) semaphore(%arg27 : memref<!tpu.dma_semaphore, #tpu.memory_space<semaphore_mem>>) {add = true}
      %add3A_203 = arith.constant 2 : i32
      %add3A_204 = arith.addi %mul3A_167, %add3A_203 : i32
      %lt3A_205 = arith.constant 82 : i32
      %lt3A_206 = arith.cmpi slt, %add3A_204, %lt3A_205 : i32
      %convert_element_type3A_207 = arith.extui %lt3A_206 : i1 to i32
      %cond3A_208 = arith.constant 0 : i32
      %cond3A_209 = arith.cmpi ne, %convert_element_type3A_207, %cond3A_208 : i32
      scf.if %cond3A_209 {
        %add3A_260 = arith.constant 2 : i32
        %add3A_261 = arith.addi %mul3A_167, %add3A_260 : i32
        %rem3A_262 = arith.constant 4 : i32
        %rem3A_263 = arith.remsi %add3A_261, %rem3A_262 : i32
        %mul3A_264 = arith.constant 128 : i32
        %mul3A_265 = arith.muli %add3A_261, %mul3A_264 : i32
        %add3A_266 = arith.addi %mul3A_2, %mul3A_265 : i32
        %dma_wait3A_267 = arith.constant 0 : i32
        %dma_wait3A_268 = tpu.memref_slice %arg9[%rem3A_263, %dma_wait3A_267] : memref<4x128xi32, #tpu.memory_space<vmem>> -> memref<1x128xi32, #tpu.memory_space<vmem>>
        %dma_wait3A_269 = tpu.memref_squeeze %dma_wait3A_268 : memref<1x128xi32, #tpu.memory_space<vmem>> -> memref<128xi32, #tpu.memory_space<vmem>>
        %dma_wait3A_270 = tpu.memref_slice %arg2[%add3A_266] : memref<335872xi32, #tpu.memory_space<hbm>> -> memref<128xi32, #tpu.memory_space<hbm>>
        %dma_wait3A_271 = arith.constant 0 : i32
        %dma_wait3A_272 = tpu.memref_slice %arg9[%rem3A_263, %dma_wait3A_271] : memref<4x128xi32, #tpu.memory_space<vmem>> -> memref<1x128xi32, #tpu.memory_space<vmem>>
        %dma_wait3A_273 = tpu.memref_squeeze %dma_wait3A_272 : memref<1x128xi32, #tpu.memory_space<vmem>> -> memref<128xi32, #tpu.memory_space<vmem>>
        %dma_wait3A_274 = tpu.memref_slice %arg2[%add3A_266] : memref<335872xi32, #tpu.memory_space<hbm>> -> memref<128xi32, #tpu.memory_space<hbm>>
        tpu.wait_dma2 semaphore(%arg29 : memref<!tpu.dma_semaphore, #tpu.memory_space<semaphore_mem>>) src(%dma_wait3A_274 : memref<128xi32, #tpu.memory_space<hbm>>) dst(%dma_wait3A_273 : memref<128xi32, #tpu.memory_space<vmem>>)
        %mul3A_275 = arith.constant 128 : i32
        %mul3A_276 = arith.muli %add3A_261, %mul3A_275 : i32
        %add3A_277 = arith.addi %mul3A_2, %mul3A_276 : i32
        %dma_wait3A_278 = arith.constant 0 : i32
        %dma_wait3A_279 = arith.constant 0 : i32
        %dma_wait3A_280 = tpu.memref_slice %arg10[%rem3A_263, %dma_wait3A_278, %dma_wait3A_279] : memref<4x1x128xi32, #tpu.memory_space<vmem>> -> memref<1x1x128xi32, #tpu.memory_space<vmem>>
        %dma_wait3A_281 = tpu.memref_squeeze %dma_wait3A_280 : memref<1x1x128xi32, #tpu.memory_space<vmem>> -> memref<128xi32, #tpu.memory_space<vmem>>
        %dma_wait3A_282 = tpu.memref_slice %arg3[%add3A_277] : memref<335872xi32, #tpu.memory_space<hbm>> -> memref<128xi32, #tpu.memory_space<hbm>>
        %dma_wait3A_283 = arith.constant 0 : i32
        %dma_wait3A_284 = tpu.memref_slice %arg10[%rem3A_263, %dma_wait3A_278, %dma_wait3A_283] : memref<4x1x128xi32, #tpu.memory_space<vmem>> -> memref<1x1x128xi32, #tpu.memory_space<vmem>>
        %dma_wait3A_285 = tpu.memref_squeeze %dma_wait3A_284 : memref<1x1x128xi32, #tpu.memory_space<vmem>> -> memref<128xi32, #tpu.memory_space<vmem>>
        %dma_wait3A_286 = tpu.memref_slice %arg3[%add3A_277] : memref<335872xi32, #tpu.memory_space<hbm>> -> memref<128xi32, #tpu.memory_space<hbm>>
        tpu.wait_dma2 semaphore(%arg29 : memref<!tpu.dma_semaphore, #tpu.memory_space<semaphore_mem>>) src(%dma_wait3A_286 : memref<128xi32, #tpu.memory_space<hbm>>) dst(%dma_wait3A_285 : memref<128xi32, #tpu.memory_space<vmem>>)
        %add3A_287 = arith.constant 2 : i32
        %add3A_288 = arith.addi %mul3A_167, %add3A_287 : i32
        %rem3A_289 = arith.constant 4 : i32
        %rem3A_290 = arith.remsi %add3A_288, %rem3A_289 : i32
        %dma_start3A_291 = arith.constant 0 : i32
        %dma_start3A_292 = tpu.memref_slice %arg9[%rem3A_290, %dma_start3A_291] : memref<4x128xi32, #tpu.memory_space<vmem>> -> memref<1x128xi32, #tpu.memory_space<vmem>>
        %dma_start3A_293 = tpu.memref_squeeze %dma_start3A_292 : memref<1x128xi32, #tpu.memory_space<vmem>> -> memref<128xi32, #tpu.memory_space<vmem>>
        %dma_start3A_294 = arith.constant 0 : i32
        %dma_start3A_295 = arith.constant 0 : i32
        %dma_start3A_296 = tpu.memref_slice %arg4[%dma_start3A_294, %dma_start3A_295] : memref<10112x32xf32, #tpu.memory_space<hbm>> -> memref<10112x32xf32, #tpu.memory_space<hbm>>
        tpu.enqueue_indirect_dma source(%dma_start3A_296 : memref<10112x32xf32, #tpu.memory_space<hbm>>) target(%arg11 : memref<128x32xf32, #tpu.memory_space<vmem>>) offsets(%dma_start3A_293 : memref<128xi32, #tpu.memory_space<vmem>>) semaphore(%arg21 : memref<!tpu.dma_semaphore, #tpu.memory_space<semaphore_mem>>)
        %dma_start3A_297 = arith.constant 0 : i32
        %dma_start3A_298 = arith.constant 0 : i32
        %dma_start3A_299 = tpu.memref_slice %arg10[%rem3A_290, %dma_start3A_297, %dma_start3A_298] : memref<4x1x128xi32, #tpu.memory_space<vmem>> -> memref<1x1x128xi32, #tpu.memory_space<vmem>>
        %dma_start3A_300 = tpu.memref_squeeze %dma_start3A_299 : memref<1x1x128xi32, #tpu.memory_space<vmem>> -> memref<128xi32, #tpu.memory_space<vmem>>
        %dma_start3A_301 = arith.constant 0 : i32
        %dma_start3A_302 = arith.constant 0 : i32
        %dma_start3A_303 = tpu.memref_slice %arg5[%dma_start3A_301, %dma_start3A_302] : memref<10112x16xf32, #tpu.memory_space<hbm>> -> memref<10112x16xf32, #tpu.memory_space<hbm>>
        tpu.enqueue_indirect_dma source(%dma_start3A_303 : memref<10112x16xf32, #tpu.memory_space<hbm>>) target(%arg15 : memref<128x16xf32, #tpu.memory_space<vmem>>) offsets(%dma_start3A_300 : memref<128xi32, #tpu.memory_space<vmem>>) semaphore(%arg23 : memref<!tpu.dma_semaphore, #tpu.memory_space<semaphore_mem>>)
      } else {
      }
      %ge3A_210 = arith.constant 1 : i32
      %ge3A_211 = arith.cmpi sge, %add3A_165, %ge3A_210 : i32
      %convert_element_type3A_212 = arith.extui %ge3A_211 : i1 to i32
      %cond3A_213 = arith.constant 0 : i32
      %cond3A_214 = arith.cmpi ne, %convert_element_type3A_212, %cond3A_213 : i32
      scf.if %cond3A_214 {
        %sub3A = arith.constant 1 : i32
        %sub3A_260 = arith.subi %mul3A_167, %sub3A : i32
        %rem3A_261 = arith.constant 4 : i32
        %rem3A_262 = arith.remsi %sub3A_260, %rem3A_261 : i32
        %dma_wait3A_263 = arith.constant 0 : i32
        %dma_wait3A_264 = arith.constant 0 : i32
        %dma_wait3A_265 = tpu.memref_slice %arg10[%rem3A_262, %dma_wait3A_263, %dma_wait3A_264] : memref<4x1x128xi32, #tpu.memory_space<vmem>> -> memref<1x1x128xi32, #tpu.memory_space<vmem>>
        %dma_wait3A_266 = tpu.memref_squeeze %dma_wait3A_265 : memref<1x1x128xi32, #tpu.memory_space<vmem>> -> memref<128xi32, #tpu.memory_space<vmem>>
        %dma_wait3A_267 = arith.constant 0 : i32
        %dma_wait3A_268 = arith.constant 0 : i32
        %dma_wait3A_269 = tpu.memref_slice %arg20[%dma_wait3A_267, %dma_wait3A_268] : memref<10112x32xf32, #tpu.memory_space<vmem_shared>> -> memref<10112x32xf32, #tpu.memory_space<vmem_shared>>
        tpu.wait_indirect_dma semaphore(%arg28 : memref<!tpu.dma_semaphore, #tpu.memory_space<semaphore_mem>>) src(%arg18 : memref<128x32xf32, #tpu.memory_space<vmem>>) dst(%dma_wait3A_269 : memref<10112x32xf32, #tpu.memory_space<vmem_shared>>)
      } else {
      }
      %add3A_215 = arith.constant 3 : i32
      %add3A_216 = arith.addi %mul3A_167, %add3A_215 : i32
      %lt3A_217 = arith.constant 82 : i32
      %lt3A_218 = arith.cmpi slt, %add3A_216, %lt3A_217 : i32
      %convert_element_type3A_219 = arith.extui %lt3A_218 : i1 to i32
      %cond3A_220 = arith.constant 0 : i32
      %cond3A_221 = arith.cmpi ne, %convert_element_type3A_219, %cond3A_220 : i32
      scf.if %cond3A_221 {
        %add3A_260 = arith.constant 3 : i32
        %add3A_261 = arith.addi %mul3A_167, %add3A_260 : i32
        %rem3A_262 = arith.constant 4 : i32
        %rem3A_263 = arith.remsi %add3A_261, %rem3A_262 : i32
        %mul3A_264 = arith.constant 128 : i32
        %mul3A_265 = arith.muli %add3A_261, %mul3A_264 : i32
        %add3A_266 = arith.addi %mul3A_2, %mul3A_265 : i32
        %dma_start3A_267 = arith.constant 0 : i32
        %dma_start3A_268 = tpu.memref_slice %arg9[%rem3A_263, %dma_start3A_267] : memref<4x128xi32, #tpu.memory_space<vmem>> -> memref<1x128xi32, #tpu.memory_space<vmem>>
        %dma_start3A_269 = tpu.memref_squeeze %dma_start3A_268 : memref<1x128xi32, #tpu.memory_space<vmem>> -> memref<128xi32, #tpu.memory_space<vmem>>
        %dma_start3A_270 = tpu.memref_slice %arg2[%add3A_266] : memref<335872xi32, #tpu.memory_space<hbm>> -> memref<128xi32, #tpu.memory_space<hbm>>
        %dma_start3A_271 = arith.constant 0 : i32
        %dma_start3A_272 = tpu.memref_slice %arg9[%rem3A_263, %dma_start3A_271] : memref<4x128xi32, #tpu.memory_space<vmem>> -> memref<1x128xi32, #tpu.memory_space<vmem>>
        %dma_start3A_273 = tpu.memref_squeeze %dma_start3A_272 : memref<1x128xi32, #tpu.memory_space<vmem>> -> memref<128xi32, #tpu.memory_space<vmem>>
        %dma_start3A_274 = tpu.memref_slice %arg2[%add3A_266] : memref<335872xi32, #tpu.memory_space<hbm>> -> memref<128xi32, #tpu.memory_space<hbm>>
        tpu.enqueue_dma source(%dma_start3A_274 : memref<128xi32, #tpu.memory_space<hbm>>) target(%dma_start3A_273 : memref<128xi32, #tpu.memory_space<vmem>>) target_semaphore(%arg29 : memref<!tpu.dma_semaphore, #tpu.memory_space<semaphore_mem>>)
        %mul3A_275 = arith.constant 128 : i32
        %mul3A_276 = arith.muli %add3A_261, %mul3A_275 : i32
        %add3A_277 = arith.addi %mul3A_2, %mul3A_276 : i32
        %dma_start3A_278 = arith.constant 0 : i32
        %dma_start3A_279 = arith.constant 0 : i32
        %dma_start3A_280 = tpu.memref_slice %arg10[%rem3A_263, %dma_start3A_278, %dma_start3A_279] : memref<4x1x128xi32, #tpu.memory_space<vmem>> -> memref<1x1x128xi32, #tpu.memory_space<vmem>>
        %dma_start3A_281 = tpu.memref_squeeze %dma_start3A_280 : memref<1x1x128xi32, #tpu.memory_space<vmem>> -> memref<128xi32, #tpu.memory_space<vmem>>
        %dma_start3A_282 = tpu.memref_slice %arg3[%add3A_277] : memref<335872xi32, #tpu.memory_space<hbm>> -> memref<128xi32, #tpu.memory_space<hbm>>
        %dma_start3A_283 = arith.constant 0 : i32
        %dma_start3A_284 = tpu.memref_slice %arg10[%rem3A_263, %dma_start3A_278, %dma_start3A_283] : memref<4x1x128xi32, #tpu.memory_space<vmem>> -> memref<1x1x128xi32, #tpu.memory_space<vmem>>
        %dma_start3A_285 = tpu.memref_squeeze %dma_start3A_284 : memref<1x1x128xi32, #tpu.memory_space<vmem>> -> memref<128xi32, #tpu.memory_space<vmem>>
        %dma_start3A_286 = tpu.memref_slice %arg3[%add3A_277] : memref<335872xi32, #tpu.memory_space<hbm>> -> memref<128xi32, #tpu.memory_space<hbm>>
        tpu.enqueue_dma source(%dma_start3A_286 : memref<128xi32, #tpu.memory_space<hbm>>) target(%dma_start3A_285 : memref<128xi32, #tpu.memory_space<vmem>>) target_semaphore(%arg29 : memref<!tpu.dma_semaphore, #tpu.memory_space<semaphore_mem>>)
      } else {
      }
      %add3A_222 = arith.constant 1 : i32
      %add3A_223 = arith.addi %mul3A_167, %add3A_222 : i32
      %rem3A_224 = arith.constant 4 : i32
      %rem3A_225 = arith.remsi %add3A_223, %rem3A_224 : i32
      %dma_wait3A_226 = arith.constant 0 : i32
      %dma_wait3A_227 = tpu.memref_slice %arg9[%rem3A_225, %dma_wait3A_226] : memref<4x128xi32, #tpu.memory_space<vmem>> -> memref<1x128xi32, #tpu.memory_space<vmem>>
      %dma_wait3A_228 = tpu.memref_squeeze %dma_wait3A_227 : memref<1x128xi32, #tpu.memory_space<vmem>> -> memref<128xi32, #tpu.memory_space<vmem>>
      %dma_wait3A_229 = arith.constant 0 : i32
      %dma_wait3A_230 = arith.constant 0 : i32
      %dma_wait3A_231 = tpu.memref_slice %arg4[%dma_wait3A_229, %dma_wait3A_230] : memref<10112x32xf32, #tpu.memory_space<hbm>> -> memref<10112x32xf32, #tpu.memory_space<hbm>>
      tpu.wait_indirect_dma semaphore(%arg24 : memref<!tpu.dma_semaphore, #tpu.memory_space<semaphore_mem>>) src(%dma_wait3A_231 : memref<10112x32xf32, #tpu.memory_space<hbm>>) dst(%arg12 : memref<128x32xf32, #tpu.memory_space<vmem>>)
      %dma_wait3A_232 = arith.constant 0 : i32
      %dma_wait3A_233 = arith.constant 0 : i32
      %dma_wait3A_234 = tpu.memref_slice %arg10[%rem3A_225, %dma_wait3A_232, %dma_wait3A_233] : memref<4x1x128xi32, #tpu.memory_space<vmem>> -> memref<1x1x128xi32, #tpu.memory_space<vmem>>
      %dma_wait3A_235 = tpu.memref_squeeze %dma_wait3A_234 : memref<1x1x128xi32, #tpu.memory_space<vmem>> -> memref<128xi32, #tpu.memory_space<vmem>>
      %dma_wait3A_236 = arith.constant 0 : i32
      %dma_wait3A_237 = arith.constant 0 : i32
      %dma_wait3A_238 = tpu.memref_slice %arg5[%dma_wait3A_236, %dma_wait3A_237] : memref<10112x16xf32, #tpu.memory_space<hbm>> -> memref<10112x16xf32, #tpu.memory_space<hbm>>
      tpu.wait_indirect_dma semaphore(%arg26 : memref<!tpu.dma_semaphore, #tpu.memory_space<semaphore_mem>>) src(%dma_wait3A_238 : memref<10112x16xf32, #tpu.memory_space<hbm>>) dst(%arg16 : memref<128x16xf32, #tpu.memory_space<vmem>>)
      %parallel_loop3A_239 = arith.constant 0 : i32
      %parallel_loop3A_240 = arith.constant 128 : i32
      %parallel_loop3A_241 = arith.constant 1 : i32
      scf.for %parallel_loop3A_260 = %parallel_loop3A_239 to %parallel_loop3A_240 step %parallel_loop3A_241  : i32 {
        %parallel_loop3A_261 = arith.index_cast %parallel_loop3A_260 : i32 to index
        %parallel_loop3A_262 = arith.constant 16 : index
        %parallel_loop3A_263 = tpu.vector_load %arg12[%parallel_loop3A_261, %parallel_loop3A_262] {strides = array<i32>} : memref<128x32xf32, #tpu.memory_space<vmem>>, vector<1x16xf32>,
        %parallel_loop3A_264 = vector.shape_cast %parallel_loop3A_263 : vector<1x16xf32> to vector<16xf32>
        %parallel_loop3A_265 = arith.index_cast %parallel_loop3A_260 : i32 to index
        %parallel_loop3A_266 = arith.constant 0 : index
        %parallel_loop3A_267 = tpu.vector_load %arg16[%parallel_loop3A_265, %parallel_loop3A_266] {strides = array<i32>} : memref<128x16xf32, #tpu.memory_space<vmem>>, vector<1x16xf32>,
        %parallel_loop3A_268 = vector.shape_cast %parallel_loop3A_267 : vector<1x16xf32> to vector<16xf32>
        %parallel_loop3A_269 = arith.select %lt3A_8, %parallel_loop3A_264, %parallel_loop3A_268 : vector<16xi1>, vector<16xf32>
        %parallel_loop3A_270 = vector.shape_cast %xor3A_10 : vector<16xi32> to vector<16x1xi32>
        %parallel_loop3A_271 = vector.shape_cast %parallel_loop3A_270 : vector<16x1xi32> to vector<16xi32>
        %parallel_loop3A_272 = tpu.dynamic_gather %parallel_loop3A_269[%parallel_loop3A_271] in [0] : vector<16xf32>, vector<16xi32> -> vector<16xf32>
        %parallel_loop3A_273 = arith.addf %parallel_loop3A_269, %parallel_loop3A_272 : vector<16xf32>
        %parallel_loop3A_274 = arith.constant 2.000000e-01 : f32
        %parallel_loop3A_275 = vector.broadcast %parallel_loop3A_274 : f32 to vector<16xf32>
        %parallel_loop3A_276 = arith.mulf %parallel_loop3A_275, %parallel_loop3A_273 : vector<16xf32>
        %parallel_loop3A_277 = arith.maximumf %parallel_loop3A_273, %parallel_loop3A_276 : vector<16xf32>
        %parallel_loop3A_278 = arith.subf %parallel_loop3A_277, %get3A_6 : vector<16xf32>
        %parallel_loop3A_279 = math.exp %parallel_loop3A_278 : vector<16xf32>
        %parallel_loop3A_280 = arith.index_cast %parallel_loop3A_260 : i32 to index
        %parallel_loop3A_281 = arith.constant 16 : index
        %parallel_loop3A_282 = tpu.vector_load %arg18[%parallel_loop3A_280, %parallel_loop3A_281] {strides = array<i32>} : memref<128x32xf32, #tpu.memory_space<vmem>>, vector<1x16xf32>,
        %parallel_loop3A_283 = vector.shape_cast %parallel_loop3A_282 : vector<1x16xf32> to vector<16xf32>
        %parallel_loop3A_284 = vector.shape_cast %parallel_loop3A_279 : vector<16xf32> to vector<1x16xf32>
        tpu.vector_store %arg18[%parallel_loop3A_280, %parallel_loop3A_281], %parallel_loop3A_284 {strides = array<i32>} : memref<128x32xf32, #tpu.memory_space<vmem>>, vector<1x16xf32>,
        %parallel_loop3A_285 = arith.index_cast %parallel_loop3A_260 : i32 to index
        %parallel_loop3A_286 = arith.constant 0 : index
        %parallel_loop3A_287 = tpu.vector_load %arg12[%parallel_loop3A_285, %parallel_loop3A_286] {strides = array<i32>} : memref<128x32xf32, #tpu.memory_space<vmem>>, vector<1x16xf32>,
        %parallel_loop3A_288 = vector.shape_cast %parallel_loop3A_287 : vector<1x16xf32> to vector<16xf32>
        %parallel_loop3A_289 = arith.mulf %parallel_loop3A_279, %parallel_loop3A_288 : vector<16xf32>
        %parallel_loop3A_290 = arith.index_cast %parallel_loop3A_260 : i32 to index
        %parallel_loop3A_291 = arith.constant 0 : index
        %parallel_loop3A_292 = tpu.vector_load %arg18[%parallel_loop3A_290, %parallel_loop3A_291] {strides = array<i32>} : memref<128x32xf32, #tpu.memory_space<vmem>>, vector<1x16xf32>,
        %parallel_loop3A_293 = vector.shape_cast %parallel_loop3A_292 : vector<1x16xf32> to vector<16xf32>
        %parallel_loop3A_294 = vector.shape_cast %parallel_loop3A_289 : vector<16xf32> to vector<1x16xf32>
        tpu.vector_store %arg18[%parallel_loop3A_290, %parallel_loop3A_291], %parallel_loop3A_294 {strides = array<i32>} : memref<128x32xf32, #tpu.memory_space<vmem>>, vector<1x16xf32>,
      } {sc.loop_unroll_factor = 8 : i64, sc.parallel_access}
      %add3A_242 = arith.constant 1 : i32
      %add3A_243 = arith.addi %mul3A_167, %add3A_242 : i32
      %rem3A_244 = arith.constant 4 : i32
      %rem3A_245 = arith.remsi %add3A_243, %rem3A_244 : i32
      %dma_start3A_246 = arith.constant 0 : i32
      %dma_start3A_247 = arith.constant 0 : i32
      %dma_start3A_248 = tpu.memref_slice %arg10[%rem3A_245, %dma_start3A_246, %dma_start3A_247] : memref<4x1x128xi32, #tpu.memory_space<vmem>> -> memref<1x1x128xi32, #tpu.memory_space<vmem>>
      %dma_start3A_249 = tpu.memref_squeeze %dma_start3A_248 : memref<1x1x128xi32, #tpu.memory_space<vmem>> -> memref<128xi32, #tpu.memory_space<vmem>>
      %dma_start3A_250 = arith.constant 0 : i32
      %dma_start3A_251 = arith.constant 0 : i32
      %dma_start3A_252 = tpu.memref_slice %arg20[%dma_start3A_250, %dma_start3A_251] : memref<10112x32xf32, #tpu.memory_space<vmem_shared>> -> memref<10112x32xf32, #tpu.memory_space<vmem_shared>>
      tpu.enqueue_indirect_dma source(%arg18 : memref<128x32xf32, #tpu.memory_space<vmem>>) target(%dma_start3A_252 : memref<10112x32xf32, #tpu.memory_space<vmem_shared>>) offsets(%dma_start3A_249 : memref<128xi32, #tpu.memory_space<vmem>>) semaphore(%arg28 : memref<!tpu.dma_semaphore, #tpu.memory_space<semaphore_mem>>) {add = true}
      %add3A_253 = arith.constant 3 : i32
      %add3A_254 = arith.addi %mul3A_167, %add3A_253 : i32
      %lt3A_255 = arith.constant 82 : i32
      %lt3A_256 = arith.cmpi slt, %add3A_254, %lt3A_255 : i32
      %convert_element_type3A_257 = arith.extui %lt3A_256 : i1 to i32
      %cond3A_258 = arith.constant 0 : i32
      %cond3A_259 = arith.cmpi ne, %convert_element_type3A_257, %cond3A_258 : i32
      scf.if %cond3A_259 {
        %add3A_260 = arith.constant 3 : i32
        %add3A_261 = arith.addi %mul3A_167, %add3A_260 : i32
        %rem3A_262 = arith.constant 4 : i32
        %rem3A_263 = arith.remsi %add3A_261, %rem3A_262 : i32
        %mul3A_264 = arith.constant 128 : i32
        %mul3A_265 = arith.muli %add3A_261, %mul3A_264 : i32
        %add3A_266 = arith.addi %mul3A_2, %mul3A_265 : i32
        %dma_wait3A_267 = arith.constant 0 : i32
        %dma_wait3A_268 = tpu.memref_slice %arg9[%rem3A_263, %dma_wait3A_267] : memref<4x128xi32, #tpu.memory_space<vmem>> -> memref<1x128xi32, #tpu.memory_space<vmem>>
        %dma_wait3A_269 = tpu.memref_squeeze %dma_wait3A_268 : memref<1x128xi32, #tpu.memory_space<vmem>> -> memref<128xi32, #tpu.memory_space<vmem>>
        %dma_wait3A_270 = tpu.memref_slice %arg2[%add3A_266] : memref<335872xi32, #tpu.memory_space<hbm>> -> memref<128xi32, #tpu.memory_space<hbm>>
        %dma_wait3A_271 = arith.constant 0 : i32
        %dma_wait3A_272 = tpu.memref_slice %arg9[%rem3A_263, %dma_wait3A_271] : memref<4x128xi32, #tpu.memory_space<vmem>> -> memref<1x128xi32, #tpu.memory_space<vmem>>
        %dma_wait3A_273 = tpu.memref_squeeze %dma_wait3A_272 : memref<1x128xi32, #tpu.memory_space<vmem>> -> memref<128xi32, #tpu.memory_space<vmem>>
        %dma_wait3A_274 = tpu.memref_slice %arg2[%add3A_266] : memref<335872xi32, #tpu.memory_space<hbm>> -> memref<128xi32, #tpu.memory_space<hbm>>
        tpu.wait_dma2 semaphore(%arg29 : memref<!tpu.dma_semaphore, #tpu.memory_space<semaphore_mem>>) src(%dma_wait3A_274 : memref<128xi32, #tpu.memory_space<hbm>>) dst(%dma_wait3A_273 : memref<128xi32, #tpu.memory_space<vmem>>)
        %mul3A_275 = arith.constant 128 : i32
        %mul3A_276 = arith.muli %add3A_261, %mul3A_275 : i32
        %add3A_277 = arith.addi %mul3A_2, %mul3A_276 : i32
        %dma_wait3A_278 = arith.constant 0 : i32
        %dma_wait3A_279 = arith.constant 0 : i32
        %dma_wait3A_280 = tpu.memref_slice %arg10[%rem3A_263, %dma_wait3A_278, %dma_wait3A_279] : memref<4x1x128xi32, #tpu.memory_space<vmem>> -> memref<1x1x128xi32, #tpu.memory_space<vmem>>
        %dma_wait3A_281 = tpu.memref_squeeze %dma_wait3A_280 : memref<1x1x128xi32, #tpu.memory_space<vmem>> -> memref<128xi32, #tpu.memory_space<vmem>>
        %dma_wait3A_282 = tpu.memref_slice %arg3[%add3A_277] : memref<335872xi32, #tpu.memory_space<hbm>> -> memref<128xi32, #tpu.memory_space<hbm>>
        %dma_wait3A_283 = arith.constant 0 : i32
        %dma_wait3A_284 = tpu.memref_slice %arg10[%rem3A_263, %dma_wait3A_278, %dma_wait3A_283] : memref<4x1x128xi32, #tpu.memory_space<vmem>> -> memref<1x1x128xi32, #tpu.memory_space<vmem>>
        %dma_wait3A_285 = tpu.memref_squeeze %dma_wait3A_284 : memref<1x1x128xi32, #tpu.memory_space<vmem>> -> memref<128xi32, #tpu.memory_space<vmem>>
        %dma_wait3A_286 = tpu.memref_slice %arg3[%add3A_277] : memref<335872xi32, #tpu.memory_space<hbm>> -> memref<128xi32, #tpu.memory_space<hbm>>
        tpu.wait_dma2 semaphore(%arg29 : memref<!tpu.dma_semaphore, #tpu.memory_space<semaphore_mem>>) src(%dma_wait3A_286 : memref<128xi32, #tpu.memory_space<hbm>>) dst(%dma_wait3A_285 : memref<128xi32, #tpu.memory_space<vmem>>)
        %add3A_287 = arith.constant 3 : i32
        %add3A_288 = arith.addi %mul3A_167, %add3A_287 : i32
        %rem3A_289 = arith.constant 4 : i32
        %rem3A_290 = arith.remsi %add3A_288, %rem3A_289 : i32
        %dma_start3A_291 = arith.constant 0 : i32
        %dma_start3A_292 = tpu.memref_slice %arg9[%rem3A_290, %dma_start3A_291] : memref<4x128xi32, #tpu.memory_space<vmem>> -> memref<1x128xi32, #tpu.memory_space<vmem>>
        %dma_start3A_293 = tpu.memref_squeeze %dma_start3A_292 : memref<1x128xi32, #tpu.memory_space<vmem>> -> memref<128xi32, #tpu.memory_space<vmem>>
        %dma_start3A_294 = arith.constant 0 : i32
        %dma_start3A_295 = arith.constant 0 : i32
        %dma_start3A_296 = tpu.memref_slice %arg4[%dma_start3A_294, %dma_start3A_295] : memref<10112x32xf32, #tpu.memory_space<hbm>> -> memref<10112x32xf32, #tpu.memory_space<hbm>>
        tpu.enqueue_indirect_dma source(%dma_start3A_296 : memref<10112x32xf32, #tpu.memory_space<hbm>>) target(%arg12 : memref<128x32xf32, #tpu.memory_space<vmem>>) offsets(%dma_start3A_293 : memref<128xi32, #tpu.memory_space<vmem>>) semaphore(%arg24 : memref<!tpu.dma_semaphore, #tpu.memory_space<semaphore_mem>>)
        %dma_start3A_297 = arith.constant 0 : i32
        %dma_start3A_298 = arith.constant 0 : i32
        %dma_start3A_299 = tpu.memref_slice %arg10[%rem3A_290, %dma_start3A_297, %dma_start3A_298] : memref<4x1x128xi32, #tpu.memory_space<vmem>> -> memref<1x1x128xi32, #tpu.memory_space<vmem>>
        %dma_start3A_300 = tpu.memref_squeeze %dma_start3A_299 : memref<1x1x128xi32, #tpu.memory_space<vmem>> -> memref<128xi32, #tpu.memory_space<vmem>>
        %dma_start3A_301 = arith.constant 0 : i32
        %dma_start3A_302 = arith.constant 0 : i32
        %dma_start3A_303 = tpu.memref_slice %arg5[%dma_start3A_301, %dma_start3A_302] : memref<10112x16xf32, #tpu.memory_space<hbm>> -> memref<10112x16xf32, #tpu.memory_space<hbm>>
        tpu.enqueue_indirect_dma source(%dma_start3A_303 : memref<10112x16xf32, #tpu.memory_space<hbm>>) target(%arg16 : memref<128x16xf32, #tpu.memory_space<vmem>>) offsets(%dma_start3A_300 : memref<128xi32, #tpu.memory_space<vmem>>) semaphore(%arg26 : memref<!tpu.dma_semaphore, #tpu.memory_space<semaphore_mem>>)
      } else {
      }
    }
    %scan3A_139 = arith.constant 41 : i32
    %rem3A_140 = arith.constant 80 : i32
    %rem3A_141 = arith.constant 4 : i32
    %rem3A_142 = arith.remsi %rem3A_140, %rem3A_141 : i32
    %dma_wait3A_143 = arith.constant 0 : i32
    %dma_wait3A_144 = arith.constant 0 : i32
    %dma_wait3A_145 = tpu.memref_slice %arg10[%rem3A_142, %dma_wait3A_143, %dma_wait3A_144] : memref<4x1x128xi32, #tpu.memory_space<vmem>> -> memref<1x1x128xi32, #tpu.memory_space<vmem>>
    %dma_wait3A_146 = tpu.memref_squeeze %dma_wait3A_145 : memref<1x1x128xi32, #tpu.memory_space<vmem>> -> memref<128xi32, #tpu.memory_space<vmem>>
    %dma_wait3A_147 = arith.constant 0 : i32
    %dma_wait3A_148 = arith.constant 0 : i32
    %dma_wait3A_149 = tpu.memref_slice %arg20[%dma_wait3A_147, %dma_wait3A_148] : memref<10112x32xf32, #tpu.memory_space<vmem_shared>> -> memref<10112x32xf32, #tpu.memory_space<vmem_shared>>
    tpu.wait_indirect_dma semaphore(%arg27 : memref<!tpu.dma_semaphore, #tpu.memory_space<semaphore_mem>>) src(%arg17 : memref<128x32xf32, #tpu.memory_space<vmem>>) dst(%dma_wait3A_149 : memref<10112x32xf32, #tpu.memory_space<vmem_shared>>)
    %rem3A_150 = arith.constant 81 : i32
    %rem3A_151 = arith.constant 4 : i32
    %rem3A_152 = arith.remsi %rem3A_150, %rem3A_151 : i32
    %dma_wait3A_153 = arith.constant 0 : i32
    %dma_wait3A_154 = arith.constant 0 : i32
    %dma_wait3A_155 = tpu.memref_slice %arg10[%rem3A_152, %dma_wait3A_153, %dma_wait3A_154] : memref<4x1x128xi32, #tpu.memory_space<vmem>> -> memref<1x1x128xi32, #tpu.memory_space<vmem>>
    %dma_wait3A_156 = tpu.memref_squeeze %dma_wait3A_155 : memref<1x1x128xi32, #tpu.memory_space<vmem>> -> memref<128xi32, #tpu.memory_space<vmem>>
    %dma_wait3A_157 = arith.constant 0 : i32
    %dma_wait3A_158 = arith.constant 0 : i32
    %dma_wait3A_159 = tpu.memref_slice %arg20[%dma_wait3A_157, %dma_wait3A_158] : memref<10112x32xf32, #tpu.memory_space<vmem_shared>> -> memref<10112x32xf32, #tpu.memory_space<vmem_shared>>
    tpu.wait_indirect_dma semaphore(%arg28 : memref<!tpu.dma_semaphore, #tpu.memory_space<semaphore_mem>>) src(%arg18 : memref<128x32xf32, #tpu.memory_space<vmem>>) dst(%dma_wait3A_159 : memref<10112x32xf32, #tpu.memory_space<vmem_shared>>)
    %barrier3A_160 = arith.constant 0 : index
    tpu.barrier barrier_id(%barrier3A_160)
    "tpu.region"() ({
      %run_scoped3A = tpu.sem_alloc : memref<!tpu.dma_semaphore, #tpu.memory_space<semaphore_mem>>
      %dma_start3A_161 = arith.constant 0 : i32
      %dma_start3A_162 = tpu.memref_slice %arg8[%arg0, %mul3A_4, %dma_start3A_161] : memref<2x10112x32xf32, #tpu.memory_space<hbm>> -> memref<1x632x32xf32, #tpu.memory_space<hbm>>
      %dma_start3A_163 = tpu.memref_squeeze %dma_start3A_162 : memref<1x632x32xf32, #tpu.memory_space<hbm>> -> memref<632x32xf32, #tpu.memory_space<hbm>>
      %dma_start3A_164 = arith.constant 0 : i32
      %dma_start3A_165 = tpu.memref_slice %arg20[%mul3A_4, %dma_start3A_164] : memref<10112x32xf32, #tpu.memory_space<vmem_shared>> -> memref<632x32xf32, #tpu.memory_space<vmem_shared>>
      tpu.enqueue_dma source(%dma_start3A_165 : memref<632x32xf32, #tpu.memory_space<vmem_shared>>) target(%dma_start3A_163 : memref<632x32xf32, #tpu.memory_space<hbm>>) target_semaphore(%run_scoped3A : memref<!tpu.dma_semaphore, #tpu.memory_space<semaphore_mem>>)
      %dma_wait3A_166 = arith.constant 0 : i32
      %dma_wait3A_167 = tpu.memref_slice %arg8[%arg0, %mul3A_4, %dma_wait3A_166] : memref<2x10112x32xf32, #tpu.memory_space<hbm>> -> memref<1x632x32xf32, #tpu.memory_space<hbm>>
      %dma_wait3A_168 = tpu.memref_squeeze %dma_wait3A_167 : memref<1x632x32xf32, #tpu.memory_space<hbm>> -> memref<632x32xf32, #tpu.memory_space<hbm>>
      %dma_wait3A_169 = arith.constant 0 : i32
      %dma_wait3A_170 = tpu.memref_slice %arg20[%mul3A_4, %dma_wait3A_169] : memref<10112x32xf32, #tpu.memory_space<vmem_shared>> -> memref<632x32xf32, #tpu.memory_space<vmem_shared>>
      tpu.wait_dma2 semaphore(%run_scoped3A : memref<!tpu.dma_semaphore, #tpu.memory_space<semaphore_mem>>) src(%dma_wait3A_170 : memref<632x32xf32, #tpu.memory_space<vmem_shared>>) dst(%dma_wait3A_168 : memref<632x32xf32, #tpu.memory_space<hbm>>)
      tpu.yield
    }) : () -> ()
    return
  }
}

module attributes {stable_mosaic.version = 14 : i64} {
  func.func @body(%arg0: memref<10000x128xf32, #tpu.memory_space<vmem>>, %arg1: memref<128x128xf32, #tpu.memory_space<vmem>>, %arg2: memref<1x128xf32, #tpu.memory_space<vmem>>, %arg3: memref<1x128xf32, #tpu.memory_space<vmem>>, %arg4: memref<128x8xf32, #tpu.memory_space<vmem>>, %arg5: memref<2x320000xi32, #tpu.memory_space<vmem>>, %arg6: memref<15872xi32, #tpu.memory_space<vmem>>, %arg7: memref<335872xi32, #tpu.memory_space<vmem>>, %arg8: memref<335872xi32, #tpu.memory_space<vmem>>, %arg9: memref<10112x128xf32, #tpu.memory_space<vmem>>, %arg10: memref<10112x16xf32, #tpu.memory_space<vmem>>, %arg11: memref<8x128xf32, #tpu.memory_space<vmem>>) attributes {dimension_semantics = [], scalar_prefetch = 0 : i64, scratch_operands = 0 : i64, tpu.core_type = #tpu.core_type<tc>} {
    %get3A = arith.constant 0 : index
    %get3A_0 = arith.constant 0 : index
    %get3A_1 = vector.load %arg5[%get3A, %get3A_0] : memref<2x320000xi32, #tpu.memory_space<vmem>>, vector<1x320000xi32>
    %get3A_2 = vector.shape_cast %get3A_1 : vector<1x320000xi32> to vector<320000xi32>
    %swap3A = arith.constant 0 : index
    %swap3A_3 = vector.load %arg7[%swap3A] : memref<335872xi32, #tpu.memory_space<vmem>>, vector<320000xi32>
    tpu.vector_store %arg7[%swap3A], %get3A_2 {strides = array<i32>} : memref<335872xi32, #tpu.memory_space<vmem>>, vector<320000xi32>,
    %get3A_4 = arith.constant 0 : index
    %get3A_5 = vector.load %arg6[%get3A_4] : memref<15872xi32, #tpu.memory_space<vmem>>, vector<15872xi32>
    %swap3A_6 = arith.constant 320000 : index
    %swap3A_7 = vector.load %arg7[%swap3A_6] : memref<335872xi32, #tpu.memory_space<vmem>>, vector<15872xi32>
    tpu.vector_store %arg7[%swap3A_6], %get3A_5 {strides = array<i32>} : memref<335872xi32, #tpu.memory_space<vmem>>, vector<15872xi32>,
    %get3A_8 = arith.constant 1 : index
    %get3A_9 = arith.constant 0 : index
    %get3A_10 = vector.load %arg5[%get3A_8, %get3A_9] : memref<2x320000xi32, #tpu.memory_space<vmem>>, vector<1x320000xi32>
    %get3A_11 = vector.shape_cast %get3A_10 : vector<1x320000xi32> to vector<320000xi32>
    %swap3A_12 = arith.constant 0 : index
    %swap3A_13 = vector.load %arg8[%swap3A_12] : memref<335872xi32, #tpu.memory_space<vmem>>, vector<320000xi32>
    tpu.vector_store %arg8[%swap3A_12], %get3A_11 {strides = array<i32>} : memref<335872xi32, #tpu.memory_space<vmem>>, vector<320000xi32>,
    %get3A_14 = arith.constant 0 : index
    %get3A_15 = vector.load %arg6[%get3A_14] : memref<15872xi32, #tpu.memory_space<vmem>>, vector<15872xi32>
    %swap3A_16 = arith.constant 320000 : index
    %swap3A_17 = vector.load %arg8[%swap3A_16] : memref<335872xi32, #tpu.memory_space<vmem>>, vector<15872xi32>
    tpu.vector_store %arg8[%swap3A_16], %get3A_15 {strides = array<i32>} : memref<335872xi32, #tpu.memory_space<vmem>>, vector<15872xi32>,
    %get3A_18 = arith.constant 0 : index
    %get3A_19 = arith.constant 0 : index
    %get3A_20 = vector.load %arg0[%get3A_18, %get3A_19] : memref<10000x128xf32, #tpu.memory_space<vmem>>, vector<10000x128xf32>
    %get3A_21 = arith.constant 0 : index
    %get3A_22 = arith.constant 0 : index
    %get3A_23 = vector.load %arg1[%get3A_21, %get3A_22] : memref<128x128xf32, #tpu.memory_space<vmem>>, vector<128x128xf32>
    %dot_general3A = arith.constant dense<0.000000e+00> : vector<10000x128xf32>
    %dot_general3A_24 = tpu.matmul %get3A_20, %get3A_23, %dot_general3A {dimension_numbers = #tpu.dot_dimension_numbers<[1], [0], [0], [1], [0, 0, 1, 1], [], []>, transpose_lhs_hint = false} : vector<10000x128xf32>, vector<128x128xf32>, vector<10000x128xf32> -> vector<10000x128xf32>
    %swap3A_25 = arith.constant 0 : index
    %swap3A_26 = arith.constant 0 : index
    %swap3A_27 = vector.load %arg9[%swap3A_25, %swap3A_26] : memref<10112x128xf32, #tpu.memory_space<vmem>>, vector<10000x128xf32>
    tpu.vector_store %arg9[%swap3A_25, %swap3A_26], %dot_general3A_24 {strides = array<i32>} : memref<10112x128xf32, #tpu.memory_space<vmem>>, vector<10000x128xf32>,
    %broadcast_in_dim3A = arith.constant 0.000000e+00 : f32
    %broadcast_in_dim3A_28 = vector.broadcast %broadcast_in_dim3A : f32 to vector<112x128xf32>
    %swap3A_29 = arith.constant 10000 : index
    %swap3A_30 = arith.constant 0 : index
    %swap3A_31 = vector.load %arg9[%swap3A_29, %swap3A_30] : memref<10112x128xf32, #tpu.memory_space<vmem>>, vector<112x128xf32>
    tpu.vector_store %arg9[%swap3A_29, %swap3A_30], %broadcast_in_dim3A_28 {strides = array<i32>} : memref<10112x128xf32, #tpu.memory_space<vmem>>, vector<112x128xf32>,
    %get3A_32 = arith.constant 0 : index
    %get3A_33 = arith.constant 0 : index
    %get3A_34 = vector.load %arg4[%get3A_32, %get3A_33] : memref<128x8xf32, #tpu.memory_space<vmem>>, vector<128x8xf32>
    %get3A_35 = arith.constant 0 : index
    %get3A_36 = arith.constant 0 : index
    %get3A_37 = vector.load %arg2[%get3A_35, %get3A_36] : memref<1x128xf32, #tpu.memory_space<vmem>>, vector<1x128xf32>
    %mul3A = vector.broadcast %get3A_37 : vector<1x128xf32> to vector<10000x128xf32>
    %mul3A_38 = arith.mulf %dot_general3A_24, %mul3A : vector<10000x128xf32>
    %dot_general3A_39 = arith.constant dense<0.000000e+00> : vector<10000x8xf32>
    %dot_general3A_40 = tpu.matmul %mul3A_38, %get3A_34, %dot_general3A_39 {dimension_numbers = #tpu.dot_dimension_numbers<[1], [0], [0], [1], [0, 0, 1, 1], [], []>, transpose_lhs_hint = false} : vector<10000x128xf32>, vector<128x8xf32>, vector<10000x8xf32> -> vector<10000x8xf32>
    %get3A_41 = arith.constant 0 : index
    %get3A_42 = arith.constant 0 : index
    %get3A_43 = vector.load %arg3[%get3A_41, %get3A_42] : memref<1x128xf32, #tpu.memory_space<vmem>>, vector<1x128xf32>
    %mul3A_44 = vector.broadcast %get3A_43 : vector<1x128xf32> to vector<10000x128xf32>
    %mul3A_45 = arith.mulf %dot_general3A_24, %mul3A_44 : vector<10000x128xf32>
    %dot_general3A_46 = arith.constant dense<0.000000e+00> : vector<10000x8xf32>
    %dot_general3A_47 = tpu.matmul %mul3A_45, %get3A_34, %dot_general3A_46 {dimension_numbers = #tpu.dot_dimension_numbers<[1], [0], [0], [1], [0, 0, 1, 1], [], []>, transpose_lhs_hint = false} : vector<10000x128xf32>, vector<128x8xf32>, vector<10000x8xf32> -> vector<10000x8xf32>
    %concatenate3A = tpu.concatenate %dot_general3A_40, %dot_general3A_47 in 1 : vector<10000x8xf32>, vector<10000x8xf32> -> vector<10000x16xf32>
    %swap3A_48 = arith.constant 0 : index
    %swap3A_49 = arith.constant 0 : index
    %swap3A_50 = vector.load %arg10[%swap3A_48, %swap3A_49] : memref<10112x16xf32, #tpu.memory_space<vmem>>, vector<10000x16xf32>
    tpu.vector_store %arg10[%swap3A_48, %swap3A_49], %concatenate3A {strides = array<i32>} : memref<10112x16xf32, #tpu.memory_space<vmem>>, vector<10000x16xf32>,
    %broadcast_in_dim3A_51 = arith.constant 0.000000e+00 : f32
    %broadcast_in_dim3A_52 = vector.broadcast %broadcast_in_dim3A_51 : f32 to vector<112x16xf32>
    %swap3A_53 = arith.constant 10000 : index
    %swap3A_54 = arith.constant 0 : index
    %swap3A_55 = vector.load %arg10[%swap3A_53, %swap3A_54] : memref<10112x16xf32, #tpu.memory_space<vmem>>, vector<112x16xf32>
    tpu.vector_store %arg10[%swap3A_53, %swap3A_54], %broadcast_in_dim3A_52 {strides = array<i32>} : memref<10112x16xf32, #tpu.memory_space<vmem>>, vector<112x16xf32>,
    %reduce_max3A = vector.shape_cast %concatenate3A : vector<10000x16xf32> to vector<1x10000x16xf32>
    %reduce_max3A_56 = arith.constant dense<0xFF800000> : vector<1xf32>
    %reduce_max3A_57 = vector.multi_reduction <maximumf>, %reduce_max3A, %reduce_max3A_56 [1, 2] : vector<1x10000x16xf32> to vector<1xf32>
    %reduce_max3A_58 = vector.shape_cast %reduce_max3A_57 : vector<1xf32> to vector<1x1x1xf32>
    %reduce_max3A_59 = vector.extract %reduce_max3A_58[0, 0, 0] : f32 from vector<1x1x1xf32>
    %mul3A_60 = arith.constant 2.000000e+00 : f32
    %mul3A_61 = arith.mulf %mul3A_60, %reduce_max3A_59 : f32
    %mul3A_62 = arith.constant 2.000000e-01 : f32
    %mul3A_63 = arith.mulf %mul3A_62, %mul3A_61 : f32
    %max3A = arith.maximumf %mul3A_61, %mul3A_63 : f32
    %broadcast_in_dim3A_64 = vector.broadcast %max3A : f32 to vector<8x128xf32>
    %swap3A_65 = arith.constant 0 : index
    %swap3A_66 = arith.constant 0 : index
    %swap3A_67 = vector.load %arg11[%swap3A_65, %swap3A_66] : memref<8x128xf32, #tpu.memory_space<vmem>>, vector<8x128xf32>
    tpu.vector_store %arg11[%swap3A_65, %swap3A_66], %broadcast_in_dim3A_64 {strides = array<i32>} : memref<8x128xf32, #tpu.memory_space<vmem>>, vector<8x128xf32>,
    return
  }
}

module attributes {stable_mosaic.version = 14 : i64} {
  func.func @body(%arg0: memref<2x10112x128xf32, #tpu.memory_space<vmem>>, %arg1: memref<2x10112x16xf32, #tpu.memory_space<vmem>>, %arg2: memref<1x128xf32, #tpu.memory_space<vmem>>, %arg3: memref<128x16xf32, #tpu.memory_space<vmem>>, %arg4: memref<16x1xf32, #tpu.memory_space<vmem>>, %arg5: memref<16x1xf32, #tpu.memory_space<vmem>>, %arg6: memref<16x128xf32, #tpu.memory_space<vmem>>, %arg7: memref<10112x32xf32, #tpu.memory_space<vmem>>, %arg8: memref<10112x16xf32, #tpu.memory_space<vmem>>, %arg9: memref<8x128xf32, #tpu.memory_space<vmem>>) attributes {dimension_semantics = [], scalar_prefetch = 0 : i64, scratch_operands = 0 : i64, tpu.core_type = #tpu.core_type<tc>} {
    %get3A = arith.constant 0 : index
    %get3A_0 = arith.constant 0 : index
    %get3A_1 = arith.constant 0 : index
    %get3A_2 = vector.load %arg0[%get3A, %get3A_0, %get3A_1] : memref<2x10112x128xf32, #tpu.memory_space<vmem>>, vector<1x10112x128xf32>
    %get3A_3 = vector.shape_cast %get3A_2 : vector<1x10112x128xf32> to vector<10112x128xf32>
    %get3A_4 = arith.constant 1 : index
    %get3A_5 = arith.constant 0 : index
    %get3A_6 = arith.constant 0 : index
    %get3A_7 = vector.load %arg0[%get3A_4, %get3A_5, %get3A_6] : memref<2x10112x128xf32, #tpu.memory_space<vmem>>, vector<1x10112x128xf32>
    %get3A_8 = vector.shape_cast %get3A_7 : vector<1x10112x128xf32> to vector<10112x128xf32>
    %add3A = arith.addf %get3A_3, %get3A_8 : vector<10112x128xf32>
    %get3A_9 = arith.constant 0 : index
    %get3A_10 = arith.constant 0 : index
    %get3A_11 = arith.constant 0 : index
    %get3A_12 = vector.load %arg1[%get3A_9, %get3A_10, %get3A_11] : memref<2x10112x16xf32, #tpu.memory_space<vmem>>, vector<1x10112x16xf32>
    %get3A_13 = vector.shape_cast %get3A_12 : vector<1x10112x16xf32> to vector<10112x16xf32>
    %get3A_14 = arith.constant 1 : index
    %get3A_15 = arith.constant 0 : index
    %get3A_16 = arith.constant 0 : index
    %get3A_17 = vector.load %arg1[%get3A_14, %get3A_15, %get3A_16] : memref<2x10112x16xf32, #tpu.memory_space<vmem>>, vector<1x10112x16xf32>
    %get3A_18 = vector.shape_cast %get3A_17 : vector<1x10112x16xf32> to vector<10112x16xf32>
    %add3A_19 = arith.addf %get3A_13, %get3A_18 : vector<10112x16xf32>
    %get3A_20 = arith.constant 0 : index
    %get3A_21 = arith.constant 0 : index
    %get3A_22 = vector.load %arg6[%get3A_20, %get3A_21] : memref<16x128xf32, #tpu.memory_space<vmem>>, vector<16x128xf32>
    %dot_general3A = arith.constant dense<0.000000e+00> : vector<10112x128xf32>
    %dot_general3A_23 = tpu.matmul %add3A_19, %get3A_22, %dot_general3A {dimension_numbers = #tpu.dot_dimension_numbers<[1], [0], [0], [1], [0, 0, 1, 1], [], []>, transpose_lhs_hint = false} : vector<10112x16xf32>, vector<16x128xf32>, vector<10112x128xf32> -> vector<10112x128xf32>
    %add3A_24 = arith.constant 1.000000e-16 : f32
    %add3A_25 = vector.broadcast %add3A_24 : f32 to vector<10112x128xf32>
    %add3A_26 = arith.addf %dot_general3A_23, %add3A_25 : vector<10112x128xf32>
    %div3A = arith.divf %add3A, %add3A_26 : vector<10112x128xf32>
    %get3A_27 = arith.constant 0 : index
    %get3A_28 = arith.constant 0 : index
    %get3A_29 = vector.load %arg2[%get3A_27, %get3A_28] : memref<1x128xf32, #tpu.memory_space<vmem>>, vector<1x128xf32>
    %add3A_30 = vector.broadcast %get3A_29 : vector<1x128xf32> to vector<10112x128xf32>
    %add3A_31 = arith.addf %div3A, %add3A_30 : vector<10112x128xf32>
    %gt3A = arith.constant 0.000000e+00 : f32
    %gt3A_32 = vector.broadcast %gt3A : f32 to vector<10112x128xf32>
    %gt3A_33 = arith.cmpf ogt, %add3A_31, %gt3A_32 : vector<10112x128xf32>
    %min3A = arith.constant 0.000000e+00 : f32
    %min3A_34 = vector.broadcast %min3A : f32 to vector<10112x128xf32>
    %min3A_35 = arith.minimumf %add3A_31, %min3A_34 : vector<10112x128xf32>
    %exp3A = math.exp %min3A_35 : vector<10112x128xf32>
    %sub3A = arith.constant 1.000000e+00 : f32
    %sub3A_36 = vector.broadcast %sub3A : f32 to vector<10112x128xf32>
    %sub3A_37 = arith.subf %exp3A, %sub3A_36 : vector<10112x128xf32>
    %select_n3A = arith.select %gt3A_33, %add3A_31, %sub3A_37 : vector<10112x128xi1>, vector<10112x128xf32>
    %get3A_38 = arith.constant 0 : index
    %get3A_39 = arith.constant 0 : index
    %get3A_40 = vector.load %arg3[%get3A_38, %get3A_39] : memref<128x16xf32, #tpu.memory_space<vmem>>, vector<128x16xf32>
    %dot_general3A_41 = arith.constant dense<0.000000e+00> : vector<10112x16xf32>
    %dot_general3A_42 = tpu.matmul %select_n3A, %get3A_40, %dot_general3A_41 {dimension_numbers = #tpu.dot_dimension_numbers<[1], [0], [0], [1], [0, 0, 1, 1], [], []>, transpose_lhs_hint = false} : vector<10112x128xf32>, vector<128x16xf32>, vector<10112x16xf32> -> vector<10112x16xf32>
    %get3A_43 = arith.constant 0 : index
    %get3A_44 = arith.constant 0 : index
    %get3A_45 = vector.load %arg4[%get3A_43, %get3A_44] : memref<16x1xf32, #tpu.memory_space<vmem>>, vector<16x1xf32>
    %dot_general3A_46 = arith.constant dense<0.000000e+00> : vector<10112x1xf32>
    %dot_general3A_47 = tpu.matmul %dot_general3A_42, %get3A_45, %dot_general3A_46 {dimension_numbers = #tpu.dot_dimension_numbers<[1], [0], [0], [1], [0, 0, 1, 1], [], []>, transpose_lhs_hint = false} : vector<10112x16xf32>, vector<16x1xf32>, vector<10112x1xf32> -> vector<10112x1xf32>
    %get3A_48 = arith.constant 0 : index
    %get3A_49 = arith.constant 0 : index
    %get3A_50 = vector.load %arg5[%get3A_48, %get3A_49] : memref<16x1xf32, #tpu.memory_space<vmem>>, vector<16x1xf32>
    %dot_general3A_51 = arith.constant dense<0.000000e+00> : vector<10112x1xf32>
    %dot_general3A_52 = tpu.matmul %dot_general3A_42, %get3A_50, %dot_general3A_51 {dimension_numbers = #tpu.dot_dimension_numbers<[1], [0], [0], [1], [0, 0, 1, 1], [], []>, transpose_lhs_hint = false} : vector<10112x16xf32>, vector<16x1xf32>, vector<10112x1xf32> -> vector<10112x1xf32>
    %broadcast_in_dim3A = vector.shape_cast %dot_general3A_47 : vector<10112x1xf32> to vector<10112x1xf32>
    %broadcast_in_dim3A_53 = vector.broadcast %broadcast_in_dim3A : vector<10112x1xf32> to vector<10112x8xf32>
    %broadcast_in_dim3A_54 = vector.shape_cast %dot_general3A_52 : vector<10112x1xf32> to vector<10112x1xf32>
    %broadcast_in_dim3A_55 = vector.broadcast %broadcast_in_dim3A_54 : vector<10112x1xf32> to vector<10112x8xf32>
    %concatenate3A = tpu.concatenate %broadcast_in_dim3A_53, %broadcast_in_dim3A_55 in 1 : vector<10112x8xf32>, vector<10112x8xf32> -> vector<10112x16xf32>
    %concatenate3A_56 = tpu.concatenate %dot_general3A_42, %concatenate3A in 1 : vector<10112x16xf32>, vector<10112x16xf32> -> vector<10112x32xf32>
    %swap3A = arith.constant 0 : index
    %swap3A_57 = arith.constant 0 : index
    %swap3A_58 = vector.load %arg7[%swap3A, %swap3A_57] : memref<10112x32xf32, #tpu.memory_space<vmem>>, vector<10112x32xf32>
    tpu.vector_store %arg7[%swap3A, %swap3A_57], %concatenate3A_56 {strides = array<i32>} : memref<10112x32xf32, #tpu.memory_space<vmem>>, vector<10112x32xf32>,
    %swap3A_59 = arith.constant 0 : index
    %swap3A_60 = arith.constant 0 : index
    %swap3A_61 = vector.load %arg8[%swap3A_59, %swap3A_60] : memref<10112x16xf32, #tpu.memory_space<vmem>>, vector<10112x16xf32>
    tpu.vector_store %arg8[%swap3A_59, %swap3A_60], %concatenate3A {strides = array<i32>} : memref<10112x16xf32, #tpu.memory_space<vmem>>, vector<10112x16xf32>,
    %reduce_max3A = vector.shape_cast %concatenate3A : vector<10112x16xf32> to vector<1x10112x16xf32>
    %reduce_max3A_62 = arith.constant dense<0xFF800000> : vector<1xf32>
    %reduce_max3A_63 = vector.multi_reduction <maximumf>, %reduce_max3A, %reduce_max3A_62 [1, 2] : vector<1x10112x16xf32> to vector<1xf32>
    %reduce_max3A_64 = vector.shape_cast %reduce_max3A_63 : vector<1xf32> to vector<1x1x1xf32>
    %reduce_max3A_65 = vector.extract %reduce_max3A_64[0, 0, 0] : f32 from vector<1x1x1xf32>
    %mul3A = arith.constant 2.000000e+00 : f32
    %mul3A_66 = arith.mulf %mul3A, %reduce_max3A_65 : f32
    %mul3A_67 = arith.constant 2.000000e-01 : f32
    %mul3A_68 = arith.mulf %mul3A_67, %mul3A_66 : f32
    %max3A = arith.maximumf %mul3A_66, %mul3A_68 : f32
    %broadcast_in_dim3A_69 = vector.broadcast %max3A : f32 to vector<8x128xf32>
    %swap3A_70 = arith.constant 0 : index
    %swap3A_71 = arith.constant 0 : index
    %swap3A_72 = vector.load %arg9[%swap3A_70, %swap3A_71] : memref<8x128xf32, #tpu.memory_space<vmem>>, vector<8x128xf32>
    tpu.vector_store %arg9[%swap3A_70, %swap3A_71], %broadcast_in_dim3A_69 {strides = array<i32>} : memref<8x128xf32, #tpu.memory_space<vmem>>, vector<8x128xf32>,
    return
  }
}

module attributes {stable_mosaic.version = 14 : i64} {
  func.func @body(%arg0: memref<2x10112x32xf32, #tpu.memory_space<vmem>>, %arg1: memref<1x16xf32, #tpu.memory_space<vmem>>, %arg2: memref<10000x16xf32, #tpu.memory_space<vmem>>) attributes {dimension_semantics = [], scalar_prefetch = 0 : i64, scratch_operands = 0 : i64, tpu.core_type = #tpu.core_type<tc>} {
    %get3A = arith.constant 0 : index
    %get3A_0 = arith.constant 0 : index
    %get3A_1 = arith.constant 0 : index
    %get3A_2 = vector.load %arg0[%get3A, %get3A_0, %get3A_1] : memref<2x10112x32xf32, #tpu.memory_space<vmem>>, vector<1x10000x32xf32>
    %get3A_3 = vector.shape_cast %get3A_2 : vector<1x10000x32xf32> to vector<10000x32xf32>
    %get3A_4 = arith.constant 1 : index
    %get3A_5 = arith.constant 0 : index
    %get3A_6 = arith.constant 0 : index
    %get3A_7 = vector.load %arg0[%get3A_4, %get3A_5, %get3A_6] : memref<2x10112x32xf32, #tpu.memory_space<vmem>>, vector<1x10000x32xf32>
    %get3A_8 = vector.shape_cast %get3A_7 : vector<1x10000x32xf32> to vector<10000x32xf32>
    %add3A = arith.addf %get3A_3, %get3A_8 : vector<10000x32xf32>
    %slice3A = vector.extract_strided_slice %add3A {offsets = [0, 0], sizes = [10000, 16], strides = [1, 1]} : vector<10000x32xf32> to vector<10000x16xf32>
    %slice3A_9 = vector.extract_strided_slice %add3A {offsets = [0, 16], sizes = [10000, 16], strides = [1, 1]} : vector<10000x32xf32> to vector<10000x16xf32>
    %add3A_10 = arith.constant 1.000000e-16 : f32
    %add3A_11 = vector.broadcast %add3A_10 : f32 to vector<10000x16xf32>
    %add3A_12 = arith.addf %slice3A_9, %add3A_11 : vector<10000x16xf32>
    %div3A = arith.divf %slice3A, %add3A_12 : vector<10000x16xf32>
    %get3A_13 = arith.constant 0 : index
    %get3A_14 = arith.constant 0 : index
    %get3A_15 = vector.load %arg1[%get3A_13, %get3A_14] : memref<1x16xf32, #tpu.memory_space<vmem>>, vector<1x16xf32>
    %add3A_16 = vector.broadcast %get3A_15 : vector<1x16xf32> to vector<10000x16xf32>
    %add3A_17 = arith.addf %div3A, %add3A_16 : vector<10000x16xf32>
    %reduce_max3A = arith.constant dense<0xFF800000> : vector<10000xf32>
    %reduce_max3A_18 = vector.multi_reduction <maximumf>, %add3A_17, %reduce_max3A [1] : vector<10000x16xf32> to vector<10000xf32>
    %broadcast_in_dim3A = vector.shape_cast %reduce_max3A_18 : vector<10000xf32> to vector<10000x1xf32>
    %sub3A = vector.broadcast %broadcast_in_dim3A : vector<10000x1xf32> to vector<10000x16xf32>
    %sub3A_19 = arith.subf %add3A_17, %sub3A : vector<10000x16xf32>
    %exp3A = math.exp %sub3A_19 : vector<10000x16xf32>
    %reduce_sum3A = arith.constant dense<0.000000e+00> : vector<10000xf32>
    %reduce_sum3A_20 = vector.multi_reduction <add>, %exp3A, %reduce_sum3A [1] : vector<10000x16xf32> to vector<10000xf32>
    %broadcast_in_dim3A_21 = vector.shape_cast %reduce_sum3A_20 : vector<10000xf32> to vector<10000x1xf32>
    %log3A = math.log %broadcast_in_dim3A_21 : vector<10000x1xf32>
    %sub3A_22 = vector.broadcast %log3A : vector<10000x1xf32> to vector<10000x16xf32>
    %sub3A_23 = arith.subf %sub3A_19, %sub3A_22 : vector<10000x16xf32>
    %swap3A = arith.constant 0 : index
    %swap3A_24 = arith.constant 0 : index
    %swap3A_25 = vector.load %arg2[%swap3A, %swap3A_24] : memref<10000x16xf32, #tpu.memory_space<vmem>>, vector<10000x16xf32>
    tpu.vector_store %arg2[%swap3A, %swap3A_24], %sub3A_23 {strides = array<i32>} : memref<10000x16xf32, #tpu.memory_space<vmem>>, vector<10000x16xf32>,
    return
  }
}

</mosaic_0001>

<sc_bundles>
// kernel: kernel.10.cloned.1.call-start
scs
__scs_entry_jumppad:
0x0: {  	(pc) =	sbr.rel $0x88, $3  }
0x1: {  	(tag) =	ssettag $0x0;
	lr =	simm.s32 $0x1  }
0x2: {  	[smem:$0x3F97] =	sst lr;
	_ =	strace $0xD0000000  }
0x3: {  	_ = 	snop  }
0x4: {  	_ = 	snop  }
0x5: {  	_ = 	snop  }
0x6: {  	_ = 	snop  }
0x7: {  	_ = 	snop  }
__scs_overlays_trampoline_lowered:
0x8: {  	[smem:$0x3FA6] =	sst s0  }
0x9: {  	[smem:$0x3FA7] =	sst s1  }
0xa: {  	[smem:$0x3FA8] =	sst s2  }
0xb: {  	[smem:$0x3FA9] =	sst s3  }
0xc: {  	[smem:$0x3FAA] =	sst s4  }
0xd: {  	[smem:$0x3FAB] =	sst s5  }
0xe: {  	[smem:$0x3FAC] =	sst s6  }
0xf: {  	[smem:$0x3FAD] =	sst s7  }
0x10: {  	[smem:$0x3FAE] =	sst s8  }
0x11: {  	[smem:$0x3FAF] =	sst s9;
	s0 =	simm.s32 @!p0 $0x0  }
0x12: {  	s1 =	sld [smem:$0x3F95];
	s0 =	simm.s32 @p0 $0x1  }
0x13: {  	[smem:$0x3FB0] =	sst s0;
	s0 =	simm.s32 @!p1 $0x0  }
0x14: {  	s2 =	sld [smem:$0x3F94];
	s0 =	simm.s32 @p1 $0x1  }
0x15: {  	[smem:$0x3FB1] =	sst s0;
	s0 =	simm.s32 @!p2 $0x0  }
0x16: {  	s3 =	sld [smem:$0x3FDB];
	s0 =	simm.s32 @p2 $0x1  }
0x17: {  	s4 =	simm.s32 $0x1BF5;
	[smem:$0x3FB3] =	sst s0  }
0x18: {  	s0 =	sld [smem:$0x3F96];
	_ =	swait.ge [sflag:s4], $0x0  }
0x19: {  	s7 =	sld [smem:$0x3F97]  }
0x1a: {  	s8 =	sadd.s32 $0xFFFFE003, lr  }
0x1b: {  	s9 =	sadd.s32 $0xFFFFFEF7, lr;
	s5 =	simm.s32 $0xFFFFFFFF;
	p2 =	slt.u32 s8, $0xFFFFF086  }
0x1c: {  	p1 =	slt.u32 s9, $0xF7A;
	s5 =	simm.s32 @!p2 $0x0  }
0x1d: {  	s5 =	simm.s32 @p1 $0x1;
	p0 =	seq.s32 s7, s2  }
0x1e: {  	s7 =	smul.u32 @!p0 $0xF7A, s2;
	p2 =	seq.s32 @!p0 s5, $0x0  }
0x1f: {  	s9 =	smul.u32 $0xF7A, s1;
	s8 =	simm.s32 @!p0 $0x1BF5;
	p2 =	por !p2, p0  }
0x20: {  	[sflag:s8] =	ssyncset.s32 @!p0 $0xFFFFF086;
	s6 =	sadd.s32 @!p0 s3, s7;
	s7 =	simm.s32 @!p0 $0x108  }
0x21: {  	s3 =	sadd.s32 s3, s9;
	s6 =	sadd.s32 @!p0 $0x88, s6;
	s7 =	simm.s32 @p2 $0x1082  }
0x22: {  	[simem:s7], [sflag:s8] =	dma.local @!p0 [hbm:s6], $0xF7A  }
0x23: {  	s9 =	sor.u32 $0xD0000000, s2;
	s6 =	simm.s32 $0x108;
	_ =	swait.ge @!p0 [sflag:s8], $0x0  }
0x24: {  	s3 =	sadd.s32 $0x88, s3;
	s6 =	simm.s32 @!p1 $0x1082;
	[sflag:s4] =	ssyncset.s32 $0xFFFFF086  }
0x25: {  	[simem:s6], [sflag:s4] =	dma.local [hbm:s3], $0xF7A  }
0x26: {  	[smem:$0x3F97] =	sst s1;
	(tag) =	ssettag s2;
	_ =	strace s9  }
0x27: {  	s1 =	sld [smem:$0x3FA7]  }
0x28: {  	s2 =	sld [smem:$0x3FA8]  }
0x29: {  	s4 =	sld [smem:$0x3FAA]  }
0x2a: {  	p0 =	seq.s32 s5, $0x0;
	s5 =	sld [smem:$0x3FAB]  }
0x2b: {  	s6 =	sld [smem:$0x3FAC]  }
0x2c: {  	s7 =	sld [smem:$0x3FAD]  }
0x2d: {  	s3 =	simm.s32 $0x108;
	s8 =	sld [smem:$0x3FAE]  }
0x2e: {  	s3 =	simm.s32 @!p0 $0x1082;
	s9 =	sld [smem:$0x3FAF]  }
0x2f: {  	lr =	sadd.s32 s0, s3;
	s0 =	sld [smem:$0x3FA6]  }
0x30: {  	s3 =	sld [smem:$0x3FA9]  }
0x31: {  	[smem:$0x3FB2] =	sst s10  }
0x32: {  	s10 =	sld [smem:$0x3FB0];
	_ =	sdelay $0x3  }
0x33: {  	p0 =	seq.s32 s10, $0x1;
	s10 =	sld [smem:$0x3FB2];
	_ =	sdelay $0x3  }
0x34: {  	[smem:$0x3FB2] =	sst s10  }
0x35: {  	s10 =	sld [smem:$0x3FB1];
	_ =	sdelay $0x3  }
0x36: {  	p1 =	seq.s32 s10, $0x1;
	s10 =	sld [smem:$0x3FB2];
	_ =	sdelay $0x3  }
0x37: {  	[smem:$0x3FB2] =	sst s10  }
0x38: {  	s10 =	sld [smem:$0x3FB3]  }
0x39: {  	_ = 	snop;
	(pc) =	sbr.ind lr, $3  }
0x3a: {  	_ = 	snop  }
0x3b: {  	_ = 	snop  }
0x3c: {  	p2 =	seq.s32 s10, $0x1;
	s10 =	sld [smem:$0x3FB2]  }
0x3d: {  	_ =	shalt  }
0x3e: {  	_ =	shalt  }
0x3f: {  	_ =	shalt  }
0x40: {  	_ =	shalt  }
0x41: {  	_ =	shalt  }
0x42: {  	_ =	shalt  }
0x43: {  	_ =	shalt  }
0x44: {  	_ =	shalt  }
0x45: {  	_ =	shalt  }
0x46: {  	_ =	shalt  }
0x47: {  	_ =	shalt  }
0x48: {  	_ =	shalt  }
0x49: {  	_ =	shalt  }
0x4a: {  	_ =	shalt  }
0x4b: {  	_ =	shalt  }
0x4c: {  	_ =	shalt  }
0x4d: {  	_ =	shalt  }
0x4e: {  	_ =	shalt  }
0x4f: {  	_ =	shalt  }
0x50: {  	_ =	shalt  }
0x51: {  	_ =	shalt  }
0x52: {  	_ =	shalt  }
0x53: {  	_ =	shalt  }
0x54: {  	_ =	shalt  }
0x55: {  	_ =	shalt  }
0x56: {  	_ =	shalt  }
0x57: {  	_ =	shalt  }
0x58: {  	_ =	shalt  }
0x59: {  	_ =	shalt  }
0x5a: {  	_ =	shalt  }
0x5b: {  	_ =	shalt  }
0x5c: {  	_ =	shalt  }
0x5d: {  	_ =	shalt  }
0x5e: {  	_ =	shalt  }
0x5f: {  	_ =	shalt  }
0x60: {  	_ =	shalt  }
0x61: {  	_ =	shalt  }
0x62: {  	_ =	shalt  }
0x63: {  	_ =	shalt  }
0x64: {  	_ =	shalt  }
0x65: {  	_ =	shalt  }
0x66: {  	_ =	shalt  }
0x67: {  	_ =	shalt  }
0x68: {  	_ =	shalt  }
0x69: {  	_ =	shalt  }
0x6a: {  	_ =	shalt  }
0x6b: {  	_ =	shalt  }
0x6c: {  	_ =	shalt  }
0x6d: {  	_ =	shalt  }
0x6e: {  	_ =	shalt  }
0x6f: {  	_ =	shalt  }
0x70: {  	_ =	shalt  }
0x71: {  	_ =	shalt  }
0x72: {  	_ =	shalt  }
0x73: {  	_ =	shalt  }
0x74: {  	_ =	shalt  }
0x75: {  	_ =	shalt  }
0x76: {  	_ =	shalt  }
0x77: {  	_ =	shalt  }
0x78: {  	_ =	shalt  }
0x79: {  	_ =	shalt  }
0x7a: {  	_ =	shalt  }
0x7b: {  	_ =	shalt  }
0x7c: {  	_ =	shalt  }
0x7d: {  	_ =	shalt  }
0x7e: {  	_ =	shalt  }
0x7f: {  	_ =	shalt  }
0x80: {  	_ =	shalt  }
0x81: {  	_ =	shalt  }
0x82: {  	_ =	shalt  }
0x83: {  	_ =	shalt  }
0x84: {  	_ =	shalt  }
0x85: {  	_ =	shalt  }
0x86: {  	_ =	shalt  }
0x87: {  	_ =	shalt  }
.Lfunc_end0:
.L_simem_size_0:
called_computation.1_lowered:
.L_overlay_start_0:
0x88: {  	s2 =	sld [smem:$0x3FD9]  }
0x89: {  	s3 =	sld [smem:$0x3FFE];
	_ =	sdelay $0x1  }
0x8a: {  	s1 =	srdreg.scid  }
0x8b: {  	s0 =	sand.u32 $0x1, s1  }
0x8c: {  	s17 =	sshll.u32 s0, $0xA;
	s2 =	sadd.s32 s3, s2  }
0x8d: {  	s2 =	sadd.s32 s2, s17  }
0x8e: {  	[smem:$0x3FBE] =	sst s2  }
0x8f: {  	_ = 	snop  }
0x90: {  	s2 =	sld [smem:$0x3FD0];
	(tm) =	ssettm $0x1  }
0x91: {  	s18 =	sld [smem:$0x3FFB];
	_ =	sdelay $0x3  }
0x92: {  	_ =	strace s18  }
0x93: {  	s3 =	sld [smem:$0x3FFC];
	_ =	sdelay $0x3  }
0x94: {  	_ =	strace s3  }
0x95: {  	s3 =	sld [smem:$0x3FFD];
	_ =	sdelay $0x3  }
0x96: {  	_ =	strace s3  }
0x97: {  	_ =	strace $0x8FFFFFFF  }
0x98: {  	s19 =	sld [smem:$0x3FDB];
	_ =	sdelay $0x1  }
0x99: {  	s4 =	simm.s32 $_scs_section_size  }
0x9a: {  	s5 =	simm.s32 $_size__tile_overlayer_lowered;
	s6 =	simm.s32 $_tile_overlayer_lowered  }
0x9b: {  	s22 =	simm.s32 $0x1BFF;
	s21 =	sshll.u32 s6, $0x1;
	s3 =	sadd.s32 s4, s19  }
0x9c: {  	s7 =	simm.s32 $0x0;
	s20 =	sshll.u32 s5, $0x1;
	s5 =	sadd.s32 s21, s3  }
0x9d: {  	[timem:s7], [sflag:s22] =	dma.local [hbm:s5], s20  }
0x9e: {  	_ =	swait.ge [sflag:s22], s20  }
0x9f: {  	s4 =	ssub.s32 $0x0, s20;
	[sflag:s22] =	ssyncset.done $0x0  }
0xa0: {  	[sflag:s22] =	ssyncadd.s32 s4;
	_ =	sdelay $0x1  }
0xa1: {  	s23 =	simm.s32 $0x1B8B  }
0xa2: {  	_ =	swait.ge [sflag:s23], $0x1  }
0xa3: {  	[sflag:s23] =	ssyncset.done $0x0  }
0xa4: {  	s25 =	simm.s32 $0x1B8E;
	s24 =	sld [smem:$0x3FFE];
	[sflag:s23] =	ssyncadd.s32 $0xFFFFFFFF  }
0xa5: {  	s26 =	simm.s32 $execute0_lowered;
	[smem:$0x3FD2] =	sst s25  }
0xa6: {  	s5 =	sshll.u32 s26, $0x1;
	_ =	strace $0x80000049;
	[dreg:$0x1] =	wrdreg $0xFFFFFFFF  }
0xa7: {  	s28 =	simm.s32 $_size_execute0_lowered;
	s3 =	sadd.s32 s3, s5;
	[dreg:$0x0] =	wrdreg $0x0  }
0xa8: {  	s5 =	sshll.u32 s28, $0x1;
	[dreg:$0x2] =	wrdreg s3  }
0xa9: {  	[dreg:$0x3] =	wrdreg s5  }
0xaa: {  	[dreg:$0x4] =	wrdreg $0xC0  }
0xab: {  	_ =	task [dreg:s7], $0x5FFFF  }
0xac: {  	[dreg:$0x1] =	wrdreg $0xFFFFFFFF  }
0xad: {  	[dreg:$0x0] =	wrdreg $0x60  }
0xae: {  	[dreg:$0x2] =	wrdreg s24  }
0xaf: {  	[dreg:$0x3] =	wrdreg s2  }
0xb0: {  	[dreg:$0x4] =	wrdreg $0x54100  }
0xb1: {  	[dreg:$0x5] =	wrdreg $0x9  }
0xb2: {  	_ =	task.clear_ibuf [dreg:s7], $0x6FFFF;
	_ =	strace $0x90000049  }
0xb3: {  	s29 =	simm.s32 $0x9;
	_ =	strace $0x8000004B  }
0xb4: {  	_ =	swait.ge [sflag:s29], $0x1  }
0xb5: {  	[sflag:s29] =	ssyncadd.s32 $0xFFFFFFFF  }
0xb6: {  	_ =	strace $0x9000004B  }
0xb7: {  	_ =	sfence  }
0xb8: {  	s30 =	sld [smem:$0x0];
	_ =	sdelay $0x2  }
0xb9: {  	s31 =	sshll.u32 s1, $0xD;
	s1 =	sshrl.u32 s1, $0x2  }
0xba: {  	s3 =	sand.u32 $0x4000, s31;
	s1 =	sadd.s32 s1, s30  }
0xbb: {  	s0 =	sor.u32 s3, s0;
	s1 =	sshll.u32 s1, $0x11  }
0xbc: {  	s0 =	sor.u32 s1, s0  }
0xbd: {  	s0 =	sadd.s32 $0x8F2B, s0  }
0xbe: {  	[sflag:s0] =	ssyncadd.remote.s32 $0x1  }
0xbf: {  	_ =	sfence.sel $0xFFFF  }
0xc0: {  	[dreg:$0x0] =	wrdreg $0xFFFFFFFF;
	(pc) =	sbr.abs _section_cstart, $3  }
0xc1: {  	[dreg:$0x1] =	wrdreg $0xFFFFFFFF  }
0xc2: {  	_ =	task.clear_ibuf [dreg:s7], $0x2FFFF;
	_ =	strace $0x9FFFFFFF  }
0xc3: {  	(tm) =	ssettm $0x7FFFFFFF  }
tec
execute0_lowered:
.L_overlay_start_1:
0x0: {  	(tag) =	ssettag $0x1  }
0x1: {  	s0 =	rddreg [dreg:$0x0]  }
0x2: {  	s1 =	rddreg [dreg:$0x1]  }
0x3: {  	s3 =	rddreg [dreg:$0x2];
	s4 =	simm.s32 $0x0  }
0x4: {  	s13 =	stileid.u32;
	s2 =	srdreg.scid;
	s19 =	simm.s32 $0x8  }
0x5: {  	s30 =	simm.s32 $0x2;
	s31 =	simm.s32 $0x1;
	s20 =	simm.s32 $0x4  }
0x6: {  	s29 =	simm.s32 $0x0;
	[smem:$0x7FF] =	sst s4;
	s8 =	smul.u32 $0x4F00, s13  }
0x7: {  	s2 =	sand.u32 $0x1, s2;
	s5 =	sadd.s32 $0x2E00, s0;
	s6 =	sadd.s32 $0xD200, s0  }
0x8: {  	s7 =	sadd.s32 $0x17600, s0;
	s10 =	sadd.s32 $0x21400, s0;
	s22 =	sshll.u32 s13, $0x6  }
0x9: {  	_ =	strace $0x8000004A;
	s9 =	smul.u32 $0x4F000, s2;
	[dreg:$0x4] =	wrdreg s10  }
0xa: {  	s11 =	sshll.u32 s2, $0x4;
	s2 =	ssub.s32 $0x2, s2;
	s21 =	sshrl.u32 s8, $0x3  }
0xb: {  	s11 =	sor.u32 s13, s11;
	s12 =	sshrl.u32 s2, $0x1;
	s9 =	sadd.s32 s8, s9  }
0xc: {  	s10 =	sadd.s32 s21, s0;
	s2 =	ssub.s32 s2, s12;
	s9 =	sshrl.u32 s9, $0x3  }
0xd: {  	s10 =	sadd.s32 $0x21600, s10;
	s0 =	sadd.s32 s9, s0;
	s9 =	smul.u32 $0x2900, s11  }
0xe: {  	s8 =	sadd.s32 s8, s3;
	s28 =	smax.u32 s2, $0x1;
	[dreg:$0x5] =	wrdreg s10  }
0xf: {  	v0 =	vimm.s32 $0xFEDCBA98;
	[dreg:$0xb] =	wrdreg s28;
	s0 =	sadd.s32 $0x2B400, s0;
	s23 =	sshrl.u32 s9, $0x3  }
0x10: {  	v1 =	vimm.s32 $0x76543210;
	v0 =	vunpack.c.l.s4.s8 v0;
	s2 =	simm.s32 $0x3;
	[dreg:$0xa] =	wrdreg s0;
	s24 =	sadd.s32 s5, s23  }
0x11: {  	v1 =	vunpack.c.l.s4.s8 v1;
	s25 =	sadd.s32 s6, s23;
	s10 =	sor.u32 $0x10, s23;
	[dreg:$0x6] =	wrdreg s24  }
0x12: {  	v0 =	vunpack.c.0.s8.s32 v0;
	s11 =	sor.u32 $0x1C08, s22;
	[dreg:$0x7] =	wrdreg s25;
	s26 =	sadd.s32 s5, s10  }
0x13: {  	v1 =	vunpack.c.0.s8.s32 v1;
	s22 =	simm.s32 $0x80;
	s10 =	sadd.s32 s6, s10;
	[dreg:$0x8] =	wrdreg s26  }
0x14: {  	v0 =	vand.u32 $0xF, v0;
	s0 =	simm.s32 $0x3400;
	[dreg:$0x9] =	wrdreg s10;
	s10 =	sshrl.u32 s8, $0x3  }
0x15: {  	vm0 =	vmmov $0xff;
	v0 =	vcombine.low v0, v1;
	s24 =	simm.s32 $0x7;
	s25 =	simm.s32 $0x4400;
	[dreg:$0xc] =	wrdreg s10  }
.LBB2_1:
0x16: {  	s8 =	rddreg [dreg:$0x5]  }
0x17: {  	[spmem:s10], [sflag:s11] =	dma.local [hbm:s8], $0x9E0  }
0x18: {  	_ =	swait.ge [sflag:s19], $0x9E0  }
0x19: {  	s18 =	smov.u32 s11;
	[sflag:s19] =	ssyncset.done $0x0  }
0x1a: {  	s11 =	simm.s32 $0x5400;
	s10 =	rddreg [dreg:$0x4];
	[sflag:s19] =	ssyncadd.s32 $0xFFFFF620  }
0x1b: {  	[tilespmem:s11], [sflag:$0x8] =	stream.linear.gather [hbm4b:s10+s4], $0x10, $0x38;
	[tilespmem:$0xA310] =	vst v63  }
0x1c: {  	_ =	swait.ge [sflag:s19], $0x10  }
0x1d: {  	[sflag:s19] =	ssyncset.done $0x0  }
0x1e: {  	s12 =	rddreg [dreg:$0x6];
	[sflag:s19] =	ssyncadd.s32 $0xFFFFFFF0  }
0x1f: {  	v1 =	vld [tilespmem:$0x5400];
	[tilespmem:s4], [sflag:$0x7] =	stream.linear.gather [hbm4b:s12+s4], $0x80, $0x38  }
0x20: {  	s14 =	simm.s32 $0x200;
	s13 =	rddreg [dreg:$0x7]  }
0x21: {  	[tilespmem:s14], [sflag:$0x7] =	stream.linear.gather [hbm4b:s13+s4], $0x80, $0x38;
	[tilespmem:$0xA310] =	vst v63  }
0x22: {  	s15 =	rddreg [dreg:$0x8]  }
0x23: {  	[tilespmem:s22], [sflag:$0x7] =	stream.linear.gather [hbm4b:s15+s4], $0x80, $0x38;
	[tilespmem:$0xA310] =	vst v63  }
0x24: {  	s17 =	simm.s32 $0x280;
	s16 =	rddreg [dreg:$0x9]  }
0x25: {  	[tilespmem:s17], [sflag:$0x7] =	stream.linear.gather [hbm4b:s16+s4], $0x80, $0x38;
	[tilespmem:$0xA310] =	vst v63  }
0x26: {  	_ =	swait.ge [sflag:s24], $0x80  }
0x27: {  	[sflag:s24] =	ssyncset.done $0x0  }
0x28: {  	[sflag:s24] =	ssyncadd.s32 $0xFFFFFF80  }
0x29: {  	_ =	swait.ge [sflag:s24], $0x80  }
0x2a: {  	[sflag:s24] =	ssyncset.done $0x0  }
0x2b: {  	s21 =	simm.s32 $0x400;
	[sflag:s24] =	ssyncadd.s32 $0xFFFFFF80  }
0x2c: {  	[tilespmem:s21], [sflag:$0x1] =	stream.indirect.gather [hbm4b:s7+s22], $0x20, s4, s22, $0xb8;
	[tilespmem:$0xA310] =	vst v63  }
0x2d: {  	s23 =	simm.s32 $0x2400  }
0x2e: {  	[tilespmem:s23], [sflag:$0x2] =	stream.indirect.gather [hbm4b:s1+s22], $0x10, s14, s22, $0xb8;
	[tilespmem:$0xA310] =	vst v63  }
0x2f: {  	_ =	swait.ge [sflag:s24], $0x80  }
0x30: {  	[sflag:s24] =	ssyncset.done $0x0  }
0x31: {  	[sflag:s24] =	ssyncadd.s32 $0xFFFFFF80  }
0x32: {  	_ =	swait.ge [sflag:s24], $0x80  }
0x33: {  	[sflag:s24] =	ssyncset.done $0x0  }
0x34: {  	s26 =	simm.s32 $0x1400;
	[sflag:s24] =	ssyncadd.s32 $0xFFFFFF80  }
0x35: {  	[tilespmem:s26], [sflag:$0x3] =	stream.indirect.gather [hbm4b:s7+s22], $0x20, s22, s22, $0xb8;
	[tilespmem:$0xA310] =	vst v63  }
0x36: {  	s28 =	simm.s32 $0x2C00  }
0x37: {  	[tilespmem:s28], [sflag:$0x4] =	stream.indirect.gather [hbm4b:s1+s22], $0x10, s17, s22, $0xb8;
	[tilespmem:$0xA310] =	vst v63  }
0x38: {  	s8 =	simm.s32 $0x0;
	[bflag:$0x0] =	sbarrier.arrive $0xFFFF  }
.LBB2_2:
0x39: {  	p1 =	seq.s32 s8, $0x0  }
0x3a: {  	p0 =	seq.s32 @!p1 s8, $0x28  }
0x3b: {  	p2 =	por p1, !p0  }
.Ltmp0:
0x3c: {  	_ = 	snop;
	(pc) =	sbr.rel @!p2 .LBB2_4-.Ltmp0, $4  }
0x3d: {  	s10 =	simm.s32 @!p1 $0x5  }
0x3e: {  	_ =	swait.ge @!p1 [sflag:s10], $0x1000  }
0x3f: {  	s21 =	sshll.u32 s8, $0x1;
	[sflag:s10] =	ssyncset.done @!p1 $0x0  }
0x40: {  	p0 =	por @!p1 $0x1, $0x1;
	[sflag:s10] =	ssyncadd.s32 @!p1 $0xFFFFF000;
	s10 =	sadd.s32 @!p1 $0x2, s21  }
0x41: {  	s10 =	simm.s32 @p1 $0x2  }
0x42: {  	s11 =	sshll.u32 s10, $0x7  }
0x43: {  	s12 =	sadd.s32 s9, s11  }
0x44: {  	s12 =	sshrl.u32 s12, $0x3  }
0x45: {  	s11 =	sand.u32 $0x100, s11;
	s13 =	sadd.s32 s5, s12  }
0x46: {  	[tilespmem:s11], [sflag:$0x7] =	stream.linear.gather [hbm4b:s13+s4], $0x80, $0x38;
	[tilespmem:$0xA310] =	vst v63  }
0x47: {  	p0 =	por $0x0, $0x0;
	s12 =	sadd.s32 s6, s12;
	s11 =	sor.u32 $0x200, s11  }
0x48: {  	[tilespmem:s11], [sflag:$0x7] =	stream.linear.gather [hbm4b:s12+s4], $0x80, $0x38;
	[tilespmem:$0xA310] =	vst v63  }
.LBB2_4:
0x49: {  	_ =	swait.ge [sflag:s31], $0x1000  }
0x4a: {  	[sflag:s31] =	ssyncset.done $0x0  }
0x4b: {  	[sflag:s31] =	ssyncadd.s32 $0xFFFFF000  }
0x4c: {  	_ =	swait.ge [sflag:s30], $0x800  }
0x4d: {  	[sflag:s30] =	ssyncset.done $0x0  }
0x4e: {  	s13 =	simm.s32 $0x480;
	[sflag:s30] =	ssyncadd.s32 $0xFFFFF800  }
0x4f: {  	v2 =	vld [tilespmem:s13+$0xFFFFFFF0]  }
0x50: {  	s11 =	simm.s32 $0x2440;
	v3 =	vld [tilespmem:s13+$0x10]  }
0x51: {  	v4 =	vld [tilespmem:s11+$0x0]  }
0x52: {  	v5 =	vld [tilespmem:s11+$0xFFFFFFE0]  }
0x53: {  	v6 =	vld [tilespmem:s11+$0xFFFFFFD0]  }
0x54: {  	v7 =	vld [tilespmem:s13+$0xFFFFFFB0]  }
0x55: {  	v8 =	vld [tilespmem:s11+$0xFFFFFFF0]  }
0x56: {  	v11 =	vld [tilespmem:s13+$0xFFFFFFD0];
	_ =	sdelay $0x1  }
0x57: {  	v10 =	vld [tilespmem:s11+$0xFFFFFFC0]  }
0x58: {  	v13 =	vld [tilespmem:s13+$0x30]  }
0x59: {  	v3 =	vsel vm0, v3, v4;
	v4 =	vld [tilespmem:s13+$0xFFFFFF90];
	v6 =	vsel vm0, v7, v6  }
0x5a: {  	v7 =	vld [tilespmem:s11+$0x10];
	v2 =	vsel vm0, v2, v8;
	v5 =	vsel vm0, v11, v5;
	v9 =	vperm.xlane v3, v0  }
0x5b: {  	v14 =	vperm.xlane v2, v0;
	v16 =	vperm.xlane v5, v0  }
0x5c: {  	v12 =	vld [tilespmem:s11+$0x30];
	v3 =	vadd.f32 v9, v3;
	v9 =	vperm.xlane v6, v0  }
0x5d: {  	v2 =	vadd.f32 v14, v2;
	v14 =	vld [tilespmem:s13+$0x70];
	v5 =	vadd.f32 v16, v5  }
0x5e: {  	v8 =	vmul.f32 $2.000000030e-01, v3;
	v6 =	vadd.f32 v9, v6;
	v9 =	vld [tilespmem:s13+$0x50]  }
0x5f: {  	v4 =	vsel vm0, v4, v10;
	v10 =	vld [tilespmem:s11+$0x20];
	v7 =	vsel vm0, v13, v7;
	v19 =	vmul.f32 $2.000000030e-01, v5  }
0x60: {  	s14 =	simm.s32 $0x24C0;
	v17 =	vperm.xlane v7, v0;
	v3 =	vmax.f32 v3, v8  }
0x61: {  	s23 =	simm.s32 $0x580;
	v18 =	vld [tilespmem:s14+$0xFFFFFFE0];
	v8 =	vperm.xlane v4, v0;
	v15 =	vmul.f32 $2.000000030e-01, v6;
	v5 =	vmax.f32 v5, v19  }
0x62: {  	v11 =	vld [tilespmem:s23+$0xFFFFFFF0];
	v3 =	vsub.f32 v3, v1;
	v12 =	vsel vm0, v14, v12;
	v7 =	vadd.f32 v17, v7  }
0x63: {  	v4 =	vadd.f32 v8, v4;
	v8 =	vmul.f32 $2.000000030e-01, v2;
	v6 =	vmax.f32 v6, v15;
	v15 =	vld [tilespmem:s23+$0x10]  }
0x64: {  	v3 =	vmul.f32 $1.442695020e+00, v3;
	v6 =	vsub.f32 v6, v1;
	v9 =	vsel vm0, v9, v10;
	v10 =	vld [tilespmem:s14+$0x0]  }
0x65: {  	v16 =	vmul.f32 $2.000000030e-01, v7;
	v13 =	vmul.f32 $2.000000030e-01, v4;
	v2 =	vmax.f32 v2, v8;
	v8 =	vld [tilespmem:s14+$0xFFFFFFD0]  }
0x66: {  	v5 =	vsub.f32 v5, v1;
	v17 =	vperm.xlane v9, v0;
	(erf) = vpow2.f32 v3;
	v3 =	vld [tilespmem:s23+$0xFFFFFFD0]  }
0x67: {  	v14 =	vperm.xlane v12, v0;
	v6 =	vmul.f32 $1.442695020e+00, v6;
	v7 =	vmax.f32 v7, v16;
	v16 =	vld [tilespmem:s14+$0xFFFFFFC0]  }
0x68: {  	v2 =	vsub.f32 v2, v1;
	v4 =	vmax.f32 v4, v13;
	v13 =	vld [tilespmem:s14+$0xFFFFFFF0];
	v9 =	vadd.f32 v17, v9  }
0x69: {  	v5 =	vmul.f32 $1.442695020e+00, v5;
	v17 =	vld [tilespmem:s23+$0xFFFFFFB0];
	v7 =	vsub.f32 v7, v1;
	v4 =	vsub.f32 v4, v1  }
0x6a: {  	(erf) = vpow2.f32 v6;
	v6 =	vld [tilespmem:s23+$0xFFFFFF90];
	v2 =	vmul.f32 $1.442695020e+00, v2;
	v10 =	vsel vm0, v15, v10  }
0x6b: {  	v12 =	vadd.f32 v14, v12;
	v15 =	vmul.f32 $2.000000030e-01, v9;
	v14 =	vperm.xlane v10, v0  }
0x6c: {  	s15 =	simm.s32 $0x2540;
	v7 =	vmul.f32 $1.442695020e+00, v7;
	v4 =	vmul.f32 $1.442695020e+00, v4;
	v3 =	vsel vm0, v3, v18  }
0x6d: {  	v23 =	vld [tilespmem:s15+$0xFFFFFFF0];
	v9 =	vmax.f32 v9, v15;
	v11 =	vsel vm0, v11, v13;
	v10 =	vadd.f32 v14, v10  }
0x6e: {  	v19 =	vld [tilespmem:s14+$0x10];
	v13 =	vmul.f32 $2.000000030e-01, v12;
	(erf) = vpow2.f32 v4;
	v8 =	vsel vm0, v17, v8  }
0x6f: {  	v18 =	vld [tilespmem:s14+$0x30];
	v14 =	vperm.xlane v11, v0;
	v6 =	vsel vm0, v6, v16;
	v4 =	vmul.f32 $2.000000030e-01, v10  }
0x70: {  	v20 =	vperm.xlane v3, v0;
	v12 =	vmax.f32 v12, v13;
	v13 =	vld [tilespmem:s23+$0x70];
	v16 =	vperm.xlane v6, v0  }
0x71: {  	v11 =	vadd.f32 v14, v11;
	v14 =	vld [tilespmem:s23+$0x30];
	v4 =	vmax.f32 v10, v4;
	v10 =	vperm.xlane v8, v0  }
0x72: {  	s12 =	simm.s32 $0x680;
	v17 =	vld [tilespmem:s14+$0x20];
	v12 =	vsub.f32 v12, v1;
	v21 =	vpop (erf);
	(erf) = vpow2.f32 v7;
	v6 =	vadd.f32 v16, v6  }
0x73: {  	v16 =	vld [tilespmem:s12+$0xFFFFFFF0];
	v4 =	vsub.f32 v4, v1;
	v15 =	vmul.f32 $2.000000030e-01, v11;
	v8 =	vadd.f32 v10, v8  }
0x74: {  	v9 =	vsub.f32 v9, v1;
	v12 =	vmul.f32 $1.442695020e+00, v12;
	v10 =	vld [tilespmem:s23+$0x50];
	v24 =	vmul.f32 $2.000000030e-01, v6  }
0x75: {  	v4 =	vmul.f32 $1.442695020e+00, v4;
	v11 =	vmax.f32 v11, v15;
	v15 =	vmul.f32 $2.000000030e-01, v8  }
0x76: {  	v26 =	vld [tilespmem:s15+$0xFFFFFFD0];
	v13 =	vsel vm0, v13, v18;
	v14 =	vsel vm0, v14, v19;
	v6 =	vmax.f32 v6, v24  }
0x77: {  	v7 =	vld [tilespmem:s12+$0x10];
	v18 =	vperm.xlane v13, v0;
	v29 =	vsub.f32 v11, v1;
	v22 =	vperm.xlane v14, v0  }
0x78: {  	s14 =	simm.s32 $0x3480;
	v19 =	vld [tilespmem:s15+$0xFFFFFFE0];
	v6 =	vsub.f32 v6, v1;
	(erf) = vpow2.f32 v4;
	v16 =	vsel vm0, v16, v23  }
0x79: {  	[tilespmem:s14+$0x10] =	vst v21;
	v8 =	vmax.f32 v8, v15;
	(erf) = vpow2.f32 v5;
	v10 =	vsel vm0, v10, v17;
	v17 =	vld [tilespmem:s15+$0x0];
	v15 =	vpop (erf)  }
0x7a: {  	v23 =	vld [tilespmem:s13+$0x0];
	v5 =	vadd.f32 v20, v3;
	v8 =	vsub.f32 v8, v1;
	v6 =	vmul.f32 $1.442695020e+00, v6;
	v25 =	vpop (erf)  }
0x7b: {  	v24 =	vld [tilespmem:s12+$0xFFFFFFD0];
	v14 =	vadd.f32 v22, v14;
	(erf) = vpow2.f32 v2;
	v22 =	vperm.xlane v10, v0;
	[tilespmem:s14+$0xFFFFFF90] =	vst v25  }
0x7c: {  	v20 =	vadd.f32 v18, v13;
	(erf) = vpow2.f32 v12;
	v8 =	vmul.f32 $1.442695020e+00, v8;
	v4 =	vld [tilespmem:s13+$0xFFFFFF80]  }
0x7d: {  	v18 =	vld [tilespmem:s15+$0xFFFFFFC0];
	v12 =	vmul.f32 $2.000000030e-01, v5;
	v2 =	vmul.f32 $2.000000030e-01, v14;
	[tilespmem:s14+$0xFFFFFFB0] =	vst v15;
	v22 =	vadd.f32 v22, v10  }
0x7e: {  	v13 =	vld [tilespmem:s13+$0xFFFFFFA0];
	(erf) = vpow2.f32 v8;
	v8 =	vmul.f32 $1.442695020e+00, v9;
	v7 =	vsel vm0, v7, v17  }
0x7f: {  	v10 =	vld [tilespmem:s12+$0xFFFFFFB0];
	v21 =	vmul.f32 v21, v23;
	v2 =	vmax.f32 v14, v2;
	v9 =	vperm.xlane v7, v0  }
0x80: {  	v17 =	vld [tilespmem:s12+$0xFFFFFF90];
	v14 =	vmul.f32 $2.000000030e-01, v22;
	v28 =	vsub.f32 v2, v1;
	(erf) = vpow2.f32 v8  }
0x81: {  	v11 =	vld [tilespmem:s12+$0x30];
	v27 =	vpop (erf);
	(erf) = vpow2.f32 v6;
	v7 =	vadd.f32 v9, v7;
	v4 =	vmul.f32 v25, v4  }
0x82: {  	v3 =	vld [tilespmem:s15+$0x30];
	[tilespmem:s14+$0x30] =	vst v27;
	v2 =	vpop (erf);
	v9 =	vmax.f32 v5, v12;
	v5 =	vsel vm0, v24, v19;
	v19 =	vperm.xlane v16, v0  }
0x83: {  	v6 =	vmul.f32 v15, v13;
	v15 =	vld [tilespmem:s13+$0x20];
	v13 =	vpop (erf);
	[tilespmem:s14+$0xFFFFFF80] =	vst v4;
	v4 =	vmul.f32 $2.000000030e-01, v7  }
0x84: {  	v8 =	vld [tilespmem:s15+$0x10];
	v22 =	vmax.f32 v22, v14;
	v12 =	vmul.f32 $2.000000030e-01, v20;
	v24 =	vsel vm0, v10, v26;
	[tilespmem:s14+$0xFFFFFFD0] =	vst v13;
	v10 =	vpop (erf)  }
0x85: {  	v19 =	vadd.f32 v19, v16;
	v18 =	vsel vm0, v17, v18;
	[tilespmem:s14+$0xFFFFFFF0] =	vst v10;
	v17 =	vpop (erf);
	v16 =	vld [tilespmem:s12+$0x70];
	v4 =	vmax.f32 v7, v4  }
0x86: {  	v28 =	vmul.f32 $1.442695020e+00, v28;
	[tilespmem:s14+$0x70] =	vst v17;
	v25 =	vperm.xlane v18, v0;
	v7 =	vmax.f32 v20, v12;
	v20 =	vld [tilespmem:s13+$0xFFFFFFC0]  }
0x87: {  	[tilespmem:s14+$0xFFFFFFA0] =	vst v6;
	v23 =	vld [tilespmem:s13+$0x60];
	v6 =	vmul.f32 $2.000000030e-01, v19;
	v12 =	vperm.xlane v24, v0;
	v30 =	vsub.f32 v4, v1  }
0x88: {  	s16 =	simm.s32 $0x3580;
	[tilespmem:s14+$0x0] =	vst v21;
	v14 =	vld [tilespmem:s13+$0xFFFFFFE0];
	v27 =	vmul.f32 v27, v15;
	v31 =	vsub.f32 v7, v1;
	v7 =	vsub.f32 v22, v1;
	v4 =	vpop (erf)  }
0x89: {  	s17 =	simm.s32 $0x25C0;
	[tilespmem:s16+$0x10] =	vst v2;
	v22 =	vld [tilespmem:s12+$0x50];
	v6 =	vmax.f32 v19, v6;
	v19 =	vmul.f32 $1.442695020e+00, v29;
	v26 =	vadd.f32 v12, v24;
	v15 =	vpop (erf)  }
0x8a: {  	s26 =	simm.s32 $0x10;
	s28 =	simm.s32 $0x780;
	v9 =	vsub.f32 v9, v1;
	v24 =	vld [tilespmem:s15+$0x20];
	s15 =	simm.s32 $0x3580;
	v21 =	vmul.f32 $1.442695020e+00, v30;
	v12 =	vmul.f32 $1.442695020e+00, v31;
	[tilespmem:s14+$0x50] =	vst v15  }
.LBB2_5:
0x8b: {  	s26 =	sadd.s32 $0x8, s26;
	v18 =	vadd.f32 v25, v18;
	v25 =	vmul.f32 $2.000000030e-01, v26;
	s16 =	sadd.s32 $0x100, s16;
	v29 =	vpop (erf);
	v13 =	vmul.f32 v13, v20;
	[tilespmem:s14+$0x20] =	vst v27;
	v20 =	vld [tilespmem:s13+$0x40];
	s13 =	smov.u32 s23  }
0x8c: {  	v30 =	vperm.xlane v5, v0;
	v8 =	vsel vm0, v11, v8;
	s23 =	smov.u32 s12;
	s12 =	smov.u32 s28;
	v27 =	vld [tilespmem:s28+$0xFFFFFFF0];
	p2 =	slt.u32 s26, $0x78;
	v11 =	vmul.f32 v17, v23  }
0x8d: {  	v10 =	vmul.f32 v10, v14;
	v17 =	vld [tilespmem:s17+$0xFFFFFFE0];
	v23 =	vmax.f32 v26, v25;
	v25 =	vperm.xlane v8, v0;
	[tilespmem:s14+$0xFFFFFFC0] =	vst v13  }
0x8e: {  	v14 =	vmul.f32 $2.000000030e-01, v18;
	v13 =	vld [tilespmem:s17+$0xFFFFFFF0];
	v23 =	vsub.f32 v23, v1;
	(erf) = vpow2.f32 v28;
	[tilespmem:s14+$0x60] =	vst v11  }
0x8f: {  	v16 =	vsel vm0, v16, v3;
	v3 =	vmul.f32 $1.442695020e+00, v9;
	v11 =	vld [tilespmem:s28+$0x10];
	v22 =	vsel vm0, v22, v24;
	[tilespmem:s14+$0xFFFFFFE0] =	vst v10  }
0x90: {  	v10 =	vmax.f32 v18, v14;
	v9 =	vld [tilespmem:s17+$0x0];
	v14 =	vmul.f32 $1.442695020e+00, v23;
	[tilespmem:s15+$0xFFFFFF90] =	vst v29;
	v15 =	vmul.f32 v15, v20  }
0x91: {  	v18 =	vperm.xlane v16, v0;
	v10 =	vsub.f32 v10, v1;
	(erf) = vpow2.f32 v21;
	v20 =	vld [tilespmem:s13+$0xFFFFFF80]  }
0x92: {  	v8 =	vadd.f32 v25, v8;
	v23 =	vperm.xlane v22, v0;
	v21 =	vld [tilespmem:s28+$0xFFFFFFD0];
	(erf) = vpow2.f32 v3;
	[tilespmem:s14+$0x40] =	vst v15;
	s14 =	smov.u32 s15;
	s15 =	smov.u32 s16  }
0x93: {  	v5 =	vadd.f32 v30, v5;
	v10 =	vmul.f32 $1.442695020e+00, v10;
	v15 =	vld [tilespmem:s17+$0xFFFFFFD0];
	(erf) = vpow2.f32 v19  }
0x94: {  	v22 =	vadd.f32 v23, v22;
	v19 =	vmul.f32 $2.000000030e-01, v8;
	v3 =	vld [tilespmem:s17+$0x30];
	(erf) = vpow2.f32 v12  }
0x95: {  	v16 =	vadd.f32 v18, v16;
	v23 =	vmul.f32 $2.000000030e-01, v5;
	v12 =	vld [tilespmem:s28+$0xFFFFFFB0];
	(erf) = vpow2.f32 v14;
	[tilespmem:s14+$0xFFFFFFB0] =	vst v4  }
0x96: {  	v7 =	vmul.f32 $1.442695020e+00, v7;
	v9 =	vsel vm0, v11, v9;
	v11 =	vmul.f32 v29, v20;
	v14 =	vld [tilespmem:s13+$0xFFFFFFA0]  }
0x97: {  	v8 =	vmax.f32 v8, v19;
	v19 =	vmul.f32 $2.000000030e-01, v22;
	v20 =	vperm.xlane v9, v0;
	v18 =	vld [tilespmem:s28+$0xFFFFFF90];
	v24 =	vpop (erf)  }
0x98: {  	v26 =	vsel vm0, v27, v13;
	v28 =	vsub.f32 v8, v1;
	v25 =	vld [tilespmem:s17+$0xFFFFFFC0];
	[tilespmem:s14+$0xFFFFFF80] =	vst v11;
	(erf) = vpow2.f32 v7  }
0x99: {  	v7 =	vadd.f32 v20, v9;
	v9 =	vmax.f32 v5, v23;
	v20 =	vmul.f32 $2.000000030e-01, v16;
	v23 =	vld [tilespmem:s13+$0x0]  }
0x9a: {  	v5 =	vsel vm0, v21, v17;
	v11 =	vperm.xlane v26, v0;
	v8 =	vld [tilespmem:s17+$0x10];
	(erf) = vpow2.f32 v10;
	v21 =	vpop (erf);
	[tilespmem:s14+$0x30] =	vst v24  }
0x9b: {  	v29 =	vsub.f32 v6, v1;
	v31 =	vmul.f32 $2.000000030e-01, v7;
	[tilespmem:s16+$0x10] =	vst v21;
	v6 =	vmul.f32 v4, v14;
	v27 =	vld [tilespmem:s13+$0x20];
	v13 =	vpop (erf)  }
0x9c: {  	v9 =	vsub.f32 v9, v1;
	v12 =	vsel vm0, v12, v15;
	v30 =	vadd.f32 v11, v26;
	v11 =	vld [tilespmem:s28+$0x30];
	[tilespmem:s14+$0xFFFFFFD0] =	vst v13;
	v10 =	vpop (erf)  }
0x9d: {  	v15 =	vmax.f32 v16, v20;
	v7 =	vmax.f32 v7, v31;
	v18 =	vsel vm0, v18, v25;
	v20 =	vld [tilespmem:s13+$0xFFFFFFC0];
	[tilespmem:s14+$0xFFFFFFF0] =	vst v10;
	v17 =	vpop (erf)  }
.Ltmp1:
0x9e: {  	v19 =	vmax.f32 v22, v19;
	v26 =	vperm.xlane v12, v0;
	v4 =	vpop (erf);
	v14 =	vld [tilespmem:s13+$0xFFFFFFE0];
	v31 =	vmul.f32 v2, v23;
	[tilespmem:s14+$0x70] =	vst v17;
	(pc) =	sbr.rel @p2 .LBB2_5-.Ltmp1, $4  }
0x9f: {  	v32 =	vsub.f32 v15, v1;
	v22 =	vsub.f32 v7, v1;
	v25 =	vperm.xlane v18, v0;
	[tilespmem:s14+$0xFFFFFFA0] =	vst v6;
	v23 =	vld [tilespmem:s13+$0x60]  }
0xa0: {  	v7 =	vsub.f32 v19, v1;
	v2 =	vmovc v21;
	v6 =	vmul.f32 $2.000000030e-01, v30;
	v16 =	vld [tilespmem:s28+$0x70];
	[tilespmem:s14+$0x0] =	vst v31;
	v27 =	vmul.f32 v24, v27  }
0xa1: {  	v26 =	vadd.f32 v26, v12;
	v12 =	vmul.f32 $1.442695020e+00, v32;
	v21 =	vmul.f32 $1.442695020e+00, v22;
	v22 =	vld [tilespmem:s28+$0x50];
	v15 =	vpop (erf)  }
0xa2: {  	v28 =	vmul.f32 $1.442695020e+00, v28;
	v19 =	vmul.f32 $1.442695020e+00, v29;
	v6 =	vmax.f32 v30, v6;
	s28 =	sadd.s32 $0x100, s28;
	v24 =	vld [tilespmem:s17+$0x20];
	s17 =	sadd.s32 $0x80, s17;
	[tilespmem:s14+$0x50] =	vst v15  }
0xa3: {  	v29 =	vmul.f32 $2.000000030e-01, v26  }
0xa4: {  	v13 =	vmul.f32 v13, v20;
	v20 =	vperm.xlane v5, v0  }
0xa5: {  	v18 =	vadd.f32 v25, v18;
	v9 =	vmul.f32 $1.442695020e+00, v9;
	v10 =	vmul.f32 v10, v14  }
0xa6: {  	v8 =	vsel vm0, v11, v8;
	v7 =	vmul.f32 $1.442695020e+00, v7;
	(erf) = vpow2.f32 v28  }
0xa7: {  	v11 =	vmul.f32 v17, v23;
	(erf) = vpow2.f32 v21;
	v17 =	vmax.f32 v26, v29  }
0xa8: {  	v21 =	vperm.xlane v8, v0;
	v3 =	vsel vm0, v16, v3;
	(erf) = vpow2.f32 v9  }
0xa9: {  	v23 =	vld [tilespmem:s13+$0x40];
	[tilespmem:s14+$0xFFFFFFC0] =	vst v13;
	v5 =	vadd.f32 v20, v5;
	v9 =	vmul.f32 $2.000000030e-01, v18;
	v17 =	vsub.f32 v17, v1  }
0xaa: {  	[tilespmem:s14+$0xFFFFFFE0] =	vst v10;
	v13 =	vperm.xlane v3, v0;
	(erf) = vpow2.f32 v19;
	v19 =	vpop (erf);
	v8 =	vadd.f32 v21, v8  }
0xab: {  	v14 =	vsel vm0, v22, v24;
	(erf) = vpow2.f32 v12;
	v12 =	vmul.f32 $1.442695020e+00, v17;
	[tilespmem:s15+$0xFFFFFF90] =	vst v19  }
0xac: {  	[tilespmem:s14+$0x60] =	vst v11;
	v10 =	vmul.f32 $2.000000030e-01, v5;
	v9 =	vmax.f32 v18, v9;
	v16 =	vld [tilespmem:s23+$0xFFFFFF80];
	v11 =	vmul.f32 $2.000000030e-01, v8  }
0xad: {  	[tilespmem:s15+$0xFFFFFFB0] =	vst v4;
	v17 =	vperm.xlane v14, v0;
	v9 =	vsub.f32 v9, v1;
	(erf) = vpow2.f32 v12  }
0xae: {  	v3 =	vadd.f32 v13, v3;
	v12 =	vld [tilespmem:s23+$0xFFFFFFA0];
	(erf) = vpow2.f32 v7;
	v7 =	vmul.f32 v15, v23  }
0xaf: {  	[tilespmem:s14+$0x20] =	vst v27;
	v6 =	vsub.f32 v6, v1;
	v5 =	vmax.f32 v5, v10;
	v9 =	vmul.f32 $1.442695020e+00, v9;
	v18 =	vpop (erf)  }
0xb0: {  	v14 =	vadd.f32 v17, v14;
	v10 =	vmul.f32 $2.000000030e-01, v3;
	v8 =	vmax.f32 v8, v11;
	[tilespmem:s14+$0x40] =	vst v7;
	v11 =	vpop (erf)  }
0xb1: {  	v5 =	vsub.f32 v5, v1;
	v15 =	vld [tilespmem:s23+$0x0];
	v8 =	vsub.f32 v8, v1;
	[tilespmem:s15+$0x30] =	vst v18;
	v7 =	vmul.f32 v19, v16;
	v17 =	vpop (erf)  }
0xb2: {  	v3 =	vmax.f32 v3, v10;
	v16 =	vmul.f32 $2.000000030e-01, v14;
	(erf) = vpow2.f32 v9;
	[tilespmem:s15+$0xFFFFFFD0] =	vst v17  }
0xb3: {  	v3 =	vsub.f32 v3, v1;
	v8 =	vmul.f32 $1.442695020e+00, v8;
	v4 =	vmul.f32 v4, v12;
	v9 =	vpop (erf);
	[tilespmem:s15+$0xFFFFFF80] =	vst v7  }
0xb4: {  	v6 =	vmul.f32 $1.442695020e+00, v6;
	v5 =	vmul.f32 $1.442695020e+00, v5;
	v7 =	vld [tilespmem:s23+$0xFFFFFFC0];
	[tilespmem:s15+$0xFFFFFFF0] =	vst v9  }
0xb5: {  	v13 =	vld [tilespmem:s23+$0x20];
	v3 =	vmul.f32 $1.442695020e+00, v3;
	v14 =	vmax.f32 v14, v16;
	v12 =	vpop (erf);
	(erf) = vpow2.f32 v8;
	[tilespmem:s15+$0xFFFFFFA0] =	vst v4  }
0xb6: {  	s11 =	sadd.s32 $0x100, s16;
	v2 =	vmul.f32 v2, v15;
	v4 =	vsub.f32 v14, v1;
	[tilespmem:s15+$0x70] =	vst v12;
	v16 =	vld [tilespmem:s23+$0xFFFFFFE0];
	(erf) = vpow2.f32 v5;
	v15 =	vpop (erf)  }
0xb7: {  	[tilespmem:s11+$0x10] =	vst v11;
	v10 =	vld [tilespmem:s23+$0x60];
	(erf) = vpow2.f32 v6;
	v8 =	vpop (erf)  }
0xb8: {  	(erf) = vpow2.f32 v3;
	v3 =	vmul.f32 $1.442695020e+00, v4;
	[tilespmem:s15+$0x50] =	vst v8  }
0xb9: {  	[tilespmem:s15+$0x0] =	vst v2;
	v5 =	vmul.f32 v17, v7;
	v2 =	vld [tilespmem:s23+$0x40]  }
0xba: {  	v13 =	vmul.f32 v18, v13;
	[tilespmem:s11+$0xFFFFFFB0] =	vst v15  }
0xbb: {  	(erf) = vpow2.f32 v3;
	[tilespmem:s15+$0xFFFFFFC0] =	vst v5;
	v5 =	vmul.f32 v9, v16  }
0xbc: {  	[tilespmem:s15+$0x20] =	vst v13;
	v4 =	vmul.f32 v12, v10;
	v3 =	vpop (erf)  }
0xbd: {  	[tilespmem:s11+$0xFFFFFF90] =	vst v3  }
0xbe: {  	[tilespmem:s15+$0x60] =	vst v4;
	v2 =	vmul.f32 v8, v2  }
0xbf: {  	[tilespmem:s15+$0xFFFFFFE0] =	vst v5;
	v4 =	vld [tilespmem:s12+$0xFFFFFF80];
	v5 =	vpop (erf)  }
0xc0: {  	[tilespmem:s15+$0x40] =	vst v2;
	v2 =	vld [tilespmem:s12+$0xFFFFFFA0];
	v6 =	vpop (erf)  }
0xc1: {  	v7 =	vld [tilespmem:s12+$0x0];
	[tilespmem:s11+$0x30] =	vst v5;
	v8 =	vpop (erf)  }
0xc2: {  	v9 =	vld [tilespmem:s12+$0x20];
	[tilespmem:s11+$0xFFFFFFD0] =	vst v6;
	v10 =	vpop (erf)  }
0xc3: {  	v12 =	vld [tilespmem:s12+$0xFFFFFFC0];
	[tilespmem:s11+$0x70] =	vst v10  }
0xc4: {  	v3 =	vmul.f32 v3, v4;
	[tilespmem:s11+$0xFFFFFFF0] =	vst v8;
	v13 =	vpop (erf);
	v4 =	vld [tilespmem:s12+$0x60]  }
0xc5: {  	v14 =	vld [tilespmem:s12+$0xFFFFFFE0];
	[tilespmem:s11+$0x50] =	vst v13;
	v2 =	vmul.f32 v15, v2  }
0xc6: {  	[tilespmem:s11+$0xFFFFFF80] =	vst v3;
	v3 =	vmul.f32 v11, v7;
	v7 =	vld [tilespmem:s12+$0x40]  }
0xc7: {  	[tilespmem:s11+$0xFFFFFFA0] =	vst v2;
	v2 =	vmul.f32 v5, v9  }
0xc8: {  	[tilespmem:s11+$0x0] =	vst v3;
	v3 =	vmul.f32 v6, v12  }
0xc9: {  	[tilespmem:s11+$0x20] =	vst v2;
	v2 =	vmul.f32 v10, v4  }
0xca: {  	[tilespmem:s11+$0xFFFFFFC0] =	vst v3;
	v3 =	vmul.f32 v8, v14  }
0xcb: {  	s26 =	sshll.u32 s8, $0x8;
	[tilespmem:s11+$0x60] =	vst v2;
	v2 =	vmul.f32 v13, v7  }
0xcc: {  	s23 =	sand.u32 $0x100, s26;
	[tilespmem:s11+$0xFFFFFFE0] =	vst v3  }
0xcd: {  	s12 =	sor.u32 $0x200, s23;
	[tilespmem:s11+$0x40] =	vst v2;
	s11 =	simm.s32 @!p0 $0x7  }
0xce: {  	[spmem:s3] =	stream.indirect.scatter.add.f32 [tilespmem:s0], [sflag:$0x5], $0x20, s12, s22, $0xb8;
	[tilespmem:$0xA310] =	vst v63  }
0xcf: {  	_ =	swait.ge @!p0 [sflag:s11], $0x80  }
0xd0: {  	[sflag:s11] =	ssyncset.done @!p0 $0x0  }
0xd1: {  	[sflag:s11] =	ssyncadd.s32 @!p0 $0xFFFFFF80  }
0xd2: {  	s10 =	sshll.u32 @!p0 s10, $0x7;
	_ =	swait.ge @!p0 [sflag:s11], $0x80  }
0xd3: {  	s10 =	sand.u32 @!p0 $0x100, s10;
	[sflag:s11] =	ssyncset.done @!p0 $0x0  }
0xd4: {  	s12 =	simm.s32 @!p0 $0x400;
	[sflag:s11] =	ssyncadd.s32 @!p0 $0xFFFFFF80;
	s11 =	simm.s32 @!p0 $0x80  }
0xd5: {  	[tilespmem:s12], [sflag:$0x1] =	stream.indirect.gather @!p0 [hbm4b:s7+s11], $0x20, s10, s11, $0xb8;
	[tilespmem:$0xA310] =	vst v63  }
0xd6: {  	s10 =	sor.u32 @!p0 $0x200, s10;
	s12 =	simm.s32 @!p0 $0x2400  }
0xd7: {  	[tilespmem:s12], [sflag:$0x2] =	stream.indirect.gather @!p0 [hbm4b:s1+s11], $0x10, s10, s11, $0xb8;
	[tilespmem:$0xA310] =	vst v63  }
0xd8: {  	s11 =	sadd.s32 $0x3, s21  }
0xd9: {  	s10 =	simm.s32 @!p1 $0x6;
	s11 =	sshll.u32 @!p0 s11, $0x7  }
0xda: {  	_ =	swait.ge @!p1 [sflag:s10], $0x1000;
	s12 =	sadd.s32 @!p0 s9, s11  }
0xdb: {  	s13 =	simm.s32 @!p0 $0x0;
	[sflag:s10] =	ssyncset.done @!p1 $0x0;
	s12 =	sshrl.u32 @!p0 s12, $0x3  }
0xdc: {  	[sflag:s10] =	ssyncadd.s32 @!p1 $0xFFFFF000;
	s10 =	sand.u32 @!p0 $0x180, s11;
	s11 =	sadd.s32 @!p0 s5, s12  }
0xdd: {  	[tilespmem:s10], [sflag:$0x7] =	stream.linear.gather @!p0 [hbm4b:s11+s13], $0x80, $0x38;
	[tilespmem:$0xA310] =	vst v63  }
0xde: {  	s21 =	sor.u32 @!p0 $0x200, s10;
	s11 =	sadd.s32 @!p0 s6, s12  }
0xdf: {  	[tilespmem:s21], [sflag:$0x7] =	stream.linear.gather @!p0 [hbm4b:s11+s13], $0x80, $0x38;
	[tilespmem:$0xA310] =	vst v63  }
0xe0: {  	_ =	swait.ge [sflag:s2], $0x1000  }
0xe1: {  	[sflag:s2] =	ssyncset.done $0x0  }
0xe2: {  	[sflag:s2] =	ssyncadd.s32 $0xFFFFF000  }
0xe3: {  	_ =	swait.ge [sflag:s20], $0x800  }
0xe4: {  	[sflag:s20] =	ssyncset.done $0x0  }
0xe5: {  	s14 =	simm.s32 $0x1480;
	[sflag:s20] =	ssyncadd.s32 $0xFFFFF800  }
0xe6: {  	v2 =	vld [tilespmem:s14+$0xFFFFFFF0]  }
0xe7: {  	s13 =	simm.s32 $0x2C40;
	v3 =	vld [tilespmem:s14+$0x10]  }
0xe8: {  	v4 =	vld [tilespmem:s13+$0x0]  }
0xe9: {  	v5 =	vld [tilespmem:s13+$0xFFFFFFE0]  }
0xea: {  	v6 =	vld [tilespmem:s13+$0xFFFFFFD0]  }
0xeb: {  	v7 =	vld [tilespmem:s14+$0xFFFFFFB0]  }
0xec: {  	v8 =	vld [tilespmem:s13+$0xFFFFFFF0]  }
0xed: {  	v11 =	vld [tilespmem:s14+$0xFFFFFFD0];
	_ =	sdelay $0x1  }
0xee: {  	v10 =	vld [tilespmem:s13+$0xFFFFFFC0]  }
0xef: {  	v13 =	vld [tilespmem:s14+$0x30]  }
0xf0: {  	v3 =	vsel vm0, v3, v4;
	v4 =	vld [tilespmem:s14+$0xFFFFFF90];
	v6 =	vsel vm0, v7, v6  }
0xf1: {  	v7 =	vld [tilespmem:s13+$0x10];
	v2 =	vsel vm0, v2, v8;
	v5 =	vsel vm0, v11, v5;
	v9 =	vperm.xlane v3, v0  }
0xf2: {  	v14 =	vperm.xlane v2, v0;
	v16 =	vperm.xlane v5, v0  }
0xf3: {  	v12 =	vld [tilespmem:s13+$0x30];
	v3 =	vadd.f32 v9, v3;
	v9 =	vperm.xlane v6, v0  }
0xf4: {  	v2 =	vadd.f32 v14, v2;
	v14 =	vld [tilespmem:s14+$0x70];
	v5 =	vadd.f32 v16, v5  }
0xf5: {  	v8 =	vmul.f32 $2.000000030e-01, v3;
	v6 =	vadd.f32 v9, v6;
	v9 =	vld [tilespmem:s14+$0x50]  }
0xf6: {  	v4 =	vsel vm0, v4, v10;
	v10 =	vld [tilespmem:s13+$0x20];
	v7 =	vsel vm0, v13, v7;
	v19 =	vmul.f32 $2.000000030e-01, v5  }
0xf7: {  	s15 =	simm.s32 $0x2CC0;
	v17 =	vperm.xlane v7, v0;
	v3 =	vmax.f32 v3, v8  }
0xf8: {  	s12 =	simm.s32 $0x1580;
	v18 =	vld [tilespmem:s15+$0xFFFFFFE0];
	v8 =	vperm.xlane v4, v0;
	v15 =	vmul.f32 $2.000000030e-01, v6;
	v5 =	vmax.f32 v5, v19  }
0xf9: {  	v11 =	vld [tilespmem:s12+$0xFFFFFFF0];
	v3 =	vsub.f32 v3, v1;
	v12 =	vsel vm0, v14, v12;
	v7 =	vadd.f32 v17, v7  }
0xfa: {  	v4 =	vadd.f32 v8, v4;
	v8 =	vmul.f32 $2.000000030e-01, v2;
	v6 =	vmax.f32 v6, v15;
	v15 =	vld [tilespmem:s12+$0x10]  }
0xfb: {  	v3 =	vmul.f32 $1.442695020e+00, v3;
	v6 =	vsub.f32 v6, v1;
	v9 =	vsel vm0, v9, v10;
	v10 =	vld [tilespmem:s15+$0x0]  }
0xfc: {  	v16 =	vmul.f32 $2.000000030e-01, v7;
	v13 =	vmul.f32 $2.000000030e-01, v4;
	v2 =	vmax.f32 v2, v8;
	v8 =	vld [tilespmem:s15+$0xFFFFFFD0]  }
0xfd: {  	v5 =	vsub.f32 v5, v1;
	v17 =	vperm.xlane v9, v0;
	(erf) = vpow2.f32 v3;
	v3 =	vld [tilespmem:s12+$0xFFFFFFD0]  }
0xfe: {  	v14 =	vperm.xlane v12, v0;
	v6 =	vmul.f32 $1.442695020e+00, v6;
	v7 =	vmax.f32 v7, v16;
	v16 =	vld [tilespmem:s15+$0xFFFFFFC0]  }
0xff: {  	v2 =	vsub.f32 v2, v1;
	v4 =	vmax.f32 v4, v13;
	v13 =	vld [tilespmem:s15+$0xFFFFFFF0];
	v9 =	vadd.f32 v17, v9  }
0x100: {  	v5 =	vmul.f32 $1.442695020e+00, v5;
	v17 =	vld [tilespmem:s12+$0xFFFFFFB0];
	v7 =	vsub.f32 v7, v1;
	v4 =	vsub.f32 v4, v1  }
0x101: {  	(erf) = vpow2.f32 v6;
	v6 =	vld [tilespmem:s12+$0xFFFFFF90];
	v2 =	vmul.f32 $1.442695020e+00, v2;
	v10 =	vsel vm0, v15, v10  }
0x102: {  	v12 =	vadd.f32 v14, v12;
	v15 =	vmul.f32 $2.000000030e-01, v9;
	v14 =	vperm.xlane v10, v0  }
0x103: {  	s16 =	simm.s32 $0x2D40;
	v7 =	vmul.f32 $1.442695020e+00, v7;
	v4 =	vmul.f32 $1.442695020e+00, v4;
	v3 =	vsel vm0, v3, v18  }
0x104: {  	v23 =	vld [tilespmem:s16+$0xFFFFFFF0];
	v9 =	vmax.f32 v9, v15;
	v11 =	vsel vm0, v11, v13;
	v10 =	vadd.f32 v14, v10  }
0x105: {  	v19 =	vld [tilespmem:s15+$0x10];
	v13 =	vmul.f32 $2.000000030e-01, v12;
	(erf) = vpow2.f32 v4;
	v8 =	vsel vm0, v17, v8  }
0x106: {  	v18 =	vld [tilespmem:s15+$0x30];
	v14 =	vperm.xlane v11, v0;
	v6 =	vsel vm0, v6, v16;
	v4 =	vmul.f32 $2.000000030e-01, v10  }
0x107: {  	v20 =	vperm.xlane v3, v0;
	v12 =	vmax.f32 v12, v13;
	v13 =	vld [tilespmem:s12+$0x70];
	v16 =	vperm.xlane v6, v0  }
0x108: {  	v11 =	vadd.f32 v14, v11;
	v14 =	vld [tilespmem:s12+$0x30];
	v4 =	vmax.f32 v10, v4;
	v10 =	vperm.xlane v8, v0  }
0x109: {  	s13 =	simm.s32 $0x1680;
	v17 =	vld [tilespmem:s15+$0x20];
	(erf) = vpow2.f32 v7;
	v12 =	vsub.f32 v12, v1;
	v6 =	vadd.f32 v16, v6  }
0x10a: {  	v16 =	vld [tilespmem:s13+$0xFFFFFFF0];
	v4 =	vsub.f32 v4, v1;
	v15 =	vmul.f32 $2.000000030e-01, v11;
	v8 =	vadd.f32 v10, v8  }
0x10b: {  	v9 =	vsub.f32 v9, v1;
	v12 =	vmul.f32 $1.442695020e+00, v12;
	v10 =	vld [tilespmem:s12+$0x50];
	v24 =	vmul.f32 $2.000000030e-01, v6  }
0x10c: {  	v4 =	vmul.f32 $1.442695020e+00, v4;
	v11 =	vmax.f32 v11, v15;
	v15 =	vmul.f32 $2.000000030e-01, v8  }
0x10d: {  	v26 =	vld [tilespmem:s16+$0xFFFFFFD0];
	v13 =	vsel vm0, v13, v18;
	v14 =	vsel vm0, v14, v19;
	v6 =	vmax.f32 v6, v24  }
0x10e: {  	v7 =	vld [tilespmem:s13+$0x10];
	v18 =	vperm.xlane v13, v0;
	v29 =	vsub.f32 v11, v1;
	v22 =	vperm.xlane v14, v0  }
0x10f: {  	s15 =	simm.s32 $0x4480;
	v21 =	vpop (erf);
	v19 =	vld [tilespmem:s16+$0xFFFFFFE0];
	v6 =	vsub.f32 v6, v1;
	(erf) = vpow2.f32 v4;
	v16 =	vsel vm0, v16, v23  }
0x110: {  	[tilespmem:s15+$0x10] =	vst v21;
	v8 =	vmax.f32 v8, v15;
	(erf) = vpow2.f32 v5;
	v10 =	vsel vm0, v10, v17;
	v17 =	vld [tilespmem:s16+$0x0];
	v15 =	vpop (erf)  }
0x111: {  	v23 =	vld [tilespmem:s14+$0x0];
	v5 =	vadd.f32 v20, v3;
	v8 =	vsub.f32 v8, v1;
	v6 =	vmul.f32 $1.442695020e+00, v6;
	v25 =	vpop (erf)  }
0x112: {  	v24 =	vld [tilespmem:s13+$0xFFFFFFD0];
	v14 =	vadd.f32 v22, v14;
	v22 =	vperm.xlane v10, v0;
	(erf) = vpow2.f32 v2;
	[tilespmem:s15+$0xFFFFFF90] =	vst v25  }
0x113: {  	v20 =	vadd.f32 v18, v13;
	v8 =	vmul.f32 $1.442695020e+00, v8;
	(erf) = vpow2.f32 v12;
	v4 =	vld [tilespmem:s14+$0xFFFFFF80]  }
0x114: {  	v18 =	vld [tilespmem:s16+$0xFFFFFFC0];
	v2 =	vmul.f32 $2.000000030e-01, v14;
	v12 =	vmul.f32 $2.000000030e-01, v5;
	[tilespmem:s15+$0xFFFFFFB0] =	vst v15;
	v22 =	vadd.f32 v22, v10  }
0x115: {  	v13 =	vld [tilespmem:s14+$0xFFFFFFA0];
	(erf) = vpow2.f32 v8;
	v8 =	vmul.f32 $1.442695020e+00, v9;
	v7 =	vsel vm0, v7, v17  }
0x116: {  	v10 =	vld [tilespmem:s13+$0xFFFFFFB0];
	v21 =	vmul.f32 v21, v23;
	v2 =	vmax.f32 v14, v2;
	v9 =	vperm.xlane v7, v0  }
0x117: {  	v17 =	vld [tilespmem:s13+$0xFFFFFF90];
	v14 =	vmul.f32 $2.000000030e-01, v22;
	v28 =	vsub.f32 v2, v1;
	(erf) = vpow2.f32 v8  }
0x118: {  	v11 =	vld [tilespmem:s13+$0x30];
	v27 =	vpop (erf);
	(erf) = vpow2.f32 v6;
	v7 =	vadd.f32 v9, v7;
	v4 =	vmul.f32 v25, v4  }
0x119: {  	v3 =	vld [tilespmem:s16+$0x30];
	[tilespmem:s15+$0x30] =	vst v27;
	v2 =	vpop (erf);
	v9 =	vmax.f32 v5, v12;
	v5 =	vsel vm0, v24, v19;
	v19 =	vperm.xlane v16, v0  }
0x11a: {  	v6 =	vmul.f32 v15, v13;
	v15 =	vld [tilespmem:s14+$0x20];
	v13 =	vpop (erf);
	[tilespmem:s15+$0xFFFFFF80] =	vst v4;
	v4 =	vmul.f32 $2.000000030e-01, v7  }
0x11b: {  	v8 =	vld [tilespmem:s16+$0x10];
	v22 =	vmax.f32 v22, v14;
	v12 =	vmul.f32 $2.000000030e-01, v20;
	v24 =	vsel vm0, v10, v26;
	[tilespmem:s15+$0xFFFFFFD0] =	vst v13;
	v10 =	vpop (erf)  }
0x11c: {  	v19 =	vadd.f32 v19, v16;
	v18 =	vsel vm0, v17, v18;
	[tilespmem:s15+$0xFFFFFFA0] =	vst v6;
	v16 =	vld [tilespmem:s13+$0x70];
	v17 =	vpop (erf);
	v4 =	vmax.f32 v7, v4  }
0x11d: {  	v28 =	vmul.f32 $1.442695020e+00, v28;
	v25 =	vperm.xlane v18, v0;
	[tilespmem:s15+$0x70] =	vst v17;
	v7 =	vmax.f32 v20, v12;
	v20 =	vld [tilespmem:s14+$0xFFFFFFC0]  }
0x11e: {  	[tilespmem:s15+$0xFFFFFFF0] =	vst v10;
	v6 =	vmul.f32 $2.000000030e-01, v19;
	v12 =	vperm.xlane v24, v0;
	v23 =	vld [tilespmem:s14+$0x60];
	v30 =	vsub.f32 v4, v1  }
0x11f: {  	s17 =	simm.s32 $0x4580;
	[tilespmem:s15+$0x0] =	vst v21;
	v14 =	vld [tilespmem:s14+$0xFFFFFFE0];
	v27 =	vmul.f32 v27, v15;
	v31 =	vsub.f32 v7, v1;
	v7 =	vsub.f32 v22, v1;
	v4 =	vpop (erf)  }
0x120: {  	s26 =	simm.s32 $0x2DC0;
	[tilespmem:s17+$0x10] =	vst v2;
	v22 =	vld [tilespmem:s13+$0x50];
	v6 =	vmax.f32 v19, v6;
	v19 =	vmul.f32 $1.442695020e+00, v29;
	v26 =	vadd.f32 v12, v24;
	v15 =	vpop (erf)  }
0x121: {  	s28 =	simm.s32 $0x10;
	s11 =	simm.s32 $0x1780;
	v9 =	vsub.f32 v9, v1;
	v24 =	vld [tilespmem:s16+$0x20];
	s16 =	simm.s32 $0x4580;
	v21 =	vmul.f32 $1.442695020e+00, v30;
	v12 =	vmul.f32 $1.442695020e+00, v31;
	[tilespmem:s15+$0x50] =	vst v15  }
.LBB2_7:
0x122: {  	s28 =	sadd.s32 $0x8, s28;
	v18 =	vadd.f32 v25, v18;
	v25 =	vmul.f32 $2.000000030e-01, v26;
	s17 =	sadd.s32 $0x100, s17;
	v29 =	vpop (erf);
	v13 =	vmul.f32 v13, v20;
	[tilespmem:s15+$0x20] =	vst v27;
	v20 =	vld [tilespmem:s14+$0x40];
	s14 =	smov.u32 s12  }
0x123: {  	v30 =	vperm.xlane v5, v0;
	v8 =	vsel vm0, v11, v8;
	s12 =	smov.u32 s13;
	s13 =	smov.u32 s11;
	v27 =	vld [tilespmem:s11+$0xFFFFFFF0];
	p1 =	slt.u32 s28, $0x78;
	v11 =	vmul.f32 v17, v23  }
0x124: {  	v10 =	vmul.f32 v10, v14;
	v17 =	vld [tilespmem:s26+$0xFFFFFFE0];
	v23 =	vmax.f32 v26, v25;
	v25 =	vperm.xlane v8, v0;
	[tilespmem:s15+$0xFFFFFFC0] =	vst v13  }
0x125: {  	v14 =	vmul.f32 $2.000000030e-01, v18;
	v13 =	vld [tilespmem:s26+$0xFFFFFFF0];
	v23 =	vsub.f32 v23, v1;
	(erf) = vpow2.f32 v28;
	[tilespmem:s15+$0x60] =	vst v11  }
0x126: {  	v16 =	vsel vm0, v16, v3;
	v3 =	vmul.f32 $1.442695020e+00, v9;
	v11 =	vld [tilespmem:s11+$0x10];
	v22 =	vsel vm0, v22, v24;
	[tilespmem:s15+$0xFFFFFFE0] =	vst v10  }
0x127: {  	v10 =	vmax.f32 v18, v14;
	v9 =	vld [tilespmem:s26+$0x0];
	v14 =	vmul.f32 $1.442695020e+00, v23;
	[tilespmem:s16+$0xFFFFFF90] =	vst v29;
	v15 =	vmul.f32 v15, v20  }
0x128: {  	v18 =	vperm.xlane v16, v0;
	v10 =	vsub.f32 v10, v1;
	(erf) = vpow2.f32 v21;
	v20 =	vld [tilespmem:s14+$0xFFFFFF80]  }
0x129: {  	v8 =	vadd.f32 v25, v8;
	v23 =	vperm.xlane v22, v0;
	v21 =	vld [tilespmem:s11+$0xFFFFFFD0];
	(erf) = vpow2.f32 v3;
	[tilespmem:s15+$0x40] =	vst v15;
	s15 =	smov.u32 s16;
	s16 =	smov.u32 s17  }
0x12a: {  	v5 =	vadd.f32 v30, v5;
	v10 =	vmul.f32 $1.442695020e+00, v10;
	v15 =	vld [tilespmem:s26+$0xFFFFFFD0];
	(erf) = vpow2.f32 v19  }
0x12b: {  	v22 =	vadd.f32 v23, v22;
	v19 =	vmul.f32 $2.000000030e-01, v8;
	v3 =	vld [tilespmem:s26+$0x30];
	(erf) = vpow2.f32 v12  }
0x12c: {  	v16 =	vadd.f32 v18, v16;
	v23 =	vmul.f32 $2.000000030e-01, v5;
	v12 =	vld [tilespmem:s11+$0xFFFFFFB0];
	(erf) = vpow2.f32 v14;
	[tilespmem:s15+$0xFFFFFFB0] =	vst v4  }
0x12d: {  	v7 =	vmul.f32 $1.442695020e+00, v7;
	v9 =	vsel vm0, v11, v9;
	v11 =	vmul.f32 v29, v20;
	v14 =	vld [tilespmem:s14+$0xFFFFFFA0]  }
0x12e: {  	v8 =	vmax.f32 v8, v19;
	v19 =	vmul.f32 $2.000000030e-01, v22;
	v20 =	vperm.xlane v9, v0;
	v18 =	vld [tilespmem:s11+$0xFFFFFF90];
	v24 =	vpop (erf)  }
0x12f: {  	v26 =	vsel vm0, v27, v13;
	v28 =	vsub.f32 v8, v1;
	v25 =	vld [tilespmem:s26+$0xFFFFFFC0];
	[tilespmem:s15+$0xFFFFFF80] =	vst v11;
	(erf) = vpow2.f32 v7  }
0x130: {  	v7 =	vadd.f32 v20, v9;
	v9 =	vmax.f32 v5, v23;
	v20 =	vmul.f32 $2.000000030e-01, v16;
	v23 =	vld [tilespmem:s14+$0x0]  }
0x131: {  	v5 =	vsel vm0, v21, v17;
	v11 =	vperm.xlane v26, v0;
	v8 =	vld [tilespmem:s26+$0x10];
	(erf) = vpow2.f32 v10;
	v21 =	vpop (erf);
	[tilespmem:s15+$0x30] =	vst v24  }
0x132: {  	v29 =	vsub.f32 v6, v1;
	v31 =	vmul.f32 $2.000000030e-01, v7;
	[tilespmem:s17+$0x10] =	vst v21;
	v6 =	vmul.f32 v4, v14;
	v27 =	vld [tilespmem:s14+$0x20];
	v13 =	vpop (erf)  }
0x133: {  	v9 =	vsub.f32 v9, v1;
	v12 =	vsel vm0, v12, v15;
	v30 =	vadd.f32 v11, v26;
	v11 =	vld [tilespmem:s11+$0x30];
	[tilespmem:s15+$0xFFFFFFD0] =	vst v13;
	v10 =	vpop (erf)  }
0x134: {  	v15 =	vmax.f32 v16, v20;
	v7 =	vmax.f32 v7, v31;
	v18 =	vsel vm0, v18, v25;
	v20 =	vld [tilespmem:s14+$0xFFFFFFC0];
	[tilespmem:s15+$0xFFFFFFF0] =	vst v10;
	v17 =	vpop (erf)  }
.Ltmp2:
0x135: {  	v19 =	vmax.f32 v22, v19;
	v26 =	vperm.xlane v12, v0;
	v4 =	vpop (erf);
	v14 =	vld [tilespmem:s14+$0xFFFFFFE0];
	v31 =	vmul.f32 v2, v23;
	[tilespmem:s15+$0x70] =	vst v17;
	(pc) =	sbr.rel @p1 .LBB2_7-.Ltmp2, $4  }
0x136: {  	v32 =	vsub.f32 v15, v1;
	v22 =	vsub.f32 v7, v1;
	v25 =	vperm.xlane v18, v0;
	[tilespmem:s15+$0xFFFFFFA0] =	vst v6;
	v23 =	vld [tilespmem:s14+$0x60]  }
0x137: {  	v7 =	vsub.f32 v19, v1;
	v2 =	vmovc v21;
	v6 =	vmul.f32 $2.000000030e-01, v30;
	v16 =	vld [tilespmem:s11+$0x70];
	[tilespmem:s15+$0x0] =	vst v31;
	v27 =	vmul.f32 v24, v27  }
0x138: {  	v26 =	vadd.f32 v26, v12;
	v12 =	vmul.f32 $1.442695020e+00, v32;
	v21 =	vmul.f32 $1.442695020e+00, v22;
	v22 =	vld [tilespmem:s11+$0x50];
	v15 =	vpop (erf)  }
0x139: {  	v28 =	vmul.f32 $1.442695020e+00, v28;
	v19 =	vmul.f32 $1.442695020e+00, v29;
	v6 =	vmax.f32 v30, v6;
	s11 =	sadd.s32 $0x100, s11;
	v24 =	vld [tilespmem:s26+$0x20];
	s26 =	sadd.s32 $0x80, s26;
	[tilespmem:s15+$0x50] =	vst v15  }
0x13a: {  	v29 =	vmul.f32 $2.000000030e-01, v26;
	v13 =	vmul.f32 v13, v20  }
0x13b: {  	v57 =	vperm.xlane v5, v0;
	(erf) = vpow2.f32 v28  }
0x13c: {  	v18 =	vadd.f32 v25, v18;
	v9 =	vmul.f32 $1.442695020e+00, v9;
	v10 =	vmul.f32 v10, v14  }
0x13d: {  	v8 =	vsel vm0, v11, v8;
	v7 =	vmul.f32 $1.442695020e+00, v7;
	v58 =	vmul.f32 v17, v23  }
0x13e: {  	v60 =	vperm.xlane v8, v0;
	(erf) = vpow2.f32 v21;
	v59 =	vmax.f32 v26, v29  }
0x13f: {  	v63 =	vld [tilespmem:s14+$0x40];
	v61 =	vmul.f32 $2.000000030e-01, v18;
	v3 =	vsel vm0, v16, v3;
	v17 =	vsub.f32 v59, v1  }
0x140: {  	v62 =	vpop (erf);
	[tilespmem:s15+$0x20] =	vst v27;
	v32 =	vld [tilespmem:s12+$0x0];
	v5 =	vadd.f32 v57, v5;
	(erf) = vpow2.f32 v9;
	v25 =	vperm.xlane v3, v0  }
0x141: {  	[tilespmem:s16+$0xFFFFFF90] =	vst v62;
	(erf) = vpow2.f32 v19;
	v22 =	vsel vm0, v22, v24;
	v24 =	vmul.f32 $1.442695020e+00, v17  }
0x142: {  	[tilespmem:s16+$0xFFFFFFB0] =	vst v4;
	v26 =	vld [tilespmem:s12+$0xFFFFFF80];
	v33 =	vmul.f32 $2.000000030e-01, v5;
	(erf) = vpow2.f32 v12  }
0x143: {  	[tilespmem:s15+$0xFFFFFFC0] =	vst v13;
	v8 =	vadd.f32 v60, v8;
	v27 =	vperm.xlane v22, v0;
	(erf) = vpow2.f32 v24  }
0x144: {  	v6 =	vsub.f32 v6, v1;
	v29 =	vld [tilespmem:s12+$0xFFFFFFA0];
	[tilespmem:s15+$0xFFFFFFE0] =	vst v10;
	v31 =	vmul.f32 v15, v63;
	v30 =	vpop (erf);
	(erf) = vpow2.f32 v7  }
0x145: {  	[tilespmem:s15+$0x60] =	vst v58;
	v9 =	vmax.f32 v18, v61;
	v28 =	vmul.f32 $2.000000030e-01, v8;
	v2 =	vmul.f32 v2, v32  }
0x146: {  	v9 =	vsub.f32 v9, v1;
	v3 =	vadd.f32 v25, v3;
	v5 =	vmax.f32 v5, v33;
	[tilespmem:s15+$0x40] =	vst v31  }
0x147: {  	v14 =	vadd.f32 v27, v22;
	v8 =	vmax.f32 v8, v28;
	v36 =	vmul.f32 v62, v26;
	[tilespmem:s16+$0x0] =	vst v2  }
0x148: {  	v9 =	vmul.f32 $1.442695020e+00, v9;
	v39 =	vmul.f32 $2.000000030e-01, v3;
	v8 =	vsub.f32 v8, v1;
	[tilespmem:s16+$0x30] =	vst v30;
	v34 =	vpop (erf)  }
0x149: {  	v41 =	vmul.f32 v4, v29;
	v5 =	vsub.f32 v5, v1;
	v37 =	vmul.f32 $2.000000030e-01, v14;
	[tilespmem:s16+$0xFFFFFF80] =	vst v36;
	v35 =	vld [tilespmem:s12+$0x20];
	v38 =	vpop (erf)  }
0x14a: {  	v3 =	vmax.f32 v3, v39;
	v8 =	vmul.f32 $1.442695020e+00, v8;
	(erf) = vpow2.f32 v9;
	[tilespmem:s16+$0xFFFFFFD0] =	vst v38;
	v40 =	vpop (erf)  }
0x14b: {  	v5 =	vmul.f32 $1.442695020e+00, v5;
	v3 =	vsub.f32 v3, v1;
	v42 =	vld [tilespmem:s12+$0xFFFFFFC0];
	v43 =	vpop (erf);
	[tilespmem:s16+$0xFFFFFFF0] =	vst v40  }
0x14c: {  	v6 =	vmul.f32 $1.442695020e+00, v6;
	[tilespmem:s16+$0xFFFFFFA0] =	vst v41;
	v14 =	vmax.f32 v14, v37;
	(erf) = vpow2.f32 v8;
	v46 =	vld [tilespmem:s12+$0xFFFFFFE0];
	v45 =	vpop (erf)  }
0x14d: {  	v47 =	vsub.f32 v14, v1;
	v3 =	vmul.f32 $1.442695020e+00, v3;
	[tilespmem:s16+$0x70] =	vst v43;
	v48 =	vpop (erf);
	(erf) = vpow2.f32 v5  }
0x14e: {  	s11 =	sadd.s32 $0x100, s17;
	v44 =	vld [tilespmem:s12+$0x60];
	v13 =	vmul.f32 v30, v35;
	[tilespmem:s16+$0x50] =	vst v48;
	(erf) = vpow2.f32 v6  }
0x14f: {  	[tilespmem:s11+$0x10] =	vst v34;
	v2 =	vld [tilespmem:s12+$0x40];
	(erf) = vpow2.f32 v3;
	v3 =	vmul.f32 $1.442695020e+00, v47  }
0x150: {  	[tilespmem:s11+$0xFFFFFFB0] =	vst v45;
	v49 =	vmul.f32 v38, v42  }
0x151: {  	[tilespmem:s16+$0x20] =	vst v13;
	v51 =	vmul.f32 v40, v46;
	(erf) = vpow2.f32 v3  }
0x152: {  	[tilespmem:s16+$0xFFFFFFC0] =	vst v49  }
0x153: {  	v50 =	vmul.f32 v43, v44;
	[tilespmem:s16+$0xFFFFFFE0] =	vst v51;
	v3 =	vpop (erf)  }
0x154: {  	[tilespmem:s11+$0xFFFFFF90] =	vst v3;
	v2 =	vmul.f32 v48, v2  }
0x155: {  	[tilespmem:s16+$0x60] =	vst v50;
	v53 =	vpop (erf);
	v52 =	vld [tilespmem:s13+$0xFFFFFF80]  }
0x156: {  	[tilespmem:s16+$0x40] =	vst v2;
	v2 =	vld [tilespmem:s13+$0xFFFFFFA0];
	v54 =	vpop (erf)  }
0x157: {  	v55 =	vld [tilespmem:s13+$0x0];
	[tilespmem:s11+$0x30] =	vst v53;
	v56 =	vpop (erf)  }
0x158: {  	v57 =	vld [tilespmem:s13+$0x20];
	[tilespmem:s11+$0xFFFFFFD0] =	vst v54;
	v58 =	vpop (erf)  }
0x159: {  	v59 =	vld [tilespmem:s13+$0xFFFFFFC0];
	[tilespmem:s11+$0x70] =	vst v58  }
0x15a: {  	[tilespmem:s11+$0xFFFFFFF0] =	vst v56;
	v3 =	vmul.f32 v3, v52;
	v60 =	vld [tilespmem:s13+$0x60];
	v61 =	vpop (erf)  }
0x15b: {  	v62 =	vld [tilespmem:s13+$0xFFFFFFE0];
	v2 =	vmul.f32 v45, v2;
	[tilespmem:s11+$0x50] =	vst v61  }
0x15c: {  	[tilespmem:s11+$0xFFFFFF80] =	vst v3;
	v3 =	vmul.f32 v34, v55;
	v63 =	vld [tilespmem:s13+$0x40]  }
0x15d: {  	[tilespmem:s11+$0xFFFFFFA0] =	vst v2;
	v2 =	vmul.f32 v53, v57  }
0x15e: {  	[tilespmem:s11+$0x0] =	vst v3;
	v3 =	vmul.f32 v54, v59  }
0x15f: {  	[tilespmem:s11+$0x20] =	vst v2;
	v2 =	vmul.f32 v58, v60  }
0x160: {  	[tilespmem:s11+$0xFFFFFFC0] =	vst v3;
	v3 =	vmul.f32 v56, v62  }
0x161: {  	[tilespmem:s11+$0x60] =	vst v2;
	v2 =	vmul.f32 v61, v63  }
0x162: {  	[tilespmem:s11+$0xFFFFFFE0] =	vst v3  }
0x163: {  	s28 =	sadd.s32 $0x280, s23;
	[tilespmem:s11+$0x40] =	vst v2;
	s11 =	simm.s32 @!p0 $0x7  }
0x164: {  	[spmem:s3] =	stream.indirect.scatter.add.f32 [tilespmem:s25], [sflag:$0x6], $0x20, s28, s22, $0xb8;
	[tilespmem:$0xA310] =	vst v63  }
0x165: {  	_ =	swait.ge @!p0 [sflag:s11], $0x80  }
0x166: {  	[sflag:s11] =	ssyncset.done @!p0 $0x0  }
0x167: {  	[sflag:s11] =	ssyncadd.s32 @!p0 $0xFFFFFF80  }
0x168: {  	_ =	swait.ge @!p0 [sflag:s11], $0x80  }
0x169: {  	[sflag:s11] =	ssyncset.done @!p0 $0x0  }
0x16a: {  	s12 =	simm.s32 @!p0 $0x1400;
	[sflag:s11] =	ssyncadd.s32 @!p0 $0xFFFFFF80;
	s11 =	simm.s32 @!p0 $0x80  }
0x16b: {  	[tilespmem:s12], [sflag:$0x3] =	stream.indirect.gather @!p0 [hbm4b:s7+s11], $0x20, s10, s11, $0xb8;
	[tilespmem:$0xA310] =	vst v63  }
0x16c: {  	s8 =	sadd.s32 $0x1, s8;
	s10 =	simm.s32 @!p0 $0x2C00  }
0x16d: {  	[tilespmem:s10], [sflag:$0x4] =	stream.indirect.gather @!p0 [hbm4b:s1+s11], $0x10, s21, s11, $0xb8;
	[tilespmem:$0xA310] =	vst v63  }
0x16e: {  	p0 =	sne.s32 s8, $0x29  }
.Ltmp3:
0x16f: {  	_ = 	snop;
	(pc) =	sbr.rel @p0 .LBB2_2-.Ltmp3, $1  }
0x170: {  	_ =	sdelay $0x3  }
0x171: {  	s8 =	simm.s32 $0x5  }
0x172: {  	_ =	swait.ge [sflag:s8], $0x1000  }
0x173: {  	[sflag:s8] =	ssyncset.done $0x0  }
0x174: {  	s23 =	simm.s32 $0x6;
	[sflag:s8] =	ssyncadd.s32 $0xFFFFF000  }
0x175: {  	_ =	swait.ge [sflag:s23], $0x1000  }
0x176: {  	[sflag:s23] =	ssyncset.done $0x0  }
0x177: {  	[sflag:s23] =	ssyncadd.s32 $0xFFFFF000  }
0x178: {  	[bflag:$0x0] =	sbarrier.arrive $0xFFFF  }
0x179: {  	s26 =	rddreg [dreg:$0xa]  }
0x17a: {  	s10 =	rddreg [dreg:$0xc]  }
0x17b: {  	[hbm:s26], [sflag:s18] =	dma.local [spmem:s10], $0x9E0  }
0x17c: {  	_ =	swait.ge [sflag:s19], $0x9E0  }
0x17d: {  	s29 =	sadd.s32 $0x1, s29;
	s28 =	rddreg [dreg:$0xb]  }
0x17e: {  	p0 =	sne.s32 s29, s28  }
.Ltmp4:
0x17f: {  	_ = 	snop;
	(pc) =	sbr.rel @p0 .LBB2_1-.Ltmp4, $3  }
0x180: {  	_ =	sdelay $0x1  }
0x181: {  	[sflag:s19] =	ssyncset.done $0x0  }
0x182: {  	s11 =	smov.u32 s18;
	[sflag:s19] =	ssyncadd.s32 $0xFFFFF620  }
0x183: {  	_ =	sfence.sel $0x180000  }
0x184: {  	[bflag:$0x0] =	sbarrier.arrive $0xFFFF  }
0x185: {  	_ =	strace $0x9000004A  }
0x186: {  	s0 =	stileid.u32;
	[bflag:$0x2] =	sbarrier.arrive $0xFFFF  }
0x187: {  	p0 =	sne.s32 s0, $0x0;
	s0 =	rddreg [dreg:$0x3]  }
0x188: {  	s0 =	sadd.s32 @!p0 $0x100000, s0  }
0x189: {  	[sflag:s0] =	ssyncadd.tile.s32 @!p0 $0x1;
	_ =	shalt  }
.Lfunc_end2:
_tile_overlayer_lowered:
.L_overlay_start_2:
0x18a: {  	(tag) =	ssettag $0x2  }
0x18b: {  	s0 =	rddreg [dreg:$0x0];
	s2 =	stileid.u32  }
0x18c: {  	s1 =	rddreg [dreg:$0x1];
	p0 =	sne.s32 s2, $0x0  }
0x18d: {  	s3 =	rddreg [dreg:$0x2];
	[bflag:$0x3] =	sbarrier.arrive $0xFFFF;
	s2 =	simm.s32 @!p0 $0x1C08  }
0x18e: {  	[timem:s3], [sflag:s2] =	dma.local @!p0 [hbm:s0], s1  }
0x18f: {  	s0 =	simm.s32 @!p0 $0x8  }
0x190: {  	_ =	swait.ge @!p0 [sflag:s0], s1  }
0x191: {  	s1 =	ssub.s32 @!p0 $0x0, s1;
	[sflag:s0] =	ssyncset.done @!p0 $0x0  }
0x192: {  	[sflag:s0] =	ssyncadd.s32 @!p0 s1  }
0x193: {  	[bflag:$0x3] =	sbarrier.arrive $0xFFFF  }
0x194: {  	_ =	shalt  }

// kernel: kernel.7.cloned.1.call-start
scs
__scs_entry_jumppad:
0x0: {  	(pc) =	sbr.rel $0x88, $3  }
0x1: {  	(tag) =	ssettag $0x0;
	lr =	simm.s32 $0x1  }
0x2: {  	[smem:$0x3F97] =	sst lr;
	_ =	strace $0xD0000000  }
0x3: {  	_ = 	snop  }
0x4: {  	_ = 	snop  }
0x5: {  	_ = 	snop  }
0x6: {  	_ = 	snop  }
0x7: {  	_ = 	snop  }
__scs_overlays_trampoline_lowered:
0x8: {  	[smem:$0x3FA6] =	sst s0  }
0x9: {  	[smem:$0x3FA7] =	sst s1  }
0xa: {  	[smem:$0x3FA8] =	sst s2  }
0xb: {  	[smem:$0x3FA9] =	sst s3  }
0xc: {  	[smem:$0x3FAA] =	sst s4  }
0xd: {  	[smem:$0x3FAB] =	sst s5  }
0xe: {  	[smem:$0x3FAC] =	sst s6  }
0xf: {  	[smem:$0x3FAD] =	sst s7  }
0x10: {  	[smem:$0x3FAE] =	sst s8  }
0x11: {  	[smem:$0x3FAF] =	sst s9;
	s0 =	simm.s32 @!p0 $0x0  }
0x12: {  	s1 =	sld [smem:$0x3F95];
	s0 =	simm.s32 @p0 $0x1  }
0x13: {  	[smem:$0x3FB0] =	sst s0;
	s0 =	simm.s32 @!p1 $0x0  }
0x14: {  	s2 =	sld [smem:$0x3F94];
	s0 =	simm.s32 @p1 $0x1  }
0x15: {  	[smem:$0x3FB1] =	sst s0;
	s0 =	simm.s32 @!p2 $0x0  }
0x16: {  	s3 =	sld [smem:$0x3FDB];
	s0 =	simm.s32 @p2 $0x1  }
0x17: {  	s4 =	simm.s32 $0x1BF5;
	[smem:$0x3FB3] =	sst s0  }
0x18: {  	s0 =	sld [smem:$0x3F96];
	_ =	swait.ge [sflag:s4], $0x0  }
0x19: {  	s7 =	sld [smem:$0x3F97]  }
0x1a: {  	s8 =	sadd.s32 $0xFFFFE003, lr  }
0x1b: {  	s9 =	sadd.s32 $0xFFFFFEF7, lr;
	s5 =	simm.s32 $0xFFFFFFFF;
	p2 =	slt.u32 s8, $0xFFFFF086  }
0x1c: {  	p1 =	slt.u32 s9, $0xF7A;
	s5 =	simm.s32 @!p2 $0x0  }
0x1d: {  	s5 =	simm.s32 @p1 $0x1;
	p0 =	seq.s32 s7, s2  }
0x1e: {  	s7 =	smul.u32 @!p0 $0xF7A, s2;
	p2 =	seq.s32 @!p0 s5, $0x0  }
0x1f: {  	s9 =	smul.u32 $0xF7A, s1;
	s8 =	simm.s32 @!p0 $0x1BF5;
	p2 =	por !p2, p0  }
0x20: {  	[sflag:s8] =	ssyncset.s32 @!p0 $0xFFFFF086;
	s6 =	sadd.s32 @!p0 s3, s7;
	s7 =	simm.s32 @!p0 $0x108  }
0x21: {  	s3 =	sadd.s32 s3, s9;
	s6 =	sadd.s32 @!p0 $0x88, s6;
	s7 =	simm.s32 @p2 $0x1082  }
0x22: {  	[simem:s7], [sflag:s8] =	dma.local @!p0 [hbm:s6], $0xF7A  }
0x23: {  	s9 =	sor.u32 $0xD0000000, s2;
	s6 =	simm.s32 $0x108;
	_ =	swait.ge @!p0 [sflag:s8], $0x0  }
0x24: {  	s3 =	sadd.s32 $0x88, s3;
	s6 =	simm.s32 @!p1 $0x1082;
	[sflag:s4] =	ssyncset.s32 $0xFFFFF086  }
0x25: {  	[simem:s6], [sflag:s4] =	dma.local [hbm:s3], $0xF7A  }
0x26: {  	[smem:$0x3F97] =	sst s1;
	(tag) =	ssettag s2;
	_ =	strace s9  }
0x27: {  	s1 =	sld [smem:$0x3FA7]  }
0x28: {  	s2 =	sld [smem:$0x3FA8]  }
0x29: {  	s4 =	sld [smem:$0x3FAA]  }
0x2a: {  	p0 =	seq.s32 s5, $0x0;
	s5 =	sld [smem:$0x3FAB]  }
0x2b: {  	s6 =	sld [smem:$0x3FAC]  }
0x2c: {  	s7 =	sld [smem:$0x3FAD]  }
0x2d: {  	s3 =	simm.s32 $0x108;
	s8 =	sld [smem:$0x3FAE]  }
0x2e: {  	s3 =	simm.s32 @!p0 $0x1082;
	s9 =	sld [smem:$0x3FAF]  }
0x2f: {  	lr =	sadd.s32 s0, s3;
	s0 =	sld [smem:$0x3FA6]  }
0x30: {  	s3 =	sld [smem:$0x3FA9]  }
0x31: {  	[smem:$0x3FB2] =	sst s10  }
0x32: {  	s10 =	sld [smem:$0x3FB0];
	_ =	sdelay $0x3  }
0x33: {  	p0 =	seq.s32 s10, $0x1;
	s10 =	sld [smem:$0x3FB2];
	_ =	sdelay $0x3  }
0x34: {  	[smem:$0x3FB2] =	sst s10  }
0x35: {  	s10 =	sld [smem:$0x3FB1];
	_ =	sdelay $0x3  }
0x36: {  	p1 =	seq.s32 s10, $0x1;
	s10 =	sld [smem:$0x3FB2];
	_ =	sdelay $0x3  }
0x37: {  	[smem:$0x3FB2] =	sst s10  }
0x38: {  	s10 =	sld [smem:$0x3FB3]  }
0x39: {  	_ = 	snop;
	(pc) =	sbr.ind lr, $3  }
0x3a: {  	_ = 	snop  }
0x3b: {  	_ = 	snop  }
0x3c: {  	p2 =	seq.s32 s10, $0x1;
	s10 =	sld [smem:$0x3FB2]  }
0x3d: {  	_ =	shalt  }
0x3e: {  	_ =	shalt  }
0x3f: {  	_ =	shalt  }
0x40: {  	_ =	shalt  }
0x41: {  	_ =	shalt  }
0x42: {  	_ =	shalt  }
0x43: {  	_ =	shalt  }
0x44: {  	_ =	shalt  }
0x45: {  	_ =	shalt  }
0x46: {  	_ =	shalt  }
0x47: {  	_ =	shalt  }
0x48: {  	_ =	shalt  }
0x49: {  	_ =	shalt  }
0x4a: {  	_ =	shalt  }
0x4b: {  	_ =	shalt  }
0x4c: {  	_ =	shalt  }
0x4d: {  	_ =	shalt  }
0x4e: {  	_ =	shalt  }
0x4f: {  	_ =	shalt  }
0x50: {  	_ =	shalt  }
0x51: {  	_ =	shalt  }
0x52: {  	_ =	shalt  }
0x53: {  	_ =	shalt  }
0x54: {  	_ =	shalt  }
0x55: {  	_ =	shalt  }
0x56: {  	_ =	shalt  }
0x57: {  	_ =	shalt  }
0x58: {  	_ =	shalt  }
0x59: {  	_ =	shalt  }
0x5a: {  	_ =	shalt  }
0x5b: {  	_ =	shalt  }
0x5c: {  	_ =	shalt  }
0x5d: {  	_ =	shalt  }
0x5e: {  	_ =	shalt  }
0x5f: {  	_ =	shalt  }
0x60: {  	_ =	shalt  }
0x61: {  	_ =	shalt  }
0x62: {  	_ =	shalt  }
0x63: {  	_ =	shalt  }
0x64: {  	_ =	shalt  }
0x65: {  	_ =	shalt  }
0x66: {  	_ =	shalt  }
0x67: {  	_ =	shalt  }
0x68: {  	_ =	shalt  }
0x69: {  	_ =	shalt  }
0x6a: {  	_ =	shalt  }
0x6b: {  	_ =	shalt  }
0x6c: {  	_ =	shalt  }
0x6d: {  	_ =	shalt  }
0x6e: {  	_ =	shalt  }
0x6f: {  	_ =	shalt  }
0x70: {  	_ =	shalt  }
0x71: {  	_ =	shalt  }
0x72: {  	_ =	shalt  }
0x73: {  	_ =	shalt  }
0x74: {  	_ =	shalt  }
0x75: {  	_ =	shalt  }
0x76: {  	_ =	shalt  }
0x77: {  	_ =	shalt  }
0x78: {  	_ =	shalt  }
0x79: {  	_ =	shalt  }
0x7a: {  	_ =	shalt  }
0x7b: {  	_ =	shalt  }
0x7c: {  	_ =	shalt  }
0x7d: {  	_ =	shalt  }
0x7e: {  	_ =	shalt  }
0x7f: {  	_ =	shalt  }
0x80: {  	_ =	shalt  }
0x81: {  	_ =	shalt  }
0x82: {  	_ =	shalt  }
0x83: {  	_ =	shalt  }
0x84: {  	_ =	shalt  }
0x85: {  	_ =	shalt  }
0x86: {  	_ =	shalt  }
0x87: {  	_ =	shalt  }
.Lfunc_end0:
.L_simem_size_0:
called_computation_lowered:
.L_overlay_start_0:
0x88: {  	s2 =	sld [smem:$0x3FD9]  }
0x89: {  	s3 =	sld [smem:$0x3FFE];
	_ =	sdelay $0x1  }
0x8a: {  	s1 =	srdreg.scid  }
0x8b: {  	s0 =	sand.u32 $0x1, s1  }
0x8c: {  	s17 =	sshll.u32 s0, $0xA;
	s2 =	sadd.s32 s3, s2  }
0x8d: {  	s2 =	sadd.s32 s2, s17  }
0x8e: {  	[smem:$0x3FBE] =	sst s2  }
0x8f: {  	_ = 	snop  }
0x90: {  	s2 =	sld [smem:$0x3FD0];
	(tm) =	ssettm $0x1  }
0x91: {  	s18 =	sld [smem:$0x3FFB];
	_ =	sdelay $0x3  }
0x92: {  	_ =	strace s18  }
0x93: {  	s3 =	sld [smem:$0x3FFC];
	_ =	sdelay $0x3  }
0x94: {  	_ =	strace s3  }
0x95: {  	s3 =	sld [smem:$0x3FFD];
	_ =	sdelay $0x3  }
0x96: {  	_ =	strace s3  }
0x97: {  	_ =	strace $0x8FFFFFFF  }
0x98: {  	s19 =	sld [smem:$0x3FDB];
	_ =	sdelay $0x1  }
0x99: {  	s4 =	simm.s32 $_scs_section_size  }
0x9a: {  	s5 =	simm.s32 $_size__tile_overlayer_lowered;
	s6 =	simm.s32 $_tile_overlayer_lowered  }
0x9b: {  	s22 =	simm.s32 $0x1BFF;
	s21 =	sshll.u32 s6, $0x1;
	s3 =	sadd.s32 s4, s19  }
0x9c: {  	s7 =	simm.s32 $0x0;
	s20 =	sshll.u32 s5, $0x1;
	s5 =	sadd.s32 s21, s3  }
0x9d: {  	[timem:s7], [sflag:s22] =	dma.local [hbm:s5], s20  }
0x9e: {  	_ =	swait.ge [sflag:s22], s20  }
0x9f: {  	s4 =	ssub.s32 $0x0, s20;
	[sflag:s22] =	ssyncset.done $0x0  }
0xa0: {  	[sflag:s22] =	ssyncadd.s32 s4;
	_ =	sdelay $0x1  }
0xa1: {  	s23 =	simm.s32 $0x1B8B  }
0xa2: {  	_ =	swait.ge [sflag:s23], $0x1  }
0xa3: {  	[sflag:s23] =	ssyncset.done $0x0  }
0xa4: {  	s25 =	simm.s32 $0x1B8E;
	s24 =	sld [smem:$0x3FFE];
	[sflag:s23] =	ssyncadd.s32 $0xFFFFFFFF  }
0xa5: {  	s26 =	simm.s32 $execute0_lowered;
	[smem:$0x3FD2] =	sst s25  }
0xa6: {  	s5 =	sshll.u32 s26, $0x1;
	_ =	strace $0x80000046;
	[dreg:$0x1] =	wrdreg $0xFFFFFFFF  }
0xa7: {  	s28 =	simm.s32 $_size_execute0_lowered;
	s3 =	sadd.s32 s3, s5;
	[dreg:$0x0] =	wrdreg $0x0  }
0xa8: {  	s5 =	sshll.u32 s28, $0x1;
	[dreg:$0x2] =	wrdreg s3  }
0xa9: {  	[dreg:$0x3] =	wrdreg s5  }
0xaa: {  	[dreg:$0x4] =	wrdreg $0xC0  }
0xab: {  	_ =	task [dreg:s7], $0x5FFFF  }
0xac: {  	[dreg:$0x1] =	wrdreg $0xFFFFFFFF  }
0xad: {  	[dreg:$0x0] =	wrdreg $0x60  }
0xae: {  	[dreg:$0x2] =	wrdreg s24  }
0xaf: {  	[dreg:$0x3] =	wrdreg s2  }
0xb0: {  	[dreg:$0x4] =	wrdreg $0x9A100  }
0xb1: {  	[dreg:$0x5] =	wrdreg $0x9  }
0xb2: {  	_ =	task.clear_ibuf [dreg:s7], $0x6FFFF;
	_ =	strace $0x90000046  }
0xb3: {  	s29 =	simm.s32 $0x9;
	_ =	strace $0x80000048  }
0xb4: {  	_ =	swait.ge [sflag:s29], $0x1  }
0xb5: {  	[sflag:s29] =	ssyncadd.s32 $0xFFFFFFFF  }
0xb6: {  	_ =	strace $0x90000048  }
0xb7: {  	_ =	sfence  }
0xb8: {  	s30 =	sld [smem:$0x0];
	_ =	sdelay $0x2  }
0xb9: {  	s31 =	sshll.u32 s1, $0xD;
	s1 =	sshrl.u32 s1, $0x2  }
0xba: {  	s3 =	sand.u32 $0x4000, s31;
	s1 =	sadd.s32 s1, s30  }
0xbb: {  	s0 =	sor.u32 s3, s0;
	s1 =	sshll.u32 s1, $0x11  }
0xbc: {  	s0 =	sor.u32 s1, s0  }
0xbd: {  	s0 =	sadd.s32 $0x8F2B, s0  }
0xbe: {  	[sflag:s0] =	ssyncadd.remote.s32 $0x1  }
0xbf: {  	_ =	sfence.sel $0xFFFF  }
0xc0: {  	[dreg:$0x0] =	wrdreg $0xFFFFFFFF;
	(pc) =	sbr.abs _section_cstart, $3  }
0xc1: {  	[dreg:$0x1] =	wrdreg $0xFFFFFFFF  }
0xc2: {  	_ =	task.clear_ibuf [dreg:s7], $0x2FFFF;
	_ =	strace $0x9FFFFFFF  }
0xc3: {  	(tm) =	ssettm $0x7FFFFFFF  }
tec
execute0_lowered:
.L_overlay_start_1:
0x0: {  	(tag) =	ssettag $0x1  }
0x1: {  	s0 =	rddreg [dreg:$0x0]  }
0x2: {  	s2 =	rddreg [dreg:$0x1]  }
0x3: {  	s3 =	rddreg [dreg:$0x2]  }
0x4: {  	s14 =	stileid.u32;
	s1 =	srdreg.scid  }
0x5: {  	s4 =	simm.s32 $0x0;
	s28 =	simm.s32 $0x1;
	s29 =	simm.s32 $0x3  }
0x6: {  	s30 =	simm.s32 $0x5200;
	s31 =	simm.s32 $0x4;
	s8 =	smul.u32 $0x16380, s14  }
0x7: {  	s1 =	sand.u32 $0x1, s1;
	[smem:$0x7FF] =	sst s4;
	s10 =	smul.u32 $0x13C00, s14  }
0x8: {  	s5 =	sadd.s32 $0x2E00, s0;
	s6 =	sadd.s32 $0xD200, s0;
	s26 =	smul.u32 $0x2780, s14  }
0x9: {  	s7 =	sadd.s32 $0x17600, s0;
	s13 =	sadd.s32 $0x3EE00, s0;
	s9 =	smul.u32 $0x13C000, s1  }
0xa: {  	s19 =	sshll.u32 s14, $0x6;
	_ =	strace $0x80000047;
	s11 =	smul.u32 $0x27800, s1  }
0xb: {  	[dreg:$0x4] =	wrdreg s13;
	s17 =	sshll.u32 s1, $0x4;
	s1 =	ssub.s32 $0x2, s1  }
0xc: {  	s12 =	sshrl.u32 s8, $0x3;
	s18 =	sshrl.u32 s1, $0x1;
	s8 =	sadd.s32 s8, s3  }
0xd: {  	s9 =	sadd.s32 s10, s9;
	s12 =	sadd.s32 s12, s0;
	s16 =	sadd.s32 s26, s11  }
0xe: {  	s10 =	sor.u32 s14, s17;
	s1 =	ssub.s32 s1, s18;
	s11 =	sor.u32 $0x1C0A, s19  }
0xf: {  	s26 =	sadd.s32 $0x80, s8;
	s9 =	sshrl.u32 s9, $0x3;
	s20 =	sadd.s32 $0x3F000, s12  }
0x10: {  	s1 =	smax.u32 s1, $0x1;
	s12 =	simm.s32 $0x0;
	[dreg:$0x5] =	wrdreg s20  }
0x11: {  	s15 =	sadd.s32 s9, s0;
	s9 =	sshrl.u32 s16, $0x3;
	[dreg:$0xc] =	wrdreg s1  }
0x12: {  	s0 =	sadd.s32 s9, s0;
	s9 =	smul.u32 $0x2900, s10;
	s25 =	sadd.s32 $0x75600, s15  }
0x13: {  	s20 =	simm.s32 $0xA;
	[dreg:$0xa] =	wrdreg s25;
	s0 =	sadd.s32 $0x6B800, s0  }
0x14: {  	v0 =	vimm.s32 $0xFEDCBA98;
	s21 =	sshrl.u32 s9, $0x3;
	[dreg:$0xb] =	wrdreg s0;
	s0 =	sshrl.u32 s26, $0x3  }
0x15: {  	v1 =	vimm.s32 $0x76543210;
	v0 =	vunpack.c.l.s4.s8 v0;
	s1 =	simm.s32 $0x6;
	s22 =	sadd.s32 s5, s21;
	[dreg:$0xe] =	wrdreg s0  }
0x16: {  	vm0 =	vmmov $0xff;
	v1 =	vunpack.c.l.s4.s8 v1;
	s23 =	sadd.s32 s6, s21;
	s10 =	sor.u32 $0x8, s21;
	[dreg:$0x6] =	wrdreg s22  }
0x17: {  	v2 =	vimm.s32 $0x1;
	v3 =	vimm.s32 $0x2;
	v0 =	vunpack.c.0.s8.s32 v0;
	s26 =	simm.s32 $0x9;
	[dreg:$0x7] =	wrdreg s23;
	s24 =	sadd.s32 s5, s10  }
0x18: {  	v4 =	vimm.s32 $0x3;
	v5 =	vimm.s32 $0x4;
	v1 =	vunpack.c.0.s8.s32 v1;
	s21 =	simm.s32 $0x2;
	s10 =	sadd.s32 s6, s10;
	[dreg:$0x8] =	wrdreg s24  }
0x19: {  	v6 =	vimm.s32 $0x5;
	v7 =	vimm.s32 $0x6;
	v0 =	vand.u32 $0xF, v0;
	s0 =	simm.s32 $0x5;
	[dreg:$0x9] =	wrdreg s10;
	s10 =	sshrl.u32 s8, $0x3  }
0x1a: {  	v8 =	vimm.s32 $0x7;
	v0 =	vcombine.low v0, v1;
	v1 =	vimm.s32 $0x0;
	s23 =	simm.s32 $0x40;
	s22 =	simm.s32 $0x7600;
	[dreg:$0xd] =	wrdreg s10  }
.LBB2_1:
0x1b: {  	s8 =	rddreg [dreg:$0x5]  }
0x1c: {  	[spmem:s10], [sflag:s11] =	dma.local [hbm:s8], $0x2C70  }
0x1d: {  	_ =	swait.ge [sflag:s20], $0x2C70  }
0x1e: {  	[sflag:s20] =	ssyncset.done $0x0  }
0x1f: {  	s18 =	simm.s32 $0x9A00;
	s17 =	rddreg [dreg:$0x4];
	[sflag:s20] =	ssyncadd.s32 $0xFFFFD390  }
0x20: {  	[tilespmem:s18], [sflag:$0xA] =	stream.linear.gather [hbm4b:s17+s4], $0x10, $0x38;
	[tilespmem:$0x1FD90] =	vst v63  }
0x21: {  	_ =	swait.ge [sflag:s20], $0x10  }
0x22: {  	[sflag:s20] =	ssyncset.done $0x0  }
0x23: {  	s19 =	rddreg [dreg:$0x6];
	[sflag:s20] =	ssyncadd.s32 $0xFFFFFFF0  }
0x24: {  	v9 =	vld [tilespmem:$0x9A00];
	[tilespmem:s4], [sflag:$0x9] =	stream.linear.gather [hbm4b:s19+s4], $0x40, $0x38  }
0x25: {  	s25 =	simm.s32 $0x100;
	s24 =	rddreg [dreg:$0x7]  }
0x26: {  	[tilespmem:s25], [sflag:$0x9] =	stream.linear.gather [hbm4b:s24+s4], $0x40, $0x38;
	[tilespmem:$0x1FD90] =	vst v63  }
0x27: {  	s14 =	rddreg [dreg:$0x8]  }
0x28: {  	[tilespmem:s23], [sflag:$0x9] =	stream.linear.gather [hbm4b:s14+s4], $0x40, $0x38;
	[tilespmem:$0x1FD90] =	vst v63  }
0x29: {  	s13 =	simm.s32 $0x140;
	s15 =	rddreg [dreg:$0x9]  }
0x2a: {  	[tilespmem:s13], [sflag:$0x9] =	stream.linear.gather [hbm4b:s15+s4], $0x40, $0x38;
	[tilespmem:$0x1FD90] =	vst v63  }
0x2b: {  	_ =	swait.ge [sflag:s26], $0x40  }
0x2c: {  	[sflag:s26] =	ssyncset.done $0x0  }
0x2d: {  	[sflag:s26] =	ssyncadd.s32 $0xFFFFFFC0  }
0x2e: {  	_ =	swait.ge [sflag:s26], $0x40  }
0x2f: {  	[sflag:s26] =	ssyncset.done $0x0  }
0x30: {  	s16 =	simm.s32 $0x200;
	[sflag:s26] =	ssyncadd.s32 $0xFFFFFFC0  }
0x31: {  	[tilespmem:s16], [sflag:$0x1] =	stream.indirect.gather [hbm4b:s7+s23], $0x80, s4, s23, $0xb8;
	[tilespmem:$0x1FD90] =	vst v63  }
0x32: {  	s17 =	simm.s32 $0x4200  }
0x33: {  	[tilespmem:s17], [sflag:$0x2] =	stream.indirect.gather [hbm4b:s2+s23], $0x10, s4, s23, $0xb8;
	[tilespmem:$0x1FD90] =	vst v63  }
0x34: {  	s18 =	simm.s32 $0x4A00  }
0x35: {  	[tilespmem:s18], [sflag:$0x3] =	stream.indirect.gather [hbm4b:s2+s23], $0x10, s25, s23, $0xb8;
	[tilespmem:$0x1FD90] =	vst v63  }
0x36: {  	_ =	swait.ge [sflag:s26], $0x40  }
0x37: {  	[sflag:s26] =	ssyncset.done $0x0  }
0x38: {  	[sflag:s26] =	ssyncadd.s32 $0xFFFFFFC0  }
0x39: {  	_ =	swait.ge [sflag:s26], $0x40  }
0x3a: {  	[sflag:s26] =	ssyncset.done $0x0  }
0x3b: {  	s19 =	simm.s32 $0x2200;
	[sflag:s26] =	ssyncadd.s32 $0xFFFFFFC0  }
0x3c: {  	[tilespmem:s19], [sflag:$0x4] =	stream.indirect.gather [hbm4b:s7+s23], $0x80, s23, s23, $0xb8;
	[tilespmem:$0x1FD90] =	vst v63  }
0x3d: {  	s24 =	simm.s32 $0x4600  }
0x3e: {  	[tilespmem:s24], [sflag:$0x5] =	stream.indirect.gather [hbm4b:s2+s23], $0x10, s23, s23, $0xb8;
	[tilespmem:$0x1FD90] =	vst v63  }
0x3f: {  	s25 =	simm.s32 $0x4E00  }
0x40: {  	[tilespmem:s25], [sflag:$0x6] =	stream.indirect.gather [hbm4b:s2+s23], $0x10, s13, s23, $0xb8;
	[tilespmem:$0x1FD90] =	vst v63  }
0x41: {  	s13 =	simm.s32 $0x0;
	[bflag:$0x0] =	sbarrier.arrive $0xFFFF  }
.LBB2_2:
0x42: {  	p1 =	seq.s32 s13, $0x0  }
0x43: {  	p0 =	seq.s32 @!p1 s13, $0x51  }
0x44: {  	p2 =	por p1, !p0  }
.Ltmp0:
0x45: {  	_ = 	snop;
	(pc) =	sbr.rel @!p2 .LBB2_4-.Ltmp0, $4  }
0x46: {  	s8 =	simm.s32 @!p1 $0x7  }
0x47: {  	_ =	swait.ge @!p1 [sflag:s8], $0x2400  }
0x48: {  	s14 =	sshll.u32 s13, $0x1;
	[sflag:s8] =	ssyncset.done @!p1 $0x0  }
0x49: {  	s16 =	sadd.s32 @!p1 $0x2, s14;
	p0 =	por @!p1 $0x1, $0x1;
	[sflag:s8] =	ssyncadd.s32 @!p1 $0xFFFFDC00  }
0x4a: {  	s16 =	simm.s32 @p1 $0x2  }
0x4b: {  	s8 =	sshll.u32 s16, $0x6  }
0x4c: {  	s10 =	sadd.s32 s9, s8  }
0x4d: {  	s10 =	sshrl.u32 s10, $0x3  }
0x4e: {  	s8 =	sand.u32 $0x80, s8;
	s15 =	sadd.s32 s5, s10  }
0x4f: {  	[tilespmem:s8], [sflag:$0x9] =	stream.linear.gather [hbm4b:s15+s4], $0x40, $0x38;
	[tilespmem:$0x1FD90] =	vst v63  }
0x50: {  	p0 =	por $0x0, $0x0;
	s10 =	sadd.s32 s6, s10;
	s8 =	sor.u32 $0x100, s8  }
0x51: {  	[tilespmem:s8], [sflag:$0x9] =	stream.linear.gather [hbm4b:s10+s4], $0x40, $0x38;
	[tilespmem:$0x1FD90] =	vst v63  }
.LBB2_4:
0x52: {  	_ =	swait.ge [sflag:s28], $0x2000  }
0x53: {  	[sflag:s28] =	ssyncset.done $0x0  }
0x54: {  	[sflag:s28] =	ssyncadd.s32 $0xFFFFE000  }
0x55: {  	_ =	swait.ge [sflag:s21], $0x400  }
0x56: {  	[sflag:s21] =	ssyncset.done $0x0  }
0x57: {  	[sflag:s21] =	ssyncadd.s32 $0xFFFFFC00  }
0x58: {  	_ =	swait.ge [sflag:s29], $0x400  }
0x59: {  	[sflag:s29] =	ssyncset.done $0x0  }
0x5a: {  	s8 =	simm.s32 $0x4A40;
	[sflag:s29] =	ssyncadd.s32 $0xFFFFFC00  }
0x5b: {  	s10 =	simm.s32 $0x4240;
	v10 =	vld [tilespmem:s8+$0x30]  }
0x5c: {  	v11 =	vld [tilespmem:s10+$0x30];
	_ =	sdelay $0x4  }
0x5d: {  	v10 =	vsel vm0, v11, v10  }
0x5e: {  	v11 =	vperm.xlane v10, v0;
	_ =	sdelay $0x1  }
0x5f: {  	v10 =	vadd.f32 v11, v10  }
0x60: {  	v13 =	vld [tilespmem:s10+$0x20]  }
0x61: {  	v14 =	vld [tilespmem:s10+$0x10];
	v12 =	vmul.f32 $2.000000030e-01, v10  }
0x62: {  	v11 =	vld [tilespmem:s8+$0x20]  }
0x63: {  	v10 =	vmax.f32 v10, v12;
	v12 =	vld [tilespmem:s8+$0x10]  }
0x64: {  	v10 =	vsub.f32 v10, v9;
	_ =	sdelay $0x1  }
0x65: {  	v10 =	vmul.f32 $1.442695020e+00, v10  }
0x66: {  	v11 =	vsel vm0, v13, v11  }
0x67: {  	v13 =	vperm.xlane v11, v0;
	(erf) = vpow2.f32 v10;
	v10 =	vsel vm0, v14, v12  }
0x68: {  	v12 =	vperm.xlane v10, v0  }
0x69: {  	v11 =	vadd.f32 v13, v11  }
0x6a: {  	v10 =	vadd.f32 v12, v10  }
0x6b: {  	v12 =	vmul.f32 $2.000000030e-01, v11  }
0x6c: {  	v15 =	vld [tilespmem:s10+$0x0];
	v13 =	vmul.f32 $2.000000030e-01, v10  }
0x6d: {  	v16 =	vld [tilespmem:s8+$0xFFFFFFD0];
	v11 =	vmax.f32 v11, v12  }
0x6e: {  	v14 =	vld [tilespmem:s10+$0xFFFFFFF0];
	v11 =	vsub.f32 v11, v9;
	v10 =	vmax.f32 v10, v13  }
0x6f: {  	v12 =	vld [tilespmem:s8+$0xFFFFFFF0];
	v10 =	vsub.f32 v10, v9  }
0x70: {  	s15 =	simm.s32 $0x5440;
	v13 =	vld [tilespmem:s8+$0x0];
	v11 =	vmul.f32 $1.442695020e+00, v11;
	v30 =	vpop (erf)  }
0x71: {  	s17 =	simm.s32 $0x400;
	v17 =	vld [tilespmem:s8+$0xFFFFFFE0];
	[tilespmem:s15+$0x230] =	vst v30;
	v10 =	vmul.f32 $1.442695020e+00, v10  }
0x72: {  	(erf) = vpow2.f32 v11;
	v11 =	vld [tilespmem:s17+$0x180]  }
0x73: {  	(erf) = vpow2.f32 v10;
	v10 =	vld [tilespmem:s10+$0xFFFFFFD0]  }
0x74: {  	v19 =	vld [tilespmem:s10+$0xFFFFFFE0]  }
0x75: {  	v18 =	vperm.xlane v30, v1;
	v12 =	vsel vm0, v14, v12;
	v14 =	vld [tilespmem:s8+$0xFFFFFFC0];
	v13 =	vsel vm0, v15, v13  }
0x76: {  	v15 =	vld [tilespmem:s10+$0xFFFFFFC0];
	v20 =	vperm.xlane v13, v0  }
0x77: {  	v11 =	vmul.f32 v11, v18;
	v18 =	vperm.xlane v12, v0  }
0x78: {  	v13 =	vadd.f32 v20, v13;
	v10 =	vsel vm0, v10, v16  }
0x79: {  	[tilespmem:s15+$0x1B0] =	vst v11;
	v11 =	vadd.f32 v18, v12;
	v16 =	vperm.xlane v10, v0  }
0x7a: {  	v17 =	vsel vm0, v19, v17;
	v19 =	vmul.f32 $2.000000030e-01, v13;
	v12 =	vld [tilespmem:s17+$0x190]  }
0x7b: {  	v14 =	vsel vm0, v15, v14;
	v31 =	vpop (erf);
	v21 =	vmul.f32 $2.000000030e-01, v11;
	v10 =	vadd.f32 v16, v10  }
0x7c: {  	v18 =	vperm.xlane v30, v2;
	v13 =	vmax.f32 v13, v19;
	[tilespmem:s15+$0x1A0] =	vst v31;
	v16 =	vperm.xlane v17, v0  }
0x7d: {  	v13 =	vsub.f32 v13, v9;
	v15 =	vld [tilespmem:s17+$0x100];
	v19 =	vmul.f32 $2.000000030e-01, v10;
	v11 =	vmax.f32 v11, v21  }
0x7e: {  	v20 =	vperm.xlane v31, v1;
	v33 =	vpop (erf);
	v16 =	vadd.f32 v16, v17;
	v11 =	vsub.f32 v11, v9  }
0x7f: {  	[tilespmem:s15+$0x110] =	vst v33;
	v12 =	vmul.f32 v12, v18;
	v18 =	vperm.xlane v14, v0;
	v10 =	vmax.f32 v10, v19  }
0x80: {  	v22 =	vperm.xlane v33, v1;
	v13 =	vmul.f32 $1.442695020e+00, v13;
	v17 =	vld [tilespmem:s17+$0x80];
	v10 =	vsub.f32 v10, v9  }
0x81: {  	v11 =	vmul.f32 $1.442695020e+00, v11;
	[tilespmem:s15+$0x1C0] =	vst v12;
	v12 =	vmul.f32 $2.000000030e-01, v16;
	v14 =	vadd.f32 v18, v14  }
0x82: {  	s25 =	simm.s32 $0x42C0;
	v15 =	vmul.f32 v15, v20;
	v20 =	vld [tilespmem:s17+$0x1A0];
	v10 =	vmul.f32 $1.442695020e+00, v10  }
0x83: {  	v23 =	vld [tilespmem:s25+$0xFFFFFFF0];
	(erf) = vpow2.f32 v11;
	v12 =	vmax.f32 v16, v12;
	v11 =	vmul.f32 $2.000000030e-01, v14  }
0x84: {  	s24 =	simm.s32 $0x4AC0;
	v32 =	vld [tilespmem:s25+$0x10];
	(erf) = vpow2.f32 v13;
	v13 =	vperm.xlane v30, v3;
	v12 =	vsub.f32 v12, v9  }
0x85: {  	v35 =	vld [tilespmem:s24+$0x20];
	v16 =	vmul.f32 v17, v22;
	(erf) = vpow2.f32 v10;
	v10 =	vmax.f32 v14, v11  }
0x86: {  	v36 =	vld [tilespmem:s24+$0x30];
	[tilespmem:s15+$0x120] =	vst v15;
	v11 =	vmul.f32 $1.442695020e+00, v12;
	v10 =	vsub.f32 v10, v9  }
0x87: {  	[tilespmem:s15+$0x90] =	vst v16;
	v14 =	vld [tilespmem:s17+$0x110];
	v12 =	vmul.f32 v20, v13  }
0x88: {  	v16 =	vld [tilespmem:s17+$0x90];
	(erf) = vpow2.f32 v11;
	v11 =	vmul.f32 $1.442695020e+00, v10  }
0x89: {  	v49 =	vld [tilespmem:s25+$0x30];
	v20 =	vperm.xlane v31, v2;
	[tilespmem:s15+$0x1D0] =	vst v12  }
0x8a: {  	v22 =	vperm.xlane v33, v2;
	v21 =	vld [tilespmem:s17+$0x1B0];
	(erf) = vpow2.f32 v11  }
0x8b: {  	v28 =	vperm.xlane v30, v7;
	v26 =	vperm.xlane v30, v8;
	v19 =	vld [tilespmem:s24+$0xFFFFFFC0]  }
0x8c: {  	v39 =	vperm.xlane v30, v6;
	v18 =	vld [tilespmem:s25+$0xFFFFFFC0];
	v14 =	vmul.f32 v14, v20;
	v25 =	vpop (erf)  }
0x8d: {  	v17 =	vld [tilespmem:s24+$0xFFFFFFE0];
	v11 =	vmul.f32 v16, v22;
	v16 =	vperm.xlane v30, v4;
	v20 =	vpop (erf);
	[tilespmem:s15+$0xFFFFFFF0] =	vst v25  }
0x8e: {  	v34 =	vperm.xlane v31, v6;
	v56 =	vperm.xlane v31, v3;
	[tilespmem:s15+$0x80] =	vst v20;
	v22 =	vpop (erf);
	v38 =	vld [tilespmem:s17+$0xFFFFFF80]  }
0x8f: {  	v37 =	vperm.xlane v33, v3;
	v24 =	vld [tilespmem:s17+$0x0];
	[tilespmem:s15+$0xFFFFFED0] =	vst v22;
	v29 =	vmul.f32 v21, v16  }
0x90: {  	v59 =	vperm.xlane v33, v4;
	v13 =	vperm.xlane v31, v7;
	[tilespmem:s15+$0xA0] =	vst v11;
	v40 =	vld [tilespmem:s17+$0xFFFFFE80]  }
0x91: {  	v10 =	vperm.xlane v31, v8;
	v45 =	vperm.xlane v25, v1;
	[tilespmem:s15+$0x130] =	vst v14;
	v43 =	vld [tilespmem:s17+$0xA0];
	v27 =	vpop (erf)  }
0x92: {  	v15 =	vld [tilespmem:s24+$0xFFFFFFF0];
	v12 =	vperm.xlane v33, v8;
	v42 =	vperm.xlane v20, v1;
	[tilespmem:s15+$0xFFFFFF60] =	vst v27  }
0x93: {  	v46 =	vperm.xlane v22, v1;
	[tilespmem:s15+$0x1E0] =	vst v29;
	v38 =	vmul.f32 v38, v45;
	v44 =	vld [tilespmem:s17+$0xFFFFFF00];
	v29 =	vpop (erf)  }
0x94: {  	v30 =	vperm.xlane v30, v5;
	v52 =	vld [tilespmem:s17+$0x120];
	v42 =	vmul.f32 v24, v42;
	[tilespmem:s15+$0xFFFFFE40] =	vst v29  }
0x95: {  	v63 =	vperm.xlane v25, v2;
	v40 =	vmul.f32 v40, v46;
	[tilespmem:s15+$0xFFFFFF70] =	vst v38;
	v48 =	vld [tilespmem:s17+$0xFFFFFE00]  }
0x96: {  	v41 =	vperm.xlane v27, v1;
	v37 =	vmul.f32 v43, v37;
	[tilespmem:s15+$0x0] =	vst v42;
	v55 =	vld [tilespmem:s17+$0xFFFFFF90]  }
0x97: {  	v60 =	vperm.xlane v20, v2;
	v50 =	vperm.xlane v22, v2;
	v53 =	vld [tilespmem:s17+$0x10];
	[tilespmem:s15+$0xFFFFFE50] =	vst v40  }
0x98: {  	v57 =	vperm.xlane v29, v1;
	[tilespmem:s15+$0xB0] =	vst v37;
	v58 =	vld [tilespmem:s17+$0xFFFFFE90];
	v54 =	vmul.f32 v44, v41  }
0x99: {  	v51 =	vperm.xlane v22, v3;
	v42 =	vmul.f32 v52, v56;
	v61 =	vld [tilespmem:s17+$0xB0]  }
0x9a: {  	v16 =	vperm.xlane v33, v7;
	v47 =	vld [tilespmem:s17+$0x1C0];
	[tilespmem:s15+$0xFFFFFEE0] =	vst v54;
	v43 =	vmul.f32 v48, v57  }
0x9b: {  	v21 =	vperm.xlane v25, v8;
	[tilespmem:s15+$0x140] =	vst v42;
	v52 =	vmul.f32 v55, v63;
	v62 =	vld [tilespmem:s17+$0xFFFFFF10]  }
0x9c: {  	v11 =	vperm.xlane v27, v8;
	v38 =	vmul.f32 v53, v60;
	v53 =	vld [tilespmem:s17+$0x130];
	[tilespmem:s15+$0xFFFFFDC0] =	vst v43  }
0x9d: {  	v24 =	vperm.xlane v29, v7;
	v44 =	vmul.f32 v58, v50;
	[tilespmem:s15+$0xFFFFFF80] =	vst v52;
	v43 =	vld [tilespmem:s17+$0xFFFFFE10]  }
0x9e: {  	v55 =	vperm.xlane v27, v2;
	v37 =	vmul.f32 v61, v59;
	[tilespmem:s15+$0x10] =	vst v38;
	v57 =	vld [tilespmem:s17+$0xFFFFFFA0]  }
0x9f: {  	v54 =	vmul.f32 v47, v30;
	v58 =	vperm.xlane v31, v4;
	v38 =	vld [tilespmem:s17+$0x20];
	[tilespmem:s15+$0xFFFFFE60] =	vst v44  }
0xa0: {  	v59 =	vperm.xlane v29, v2;
	[tilespmem:s15+$0xC0] =	vst v37;
	v60 =	vld [tilespmem:s17+$0xFFFFFEA0];
	v56 =	vmul.f32 v62, v55  }
0xa1: {  	v50 =	vperm.xlane v25, v3;
	[tilespmem:s15+$0x1F0] =	vst v54;
	v62 =	vld [tilespmem:s17+$0xC0];
	v41 =	vmul.f32 v53, v58  }
0xa2: {  	v61 =	vperm.xlane v20, v3;
	v40 =	vld [tilespmem:s17+$0x1D0];
	[tilespmem:s15+$0xFFFFFEF0] =	vst v56;
	v43 =	vmul.f32 v43, v59  }
0xa3: {  	v37 =	vperm.xlane v33, v6;
	[tilespmem:s15+$0x150] =	vst v41;
	v52 =	vmul.f32 v57, v50;
	v63 =	vld [tilespmem:s17+$0xFFFFFF20]  }
0xa4: {  	v33 =	vperm.xlane v33, v5;
	v38 =	vmul.f32 v38, v61;
	v53 =	vld [tilespmem:s17+$0x140];
	[tilespmem:s15+$0xFFFFFDD0] =	vst v43  }
0xa5: {  	v14 =	vperm.xlane v29, v8;
	v42 =	vmul.f32 v60, v51;
	[tilespmem:s15+$0xFFFFFF90] =	vst v52;
	v54 =	vld [tilespmem:s17+$0xFFFFFE20]  }
0xa6: {  	v55 =	vperm.xlane v27, v3;
	[tilespmem:s15+$0x20] =	vst v38;
	v33 =	vmul.f32 v62, v33;
	v57 =	vld [tilespmem:s17+$0xFFFFFFB0]  }
0xa7: {  	v30 =	vperm.xlane v27, v7;
	v58 =	vperm.xlane v29, v3;
	v61 =	vsel vm0, v49, v36;
	v38 =	vld [tilespmem:s17+$0x30];
	[tilespmem:s15+$0xFFFFFE70] =	vst v42  }
0xa8: {  	v52 =	vperm.xlane v61, v0;
	v59 =	vld [tilespmem:s17+$0xFFFFFEB0];
	[tilespmem:s15+$0xD0] =	vst v33;
	v56 =	vmul.f32 v63, v55  }
0xa9: {  	v31 =	vperm.xlane v31, v5;
	v41 =	vperm.xlane v22, v5;
	v63 =	vld [tilespmem:s17+$0xD0]  }
0xaa: {  	v62 =	vperm.xlane v20, v4;
	v33 =	vadd.f32 v52, v61;
	[tilespmem:s15+$0xFFFFFF00] =	vst v56;
	v44 =	vmul.f32 v54, v58;
	v54 =	vld [tilespmem:s25+$0x20]  }
0xab: {  	v60 =	vperm.xlane v25, v4;
	v31 =	vmul.f32 v53, v31;
	v53 =	vld [tilespmem:s17+$0xFFFFFF30]  }
0xac: {  	v61 =	vmul.f32 $2.000000030e-01, v33;
	v56 =	vld [tilespmem:s24+$0x10];
	v36 =	vmul.f32 v38, v62;
	[tilespmem:s15+$0xFFFFFDE0] =	vst v44  }
0xad: {  	v55 =	vperm.xlane v22, v4;
	v57 =	vmul.f32 v57, v60;
	v58 =	vld [tilespmem:s17+$0xFFFFFE30]  }
0xae: {  	v46 =	vld [tilespmem:s24+$0x0];
	v39 =	vmul.f32 v40, v39;
	v60 =	vperm.xlane v27, v4;
	v33 =	vmax.f32 v33, v61;
	[tilespmem:s15+$0x30] =	vst v36  }
0xaf: {  	v50 =	vperm.xlane v29, v4;
	v59 =	vmul.f32 v59, v55;
	[tilespmem:s15+$0xFFFFFFA0] =	vst v57;
	v33 =	vsub.f32 v33, v9;
	v62 =	vld [tilespmem:s17+$0x40]  }
0xb0: {  	[tilespmem:s15+$0x160] =	vst v31;
	v37 =	vmul.f32 v63, v37;
	v48 =	vld [tilespmem:s17+$0xFFFFFFC0];
	v63 =	vmul.f32 v53, v60  }
0xb1: {  	v51 =	vld [tilespmem:s17+$0x150];
	[tilespmem:s15+$0xFFFFFE80] =	vst v59;
	v33 =	vmul.f32 $1.442695020e+00, v33;
	v35 =	vsel vm0, v54, v35;
	v54 =	vperm.xlane v20, v5  }
0xb2: {  	v32 =	vsel vm0, v32, v56;
	v56 =	vperm.xlane v25, v5;
	v53 =	vld [tilespmem:s17+$0xFFFFFEC0];
	[tilespmem:s15+$0xFFFFFF10] =	vst v63;
	v36 =	vmul.f32 v58, v50  }
0xb3: {  	[tilespmem:s15+$0x200] =	vst v39;
	v52 =	vperm.xlane v35, v0;
	(erf) = vpow2.f32 v33;
	v55 =	vld [tilespmem:s17+$0xFFFFFF40]  }
0xb4: {  	v31 =	vperm.xlane v29, v5;
	v58 =	vld [tilespmem:s17+$0x1E0];
	v42 =	vmul.f32 v62, v54;
	[tilespmem:s15+$0xFFFFFDF0] =	vst v36  }
0xb5: {  	[tilespmem:s15+$0xE0] =	vst v37;
	v57 =	vperm.xlane v32, v0;
	v35 =	vadd.f32 v52, v35;
	v59 =	vmul.f32 v48, v56;
	v61 =	vld [tilespmem:s17+$0xFFFFFE40]  }
0xb6: {  	v34 =	vmul.f32 v51, v34;
	v52 =	vld [tilespmem:s17+$0xE0];
	v62 =	vperm.xlane v27, v5;
	[tilespmem:s15+$0x40] =	vst v42  }
0xb7: {  	v51 =	vperm.xlane v20, v6;
	v60 =	vmul.f32 $2.000000030e-01, v35;
	[tilespmem:s15+$0xFFFFFFB0] =	vst v59;
	v63 =	vld [tilespmem:s17+$0x50]  }
0xb8: {  	v32 =	vadd.f32 v57, v32;
	v50 =	vperm.xlane v25, v6;
	v49 =	vld [tilespmem:s17+$0xFFFFFFD0];
	v38 =	vmul.f32 v55, v62  }
0xb9: {  	v37 =	vld [tilespmem:s25+$0xFFFFFFE0];
	v25 =	vperm.xlane v25, v7;
	v35 =	vmax.f32 v35, v60;
	v28 =	vmul.f32 v58, v28  }
0xba: {  	v56 =	vld [tilespmem:s25+$0x0];
	v48 =	vmul.f32 $2.000000030e-01, v32;
	v35 =	vsub.f32 v35, v9;
	[tilespmem:s15+$0xFFFFFF20] =	vst v38;
	v31 =	vmul.f32 v61, v31  }
0xbb: {  	v41 =	vmul.f32 v53, v41;
	v59 =	vmul.f32 v52, v16;
	[tilespmem:s15+$0x210] =	vst v28;
	v53 =	vld [tilespmem:s17+$0xFFFFFF50]  }
0xbc: {  	s18 =	simm.s32 $0x58C0;
	v35 =	vmul.f32 $1.442695020e+00, v35;
	v28 =	vmax.f32 v32, v48;
	v16 =	vpop (erf);
	v55 =	vld [tilespmem:s17+$0x1F0];
	v33 =	vmul.f32 v63, v51;
	[tilespmem:s15+$0xFFFFFE00] =	vst v31  }
0xbd: {  	s10 =	simm.s32 $0x800;
	v54 =	vperm.xlane v22, v6;
	v28 =	vsub.f32 v28, v9;
	[tilespmem:s18+$0x230] =	vst v16;
	v31 =	vmul.f32 v49, v50;
	v57 =	vld [tilespmem:s17+$0xFFFFFE50]  }
0xbe: {  	v27 =	vperm.xlane v27, v6;
	(erf) = vpow2.f32 v35;
	v63 =	vld [tilespmem:s10+$0x180];
	[tilespmem:s15+$0x50] =	vst v33  }
0xbf: {  	v60 =	vperm.xlane v29, v6;
	v28 =	vmul.f32 $1.442695020e+00, v28;
	[tilespmem:s15+$0xFFFFFFC0] =	vst v31;
	v31 =	vld [tilespmem:s17+$0x60]  }
0xc0: {  	[tilespmem:s15+$0x170] =	vst v34;
	v58 =	vperm.xlane v20, v7;
	v61 =	vld [tilespmem:s17+$0xFFFFFFE0];
	v27 =	vmul.f32 v53, v27  }
0xc1: {  	[tilespmem:s15+$0xFFFFFE90] =	vst v41;
	v52 =	vld [tilespmem:s25+$0xFFFFFFD0];
	v62 =	vperm.xlane v16, v1;
	(erf) = vpow2.f32 v28  }
0xc2: {  	v29 =	vperm.xlane v16, v3;
	v28 =	vld [tilespmem:s17+$0xFFFFFED0];
	[tilespmem:s15+$0xFFFFFF30] =	vst v27;
	v27 =	vmul.f32 v57, v60  }
0xc3: {  	[tilespmem:s15+$0xF0] =	vst v59;
	v49 =	vld [tilespmem:s24+$0xFFFFFFD0];
	v50 =	vsel vm0, v56, v46;
	v36 =	vmul.f32 v55, v26;
	v26 =	vperm.xlane v22, v7  }
0xc4: {  	v53 =	vperm.xlane v50, v0;
	v48 =	vld [tilespmem:s17+$0xFFFFFF60];
	v51 =	vmul.f32 v31, v58;
	[tilespmem:s15+$0xFFFFFE10] =	vst v27  }
0xc5: {  	v56 =	vsel vm0, v37, v17;
	v55 =	vmul.f32 v63, v62;
	[tilespmem:s15+$0x220] =	vst v36;
	v25 =	vmul.f32 v61, v25;
	v27 =	vld [tilespmem:s17+$0xFFFFFE60]  }
0xc6: {  	v23 =	vsel vm0, v23, v15;
	v33 =	vld [tilespmem:s17+$0x160];
	v62 =	vperm.xlane v20, v8;
	v60 =	vperm.xlane v56, v0;
	[tilespmem:s15+$0x60] =	vst v51  }
0xc7: {  	v38 =	vadd.f32 v53, v50;
	v32 =	vmul.f32 v28, v54;
	v54 =	vperm.xlane v23, v0;
	v15 =	vpop (erf);
	[tilespmem:s15+$0xFFFFFFD0] =	vst v25;
	v59 =	vld [tilespmem:s17+$0x70]  }
0xc8: {  	[tilespmem:s18+$0x1B0] =	vst v55;
	v31 =	vperm.xlane v16, v2;
	v61 =	vsel vm0, v52, v49;
	v28 =	vperm.xlane v15, v1;
	v58 =	vld [tilespmem:s17+$0xFFFFFFF0]  }
0xc9: {  	[tilespmem:s15+$0xFFFFFEA0] =	vst v32;
	v34 =	vadd.f32 v54, v23;
	v23 =	vmul.f32 $2.000000030e-01, v38;
	v32 =	vld [tilespmem:s10+$0x190];
	v20 =	vperm.xlane v61, v0  }
0xca: {  	v35 =	vsel vm0, v18, v19;
	[tilespmem:s18+$0x1A0] =	vst v15;
	v17 =	vpop (erf);
	v57 =	vmul.f32 v48, v30;
	v30 =	vld [tilespmem:s17+$0xFFFFFEE0];
	v63 =	vmul.f32 v27, v24  }
0xcb: {  	v25 =	vperm.xlane v22, v8;
	v37 =	vmul.f32 $2.000000030e-01, v34;
	v36 =	vadd.f32 v20, v61;
	v20 =	vld [tilespmem:s10+$0x100];
	[tilespmem:s18+$0x110] =	vst v17  }
0xcc: {  	v22 =	vld [tilespmem:s10+$0x80];
	v27 =	vmax.f32 v38, v23;
	v24 =	vperm.xlane v17, v1;
	v38 =	vperm.xlane v35, v0;
	[tilespmem:s15+$0xFFFFFE20] =	vst v63  }
0xcd: {  	s8 =	simm.s32 $0x8;
	[tilespmem:s15+$0xFFFFFF40] =	vst v57;
	v23 =	vmul.f32 v59, v62;
	v19 =	vmul.f32 v58, v21;
	v21 =	vadd.f32 v60, v56;
	v18 =	vld [tilespmem:s17+$0xFFFFFE70]  }
.LBB2_5:
0xce: {  	s8 =	sadd.s32 $0x8, s8;
	v39 =	vmul.f32 $2.000000030e-01, v36;
	v34 =	vmax.f32 v34, v37;
	v31 =	vmul.f32 v32, v31;
	v32 =	vld [tilespmem:s17+$0xFFFFFF70]  }
0xcf: {  	v27 =	vsub.f32 v27, v9;
	v26 =	vmul.f32 v30, v26;
	p2 =	slt.u32 s8, $0x38;
	v34 =	vsub.f32 v34, v9;
	[tilespmem:s15+$0x70] =	vst v23;
	v23 =	vld [tilespmem:s17+$0xF0]  }
0xd0: {  	v13 =	vmul.f32 v33, v13;
	v30 =	vadd.f32 v38, v35;
	v35 =	vmax.f32 v36, v39;
	[tilespmem:s18+$0x1C0] =	vst v31  }
0xd1: {  	v27 =	vmul.f32 $1.442695020e+00, v27;
	v31 =	vsub.f32 v35, v9;
	v28 =	vmul.f32 v20, v28;
	v33 =	vld [tilespmem:s10+$0x1A0];
	[tilespmem:s15+$0xFFFFFEB0] =	vst v26  }
0xd2: {  	v20 =	vmul.f32 $2.000000030e-01, v21;
	v26 =	vmul.f32 $1.442695020e+00, v34;
	v34 =	vld [tilespmem:s17+$0xFFFFFEF0];
	[tilespmem:s15+$0x180] =	vst v13  }
0xd3: {  	s25 =	sadd.s32 $0x80, s25;
	v14 =	vmul.f32 v18, v14;
	v13 =	vmul.f32 $1.442695020e+00, v31;
	v31 =	vld [tilespmem:s17+$0x170];
	s17 =	smov.u32 s10  }
0xd4: {  	s24 =	sadd.s32 $0x80, s24;
	v35 =	vmul.f32 $2.000000030e-01, v30;
	v20 =	vmax.f32 v21, v20;
	v18 =	vld [tilespmem:s25+$0xFFFFFFC0];
	(erf) = vpow2.f32 v26;
	[tilespmem:s15+$0xFFFFFFE0] =	vst v19  }
0xd5: {  	v26 =	vsub.f32 v20, v9;
	v12 =	vmul.f32 v23, v12;
	v19 =	vld [tilespmem:s24+$0xFFFFFFC0];
	(erf) = vpow2.f32 v27;
	[tilespmem:s15+$0xFFFFFE30] =	vst v14  }
0xd6: {  	v14 =	vmul.f32 v22, v24;
	v20 =	vld [tilespmem:s24+$0xFFFFFFE0];
	[tilespmem:s18+$0x120] =	vst v28;
	(erf) = vpow2.f32 v13  }
0xd7: {  	v13 =	vmax.f32 v30, v35;
	v22 =	vmul.f32 $1.442695020e+00, v26;
	v21 =	vld [tilespmem:s24+$0xFFFFFFF0];
	v23 =	vmul.f32 v34, v25;
	[tilespmem:s15+$0x100] =	vst v12  }
0xd8: {  	v11 =	vmul.f32 v32, v11;
	v12 =	vsub.f32 v13, v9;
	v25 =	vmul.f32 v33, v29;
	[tilespmem:s18+$0x90] =	vst v14;
	v14 =	vld [tilespmem:s10+$0x110]  }
0xd9: {  	v27 =	vld [tilespmem:s10+$0x90];
	(erf) = vpow2.f32 v22;
	[tilespmem:s15+$0xFFFFFEC0] =	vst v23;
	v22 =	vmul.f32 v31, v10  }
0xda: {  	v13 =	vperm.xlane v15, v7;
	v12 =	vmul.f32 $1.442695020e+00, v12;
	v24 =	vld [tilespmem:s25+$0xFFFFFFF0];
	[tilespmem:s18+$0x1D0] =	vst v25  }
0xdb: {  	v23 =	vperm.xlane v15, v2;
	v10 =	vperm.xlane v15, v8;
	v30 =	vld [tilespmem:s10+$0x1B0];
	[tilespmem:s15+$0x190] =	vst v22  }
0xdc: {  	v31 =	vperm.xlane v17, v2;
	v26 =	vld [tilespmem:s24+$0x0];
	(erf) = vpow2.f32 v12;
	[tilespmem:s15+$0xFFFFFF50] =	vst v11;
	s15 =	smov.u32 s18  }
0xdd: {  	v12 =	vperm.xlane v17, v8;
	v35 =	vld [tilespmem:s25+$0x10];
	v14 =	vmul.f32 v14, v23;
	v28 =	vpop (erf)  }
0xde: {  	v23 =	vperm.xlane v16, v4;
	v37 =	vld [tilespmem:s24+$0x20];
	v11 =	vmul.f32 v27, v31;
	v22 =	vpop (erf)  }
0xdf: {  	v33 =	vperm.xlane v16, v7;
	v29 =	vperm.xlane v16, v8;
	v39 =	vld [tilespmem:s24+$0x30];
	[tilespmem:s18+$0x80] =	vst v22;
	v25 =	vpop (erf)  }
0xe0: {  	v34 =	vperm.xlane v17, v3;
	[tilespmem:s18+$0xFFFFFFF0] =	vst v28;
	v27 =	vld [tilespmem:s10+$0x0];
	v32 =	vmul.f32 v30, v23  }
0xe1: {  	v38 =	vperm.xlane v16, v6;
	v30 =	vperm.xlane v17, v7;
	[tilespmem:s18+$0xFFFFFED0] =	vst v25;
	v40 =	vld [tilespmem:s10+$0xFFFFFF80]  }
0xe2: {  	v36 =	vperm.xlane v15, v6;
	v23 =	vperm.xlane v28, v8;
	v41 =	vld [tilespmem:s10+$0xFFFFFE80];
	[tilespmem:s18+$0xA0] =	vst v11;
	v31 =	vpop (erf)  }
0xe3: {  	v43 =	vperm.xlane v22, v1;
	[tilespmem:s18+$0xFFFFFF60] =	vst v31;
	v42 =	vperm.xlane v31, v1;
	v44 =	vld [tilespmem:s10+$0xA0]  }
0xe4: {  	v46 =	vperm.xlane v28, v1;
	v11 =	vperm.xlane v31, v8;
	v45 =	vld [tilespmem:s10+$0xFFFFFF00];
	[tilespmem:s18+$0x1E0] =	vst v32  }
0xe5: {  	v47 =	vperm.xlane v25, v1;
	v43 =	vmul.f32 v27, v43;
	[tilespmem:s18+$0x130] =	vst v14;
	v48 =	vld [tilespmem:s10+$0x1C0];
	v32 =	vpop (erf)  }
0xe6: {  	[tilespmem:s18+$0xFFFFFE40] =	vst v32;
	v27 =	vperm.xlane v32, v7;
	v40 =	vmul.f32 v40, v46;
	v46 =	vld [tilespmem:s10+$0x120]  }
0xe7: {  	v14 =	vperm.xlane v32, v8;
	v49 =	vld [tilespmem:s10+$0xFFFFFE00];
	v41 =	vmul.f32 v41, v47;
	[tilespmem:s18+$0x0] =	vst v43  }
0xe8: {  	v16 =	vperm.xlane v16, v5;
	[tilespmem:s18+$0xFFFFFF70] =	vst v40;
	v40 =	vld [tilespmem:s10+$0x10];
	v34 =	vmul.f32 v44, v34  }
0xe9: {  	v43 =	vperm.xlane v15, v3;
	[tilespmem:s18+$0xFFFFFE50] =	vst v41;
	v41 =	vmul.f32 v45, v42;
	v42 =	vld [tilespmem:s10+$0xFFFFFF90]  }
0xea: {  	v47 =	vperm.xlane v17, v4;
	v44 =	vperm.xlane v32, v1;
	v45 =	vld [tilespmem:s10+$0xFFFFFE90];
	[tilespmem:s18+$0xB0] =	vst v34  }
0xeb: {  	v34 =	vperm.xlane v22, v2;
	[tilespmem:s18+$0xFFFFFEE0] =	vst v41;
	v41 =	vld [tilespmem:s10+$0xB0];
	v43 =	vmul.f32 v46, v43  }
0xec: {  	v44 =	vmul.f32 v49, v44;
	v46 =	vld [tilespmem:s10+$0xFFFFFF10];
	v49 =	vperm.xlane v28, v2  }
0xed: {  	v51 =	vperm.xlane v25, v2;
	v50 =	vld [tilespmem:s25+$0x30];
	v34 =	vmul.f32 v40, v34;
	[tilespmem:s18+$0x140] =	vst v43  }
0xee: {  	v16 =	vmul.f32 v48, v16;
	[tilespmem:s18+$0xFFFFFDC0] =	vst v44;
	v40 =	vmul.f32 v42, v49;
	v42 =	vld [tilespmem:s10+$0x130]  }
0xef: {  	v43 =	vld [tilespmem:s10+$0xFFFFFE10];
	v44 =	vmul.f32 v45, v51;
	v45 =	vperm.xlane v31, v2;
	[tilespmem:s18+$0x10] =	vst v34  }
0xf0: {  	v34 =	vperm.xlane v31, v7;
	[tilespmem:s18+$0xFFFFFF80] =	vst v40;
	v40 =	vld [tilespmem:s10+$0x20];
	v41 =	vmul.f32 v41, v47  }
0xf1: {  	[tilespmem:s18+$0xFFFFFE60] =	vst v44;
	v44 =	vmul.f32 v46, v45;
	v45 =	vld [tilespmem:s10+$0xFFFFFFA0];
	v46 =	vperm.xlane v15, v4  }
0xf2: {  	v47 =	vperm.xlane v32, v2;
	v48 =	vld [tilespmem:s10+$0xFFFFFEA0];
	[tilespmem:s18+$0xC0] =	vst v41;
	v41 =	vperm.xlane v17, v6  }
0xf3: {  	[tilespmem:s18+$0xFFFFFEF0] =	vst v44;
	v44 =	vperm.xlane v22, v3;
	v49 =	vld [tilespmem:s10+$0xC0];
	v42 =	vmul.f32 v42, v46  }
0xf4: {  	v43 =	vmul.f32 v43, v47;
	v46 =	vld [tilespmem:s10+$0xFFFFFF20];
	v47 =	vperm.xlane v28, v3;
	[tilespmem:s18+$0x1F0] =	vst v16  }
0xf5: {  	v16 =	vperm.xlane v25, v3;
	v40 =	vmul.f32 v40, v44;
	[tilespmem:s18+$0x150] =	vst v42;
	v42 =	vld [tilespmem:s10+$0x1D0]  }
0xf6: {  	v17 =	vperm.xlane v17, v5;
	[tilespmem:s18+$0xFFFFFDD0] =	vst v43;
	v43 =	vmul.f32 v45, v47;
	v44 =	vld [tilespmem:s10+$0x140]  }
0xf7: {  	v47 =	vperm.xlane v31, v3;
	v45 =	vld [tilespmem:s10+$0xFFFFFE20];
	v16 =	vmul.f32 v48, v16;
	[tilespmem:s18+$0x20] =	vst v40  }
0xf8: {  	v15 =	vperm.xlane v15, v5;
	[tilespmem:s18+$0xFFFFFF90] =	vst v43;
	v40 =	vld [tilespmem:s10+$0x30];
	v17 =	vmul.f32 v49, v17  }
0xf9: {  	[tilespmem:s18+$0xFFFFFE70] =	vst v16;
	v16 =	vperm.xlane v25, v5;
	v43 =	vmul.f32 v46, v47;
	v46 =	vld [tilespmem:s10+$0xFFFFFFB0]  }
0xfa: {  	v49 =	vperm.xlane v28, v4;
	v47 =	vperm.xlane v32, v3;
	v48 =	vld [tilespmem:s10+$0xFFFFFEB0];
	[tilespmem:s18+$0xD0] =	vst v17  }
0xfb: {  	v17 =	vsel vm0, v50, v39;
	v39 =	vperm.xlane v22, v4;
	[tilespmem:s18+$0xFFFFFF00] =	vst v43;
	v43 =	vld [tilespmem:s10+$0xD0];
	v15 =	vmul.f32 v44, v15  }
0xfc: {  	v44 =	vperm.xlane v17, v0;
	v45 =	vmul.f32 v45, v47;
	v47 =	vld [tilespmem:s10+$0xFFFFFF30]  }
0xfd: {  	v51 =	vperm.xlane v25, v4;
	v50 =	vld [tilespmem:s25+$0x20];
	v39 =	vmul.f32 v40, v39;
	[tilespmem:s18+$0x160] =	vst v15  }
0xfe: {  	v38 =	vmul.f32 v42, v38;
	v17 =	vadd.f32 v44, v17;
	v15 =	vld [tilespmem:s24+$0x10];
	[tilespmem:s18+$0xFFFFFDE0] =	vst v45;
	v40 =	vmul.f32 v46, v49  }
0xff: {  	v45 =	vperm.xlane v31, v4;
	v42 =	vld [tilespmem:s10+$0xFFFFFE30];
	v44 =	vmul.f32 v48, v51;
	[tilespmem:s18+$0x30] =	vst v39  }
0x100: {  	v39 =	vmul.f32 $2.000000030e-01, v17;
	[tilespmem:s18+$0xFFFFFFA0] =	vst v40;
	v40 =	vld [tilespmem:s10+$0x40];
	v41 =	vmul.f32 v43, v41  }
0x101: {  	v43 =	vperm.xlane v32, v5;
	[tilespmem:s18+$0xFFFFFE80] =	vst v44;
	v44 =	vmul.f32 v47, v45;
	v45 =	vld [tilespmem:s10+$0xFFFFFFC0]  }
0x102: {  	v17 =	vmax.f32 v17, v39;
	v39 =	vperm.xlane v32, v4;
	v37 =	vsel vm0, v50, v37;
	v46 =	vld [tilespmem:s10+$0x150];
	[tilespmem:s18+$0x200] =	vst v38  }
0x103: {  	v17 =	vsub.f32 v17, v9;
	v38 =	vperm.xlane v37, v0;
	v47 =	vld [tilespmem:s10+$0xFFFFFEC0];
	[tilespmem:s18+$0xFFFFFF10] =	vst v44;
	v44 =	vperm.xlane v22, v5  }
0x104: {  	v15 =	vsel vm0, v35, v15;
	v35 =	vmul.f32 v42, v39;
	v39 =	vld [tilespmem:s10+$0xFFFFFF40];
	v42 =	vperm.xlane v28, v5;
	[tilespmem:s18+$0xE0] =	vst v41  }
0x105: {  	v41 =	vperm.xlane v15, v0;
	v37 =	vadd.f32 v38, v37;
	v38 =	vmul.f32 v40, v44;
	v40 =	vld [tilespmem:s10+$0x1E0]  }
0x106: {  	v17 =	vmul.f32 $1.442695020e+00, v17;
	v44 =	vld [tilespmem:s25+$0xFFFFFFE0];
	[tilespmem:s18+$0xFFFFFDF0] =	vst v35;
	v35 =	vmul.f32 v45, v42  }
0x107: {  	v15 =	vadd.f32 v41, v15;
	v45 =	vperm.xlane v31, v5;
	v41 =	vmul.f32 $2.000000030e-01, v37;
	v42 =	vld [tilespmem:s10+$0xFFFFFE40];
	[tilespmem:s18+$0x40] =	vst v38  }
0x108: {  	(erf) = vpow2.f32 v17;
	[tilespmem:s18+$0xFFFFFFB0] =	vst v35;
	v17 =	vld [tilespmem:s10+$0x50];
	v35 =	vmul.f32 v46, v36  }
0x109: {  	v36 =	vmul.f32 $2.000000030e-01, v15;
	v37 =	vmax.f32 v37, v41;
	v38 =	vmul.f32 v39, v45;
	v39 =	vld [tilespmem:s10+$0xFFFFFFD0]  }
0x10a: {  	v16 =	vmul.f32 v47, v16;
	v41 =	vld [tilespmem:s25+$0x0];
	v37 =	vsub.f32 v37, v9;
	[tilespmem:s18+$0x170] =	vst v35;
	v33 =	vmul.f32 v40, v33  }
0x10b: {  	v15 =	vmax.f32 v15, v36;
	v35 =	vperm.xlane v28, v6;
	v36 =	vperm.xlane v22, v6;
	[tilespmem:s18+$0xFFFFFF20] =	vst v38;
	v38 =	vld [tilespmem:s10+$0xE0]  }
0x10c: {  	v15 =	vsub.f32 v15, v9;
	v37 =	vmul.f32 $1.442695020e+00, v37;
	v40 =	vmul.f32 v42, v43;
	v42 =	vld [tilespmem:s10+$0xFFFFFF50];
	[tilespmem:s18+$0x210] =	vst v33  }
0x10d: {  	v43 =	vperm.xlane v25, v6;
	[tilespmem:s18+$0xFFFFFE90] =	vst v16;
	v16 =	vmul.f32 v17, v36;
	v17 =	vld [tilespmem:s10+$0x1F0]  }
0x10e: {  	(erf) = vpow2.f32 v37;
	[tilespmem:s18+$0xFFFFFE00] =	vst v40;
	v35 =	vmul.f32 v39, v35;
	v33 =	vld [tilespmem:s10+$0x160]  }
0x10f: {  	v31 =	vperm.xlane v31, v6;
	v37 =	vperm.xlane v22, v7;
	v36 =	vld [tilespmem:s10+$0xFFFFFE50];
	[tilespmem:s18+$0x50] =	vst v16  }
0x110: {  	v15 =	vmul.f32 $1.442695020e+00, v15;
	[tilespmem:s18+$0xFFFFFFC0] =	vst v35;
	v35 =	vld [tilespmem:s10+$0x60];
	v30 =	vmul.f32 v38, v30  }
0x111: {  	v32 =	vperm.xlane v32, v6;
	s18 =	sadd.s32 $0x480, s18;
	v16 =	vpop (erf);
	v31 =	vmul.f32 v42, v31;
	v38 =	vld [tilespmem:s10+$0xFFFFFFE0]  }
0x112: {  	s10 =	sadd.s32 $0x400, s10;
	[tilespmem:s18+$0x230] =	vst v16;
	(erf) = vpow2.f32 v15;
	v39 =	vld [tilespmem:s17+$0xFFFFFED0];
	v15 =	vmul.f32 v17, v29  }
0x113: {  	v17 =	vperm.xlane v16, v1;
	v29 =	vperm.xlane v16, v3;
	v40 =	vld [tilespmem:s10+$0x180];
	[tilespmem:s15+$0xFFFFFF30] =	vst v31  }
0x114: {  	v28 =	vperm.xlane v28, v7;
	v31 =	vmul.f32 v36, v32;
	v32 =	vld [tilespmem:s17+$0xFFFFFF60];
	[tilespmem:s15+$0xF0] =	vst v30  }
0x115: {  	v30 =	vsel vm0, v41, v26;
	v26 =	vperm.xlane v25, v7;
	v36 =	vld [tilespmem:s24+$0xFFFFFFD0];
	v35 =	vmul.f32 v35, v37;
	[tilespmem:s15+$0x220] =	vst v15  }
0x116: {  	v41 =	vperm.xlane v30, v0;
	v37 =	vld [tilespmem:s25+$0xFFFFFFD0];
	[tilespmem:s15+$0xFFFFFE10] =	vst v31;
	v28 =	vmul.f32 v38, v28  }
0x117: {  	v21 =	vsel vm0, v24, v21;
	v31 =	vperm.xlane v16, v2;
	v15 =	vpop (erf);
	v24 =	vld [tilespmem:s17+$0xFFFFFE60];
	v38 =	vmul.f32 v39, v43;
	[tilespmem:s15+$0x60] =	vst v35  }
0x118: {  	v35 =	vperm.xlane v21, v0;
	v39 =	vadd.f32 v41, v30;
	v43 =	vmul.f32 v40, v17;
	[tilespmem:s15+$0xFFFFFFD0] =	vst v28;
	v40 =	vld [tilespmem:s17+$0x70]  }
0x119: {  	v20 =	vsel vm0, v44, v20;
	v28 =	vperm.xlane v15, v1;
	[tilespmem:s15+$0xFFFFFEA0] =	vst v38;
	v38 =	vmul.f32 v32, v34;
	v41 =	vld [tilespmem:s17+$0xFFFFFFF0]  }
0x11a: {  	v42 =	vperm.xlane v20, v0;
	v34 =	vadd.f32 v35, v21;
	v21 =	vmul.f32 $2.000000030e-01, v39;
	[tilespmem:s18+$0x1B0] =	vst v43;
	v30 =	vld [tilespmem:s17+$0xFFFFFEE0]  }
.Ltmp1:
0x11b: {  	v25 =	vperm.xlane v25, v8;
	v43 =	vperm.xlane v22, v8;
	v36 =	vsel vm0, v37, v36;
	v32 =	vld [tilespmem:s10+$0x190];
	v17 =	vpop (erf);
	[tilespmem:s15+$0xFFFFFF40] =	vst v38;
	(pc) =	sbr.rel @p2 .LBB2_5-.Ltmp1, $4  }
0x11c: {  	v35 =	vsel vm0, v18, v19;
	v18 =	vperm.xlane v36, v0;
	[tilespmem:s18+$0x110] =	vst v17;
	v19 =	vmul.f32 v24, v27  }
0x11d: {  	v37 =	vmul.f32 $2.000000030e-01, v34;
	v27 =	vmax.f32 v39, v21;
	v24 =	vperm.xlane v17, v1;
	v22 =	vld [tilespmem:s10+$0x80];
	[tilespmem:s18+$0x1A0] =	vst v15  }
0x11e: {  	v21 =	vadd.f32 v42, v20;
	v36 =	vadd.f32 v18, v36;
	v20 =	vld [tilespmem:s10+$0x100];
	[tilespmem:s15+$0xFFFFFE20] =	vst v19;
	v19 =	vmul.f32 v41, v23  }
0x11f: {  	v38 =	vperm.xlane v35, v0;
	v23 =	vmul.f32 v40, v43;
	v18 =	vld [tilespmem:s17+$0xFFFFFE70]  }
0x120: {  	_ = 	snop  }
0x121: {  	v39 =	vmul.f32 $2.000000030e-01, v36;
	v34 =	vmax.f32 v34, v37;
	v35 =	vadd.f32 v38, v35  }
0x122: {  	v61 =	vmul.f32 $2.000000030e-01, v21;
	v34 =	vsub.f32 v34, v9  }
0x123: {  	v27 =	vsub.f32 v27, v9;
	v36 =	vmax.f32 v36, v39;
	v38 =	vmul.f32 $2.000000030e-01, v35  }
0x124: {  	v21 =	vmax.f32 v21, v61;
	v36 =	vsub.f32 v36, v9;
	v34 =	vmul.f32 $1.442695020e+00, v34  }
0x125: {  	v27 =	vmul.f32 $1.442695020e+00, v27;
	v21 =	vsub.f32 v21, v9;
	v35 =	vmax.f32 v35, v38  }
0x126: {  	v36 =	vmul.f32 $1.442695020e+00, v36;
	(erf) = vpow2.f32 v34;
	v62 =	vsub.f32 v35, v9  }
0x127: {  	v21 =	vmul.f32 $1.442695020e+00, v21;
	(erf) = vpow2.f32 v27  }
0x128: {  	(erf) = vpow2.f32 v36;
	v27 =	vmul.f32 $1.442695020e+00, v62  }
0x129: {  	(erf) = vpow2.f32 v21  }
0x12a: {  	(erf) = vpow2.f32 v27;
	_ =	sdelay $0x1  }
0x12b: {  	v13 =	vmul.f32 v33, v13;
	[tilespmem:s15+$0xFFFFFFE0] =	vst v19  }
0x12c: {  	v26 =	vmul.f32 v30, v26;
	[tilespmem:s15+$0x70] =	vst v23  }
0x12d: {  	[tilespmem:s15+$0x180] =	vst v13;
	v13 =	vmul.f32 v18, v14;
	v21 =	vmul.f32 v32, v31  }
0x12e: {  	[tilespmem:s15+$0xFFFFFEB0] =	vst v26;
	v18 =	vpop (erf)  }
0x12f: {  	[tilespmem:s18+$0x1C0] =	vst v21;
	v21 =	vld [tilespmem:s17+$0xF0];
	v19 =	vpop (erf)  }
0x130: {  	[tilespmem:s15+$0xFFFFFE30] =	vst v13;
	v14 =	vpop (erf)  }
0x131: {  	[tilespmem:s18+$0x80] =	vst v19;
	v13 =	vpop (erf)  }
0x132: {  	v23 =	vmul.f32 v20, v28;
	[tilespmem:s18+$0xFFFFFFF0] =	vst v18;
	v26 =	vld [tilespmem:s10+$0x0];
	v20 =	vpop (erf)  }
0x133: {  	v27 =	vld [tilespmem:s10+$0xFFFFFF80];
	[tilespmem:s18+$0xFFFFFE40] =	vst v20  }
0x134: {  	[tilespmem:s18+$0x120] =	vst v23;
	v12 =	vmul.f32 v21, v12;
	v21 =	vld [tilespmem:s10+$0xFFFFFE00]  }
0x135: {  	v23 =	vld [tilespmem:s17+$0xFFFFFEF0];
	v28 =	vperm.xlane v19, v1;
	[tilespmem:s18+$0xFFFFFED0] =	vst v14  }
0x136: {  	v22 =	vmul.f32 v22, v24;
	v24 =	vperm.xlane v18, v1;
	[tilespmem:s15+$0x100] =	vst v12;
	v12 =	vld [tilespmem:s10+$0xFFFFFE80]  }
0x137: {  	v30 =	vld [tilespmem:s10+$0x1A0];
	[tilespmem:s18+$0xFFFFFF60] =	vst v13;
	v26 =	vmul.f32 v26, v28;
	v28 =	vperm.xlane v20, v1  }
0x138: {  	[tilespmem:s18+$0x90] =	vst v22;
	v22 =	vld [tilespmem:s10+$0xFFFFFF00];
	v24 =	vmul.f32 v27, v24  }
0x139: {  	v31 =	vperm.xlane v14, v1;
	v27 =	vld [tilespmem:s17+$0x170];
	[tilespmem:s18+$0x0] =	vst v26;
	v21 =	vmul.f32 v21, v28  }
0x13a: {  	v23 =	vmul.f32 v23, v25;
	[tilespmem:s18+$0xFFFFFF70] =	vst v24;
	v24 =	vld [tilespmem:s10+$0x10]  }
0x13b: {  	v25 =	vperm.xlane v13, v1;
	v12 =	vmul.f32 v12, v31;
	v26 =	vld [tilespmem:s10+$0xFFFFFF90];
	[tilespmem:s18+$0xFFFFFDC0] =	vst v21  }
0x13c: {  	[tilespmem:s15+$0xFFFFFEC0] =	vst v23;
	v21 =	vmul.f32 v30, v29;
	v23 =	vld [tilespmem:s10+$0xFFFFFE10]  }
0x13d: {  	[tilespmem:s18+$0xFFFFFE50] =	vst v12;
	v12 =	vmul.f32 v22, v25;
	v22 =	vperm.xlane v19, v2;
	v28 =	vld [tilespmem:s10+$0x90]  }
0x13e: {  	v25 =	vperm.xlane v18, v2;
	v10 =	vmul.f32 v27, v10;
	[tilespmem:s18+$0x1D0] =	vst v21;
	v21 =	vld [tilespmem:s10+$0xFFFFFE90]  }
0x13f: {  	v27 =	vld [tilespmem:s10+$0x110];
	[tilespmem:s18+$0xFFFFFEE0] =	vst v12;
	v12 =	vmul.f32 v24, v22;
	v22 =	vperm.xlane v20, v2  }
0x140: {  	[tilespmem:s15+$0x190] =	vst v10;
	v10 =	vperm.xlane v17, v2;
	v25 =	vmul.f32 v26, v25;
	v24 =	vld [tilespmem:s10+$0xFFFFFF10]  }
0x141: {  	v29 =	vperm.xlane v14, v2;
	v26 =	vld [tilespmem:s17+$0xFFFFFF70];
	[tilespmem:s18+$0x10] =	vst v12;
	v12 =	vmul.f32 v23, v22  }
0x142: {  	v10 =	vmul.f32 v28, v10;
	[tilespmem:s18+$0xFFFFFF80] =	vst v25;
	v22 =	vperm.xlane v15, v2;
	v23 =	vld [tilespmem:s10+$0x20]  }
0x143: {  	v25 =	vperm.xlane v13, v2;
	v28 =	vld [tilespmem:s10+$0xFFFFFFA0];
	v21 =	vmul.f32 v21, v29;
	[tilespmem:s18+$0xFFFFFDD0] =	vst v12  }
0x144: {  	[tilespmem:s18+$0xA0] =	vst v10;
	v12 =	vmul.f32 v27, v22;
	v10 =	vld [tilespmem:s10+$0xFFFFFE20]  }
0x145: {  	v22 =	vld [tilespmem:s10+$0xA0];
	[tilespmem:s18+$0xFFFFFE60] =	vst v21;
	v21 =	vmul.f32 v24, v25;
	v24 =	vperm.xlane v19, v3  }
0x146: {  	v11 =	vmul.f32 v26, v11;
	v25 =	vperm.xlane v18, v3;
	[tilespmem:s18+$0x130] =	vst v12;
	v12 =	vld [tilespmem:s10+$0xFFFFFEA0]  }
0x147: {  	v26 =	vld [tilespmem:s10+$0x120];
	[tilespmem:s18+$0xFFFFFEF0] =	vst v21;
	v21 =	vmul.f32 v23, v24;
	v23 =	vperm.xlane v20, v3  }
0x148: {  	[tilespmem:s15+$0xFFFFFF50] =	vst v11;
	v11 =	vperm.xlane v17, v3;
	v25 =	vmul.f32 v28, v25;
	v24 =	vld [tilespmem:s10+$0xFFFFFF20]  }
0x149: {  	v27 =	vld [tilespmem:s10+$0x1B0];
	v28 =	vperm.xlane v14, v3;
	[tilespmem:s18+$0x20] =	vst v21;
	v10 =	vmul.f32 v10, v23  }
0x14a: {  	v11 =	vmul.f32 v22, v11;
	v21 =	vperm.xlane v15, v3;
	[tilespmem:s18+$0xFFFFFF90] =	vst v25;
	v22 =	vld [tilespmem:s10+$0x30]  }
0x14b: {  	v23 =	vperm.xlane v13, v3;
	v25 =	vld [tilespmem:s10+$0xFFFFFFB0];
	v12 =	vmul.f32 v12, v28;
	[tilespmem:s18+$0xFFFFFDE0] =	vst v10  }
0x14c: {  	[tilespmem:s18+$0xB0] =	vst v11;
	v10 =	vperm.xlane v16, v4;
	v11 =	vmul.f32 v26, v21;
	v21 =	vld [tilespmem:s10+$0xFFFFFE30]  }
0x14d: {  	v26 =	vld [tilespmem:s10+$0xB0];
	[tilespmem:s18+$0xFFFFFE70] =	vst v12;
	v12 =	vmul.f32 v24, v23;
	v23 =	vperm.xlane v19, v4  }
0x14e: {  	v24 =	vperm.xlane v18, v4;
	v10 =	vmul.f32 v27, v10;
	[tilespmem:s18+$0x140] =	vst v11;
	v11 =	vld [tilespmem:s10+$0xFFFFFEB0]  }
0x14f: {  	v27 =	vld [tilespmem:s10+$0x130];
	[tilespmem:s18+$0xFFFFFF00] =	vst v12;
	v12 =	vmul.f32 v22, v23;
	v22 =	vperm.xlane v20, v4  }
0x150: {  	v24 =	vmul.f32 v25, v24;
	[tilespmem:s18+$0x1E0] =	vst v10;
	v10 =	vperm.xlane v17, v4;
	v23 =	vld [tilespmem:s10+$0xFFFFFF30]  }
0x151: {  	v28 =	vperm.xlane v14, v4;
	v25 =	vld [tilespmem:s10+$0x1C0];
	[tilespmem:s18+$0x30] =	vst v12;
	v12 =	vmul.f32 v21, v22  }
0x152: {  	[tilespmem:s18+$0xFFFFFFA0] =	vst v24;
	v10 =	vmul.f32 v26, v10;
	v21 =	vperm.xlane v15, v4;
	v22 =	vld [tilespmem:s10+$0x40]  }
0x153: {  	v24 =	vperm.xlane v13, v4;
	v26 =	vld [tilespmem:s10+$0xFFFFFFC0];
	v11 =	vmul.f32 v11, v28;
	[tilespmem:s18+$0xFFFFFDF0] =	vst v12  }
0x154: {  	v12 =	vperm.xlane v16, v5;
	[tilespmem:s18+$0xC0] =	vst v10;
	v10 =	vmul.f32 v27, v21;
	v21 =	vld [tilespmem:s10+$0xFFFFFE40]  }
0x155: {  	v27 =	vld [tilespmem:s10+$0xC0];
	[tilespmem:s18+$0xFFFFFE80] =	vst v11;
	v11 =	vmul.f32 v23, v24;
	v23 =	vperm.xlane v19, v5  }
0x156: {  	v24 =	vperm.xlane v18, v5;
	v12 =	vmul.f32 v25, v12;
	[tilespmem:s18+$0x150] =	vst v10;
	v10 =	vld [tilespmem:s10+$0xFFFFFEC0]  }
0x157: {  	v28 =	vperm.xlane v20, v5;
	v25 =	vld [tilespmem:s10+$0x140];
	[tilespmem:s18+$0xFFFFFF10] =	vst v11;
	v11 =	vmul.f32 v22, v23  }
0x158: {  	v23 =	vmul.f32 v26, v24;
	[tilespmem:s18+$0x1F0] =	vst v12;
	v12 =	vperm.xlane v17, v5;
	v22 =	vld [tilespmem:s10+$0xFFFFFF40]  }
0x159: {  	v26 =	vperm.xlane v14, v5;
	v24 =	vld [tilespmem:s10+$0x1D0];
	[tilespmem:s18+$0x40] =	vst v11;
	v11 =	vmul.f32 v21, v28  }
0x15a: {  	[tilespmem:s18+$0xFFFFFFB0] =	vst v23;
	v12 =	vmul.f32 v27, v12;
	v21 =	vperm.xlane v15, v5;
	v23 =	vld [tilespmem:s10+$0x50]  }
0x15b: {  	v27 =	vperm.xlane v13, v5;
	v28 =	vld [tilespmem:s10+$0xFFFFFFD0];
	v10 =	vmul.f32 v10, v26;
	[tilespmem:s18+$0xFFFFFE00] =	vst v11  }
0x15c: {  	v11 =	vperm.xlane v16, v6;
	[tilespmem:s18+$0xD0] =	vst v12;
	v12 =	vmul.f32 v25, v21;
	v21 =	vld [tilespmem:s10+$0xFFFFFE50]  }
0x15d: {  	v26 =	vperm.xlane v19, v6;
	v25 =	vld [tilespmem:s10+$0xD0];
	v22 =	vmul.f32 v22, v27;
	[tilespmem:s18+$0xFFFFFE90] =	vst v10  }
0x15e: {  	[tilespmem:s18+$0x160] =	vst v12;
	v10 =	vmul.f32 v24, v11;
	v11 =	vperm.xlane v18, v6;
	v12 =	vld [tilespmem:s10+$0xFFFFFED0]  }
0x15f: {  	v24 =	vld [tilespmem:s10+$0x150];
	[tilespmem:s18+$0xFFFFFF20] =	vst v22;
	v22 =	vmul.f32 v23, v26;
	v23 =	vperm.xlane v20, v6  }
0x160: {  	v26 =	vperm.xlane v17, v6;
	[tilespmem:s18+$0x200] =	vst v10;
	v10 =	vld [tilespmem:s10+$0xFFFFFF50];
	v11 =	vmul.f32 v28, v11  }
0x161: {  	v28 =	vperm.xlane v14, v6;
	v27 =	vld [tilespmem:s10+$0x1E0];
	[tilespmem:s18+$0x50] =	vst v22;
	v21 =	vmul.f32 v21, v23  }
0x162: {  	v22 =	vperm.xlane v15, v6;
	v23 =	vmul.f32 v25, v26;
	[tilespmem:s18+$0xFFFFFFC0] =	vst v11;
	v11 =	vld [tilespmem:s10+$0x60]  }
0x163: {  	v25 =	vperm.xlane v13, v6;
	v26 =	vld [tilespmem:s10+$0xFFFFFFE0];
	v12 =	vmul.f32 v12, v28;
	[tilespmem:s18+$0xFFFFFE10] =	vst v21  }
0x164: {  	v21 =	vperm.xlane v16, v7;
	[tilespmem:s18+$0xE0] =	vst v23;
	v22 =	vmul.f32 v24, v22;
	v23 =	vld [tilespmem:s10+$0xFFFFFE60]  }
0x165: {  	v28 =	vperm.xlane v19, v7;
	v24 =	vld [tilespmem:s10+$0xE0];
	v10 =	vmul.f32 v10, v25;
	[tilespmem:s18+$0xFFFFFEA0] =	vst v12  }
0x166: {  	[tilespmem:s18+$0x170] =	vst v22;
	v12 =	vmul.f32 v27, v21;
	v21 =	vperm.xlane v18, v7;
	v22 =	vld [tilespmem:s10+$0xFFFFFEE0]  }
0x167: {  	v25 =	vperm.xlane v20, v7;
	v27 =	vld [tilespmem:s10+$0x160];
	[tilespmem:s18+$0xFFFFFF30] =	vst v10;
	v10 =	vmul.f32 v11, v28  }
0x168: {  	v11 =	vperm.xlane v17, v7;
	[tilespmem:s18+$0x210] =	vst v12;
	v12 =	vld [tilespmem:s10+$0xFFFFFF60];
	v21 =	vmul.f32 v26, v21  }
0x169: {  	v28 =	vperm.xlane v14, v7;
	v26 =	vld [tilespmem:s10+$0x1F0];
	[tilespmem:s18+$0x60] =	vst v10;
	v10 =	vmul.f32 v23, v25  }
0x16a: {  	v23 =	vperm.xlane v15, v7;
	v11 =	vmul.f32 v24, v11;
	[tilespmem:s18+$0xFFFFFFD0] =	vst v21;
	v21 =	vld [tilespmem:s10+$0x70]  }
0x16b: {  	v24 =	vperm.xlane v13, v7;
	v25 =	vld [tilespmem:s10+$0xFFFFFFF0];
	[tilespmem:s18+$0xFFFFFE20] =	vst v10;
	v10 =	vmul.f32 v22, v28  }
0x16c: {  	v16 =	vperm.xlane v16, v8;
	[tilespmem:s18+$0xF0] =	vst v11;
	v22 =	vmul.f32 v27, v23;
	v11 =	vld [tilespmem:s10+$0xFFFFFE70]  }
0x16d: {  	v19 =	vperm.xlane v19, v8;
	v12 =	vmul.f32 v12, v24;
	v23 =	vld [tilespmem:s10+$0xF0];
	[tilespmem:s18+$0xFFFFFEB0] =	vst v10  }
0x16e: {  	v10 =	vperm.xlane v18, v8;
	v16 =	vmul.f32 v26, v16;
	[tilespmem:s18+$0x180] =	vst v22;
	v18 =	vld [tilespmem:s10+$0xFFFFFEF0]  }
0x16f: {  	v20 =	vperm.xlane v20, v8;
	[tilespmem:s18+$0xFFFFFF40] =	vst v12;
	v12 =	vmul.f32 v21, v19;
	v19 =	vld [tilespmem:s10+$0x170]  }
0x170: {  	v17 =	vperm.xlane v17, v8;
	[tilespmem:s18+$0x220] =	vst v16;
	v10 =	vmul.f32 v25, v10;
	v16 =	vld [tilespmem:s10+$0xFFFFFF70]  }
0x171: {  	v14 =	vperm.xlane v14, v8;
	[tilespmem:s18+$0x70] =	vst v12;
	v11 =	vmul.f32 v11, v20  }
0x172: {  	v12 =	vperm.xlane v15, v8;
	[tilespmem:s18+$0xFFFFFFE0] =	vst v10;
	v10 =	vmul.f32 v23, v17  }
0x173: {  	v13 =	vperm.xlane v13, v8;
	[tilespmem:s18+$0xFFFFFE30] =	vst v11;
	v11 =	vmul.f32 v18, v14  }
0x174: {  	[tilespmem:s18+$0x100] =	vst v10;
	v10 =	vmul.f32 v19, v12  }
0x175: {  	s8 =	sshll.u32 s13, $0x7;
	v12 =	vmul.f32 v16, v13;
	[tilespmem:s18+$0xFFFFFEC0] =	vst v11  }
0x176: {  	s15 =	sand.u32 $0x80, s8;
	[tilespmem:s18+$0x190] =	vst v10  }
0x177: {  	s8 =	sor.u32 $0x100, s15;
	[tilespmem:s18+$0xFFFFFF50] =	vst v12  }
0x178: {  	[spmem:s3] =	stream.indirect.scatter.add.f32 [tilespmem:s30], [sflag:$0x7], $0x90, s8, s23, $0xb8;
	[tilespmem:$0x1FD90] =	vst v63  }
0x179: {  	s8 =	simm.s32 @!p0 $0x9  }
0x17a: {  	_ =	swait.ge @!p0 [sflag:s8], $0x40  }
0x17b: {  	[sflag:s8] =	ssyncset.done @!p0 $0x0  }
0x17c: {  	[sflag:s8] =	ssyncadd.s32 @!p0 $0xFFFFFFC0  }
0x17d: {  	_ =	swait.ge @!p0 [sflag:s8], $0x40  }
0x17e: {  	s10 =	sshll.u32 @!p0 s16, $0x6;
	s16 =	simm.s32 @!p0 $0x200;
	[sflag:s8] =	ssyncset.done @!p0 $0x0  }
0x17f: {  	s10 =	sand.u32 @!p0 $0x80, s10;
	[sflag:s8] =	ssyncadd.s32 @!p0 $0xFFFFFFC0;
	s8 =	simm.s32 @!p0 $0x40  }
0x180: {  	[tilespmem:s16], [sflag:$0x1] =	stream.indirect.gather @!p0 [hbm4b:s7+s8], $0x80, s10, s8, $0xb8;
	[tilespmem:$0x1FD90] =	vst v63  }
0x181: {  	s16 =	simm.s32 @!p0 $0x4200  }
0x182: {  	[tilespmem:s16], [sflag:$0x2] =	stream.indirect.gather @!p0 [hbm4b:s2+s8], $0x10, s10, s8, $0xb8;
	[tilespmem:$0x1FD90] =	vst v63  }
0x183: {  	s10 =	sor.u32 @!p0 $0x100, s10;
	s16 =	simm.s32 @!p0 $0x4A00  }
0x184: {  	[tilespmem:s16], [sflag:$0x3] =	stream.indirect.gather @!p0 [hbm4b:s2+s8], $0x10, s10, s8, $0xb8;
	[tilespmem:$0x1FD90] =	vst v63  }
0x185: {  	s8 =	simm.s32 @!p1 $0x8;
	s10 =	sadd.s32 $0x3, s14  }
0x186: {  	_ =	swait.ge @!p1 [sflag:s8], $0x2400;
	s10 =	sshll.u32 @!p0 s10, $0x6  }
0x187: {  	[sflag:s8] =	ssyncset.done @!p1 $0x0;
	s14 =	sadd.s32 @!p0 s9, s10  }
0x188: {  	[sflag:s8] =	ssyncadd.s32 @!p1 $0xFFFFDC00;
	s8 =	sshrl.u32 @!p0 s14, $0x3  }
0x189: {  	s17 =	simm.s32 @!p0 $0x0;
	s14 =	sand.u32 @!p0 $0xC0, s10;
	s10 =	sadd.s32 @!p0 s5, s8  }
0x18a: {  	[tilespmem:s14], [sflag:$0x9] =	stream.linear.gather @!p0 [hbm4b:s10+s17], $0x40, $0x38;
	[tilespmem:$0x1FD90] =	vst v63  }
0x18b: {  	s16 =	sor.u32 @!p0 $0x100, s14;
	s8 =	sadd.s32 @!p0 s6, s8  }
0x18c: {  	[tilespmem:s16], [sflag:$0x9] =	stream.linear.gather @!p0 [hbm4b:s8+s17], $0x40, $0x38;
	[tilespmem:$0x1FD90] =	vst v63  }
0x18d: {  	_ =	swait.ge [sflag:s31], $0x2000  }
0x18e: {  	[sflag:s31] =	ssyncset.done $0x0  }
0x18f: {  	[sflag:s31] =	ssyncadd.s32 $0xFFFFE000  }
0x190: {  	_ =	swait.ge [sflag:s0], $0x400  }
0x191: {  	[sflag:s0] =	ssyncset.done $0x0  }
0x192: {  	[sflag:s0] =	ssyncadd.s32 $0xFFFFFC00  }
0x193: {  	_ =	swait.ge [sflag:s1], $0x400  }
0x194: {  	[sflag:s1] =	ssyncset.done $0x0  }
0x195: {  	s24 =	simm.s32 $0x4E40;
	[sflag:s1] =	ssyncadd.s32 $0xFFFFFC00  }
0x196: {  	s25 =	simm.s32 $0x4640;
	v10 =	vld [tilespmem:s24+$0x30]  }
0x197: {  	v11 =	vld [tilespmem:s25+$0x30];
	_ =	sdelay $0x4  }
0x198: {  	v10 =	vsel vm0, v11, v10  }
0x199: {  	v11 =	vperm.xlane v10, v0;
	_ =	sdelay $0x1  }
0x19a: {  	v10 =	vadd.f32 v11, v10  }
0x19b: {  	v13 =	vld [tilespmem:s25+$0x20]  }
0x19c: {  	v14 =	vld [tilespmem:s25+$0x10];
	v12 =	vmul.f32 $2.000000030e-01, v10  }
0x19d: {  	v11 =	vld [tilespmem:s24+$0x20]  }
0x19e: {  	v10 =	vmax.f32 v10, v12;
	v12 =	vld [tilespmem:s24+$0x10]  }
0x19f: {  	v10 =	vsub.f32 v10, v9;
	_ =	sdelay $0x1  }
0x1a0: {  	v10 =	vmul.f32 $1.442695020e+00, v10  }
0x1a1: {  	v11 =	vsel vm0, v13, v11  }
0x1a2: {  	v13 =	vperm.xlane v11, v0;
	(erf) = vpow2.f32 v10;
	v10 =	vsel vm0, v14, v12  }
0x1a3: {  	v12 =	vperm.xlane v10, v0  }
0x1a4: {  	v11 =	vadd.f32 v13, v11  }
0x1a5: {  	v10 =	vadd.f32 v12, v10  }
0x1a6: {  	v12 =	vmul.f32 $2.000000030e-01, v11  }
0x1a7: {  	v15 =	vld [tilespmem:s25+$0x0];
	v13 =	vmul.f32 $2.000000030e-01, v10  }
0x1a8: {  	v16 =	vld [tilespmem:s24+$0xFFFFFFD0];
	v11 =	vmax.f32 v11, v12  }
0x1a9: {  	v14 =	vld [tilespmem:s25+$0xFFFFFFF0];
	v11 =	vsub.f32 v11, v9;
	v10 =	vmax.f32 v10, v13  }
0x1aa: {  	v12 =	vld [tilespmem:s24+$0xFFFFFFF0];
	v10 =	vsub.f32 v10, v9  }
0x1ab: {  	s17 =	simm.s32 $0x7840;
	v13 =	vld [tilespmem:s24+$0x0];
	v11 =	vmul.f32 $1.442695020e+00, v11;
	v30 =	vpop (erf)  }
0x1ac: {  	s18 =	simm.s32 $0x2400;
	v17 =	vld [tilespmem:s24+$0xFFFFFFE0];
	[tilespmem:s17+$0x230] =	vst v30;
	v10 =	vmul.f32 $1.442695020e+00, v10  }
0x1ad: {  	(erf) = vpow2.f32 v11;
	v11 =	vld [tilespmem:s18+$0x180]  }
0x1ae: {  	(erf) = vpow2.f32 v10;
	v10 =	vld [tilespmem:s25+$0xFFFFFFD0]  }
0x1af: {  	v19 =	vld [tilespmem:s25+$0xFFFFFFE0]  }
0x1b0: {  	v18 =	vperm.xlane v30, v1;
	v12 =	vsel vm0, v14, v12;
	v14 =	vld [tilespmem:s24+$0xFFFFFFC0];
	v13 =	vsel vm0, v15, v13  }
0x1b1: {  	v15 =	vld [tilespmem:s25+$0xFFFFFFC0];
	v20 =	vperm.xlane v13, v0  }
0x1b2: {  	v11 =	vmul.f32 v11, v18;
	v18 =	vperm.xlane v12, v0  }
0x1b3: {  	v13 =	vadd.f32 v20, v13;
	v10 =	vsel vm0, v10, v16  }
0x1b4: {  	[tilespmem:s17+$0x1B0] =	vst v11;
	v11 =	vadd.f32 v18, v12;
	v16 =	vperm.xlane v10, v0  }
0x1b5: {  	v17 =	vsel vm0, v19, v17;
	v19 =	vmul.f32 $2.000000030e-01, v13;
	v12 =	vld [tilespmem:s18+$0x190]  }
0x1b6: {  	v14 =	vsel vm0, v15, v14;
	v31 =	vpop (erf);
	v21 =	vmul.f32 $2.000000030e-01, v11;
	v10 =	vadd.f32 v16, v10  }
0x1b7: {  	v18 =	vperm.xlane v30, v2;
	v13 =	vmax.f32 v13, v19;
	[tilespmem:s17+$0x1A0] =	vst v31;
	v16 =	vperm.xlane v17, v0  }
0x1b8: {  	v13 =	vsub.f32 v13, v9;
	v15 =	vld [tilespmem:s18+$0x100];
	v19 =	vmul.f32 $2.000000030e-01, v10;
	v11 =	vmax.f32 v11, v21  }
0x1b9: {  	v20 =	vperm.xlane v31, v1;
	v33 =	vpop (erf);
	v16 =	vadd.f32 v16, v17;
	v11 =	vsub.f32 v11, v9  }
0x1ba: {  	[tilespmem:s17+$0x110] =	vst v33;
	v12 =	vmul.f32 v12, v18;
	v18 =	vperm.xlane v14, v0;
	v10 =	vmax.f32 v10, v19  }
0x1bb: {  	v22 =	vperm.xlane v33, v1;
	v13 =	vmul.f32 $1.442695020e+00, v13;
	v17 =	vld [tilespmem:s18+$0x80];
	v10 =	vsub.f32 v10, v9  }
0x1bc: {  	v11 =	vmul.f32 $1.442695020e+00, v11;
	[tilespmem:s17+$0x1C0] =	vst v12;
	v12 =	vmul.f32 $2.000000030e-01, v16;
	v14 =	vadd.f32 v18, v14  }
0x1bd: {  	s8 =	simm.s32 $0x4EC0;
	v15 =	vmul.f32 v15, v20;
	v20 =	vld [tilespmem:s18+$0x1A0];
	v10 =	vmul.f32 $1.442695020e+00, v10  }
0x1be: {  	v35 =	vld [tilespmem:s8+$0x20];
	(erf) = vpow2.f32 v11;
	v12 =	vmax.f32 v16, v12;
	v11 =	vmul.f32 $2.000000030e-01, v14  }
0x1bf: {  	v36 =	vld [tilespmem:s8+$0x30];
	s24 =	simm.s32 $0x46C0;
	(erf) = vpow2.f32 v13;
	v13 =	vperm.xlane v30, v3;
	v12 =	vsub.f32 v12, v9  }
0x1c0: {  	v23 =	vld [tilespmem:s24+$0xFFFFFFF0];
	v16 =	vmul.f32 v17, v22;
	(erf) = vpow2.f32 v10;
	v10 =	vmax.f32 v14, v11  }
0x1c1: {  	v32 =	vld [tilespmem:s24+$0x10];
	[tilespmem:s17+$0x120] =	vst v15;
	v11 =	vmul.f32 $1.442695020e+00, v12;
	v10 =	vsub.f32 v10, v9  }
0x1c2: {  	[tilespmem:s17+$0x90] =	vst v16;
	v14 =	vld [tilespmem:s18+$0x110];
	v12 =	vmul.f32 v20, v13  }
0x1c3: {  	v16 =	vld [tilespmem:s18+$0x90];
	(erf) = vpow2.f32 v11;
	v11 =	vmul.f32 $1.442695020e+00, v10  }
0x1c4: {  	v49 =	vld [tilespmem:s24+$0x30];
	v20 =	vperm.xlane v31, v2;
	[tilespmem:s17+$0x1D0] =	vst v12  }
0x1c5: {  	v22 =	vperm.xlane v33, v2;
	v21 =	vld [tilespmem:s18+$0x1B0];
	(erf) = vpow2.f32 v11  }
0x1c6: {  	v28 =	vperm.xlane v30, v7;
	v26 =	vperm.xlane v30, v8;
	v19 =	vld [tilespmem:s8+$0xFFFFFFC0]  }
0x1c7: {  	v39 =	vperm.xlane v30, v6;
	v18 =	vld [tilespmem:s24+$0xFFFFFFC0];
	v14 =	vmul.f32 v14, v20;
	v25 =	vpop (erf)  }
0x1c8: {  	v17 =	vld [tilespmem:s8+$0xFFFFFFE0];
	v11 =	vmul.f32 v16, v22;
	v16 =	vperm.xlane v30, v4;
	v20 =	vpop (erf);
	[tilespmem:s17+$0xFFFFFFF0] =	vst v25  }
0x1c9: {  	v34 =	vperm.xlane v31, v6;
	v56 =	vperm.xlane v31, v3;
	[tilespmem:s17+$0x80] =	vst v20;
	v22 =	vpop (erf);
	v51 =	vld [tilespmem:s18+$0xFFFFFF80]  }
0x1ca: {  	v63 =	vperm.xlane v33, v3;
	v24 =	vld [tilespmem:s18+$0x0];
	[tilespmem:s17+$0xFFFFFED0] =	vst v22;
	v29 =	vmul.f32 v21, v16  }
0x1cb: {  	v59 =	vperm.xlane v33, v4;
	v13 =	vperm.xlane v31, v7;
	[tilespmem:s17+$0xA0] =	vst v11;
	v40 =	vld [tilespmem:s18+$0xFFFFFE80]  }
0x1cc: {  	v10 =	vperm.xlane v31, v8;
	v45 =	vperm.xlane v25, v1;
	[tilespmem:s17+$0x130] =	vst v14;
	v43 =	vld [tilespmem:s18+$0xA0];
	v27 =	vpop (erf)  }
0x1cd: {  	v15 =	vld [tilespmem:s8+$0xFFFFFFF0];
	v12 =	vperm.xlane v33, v8;
	v42 =	vperm.xlane v20, v1;
	[tilespmem:s17+$0xFFFFFF60] =	vst v27  }
0x1ce: {  	v46 =	vperm.xlane v22, v1;
	[tilespmem:s17+$0x1E0] =	vst v29;
	v38 =	vmul.f32 v51, v45;
	v44 =	vld [tilespmem:s18+$0xFFFFFF00];
	v29 =	vpop (erf)  }
0x1cf: {  	v30 =	vperm.xlane v30, v5;
	v52 =	vld [tilespmem:s18+$0x120];
	v42 =	vmul.f32 v24, v42;
	[tilespmem:s17+$0xFFFFFE40] =	vst v29  }
0x1d0: {  	v60 =	vperm.xlane v20, v2;
	v40 =	vmul.f32 v40, v46;
	[tilespmem:s17+$0xFFFFFF70] =	vst v38;
	v48 =	vld [tilespmem:s18+$0xFFFFFE00]  }
0x1d1: {  	v41 =	vperm.xlane v27, v1;
	v37 =	vmul.f32 v43, v63;
	[tilespmem:s17+$0x0] =	vst v42;
	v55 =	vld [tilespmem:s18+$0xFFFFFF90]  }
0x1d2: {  	v50 =	vperm.xlane v22, v2;
	v16 =	vperm.xlane v33, v7;
	v53 =	vld [tilespmem:s18+$0x10];
	[tilespmem:s17+$0xFFFFFE50] =	vst v40  }
0x1d3: {  	v57 =	vperm.xlane v29, v1;
	[tilespmem:s17+$0xB0] =	vst v37;
	v58 =	vld [tilespmem:s18+$0xFFFFFE90];
	v54 =	vmul.f32 v44, v41  }
0x1d4: {  	v63 =	vperm.xlane v25, v2;
	v42 =	vmul.f32 v52, v56;
	v61 =	vld [tilespmem:s18+$0xB0]  }
0x1d5: {  	v21 =	vperm.xlane v25, v8;
	v47 =	vld [tilespmem:s18+$0x1C0];
	[tilespmem:s17+$0xFFFFFEE0] =	vst v54;
	v43 =	vmul.f32 v48, v57  }
0x1d6: {  	v11 =	vperm.xlane v27, v8;
	[tilespmem:s17+$0x140] =	vst v42;
	v52 =	vmul.f32 v55, v63;
	v62 =	vld [tilespmem:s18+$0xFFFFFF10]  }
0x1d7: {  	v51 =	vperm.xlane v22, v3;
	v38 =	vmul.f32 v53, v60;
	v53 =	vld [tilespmem:s18+$0x130];
	[tilespmem:s17+$0xFFFFFDC0] =	vst v43  }
0x1d8: {  	v24 =	vperm.xlane v29, v7;
	v44 =	vmul.f32 v58, v50;
	[tilespmem:s17+$0xFFFFFF80] =	vst v52;
	v43 =	vld [tilespmem:s18+$0xFFFFFE10]  }
0x1d9: {  	v55 =	vperm.xlane v27, v2;
	v37 =	vmul.f32 v61, v59;
	[tilespmem:s17+$0x10] =	vst v38;
	v57 =	vld [tilespmem:s18+$0xFFFFFFA0]  }
0x1da: {  	v54 =	vmul.f32 v47, v30;
	v58 =	vperm.xlane v31, v4;
	v38 =	vld [tilespmem:s18+$0x20];
	[tilespmem:s17+$0xFFFFFE60] =	vst v44  }
0x1db: {  	v59 =	vperm.xlane v29, v2;
	[tilespmem:s17+$0xC0] =	vst v37;
	v60 =	vld [tilespmem:s18+$0xFFFFFEA0];
	v56 =	vmul.f32 v62, v55  }
0x1dc: {  	v50 =	vperm.xlane v25, v3;
	[tilespmem:s17+$0x1F0] =	vst v54;
	v62 =	vld [tilespmem:s18+$0xC0];
	v41 =	vmul.f32 v53, v58  }
0x1dd: {  	v61 =	vperm.xlane v20, v3;
	v40 =	vld [tilespmem:s18+$0x1D0];
	[tilespmem:s17+$0xFFFFFEF0] =	vst v56;
	v43 =	vmul.f32 v43, v59  }
0x1de: {  	v37 =	vperm.xlane v33, v6;
	[tilespmem:s17+$0x150] =	vst v41;
	v52 =	vmul.f32 v57, v50;
	v63 =	vld [tilespmem:s18+$0xFFFFFF20]  }
0x1df: {  	v33 =	vperm.xlane v33, v5;
	v38 =	vmul.f32 v38, v61;
	v53 =	vld [tilespmem:s18+$0x140];
	[tilespmem:s17+$0xFFFFFDD0] =	vst v43  }
0x1e0: {  	v14 =	vperm.xlane v29, v8;
	v42 =	vmul.f32 v60, v51;
	[tilespmem:s17+$0xFFFFFF90] =	vst v52;
	v54 =	vld [tilespmem:s18+$0xFFFFFE20]  }
0x1e1: {  	v55 =	vperm.xlane v27, v3;
	[tilespmem:s17+$0x20] =	vst v38;
	v33 =	vmul.f32 v62, v33;
	v57 =	vld [tilespmem:s18+$0xFFFFFFB0]  }
0x1e2: {  	v30 =	vperm.xlane v27, v7;
	v58 =	vperm.xlane v29, v3;
	v61 =	vsel vm0, v49, v36;
	v38 =	vld [tilespmem:s18+$0x30];
	[tilespmem:s17+$0xFFFFFE70] =	vst v42  }
0x1e3: {  	v52 =	vperm.xlane v61, v0;
	v59 =	vld [tilespmem:s18+$0xFFFFFEB0];
	[tilespmem:s17+$0xD0] =	vst v33;
	v56 =	vmul.f32 v63, v55  }
0x1e4: {  	v31 =	vperm.xlane v31, v5;
	v41 =	vperm.xlane v22, v5;
	v63 =	vld [tilespmem:s18+$0xD0]  }
0x1e5: {  	v62 =	vperm.xlane v20, v4;
	v33 =	vadd.f32 v52, v61;
	[tilespmem:s17+$0xFFFFFF00] =	vst v56;
	v44 =	vmul.f32 v54, v58;
	v54 =	vld [tilespmem:s24+$0x20]  }
0x1e6: {  	v60 =	vperm.xlane v25, v4;
	v31 =	vmul.f32 v53, v31;
	v53 =	vld [tilespmem:s18+$0xFFFFFF30]  }
0x1e7: {  	v61 =	vmul.f32 $2.000000030e-01, v33;
	v56 =	vld [tilespmem:s8+$0x10];
	v36 =	vmul.f32 v38, v62;
	[tilespmem:s17+$0xFFFFFDE0] =	vst v44  }
0x1e8: {  	v55 =	vperm.xlane v22, v4;
	v57 =	vmul.f32 v57, v60;
	v58 =	vld [tilespmem:s18+$0xFFFFFE30]  }
0x1e9: {  	v46 =	vld [tilespmem:s8+$0x0];
	v39 =	vmul.f32 v40, v39;
	v60 =	vperm.xlane v27, v4;
	v33 =	vmax.f32 v33, v61;
	[tilespmem:s17+$0x30] =	vst v36  }
0x1ea: {  	v50 =	vperm.xlane v29, v4;
	v59 =	vmul.f32 v59, v55;
	[tilespmem:s17+$0xFFFFFFA0] =	vst v57;
	v33 =	vsub.f32 v33, v9;
	v62 =	vld [tilespmem:s18+$0x40]  }
0x1eb: {  	[tilespmem:s17+$0x160] =	vst v31;
	v37 =	vmul.f32 v63, v37;
	v48 =	vld [tilespmem:s18+$0xFFFFFFC0];
	v63 =	vmul.f32 v53, v60  }
0x1ec: {  	v51 =	vld [tilespmem:s18+$0x150];
	[tilespmem:s17+$0xFFFFFE80] =	vst v59;
	v33 =	vmul.f32 $1.442695020e+00, v33;
	v35 =	vsel vm0, v54, v35;
	v54 =	vperm.xlane v20, v5  }
0x1ed: {  	v32 =	vsel vm0, v32, v56;
	v56 =	vperm.xlane v25, v5;
	v53 =	vld [tilespmem:s18+$0xFFFFFEC0];
	[tilespmem:s17+$0xFFFFFF10] =	vst v63;
	v36 =	vmul.f32 v58, v50  }
0x1ee: {  	[tilespmem:s17+$0x200] =	vst v39;
	v52 =	vperm.xlane v35, v0;
	(erf) = vpow2.f32 v33;
	v55 =	vld [tilespmem:s18+$0xFFFFFF40]  }
0x1ef: {  	v31 =	vperm.xlane v29, v5;
	v58 =	vld [tilespmem:s18+$0x1E0];
	v42 =	vmul.f32 v62, v54;
	[tilespmem:s17+$0xFFFFFDF0] =	vst v36  }
0x1f0: {  	[tilespmem:s17+$0xE0] =	vst v37;
	v57 =	vperm.xlane v32, v0;
	v35 =	vadd.f32 v52, v35;
	v59 =	vmul.f32 v48, v56;
	v61 =	vld [tilespmem:s18+$0xFFFFFE40]  }
0x1f1: {  	v34 =	vmul.f32 v51, v34;
	v52 =	vld [tilespmem:s18+$0xE0];
	v62 =	vperm.xlane v27, v5;
	[tilespmem:s17+$0x40] =	vst v42  }
0x1f2: {  	v51 =	vperm.xlane v20, v6;
	v60 =	vmul.f32 $2.000000030e-01, v35;
	[tilespmem:s17+$0xFFFFFFB0] =	vst v59;
	v63 =	vld [tilespmem:s18+$0x50]  }
0x1f3: {  	v32 =	vadd.f32 v57, v32;
	v50 =	vperm.xlane v25, v6;
	v49 =	vld [tilespmem:s18+$0xFFFFFFD0];
	v38 =	vmul.f32 v55, v62  }
0x1f4: {  	v37 =	vld [tilespmem:s24+$0xFFFFFFE0];
	v25 =	vperm.xlane v25, v7;
	v35 =	vmax.f32 v35, v60;
	v28 =	vmul.f32 v58, v28  }
0x1f5: {  	v56 =	vld [tilespmem:s24+$0x0];
	v48 =	vmul.f32 $2.000000030e-01, v32;
	v35 =	vsub.f32 v35, v9;
	[tilespmem:s17+$0xFFFFFF20] =	vst v38;
	v31 =	vmul.f32 v61, v31  }
0x1f6: {  	v41 =	vmul.f32 v53, v41;
	v59 =	vmul.f32 v52, v16;
	[tilespmem:s17+$0x210] =	vst v28;
	v53 =	vld [tilespmem:s18+$0xFFFFFF50]  }
0x1f7: {  	s10 =	simm.s32 $0x7CC0;
	v35 =	vmul.f32 $1.442695020e+00, v35;
	v28 =	vmax.f32 v32, v48;
	v16 =	vpop (erf);
	v55 =	vld [tilespmem:s18+$0x1F0];
	v33 =	vmul.f32 v63, v51;
	[tilespmem:s17+$0xFFFFFE00] =	vst v31  }
0x1f8: {  	s25 =	simm.s32 $0x2800;
	v54 =	vperm.xlane v22, v6;
	v28 =	vsub.f32 v28, v9;
	[tilespmem:s10+$0x230] =	vst v16;
	v31 =	vmul.f32 v49, v50;
	v57 =	vld [tilespmem:s18+$0xFFFFFE50]  }
0x1f9: {  	v27 =	vperm.xlane v27, v6;
	(erf) = vpow2.f32 v35;
	v63 =	vld [tilespmem:s25+$0x180];
	[tilespmem:s17+$0x50] =	vst v33  }
0x1fa: {  	v60 =	vperm.xlane v29, v6;
	v28 =	vmul.f32 $1.442695020e+00, v28;
	[tilespmem:s17+$0xFFFFFFC0] =	vst v31;
	v31 =	vld [tilespmem:s18+$0x60]  }
0x1fb: {  	[tilespmem:s17+$0x170] =	vst v34;
	v58 =	vperm.xlane v20, v7;
	v61 =	vld [tilespmem:s18+$0xFFFFFFE0];
	v27 =	vmul.f32 v53, v27  }
0x1fc: {  	[tilespmem:s17+$0xFFFFFE90] =	vst v41;
	v52 =	vld [tilespmem:s24+$0xFFFFFFD0];
	v62 =	vperm.xlane v16, v1;
	(erf) = vpow2.f32 v28  }
0x1fd: {  	v29 =	vperm.xlane v16, v3;
	v28 =	vld [tilespmem:s18+$0xFFFFFED0];
	[tilespmem:s17+$0xFFFFFF30] =	vst v27;
	v27 =	vmul.f32 v57, v60  }
0x1fe: {  	[tilespmem:s17+$0xF0] =	vst v59;
	v49 =	vld [tilespmem:s8+$0xFFFFFFD0];
	v50 =	vsel vm0, v56, v46;
	v36 =	vmul.f32 v55, v26;
	v26 =	vperm.xlane v22, v7  }
0x1ff: {  	v53 =	vperm.xlane v50, v0;
	v48 =	vld [tilespmem:s18+$0xFFFFFF60];
	v51 =	vmul.f32 v31, v58;
	[tilespmem:s17+$0xFFFFFE10] =	vst v27  }
0x200: {  	v56 =	vsel vm0, v37, v17;
	v55 =	vmul.f32 v63, v62;
	[tilespmem:s17+$0x220] =	vst v36;
	v25 =	vmul.f32 v61, v25;
	v27 =	vld [tilespmem:s18+$0xFFFFFE60]  }
0x201: {  	v23 =	vsel vm0, v23, v15;
	v33 =	vld [tilespmem:s18+$0x160];
	v62 =	vperm.xlane v20, v8;
	v60 =	vperm.xlane v56, v0;
	[tilespmem:s17+$0x60] =	vst v51  }
0x202: {  	v38 =	vadd.f32 v53, v50;
	v32 =	vmul.f32 v28, v54;
	v54 =	vperm.xlane v23, v0;
	v15 =	vpop (erf);
	[tilespmem:s17+$0xFFFFFFD0] =	vst v25;
	v59 =	vld [tilespmem:s18+$0x70]  }
0x203: {  	[tilespmem:s10+$0x1B0] =	vst v55;
	v31 =	vperm.xlane v16, v2;
	v61 =	vsel vm0, v52, v49;
	v28 =	vperm.xlane v15, v1;
	v58 =	vld [tilespmem:s18+$0xFFFFFFF0]  }
0x204: {  	[tilespmem:s17+$0xFFFFFEA0] =	vst v32;
	v34 =	vadd.f32 v54, v23;
	v23 =	vmul.f32 $2.000000030e-01, v38;
	v32 =	vld [tilespmem:s25+$0x190];
	v20 =	vperm.xlane v61, v0  }
0x205: {  	v35 =	vsel vm0, v18, v19;
	[tilespmem:s10+$0x1A0] =	vst v15;
	v17 =	vpop (erf);
	v57 =	vmul.f32 v48, v30;
	v30 =	vld [tilespmem:s18+$0xFFFFFEE0];
	v63 =	vmul.f32 v27, v24  }
0x206: {  	v25 =	vperm.xlane v22, v8;
	v37 =	vmul.f32 $2.000000030e-01, v34;
	v36 =	vadd.f32 v20, v61;
	v20 =	vld [tilespmem:s25+$0x100];
	[tilespmem:s10+$0x110] =	vst v17  }
0x207: {  	v22 =	vld [tilespmem:s25+$0x80];
	v27 =	vmax.f32 v38, v23;
	v24 =	vperm.xlane v17, v1;
	v38 =	vperm.xlane v35, v0;
	[tilespmem:s17+$0xFFFFFE20] =	vst v63  }
0x208: {  	s19 =	simm.s32 $0x8;
	[tilespmem:s17+$0xFFFFFF40] =	vst v57;
	v23 =	vmul.f32 v59, v62;
	v19 =	vmul.f32 v58, v21;
	v21 =	vadd.f32 v60, v56;
	v18 =	vld [tilespmem:s18+$0xFFFFFE70]  }
.LBB2_7:
0x209: {  	s19 =	sadd.s32 $0x8, s19;
	v39 =	vmul.f32 $2.000000030e-01, v36;
	v34 =	vmax.f32 v34, v37;
	v31 =	vmul.f32 v32, v31;
	v32 =	vld [tilespmem:s18+$0xFFFFFF70]  }
0x20a: {  	v27 =	vsub.f32 v27, v9;
	v26 =	vmul.f32 v30, v26;
	p1 =	slt.u32 s19, $0x38;
	v34 =	vsub.f32 v34, v9;
	[tilespmem:s17+$0x70] =	vst v23;
	v23 =	vld [tilespmem:s18+$0xF0]  }
0x20b: {  	v13 =	vmul.f32 v33, v13;
	v30 =	vadd.f32 v38, v35;
	v35 =	vmax.f32 v36, v39;
	[tilespmem:s10+$0x1C0] =	vst v31  }
0x20c: {  	v27 =	vmul.f32 $1.442695020e+00, v27;
	v31 =	vsub.f32 v35, v9;
	v28 =	vmul.f32 v20, v28;
	v33 =	vld [tilespmem:s25+$0x1A0];
	[tilespmem:s17+$0xFFFFFEB0] =	vst v26  }
0x20d: {  	v20 =	vmul.f32 $2.000000030e-01, v21;
	v26 =	vmul.f32 $1.442695020e+00, v34;
	v34 =	vld [tilespmem:s18+$0xFFFFFEF0];
	[tilespmem:s17+$0x180] =	vst v13  }
0x20e: {  	s24 =	sadd.s32 $0x80, s24;
	v14 =	vmul.f32 v18, v14;
	v13 =	vmul.f32 $1.442695020e+00, v31;
	v31 =	vld [tilespmem:s18+$0x170];
	s18 =	smov.u32 s25  }
0x20f: {  	s8 =	sadd.s32 $0x80, s8;
	v35 =	vmul.f32 $2.000000030e-01, v30;
	v20 =	vmax.f32 v21, v20;
	v18 =	vld [tilespmem:s24+$0xFFFFFFC0];
	(erf) = vpow2.f32 v26;
	[tilespmem:s17+$0xFFFFFFE0] =	vst v19  }
0x210: {  	v26 =	vsub.f32 v20, v9;
	v12 =	vmul.f32 v23, v12;
	v19 =	vld [tilespmem:s8+$0xFFFFFFC0];
	(erf) = vpow2.f32 v27;
	[tilespmem:s17+$0xFFFFFE30] =	vst v14  }
0x211: {  	v14 =	vmul.f32 v22, v24;
	v20 =	vld [tilespmem:s8+$0xFFFFFFE0];
	[tilespmem:s10+$0x120] =	vst v28;
	(erf) = vpow2.f32 v13  }
0x212: {  	v13 =	vmax.f32 v30, v35;
	v22 =	vmul.f32 $1.442695020e+00, v26;
	v21 =	vld [tilespmem:s8+$0xFFFFFFF0];
	v23 =	vmul.f32 v34, v25;
	[tilespmem:s17+$0x100] =	vst v12  }
0x213: {  	v11 =	vmul.f32 v32, v11;
	v12 =	vsub.f32 v13, v9;
	v25 =	vmul.f32 v33, v29;
	[tilespmem:s10+$0x90] =	vst v14;
	v14 =	vld [tilespmem:s25+$0x110]  }
0x214: {  	v27 =	vld [tilespmem:s25+$0x90];
	(erf) = vpow2.f32 v22;
	[tilespmem:s17+$0xFFFFFEC0] =	vst v23;
	v22 =	vmul.f32 v31, v10  }
0x215: {  	v13 =	vperm.xlane v15, v7;
	v12 =	vmul.f32 $1.442695020e+00, v12;
	v24 =	vld [tilespmem:s24+$0xFFFFFFF0];
	[tilespmem:s10+$0x1D0] =	vst v25  }
0x216: {  	v23 =	vperm.xlane v15, v2;
	v10 =	vperm.xlane v15, v8;
	v30 =	vld [tilespmem:s25+$0x1B0];
	[tilespmem:s17+$0x190] =	vst v22  }
0x217: {  	v31 =	vperm.xlane v17, v2;
	v26 =	vld [tilespmem:s8+$0x0];
	(erf) = vpow2.f32 v12;
	[tilespmem:s17+$0xFFFFFF50] =	vst v11;
	s17 =	smov.u32 s10  }
0x218: {  	v12 =	vperm.xlane v17, v8;
	v35 =	vld [tilespmem:s24+$0x10];
	v14 =	vmul.f32 v14, v23;
	v28 =	vpop (erf)  }
0x219: {  	v23 =	vperm.xlane v16, v4;
	v37 =	vld [tilespmem:s8+$0x20];
	v11 =	vmul.f32 v27, v31;
	v22 =	vpop (erf)  }
0x21a: {  	v33 =	vperm.xlane v16, v7;
	v29 =	vperm.xlane v16, v8;
	v39 =	vld [tilespmem:s8+$0x30];
	[tilespmem:s10+$0x80] =	vst v22;
	v25 =	vpop (erf)  }
0x21b: {  	v34 =	vperm.xlane v17, v3;
	[tilespmem:s10+$0xFFFFFFF0] =	vst v28;
	v27 =	vld [tilespmem:s25+$0x0];
	v32 =	vmul.f32 v30, v23  }
0x21c: {  	v38 =	vperm.xlane v16, v6;
	v30 =	vperm.xlane v17, v7;
	[tilespmem:s10+$0xFFFFFED0] =	vst v25;
	v40 =	vld [tilespmem:s25+$0xFFFFFF80]  }
0x21d: {  	v36 =	vperm.xlane v15, v6;
	v23 =	vperm.xlane v28, v8;
	v41 =	vld [tilespmem:s25+$0xFFFFFE80];
	[tilespmem:s10+$0xA0] =	vst v11;
	v31 =	vpop (erf)  }
0x21e: {  	v43 =	vperm.xlane v22, v1;
	[tilespmem:s10+$0xFFFFFF60] =	vst v31;
	v42 =	vperm.xlane v31, v1;
	v44 =	vld [tilespmem:s25+$0xA0]  }
0x21f: {  	v46 =	vperm.xlane v28, v1;
	v11 =	vperm.xlane v31, v8;
	v45 =	vld [tilespmem:s25+$0xFFFFFF00];
	[tilespmem:s10+$0x1E0] =	vst v32  }
0x220: {  	v47 =	vperm.xlane v25, v1;
	v43 =	vmul.f32 v27, v43;
	[tilespmem:s10+$0x130] =	vst v14;
	v48 =	vld [tilespmem:s25+$0x1C0];
	v32 =	vpop (erf)  }
0x221: {  	[tilespmem:s10+$0xFFFFFE40] =	vst v32;
	v27 =	vperm.xlane v32, v7;
	v40 =	vmul.f32 v40, v46;
	v46 =	vld [tilespmem:s25+$0x120]  }
0x222: {  	v14 =	vperm.xlane v32, v8;
	v49 =	vld [tilespmem:s25+$0xFFFFFE00];
	v41 =	vmul.f32 v41, v47;
	[tilespmem:s10+$0x0] =	vst v43  }
0x223: {  	v16 =	vperm.xlane v16, v5;
	[tilespmem:s10+$0xFFFFFF70] =	vst v40;
	v40 =	vld [tilespmem:s25+$0x10];
	v34 =	vmul.f32 v44, v34  }
0x224: {  	v43 =	vperm.xlane v15, v3;
	[tilespmem:s10+$0xFFFFFE50] =	vst v41;
	v41 =	vmul.f32 v45, v42;
	v42 =	vld [tilespmem:s25+$0xFFFFFF90]  }
0x225: {  	v47 =	vperm.xlane v17, v4;
	v44 =	vperm.xlane v32, v1;
	v45 =	vld [tilespmem:s25+$0xFFFFFE90];
	[tilespmem:s10+$0xB0] =	vst v34  }
0x226: {  	v34 =	vperm.xlane v22, v2;
	[tilespmem:s10+$0xFFFFFEE0] =	vst v41;
	v41 =	vld [tilespmem:s25+$0xB0];
	v43 =	vmul.f32 v46, v43  }
0x227: {  	v44 =	vmul.f32 v49, v44;
	v46 =	vld [tilespmem:s25+$0xFFFFFF10];
	v49 =	vperm.xlane v28, v2  }
0x228: {  	v51 =	vperm.xlane v25, v2;
	v50 =	vld [tilespmem:s24+$0x30];
	v34 =	vmul.f32 v40, v34;
	[tilespmem:s10+$0x140] =	vst v43  }
0x229: {  	v16 =	vmul.f32 v48, v16;
	[tilespmem:s10+$0xFFFFFDC0] =	vst v44;
	v40 =	vmul.f32 v42, v49;
	v42 =	vld [tilespmem:s25+$0x130]  }
0x22a: {  	v43 =	vld [tilespmem:s25+$0xFFFFFE10];
	v44 =	vmul.f32 v45, v51;
	v45 =	vperm.xlane v31, v2;
	[tilespmem:s10+$0x10] =	vst v34  }
0x22b: {  	v34 =	vperm.xlane v31, v7;
	[tilespmem:s10+$0xFFFFFF80] =	vst v40;
	v40 =	vld [tilespmem:s25+$0x20];
	v41 =	vmul.f32 v41, v47  }
0x22c: {  	[tilespmem:s10+$0xFFFFFE60] =	vst v44;
	v44 =	vmul.f32 v46, v45;
	v45 =	vld [tilespmem:s25+$0xFFFFFFA0];
	v46 =	vperm.xlane v15, v4  }
0x22d: {  	v47 =	vperm.xlane v32, v2;
	v48 =	vld [tilespmem:s25+$0xFFFFFEA0];
	[tilespmem:s10+$0xC0] =	vst v41;
	v41 =	vperm.xlane v17, v6  }
0x22e: {  	[tilespmem:s10+$0xFFFFFEF0] =	vst v44;
	v44 =	vperm.xlane v22, v3;
	v49 =	vld [tilespmem:s25+$0xC0];
	v42 =	vmul.f32 v42, v46  }
0x22f: {  	v43 =	vmul.f32 v43, v47;
	v46 =	vld [tilespmem:s25+$0xFFFFFF20];
	v47 =	vperm.xlane v28, v3;
	[tilespmem:s10+$0x1F0] =	vst v16  }
0x230: {  	v16 =	vperm.xlane v25, v3;
	v40 =	vmul.f32 v40, v44;
	[tilespmem:s10+$0x150] =	vst v42;
	v42 =	vld [tilespmem:s25+$0x1D0]  }
0x231: {  	v17 =	vperm.xlane v17, v5;
	[tilespmem:s10+$0xFFFFFDD0] =	vst v43;
	v43 =	vmul.f32 v45, v47;
	v44 =	vld [tilespmem:s25+$0x140]  }
0x232: {  	v47 =	vperm.xlane v31, v3;
	v45 =	vld [tilespmem:s25+$0xFFFFFE20];
	v16 =	vmul.f32 v48, v16;
	[tilespmem:s10+$0x20] =	vst v40  }
0x233: {  	v15 =	vperm.xlane v15, v5;
	[tilespmem:s10+$0xFFFFFF90] =	vst v43;
	v40 =	vld [tilespmem:s25+$0x30];
	v17 =	vmul.f32 v49, v17  }
0x234: {  	[tilespmem:s10+$0xFFFFFE70] =	vst v16;
	v16 =	vperm.xlane v25, v5;
	v43 =	vmul.f32 v46, v47;
	v46 =	vld [tilespmem:s25+$0xFFFFFFB0]  }
0x235: {  	v49 =	vperm.xlane v28, v4;
	v47 =	vperm.xlane v32, v3;
	v48 =	vld [tilespmem:s25+$0xFFFFFEB0];
	[tilespmem:s10+$0xD0] =	vst v17  }
0x236: {  	v17 =	vsel vm0, v50, v39;
	v39 =	vperm.xlane v22, v4;
	[tilespmem:s10+$0xFFFFFF00] =	vst v43;
	v43 =	vld [tilespmem:s25+$0xD0];
	v15 =	vmul.f32 v44, v15  }
0x237: {  	v44 =	vperm.xlane v17, v0;
	v45 =	vmul.f32 v45, v47;
	v47 =	vld [tilespmem:s25+$0xFFFFFF30]  }
0x238: {  	v51 =	vperm.xlane v25, v4;
	v50 =	vld [tilespmem:s24+$0x20];
	v39 =	vmul.f32 v40, v39;
	[tilespmem:s10+$0x160] =	vst v15  }
0x239: {  	v38 =	vmul.f32 v42, v38;
	v17 =	vadd.f32 v44, v17;
	v15 =	vld [tilespmem:s8+$0x10];
	[tilespmem:s10+$0xFFFFFDE0] =	vst v45;
	v40 =	vmul.f32 v46, v49  }
0x23a: {  	v45 =	vperm.xlane v31, v4;
	v42 =	vld [tilespmem:s25+$0xFFFFFE30];
	v44 =	vmul.f32 v48, v51;
	[tilespmem:s10+$0x30] =	vst v39  }
0x23b: {  	v39 =	vmul.f32 $2.000000030e-01, v17;
	[tilespmem:s10+$0xFFFFFFA0] =	vst v40;
	v40 =	vld [tilespmem:s25+$0x40];
	v41 =	vmul.f32 v43, v41  }
0x23c: {  	v43 =	vperm.xlane v32, v5;
	[tilespmem:s10+$0xFFFFFE80] =	vst v44;
	v44 =	vmul.f32 v47, v45;
	v45 =	vld [tilespmem:s25+$0xFFFFFFC0]  }
0x23d: {  	v17 =	vmax.f32 v17, v39;
	v39 =	vperm.xlane v32, v4;
	v37 =	vsel vm0, v50, v37;
	v46 =	vld [tilespmem:s25+$0x150];
	[tilespmem:s10+$0x200] =	vst v38  }
0x23e: {  	v17 =	vsub.f32 v17, v9;
	v38 =	vperm.xlane v37, v0;
	v47 =	vld [tilespmem:s25+$0xFFFFFEC0];
	[tilespmem:s10+$0xFFFFFF10] =	vst v44;
	v44 =	vperm.xlane v22, v5  }
0x23f: {  	v15 =	vsel vm0, v35, v15;
	v35 =	vmul.f32 v42, v39;
	v39 =	vld [tilespmem:s25+$0xFFFFFF40];
	v42 =	vperm.xlane v28, v5;
	[tilespmem:s10+$0xE0] =	vst v41  }
0x240: {  	v41 =	vperm.xlane v15, v0;
	v37 =	vadd.f32 v38, v37;
	v38 =	vmul.f32 v40, v44;
	v40 =	vld [tilespmem:s25+$0x1E0]  }
0x241: {  	v17 =	vmul.f32 $1.442695020e+00, v17;
	v44 =	vld [tilespmem:s24+$0xFFFFFFE0];
	[tilespmem:s10+$0xFFFFFDF0] =	vst v35;
	v35 =	vmul.f32 v45, v42  }
0x242: {  	v15 =	vadd.f32 v41, v15;
	v45 =	vperm.xlane v31, v5;
	v41 =	vmul.f32 $2.000000030e-01, v37;
	v42 =	vld [tilespmem:s25+$0xFFFFFE40];
	[tilespmem:s10+$0x40] =	vst v38  }
0x243: {  	(erf) = vpow2.f32 v17;
	[tilespmem:s10+$0xFFFFFFB0] =	vst v35;
	v17 =	vld [tilespmem:s25+$0x50];
	v35 =	vmul.f32 v46, v36  }
0x244: {  	v36 =	vmul.f32 $2.000000030e-01, v15;
	v37 =	vmax.f32 v37, v41;
	v38 =	vmul.f32 v39, v45;
	v39 =	vld [tilespmem:s25+$0xFFFFFFD0]  }
0x245: {  	v16 =	vmul.f32 v47, v16;
	v41 =	vld [tilespmem:s24+$0x0];
	v37 =	vsub.f32 v37, v9;
	[tilespmem:s10+$0x170] =	vst v35;
	v33 =	vmul.f32 v40, v33  }
0x246: {  	v15 =	vmax.f32 v15, v36;
	v35 =	vperm.xlane v28, v6;
	v36 =	vperm.xlane v22, v6;
	[tilespmem:s10+$0xFFFFFF20] =	vst v38;
	v38 =	vld [tilespmem:s25+$0xE0]  }
0x247: {  	v15 =	vsub.f32 v15, v9;
	v37 =	vmul.f32 $1.442695020e+00, v37;
	v40 =	vmul.f32 v42, v43;
	v42 =	vld [tilespmem:s25+$0xFFFFFF50];
	[tilespmem:s10+$0x210] =	vst v33  }
0x248: {  	v43 =	vperm.xlane v25, v6;
	[tilespmem:s10+$0xFFFFFE90] =	vst v16;
	v16 =	vmul.f32 v17, v36;
	v17 =	vld [tilespmem:s25+$0x1F0]  }
0x249: {  	(erf) = vpow2.f32 v37;
	[tilespmem:s10+$0xFFFFFE00] =	vst v40;
	v35 =	vmul.f32 v39, v35;
	v33 =	vld [tilespmem:s25+$0x160]  }
0x24a: {  	v31 =	vperm.xlane v31, v6;
	v37 =	vperm.xlane v22, v7;
	v36 =	vld [tilespmem:s25+$0xFFFFFE50];
	[tilespmem:s10+$0x50] =	vst v16  }
0x24b: {  	v15 =	vmul.f32 $1.442695020e+00, v15;
	[tilespmem:s10+$0xFFFFFFC0] =	vst v35;
	v35 =	vld [tilespmem:s25+$0x60];
	v30 =	vmul.f32 v38, v30  }
0x24c: {  	v32 =	vperm.xlane v32, v6;
	s10 =	sadd.s32 $0x480, s10;
	v16 =	vpop (erf);
	v31 =	vmul.f32 v42, v31;
	v38 =	vld [tilespmem:s25+$0xFFFFFFE0]  }
0x24d: {  	s25 =	sadd.s32 $0x400, s25;
	[tilespmem:s10+$0x230] =	vst v16;
	(erf) = vpow2.f32 v15;
	v39 =	vld [tilespmem:s18+$0xFFFFFED0];
	v15 =	vmul.f32 v17, v29  }
0x24e: {  	v17 =	vperm.xlane v16, v1;
	v29 =	vperm.xlane v16, v3;
	v40 =	vld [tilespmem:s25+$0x180];
	[tilespmem:s17+$0xFFFFFF30] =	vst v31  }
0x24f: {  	v28 =	vperm.xlane v28, v7;
	v31 =	vmul.f32 v36, v32;
	v32 =	vld [tilespmem:s18+$0xFFFFFF60];
	[tilespmem:s17+$0xF0] =	vst v30  }
0x250: {  	v30 =	vsel vm0, v41, v26;
	v26 =	vperm.xlane v25, v7;
	v36 =	vld [tilespmem:s8+$0xFFFFFFD0];
	v35 =	vmul.f32 v35, v37;
	[tilespmem:s17+$0x220] =	vst v15  }
0x251: {  	v41 =	vperm.xlane v30, v0;
	v37 =	vld [tilespmem:s24+$0xFFFFFFD0];
	[tilespmem:s17+$0xFFFFFE10] =	vst v31;
	v28 =	vmul.f32 v38, v28  }
0x252: {  	v21 =	vsel vm0, v24, v21;
	v31 =	vperm.xlane v16, v2;
	v15 =	vpop (erf);
	v24 =	vld [tilespmem:s18+$0xFFFFFE60];
	v38 =	vmul.f32 v39, v43;
	[tilespmem:s17+$0x60] =	vst v35  }
0x253: {  	v35 =	vperm.xlane v21, v0;
	v39 =	vadd.f32 v41, v30;
	v43 =	vmul.f32 v40, v17;
	[tilespmem:s17+$0xFFFFFFD0] =	vst v28;
	v40 =	vld [tilespmem:s18+$0x70]  }
0x254: {  	v20 =	vsel vm0, v44, v20;
	v28 =	vperm.xlane v15, v1;
	[tilespmem:s17+$0xFFFFFEA0] =	vst v38;
	v38 =	vmul.f32 v32, v34;
	v41 =	vld [tilespmem:s18+$0xFFFFFFF0]  }
0x255: {  	v42 =	vperm.xlane v20, v0;
	v34 =	vadd.f32 v35, v21;
	v21 =	vmul.f32 $2.000000030e-01, v39;
	[tilespmem:s10+$0x1B0] =	vst v43;
	v30 =	vld [tilespmem:s18+$0xFFFFFEE0]  }
.Ltmp2:
0x256: {  	v25 =	vperm.xlane v25, v8;
	v43 =	vperm.xlane v22, v8;
	v36 =	vsel vm0, v37, v36;
	v32 =	vld [tilespmem:s25+$0x190];
	v17 =	vpop (erf);
	[tilespmem:s17+$0xFFFFFF40] =	vst v38;
	(pc) =	sbr.rel @p1 .LBB2_7-.Ltmp2, $4  }
0x257: {  	v35 =	vsel vm0, v18, v19;
	v18 =	vperm.xlane v36, v0;
	[tilespmem:s10+$0x110] =	vst v17;
	v19 =	vmul.f32 v24, v27  }
0x258: {  	v37 =	vmul.f32 $2.000000030e-01, v34;
	v27 =	vmax.f32 v39, v21;
	v24 =	vperm.xlane v17, v1;
	v22 =	vld [tilespmem:s25+$0x80];
	[tilespmem:s10+$0x1A0] =	vst v15  }
0x259: {  	v21 =	vadd.f32 v42, v20;
	v36 =	vadd.f32 v18, v36;
	v20 =	vld [tilespmem:s25+$0x100];
	[tilespmem:s17+$0xFFFFFE20] =	vst v19;
	v19 =	vmul.f32 v41, v23  }
0x25a: {  	v38 =	vperm.xlane v35, v0;
	v23 =	vmul.f32 v40, v43;
	v18 =	vld [tilespmem:s18+$0xFFFFFE70]  }
0x25b: {  	_ = 	snop  }
0x25c: {  	v39 =	vmul.f32 $2.000000030e-01, v36;
	v34 =	vmax.f32 v34, v37;
	v35 =	vadd.f32 v38, v35  }
0x25d: {  	v62 =	vmul.f32 $2.000000030e-01, v21;
	v34 =	vsub.f32 v34, v9  }
0x25e: {  	v27 =	vsub.f32 v27, v9;
	v36 =	vmax.f32 v36, v39;
	v38 =	vmul.f32 $2.000000030e-01, v35  }
0x25f: {  	v21 =	vmax.f32 v21, v62;
	v36 =	vsub.f32 v36, v9;
	v34 =	vmul.f32 $1.442695020e+00, v34  }
0x260: {  	v27 =	vmul.f32 $1.442695020e+00, v27;
	v21 =	vsub.f32 v21, v9;
	v35 =	vmax.f32 v35, v38  }
0x261: {  	v36 =	vmul.f32 $1.442695020e+00, v36;
	(erf) = vpow2.f32 v34;
	v63 =	vsub.f32 v35, v9  }
0x262: {  	v21 =	vmul.f32 $1.442695020e+00, v21;
	(erf) = vpow2.f32 v27  }
0x263: {  	(erf) = vpow2.f32 v36;
	v34 =	vmul.f32 $1.442695020e+00, v63  }
0x264: {  	(erf) = vpow2.f32 v21  }
0x265: {  	(erf) = vpow2.f32 v34;
	_ =	sdelay $0x1  }
0x266: {  	v26 =	vmul.f32 v30, v26;
	[tilespmem:s17+$0xFFFFFFE0] =	vst v19  }
0x267: {  	v13 =	vmul.f32 v33, v13;
	[tilespmem:s17+$0x70] =	vst v23  }
0x268: {  	v37 =	vld [tilespmem:s18+$0xF0];
	[tilespmem:s17+$0xFFFFFEB0] =	vst v26;
	v22 =	vmul.f32 v22, v24  }
0x269: {  	[tilespmem:s17+$0x180] =	vst v13;
	v38 =	vmul.f32 v20, v28;
	v36 =	vmul.f32 v18, v14;
	v18 =	vpop (erf)  }
0x26a: {  	v33 =	vld [tilespmem:s18+$0xFFFFFF70];
	[tilespmem:s10+$0x90] =	vst v22;
	v19 =	vpop (erf)  }
0x26b: {  	[tilespmem:s10+$0x120] =	vst v38;
	v14 =	vpop (erf)  }
0x26c: {  	[tilespmem:s10+$0x80] =	vst v19;
	v13 =	vpop (erf)  }
0x26d: {  	v12 =	vmul.f32 v37, v12;
	[tilespmem:s10+$0xFFFFFFF0] =	vst v18;
	v39 =	vld [tilespmem:s25+$0x0];
	v20 =	vpop (erf)  }
0x26e: {  	v40 =	vld [tilespmem:s25+$0xFFFFFF80];
	[tilespmem:s10+$0xFFFFFE40] =	vst v20  }
0x26f: {  	v11 =	vmul.f32 v33, v11;
	[tilespmem:s17+$0x100] =	vst v12;
	v41 =	vld [tilespmem:s25+$0xFFFFFE00]  }
0x270: {  	v43 =	vperm.xlane v19, v1;
	[tilespmem:s10+$0xFFFFFED0] =	vst v14  }
0x271: {  	v35 =	vmul.f32 v32, v31;
	[tilespmem:s17+$0xFFFFFF50] =	vst v11;
	v45 =	vperm.xlane v18, v1;
	v44 =	vld [tilespmem:s25+$0xFFFFFE80]  }
0x272: {  	v42 =	vld [tilespmem:s18+$0xFFFFFEF0];
	[tilespmem:s10+$0xFFFFFF60] =	vst v13;
	v47 =	vperm.xlane v20, v1;
	v26 =	vmul.f32 v39, v43  }
0x273: {  	[tilespmem:s10+$0x1C0] =	vst v35;
	v48 =	vld [tilespmem:s25+$0xFFFFFF00];
	v24 =	vmul.f32 v40, v45  }
0x274: {  	v49 =	vld [tilespmem:s18+$0x170];
	v50 =	vperm.xlane v14, v1;
	[tilespmem:s10+$0x0] =	vst v26;
	v21 =	vmul.f32 v41, v47  }
0x275: {  	[tilespmem:s10+$0xFFFFFF70] =	vst v24;
	v51 =	vld [tilespmem:s25+$0x10]  }
0x276: {  	v52 =	vperm.xlane v13, v1;
	v12 =	vmul.f32 v44, v50;
	v53 =	vld [tilespmem:s25+$0xFFFFFF90];
	[tilespmem:s10+$0xFFFFFDC0] =	vst v21  }
0x277: {  	v23 =	vmul.f32 v42, v25;
	[tilespmem:s17+$0xFFFFFE30] =	vst v36;
	v55 =	vld [tilespmem:s25+$0xFFFFFE10]  }
0x278: {  	v56 =	vld [tilespmem:s25+$0x90];
	v58 =	vperm.xlane v19, v2;
	v57 =	vmul.f32 v48, v52;
	[tilespmem:s10+$0xFFFFFE50] =	vst v12  }
0x279: {  	v10 =	vmul.f32 v49, v10;
	[tilespmem:s17+$0xFFFFFEC0] =	vst v23;
	v60 =	vperm.xlane v18, v2;
	v59 =	vld [tilespmem:s25+$0xFFFFFE90]  }
0x27a: {  	v61 =	vld [tilespmem:s25+$0x110];
	v63 =	vperm.xlane v20, v2;
	[tilespmem:s10+$0xFFFFFEE0] =	vst v57;
	v62 =	vmul.f32 v51, v58  }
0x27b: {  	[tilespmem:s17+$0x190] =	vst v10;
	v10 =	vperm.xlane v17, v2;
	v32 =	vld [tilespmem:s25+$0xFFFFFF10];
	v25 =	vmul.f32 v53, v60  }
0x27c: {  	v46 =	vld [tilespmem:s25+$0x1A0];
	v34 =	vperm.xlane v14, v2;
	[tilespmem:s10+$0x10] =	vst v62;
	v35 =	vmul.f32 v55, v63  }
0x27d: {  	v36 =	vperm.xlane v15, v2;
	v10 =	vmul.f32 v56, v10;
	[tilespmem:s10+$0xFFFFFF80] =	vst v25;
	v37 =	vld [tilespmem:s25+$0x20]  }
0x27e: {  	v38 =	vperm.xlane v13, v2;
	v21 =	vmul.f32 v59, v34;
	v39 =	vld [tilespmem:s25+$0xFFFFFFA0];
	[tilespmem:s10+$0xFFFFFDD0] =	vst v35  }
0x27f: {  	[tilespmem:s10+$0xA0] =	vst v10;
	v40 =	vmul.f32 v61, v36;
	v10 =	vld [tilespmem:s25+$0xFFFFFE20]  }
0x280: {  	v43 =	vperm.xlane v19, v3;
	v41 =	vld [tilespmem:s25+$0xA0];
	v42 =	vmul.f32 v32, v38;
	[tilespmem:s10+$0xFFFFFE60] =	vst v21  }
0x281: {  	v54 =	vmul.f32 v46, v29;
	v45 =	vperm.xlane v18, v3;
	[tilespmem:s10+$0x130] =	vst v40;
	v44 =	vld [tilespmem:s25+$0xFFFFFEA0]  }
0x282: {  	v46 =	vld [tilespmem:s25+$0x120];
	v48 =	vperm.xlane v20, v3;
	[tilespmem:s10+$0xFFFFFEF0] =	vst v42;
	v47 =	vmul.f32 v37, v43  }
0x283: {  	v11 =	vperm.xlane v17, v3;
	[tilespmem:s10+$0x1D0] =	vst v54;
	v49 =	vld [tilespmem:s25+$0xFFFFFF20];
	v25 =	vmul.f32 v39, v45  }
0x284: {  	v50 =	vld [tilespmem:s25+$0x1B0];
	v51 =	vperm.xlane v14, v3;
	[tilespmem:s10+$0x20] =	vst v47;
	v10 =	vmul.f32 v10, v48  }
0x285: {  	v52 =	vperm.xlane v15, v3;
	v11 =	vmul.f32 v41, v11;
	[tilespmem:s10+$0xFFFFFF90] =	vst v25;
	v53 =	vld [tilespmem:s25+$0x30]  }
0x286: {  	v54 =	vperm.xlane v13, v3;
	v12 =	vmul.f32 v44, v51;
	v25 =	vld [tilespmem:s25+$0xFFFFFFB0];
	[tilespmem:s10+$0xFFFFFDE0] =	vst v10  }
0x287: {  	[tilespmem:s10+$0xB0] =	vst v11;
	v11 =	vmul.f32 v46, v52;
	v10 =	vperm.xlane v16, v4;
	v55 =	vld [tilespmem:s25+$0xFFFFFE30]  }
0x288: {  	v58 =	vperm.xlane v19, v4;
	v56 =	vld [tilespmem:s25+$0xB0];
	v57 =	vmul.f32 v49, v54;
	[tilespmem:s10+$0xFFFFFE70] =	vst v12  }
0x289: {  	v59 =	vperm.xlane v18, v4;
	[tilespmem:s10+$0x140] =	vst v11;
	v11 =	vld [tilespmem:s25+$0xFFFFFEB0];
	v10 =	vmul.f32 v50, v10  }
0x28a: {  	v62 =	vperm.xlane v20, v4;
	v60 =	vld [tilespmem:s25+$0x130];
	[tilespmem:s10+$0xFFFFFF00] =	vst v57;
	v61 =	vmul.f32 v53, v58  }
0x28b: {  	v63 =	vld [tilespmem:s25+$0xFFFFFF30];
	v24 =	vmul.f32 v25, v59;
	[tilespmem:s10+$0x1E0] =	vst v10;
	v10 =	vperm.xlane v17, v4  }
0x28c: {  	v33 =	vperm.xlane v14, v4;
	[tilespmem:s10+$0x30] =	vst v61;
	v32 =	vld [tilespmem:s25+$0x1C0];
	v34 =	vmul.f32 v55, v62  }
0x28d: {  	v35 =	vperm.xlane v15, v4;
	[tilespmem:s10+$0xFFFFFFA0] =	vst v24;
	v36 =	vld [tilespmem:s25+$0x40];
	v10 =	vmul.f32 v56, v10  }
0x28e: {  	v37 =	vperm.xlane v13, v4;
	v11 =	vmul.f32 v11, v33;
	v38 =	vld [tilespmem:s25+$0xFFFFFFC0];
	[tilespmem:s10+$0xFFFFFDF0] =	vst v34  }
0x28f: {  	v39 =	vperm.xlane v16, v5;
	[tilespmem:s10+$0xC0] =	vst v10;
	v10 =	vmul.f32 v60, v35;
	v40 =	vld [tilespmem:s25+$0xFFFFFE40]  }
0x290: {  	v42 =	vperm.xlane v19, v5;
	[tilespmem:s10+$0xFFFFFE80] =	vst v11;
	v11 =	vmul.f32 v63, v37;
	v41 =	vld [tilespmem:s25+$0xC0]  }
0x291: {  	v43 =	vperm.xlane v18, v5;
	v12 =	vmul.f32 v32, v39;
	[tilespmem:s10+$0x150] =	vst v10;
	v10 =	vld [tilespmem:s25+$0xFFFFFEC0]  }
0x292: {  	v45 =	vperm.xlane v20, v5;
	[tilespmem:s10+$0xFFFFFF10] =	vst v11;
	v11 =	vmul.f32 v36, v42;
	v44 =	vld [tilespmem:s25+$0x140]  }
0x293: {  	v46 =	vperm.xlane v17, v5;
	v47 =	vld [tilespmem:s25+$0xFFFFFF40];
	v48 =	vmul.f32 v38, v43;
	[tilespmem:s10+$0x1F0] =	vst v12  }
0x294: {  	v50 =	vperm.xlane v14, v5;
	[tilespmem:s10+$0x40] =	vst v11;
	v49 =	vld [tilespmem:s25+$0x1D0];
	v11 =	vmul.f32 v40, v45  }
0x295: {  	v51 =	vperm.xlane v15, v5;
	[tilespmem:s10+$0xFFFFFFB0] =	vst v48;
	v52 =	vld [tilespmem:s25+$0x50];
	v12 =	vmul.f32 v41, v46  }
0x296: {  	v53 =	vperm.xlane v13, v5;
	v54 =	vld [tilespmem:s25+$0xFFFFFFD0];
	v10 =	vmul.f32 v10, v50;
	[tilespmem:s10+$0xFFFFFE00] =	vst v11  }
0x297: {  	v11 =	vperm.xlane v16, v6;
	[tilespmem:s10+$0xD0] =	vst v12;
	v55 =	vmul.f32 v44, v51;
	v56 =	vld [tilespmem:s25+$0xFFFFFE50]  }
0x298: {  	v58 =	vperm.xlane v19, v6;
	v22 =	vmul.f32 v47, v53;
	v57 =	vld [tilespmem:s25+$0xD0];
	[tilespmem:s10+$0xFFFFFE90] =	vst v10  }
0x299: {  	[tilespmem:s10+$0x160] =	vst v55;
	v10 =	vmul.f32 v49, v11;
	v11 =	vperm.xlane v18, v6;
	v59 =	vld [tilespmem:s25+$0xFFFFFED0]  }
0x29a: {  	v62 =	vperm.xlane v20, v6;
	[tilespmem:s10+$0xFFFFFF20] =	vst v22;
	v61 =	vmul.f32 v52, v58;
	v60 =	vld [tilespmem:s25+$0x150]  }
0x29b: {  	v63 =	vperm.xlane v17, v6;
	[tilespmem:s10+$0x200] =	vst v10;
	v10 =	vld [tilespmem:s25+$0xFFFFFF50];
	v11 =	vmul.f32 v54, v11  }
0x29c: {  	v33 =	vperm.xlane v14, v6;
	[tilespmem:s10+$0x50] =	vst v61;
	v32 =	vld [tilespmem:s25+$0x1E0];
	v21 =	vmul.f32 v56, v62  }
0x29d: {  	v34 =	vperm.xlane v15, v6;
	v35 =	vmul.f32 v57, v63;
	[tilespmem:s10+$0xFFFFFFC0] =	vst v11;
	v11 =	vld [tilespmem:s25+$0x60]  }
0x29e: {  	v36 =	vperm.xlane v13, v6;
	v37 =	vld [tilespmem:s25+$0xFFFFFFE0];
	v12 =	vmul.f32 v59, v33;
	[tilespmem:s10+$0xFFFFFE10] =	vst v21  }
0x29f: {  	v38 =	vperm.xlane v16, v7;
	[tilespmem:s10+$0xE0] =	vst v35;
	v22 =	vmul.f32 v60, v34;
	v39 =	vld [tilespmem:s25+$0xFFFFFE60]  }
0x2a0: {  	v41 =	vperm.xlane v19, v7;
	v40 =	vld [tilespmem:s25+$0xE0];
	v10 =	vmul.f32 v10, v36;
	[tilespmem:s10+$0xFFFFFEA0] =	vst v12  }
0x2a1: {  	v43 =	vperm.xlane v18, v7;
	[tilespmem:s10+$0x170] =	vst v22;
	v42 =	vmul.f32 v32, v38;
	v44 =	vld [tilespmem:s25+$0xFFFFFEE0]  }
0x2a2: {  	v45 =	vperm.xlane v20, v7;
	v46 =	vld [tilespmem:s25+$0x160];
	[tilespmem:s10+$0xFFFFFF30] =	vst v10;
	v10 =	vmul.f32 v11, v41  }
0x2a3: {  	v11 =	vperm.xlane v17, v7;
	[tilespmem:s10+$0x210] =	vst v42;
	v47 =	vld [tilespmem:s25+$0xFFFFFF60];
	v21 =	vmul.f32 v37, v43  }
0x2a4: {  	v49 =	vperm.xlane v14, v7;
	v48 =	vld [tilespmem:s25+$0x1F0];
	[tilespmem:s10+$0x60] =	vst v10;
	v10 =	vmul.f32 v39, v45  }
0x2a5: {  	v50 =	vperm.xlane v15, v7;
	v11 =	vmul.f32 v40, v11;
	[tilespmem:s10+$0xFFFFFFD0] =	vst v21;
	v51 =	vld [tilespmem:s25+$0x70]  }
0x2a6: {  	v52 =	vperm.xlane v13, v7;
	v53 =	vld [tilespmem:s25+$0xFFFFFFF0];
	[tilespmem:s10+$0xFFFFFE20] =	vst v10;
	v10 =	vmul.f32 v44, v49  }
0x2a7: {  	v54 =	vperm.xlane v16, v8;
	[tilespmem:s10+$0xF0] =	vst v11;
	v55 =	vmul.f32 v46, v50;
	v11 =	vld [tilespmem:s25+$0xFFFFFE70]  }
0x2a8: {  	v19 =	vperm.xlane v19, v8;
	v12 =	vmul.f32 v47, v52;
	v56 =	vld [tilespmem:s25+$0xF0];
	[tilespmem:s10+$0xFFFFFEB0] =	vst v10  }
0x2a9: {  	v10 =	vperm.xlane v18, v8;
	v16 =	vmul.f32 v48, v54;
	[tilespmem:s10+$0x180] =	vst v55;
	v57 =	vld [tilespmem:s25+$0xFFFFFEF0]  }
0x2aa: {  	v20 =	vperm.xlane v20, v8;
	[tilespmem:s10+$0xFFFFFF40] =	vst v12;
	v58 =	vmul.f32 v51, v19;
	v59 =	vld [tilespmem:s25+$0x170]  }
0x2ab: {  	v60 =	vperm.xlane v17, v8;
	[tilespmem:s10+$0x220] =	vst v16;
	v10 =	vmul.f32 v53, v10;
	v61 =	vld [tilespmem:s25+$0xFFFFFF70]  }
0x2ac: {  	v14 =	vperm.xlane v14, v8;
	[tilespmem:s10+$0x70] =	vst v58;
	v11 =	vmul.f32 v11, v20  }
0x2ad: {  	v62 =	vperm.xlane v15, v8;
	[tilespmem:s10+$0xFFFFFFE0] =	vst v10;
	v10 =	vmul.f32 v56, v60  }
0x2ae: {  	v13 =	vperm.xlane v13, v8;
	[tilespmem:s10+$0xFFFFFE30] =	vst v11;
	v11 =	vmul.f32 v57, v14  }
0x2af: {  	[tilespmem:s10+$0x100] =	vst v10;
	v10 =	vmul.f32 v59, v62  }
0x2b0: {  	v63 =	vmul.f32 v61, v13;
	[tilespmem:s10+$0xFFFFFEC0] =	vst v11  }
0x2b1: {  	[tilespmem:s10+$0x190] =	vst v10  }
0x2b2: {  	s8 =	sadd.s32 $0x140, s15;
	[tilespmem:s10+$0xFFFFFF50] =	vst v63  }
0x2b3: {  	[spmem:s3] =	stream.indirect.scatter.add.f32 [tilespmem:s22], [sflag:$0x8], $0x90, s8, s23, $0xb8;
	[tilespmem:$0x1FD90] =	vst v63  }
0x2b4: {  	s8 =	simm.s32 @!p0 $0x9  }
0x2b5: {  	_ =	swait.ge @!p0 [sflag:s8], $0x40  }
0x2b6: {  	[sflag:s8] =	ssyncset.done @!p0 $0x0  }
0x2b7: {  	[sflag:s8] =	ssyncadd.s32 @!p0 $0xFFFFFFC0  }
0x2b8: {  	_ =	swait.ge @!p0 [sflag:s8], $0x40  }
0x2b9: {  	[sflag:s8] =	ssyncset.done @!p0 $0x0  }
0x2ba: {  	s10 =	simm.s32 @!p0 $0x2200;
	[sflag:s8] =	ssyncadd.s32 @!p0 $0xFFFFFFC0;
	s8 =	simm.s32 @!p0 $0x40  }
0x2bb: {  	[tilespmem:s10], [sflag:$0x4] =	stream.indirect.gather @!p0 [hbm4b:s7+s8], $0x80, s14, s8, $0xb8;
	[tilespmem:$0x1FD90] =	vst v63  }
0x2bc: {  	s10 =	simm.s32 @!p0 $0x4600  }
0x2bd: {  	[tilespmem:s10], [sflag:$0x5] =	stream.indirect.gather @!p0 [hbm4b:s2+s8], $0x10, s14, s8, $0xb8;
	[tilespmem:$0x1FD90] =	vst v63  }
0x2be: {  	s13 =	sadd.s32 $0x1, s13;
	s10 =	simm.s32 @!p0 $0x4E00  }
0x2bf: {  	[tilespmem:s10], [sflag:$0x6] =	stream.indirect.gather @!p0 [hbm4b:s2+s8], $0x10, s16, s8, $0xb8;
	[tilespmem:$0x1FD90] =	vst v63  }
0x2c0: {  	p0 =	sne.s32 s13, $0x52  }
.Ltmp3:
0x2c1: {  	_ = 	snop;
	(pc) =	sbr.rel @p0 .LBB2_2-.Ltmp3, $1  }
0x2c2: {  	_ =	sdelay $0x3  }
0x2c3: {  	s8 =	simm.s32 $0x7  }
0x2c4: {  	_ =	swait.ge [sflag:s8], $0x2400  }
0x2c5: {  	[sflag:s8] =	ssyncset.done $0x0  }
0x2c6: {  	s17 =	simm.s32 $0x8;
	[sflag:s8] =	ssyncadd.s32 $0xFFFFDC00  }
0x2c7: {  	_ =	swait.ge [sflag:s17], $0x2400  }
0x2c8: {  	[sflag:s17] =	ssyncset.done $0x0  }
0x2c9: {  	[sflag:s17] =	ssyncadd.s32 $0xFFFFDC00  }
0x2ca: {  	[bflag:$0x0] =	sbarrier.arrive $0xFFFF  }
0x2cb: {  	s18 =	rddreg [dreg:$0xa]  }
0x2cc: {  	s13 =	simm.s32 $0x10;
	s14 =	simm.s32 $0x12;
	s10 =	rddreg [dreg:$0xd]  }
0x2cd: {  	[hbm:s18@s13], [sflag:s11] =	dma.strided [spmem:s10@s14], $0x2780, s28, $0x10   }
0x2ce: {  	_ =	swait.ge [sflag:s20], $0x2780  }
0x2cf: {  	[sflag:s20] =	ssyncset.done $0x0;
	s19 =	rddreg [dreg:$0xb]  }
0x2d0: {  	s24 =	rddreg [dreg:$0xe];
	[sflag:s20] =	ssyncadd.s32 $0xFFFFD880  }
0x2d1: {  	[hbm:s19@s21], [sflag:s11] =	dma.strided [spmem:s24@s14], $0x4F0, s28, $0x2   }
0x2d2: {  	_ =	swait.ge [sflag:s20], $0x4F0  }
0x2d3: {  	s12 =	sadd.s32 $0x1, s12;
	s25 =	rddreg [dreg:$0xc]  }
0x2d4: {  	p0 =	sne.s32 s12, s25  }
.Ltmp4:
0x2d5: {  	_ = 	snop;
	(pc) =	sbr.rel @p0 .LBB2_1-.Ltmp4, $3  }
0x2d6: {  	_ =	sdelay $0x1  }
0x2d7: {  	[sflag:s20] =	ssyncset.done $0x0  }
0x2d8: {  	[sflag:s20] =	ssyncadd.s32 $0xFFFFFB10  }
0x2d9: {  	_ =	sfence.sel $0x180000  }
0x2da: {  	[bflag:$0x0] =	sbarrier.arrive $0xFFFF  }
0x2db: {  	_ =	strace $0x90000047  }
0x2dc: {  	s0 =	stileid.u32;
	[bflag:$0x2] =	sbarrier.arrive $0xFFFF  }
0x2dd: {  	p0 =	sne.s32 s0, $0x0;
	s0 =	rddreg [dreg:$0x3]  }
0x2de: {  	s0 =	sadd.s32 @!p0 $0x100000, s0  }
0x2df: {  	[sflag:s0] =	ssyncadd.tile.s32 @!p0 $0x1;
	_ =	shalt  }
.Lfunc_end2:
_tile_overlayer_lowered:
.L_overlay_start_2:
0x2e0: {  	(tag) =	ssettag $0x2  }
0x2e1: {  	s0 =	rddreg [dreg:$0x0];
	s2 =	stileid.u32  }
0x2e2: {  	s1 =	rddreg [dreg:$0x1];
	p0 =	sne.s32 s2, $0x0  }
0x2e3: {  	s3 =	rddreg [dreg:$0x2];
	[bflag:$0x3] =	sbarrier.arrive $0xFFFF;
	s2 =	simm.s32 @!p0 $0x1C0A  }
0x2e4: {  	[timem:s3], [sflag:s2] =	dma.local @!p0 [hbm:s0], s1  }
0x2e5: {  	s0 =	simm.s32 @!p0 $0xA  }
0x2e6: {  	_ =	swait.ge @!p0 [sflag:s0], s1  }
0x2e7: {  	s1 =	ssub.s32 @!p0 $0x0, s1;
	[sflag:s0] =	ssyncset.done @!p0 $0x0  }
0x2e8: {  	[sflag:s0] =	ssyncadd.s32 @!p0 s1  }
0x2e9: {  	[bflag:$0x3] =	sbarrier.arrive $0xFFFF  }
0x2ea: {  	_ =	shalt  }

</sc_bundles>
